<compile_context>
chip_gen: v7x
topology: tpu7x:2x2x1
jax: 0.10.2.dev20260603
libtpu: 0.0.44.dev20260713+nightly
codegen_flags: <defaults>
</compile_context>

<pallas_src>
import functools

import jax
import jax.numpy as jnp
from jax import lax
from jax.experimental import pallas as pl
from jax.experimental.pallas import tpu as pltpu
from jax.experimental.pallas import tpu_sc as plsc

_N = 8192
_K = 20
_EPS = 1e-5
_NEG = -3.0e38
_F32 = jnp.float32
_ACC = 8


def _elu(z):
    zc = jnp.minimum(z, 0.0)
    p = zc * (1.0 + zc / 2.0 * (1.0 + zc / 3.0 * (1.0 + zc / 4.0 *
        (1.0 + zc / 5.0 * (1.0 + zc / 6.0 * (1.0 + zc / 7.0))))))
    e = jnp.where(z > -0.25, p, jnp.exp(zc) - 1.0)
    return jnp.where(z > 0.0, z, e)



def _topk_body(xt_ref, x_ref, idx_ref):
    xt = xt_ref[...]
    xf = x_ref[...]
    g = lax.dot_general(xt, xf, (((1,), (0,)), ((), ())),
                        preferred_element_type=_F32)
    xx_r = jnp.sum(xt * xt, axis=1, keepdims=True)
    xx_c = jnp.sum(xf * xf, axis=0, keepdims=True)
    s = (2.0 * g - xx_r) - xx_c
    col = lax.broadcasted_iota(jnp.int32, s.shape, 1)
    for k in range(_K):
        a = jnp.argmax(s, axis=1).astype(jnp.int32)[:, None]
        idx_ref[:, pl.ds(k, 1)] = a
        if k + 1 < _K:
            s = jnp.where(col == a, _NEG, s)


def _topk(xt, xf, tr):
    n, c = xt.shape
    return pl.pallas_call(
        _topk_body,
        grid=(n // tr,),
        in_specs=[pl.BlockSpec((tr, c), lambda i: (i, 0)),
                  pl.BlockSpec((c, n), lambda i: (0, 0))],
        out_specs=pl.BlockSpec((tr, _K), lambda i: (i, 0)),
        out_shape=jax.ShapeDtypeStruct((n, _K), jnp.int32),
    )(xt, xf)



def _sc_gather(table, idx_flat):
    n, d = table.shape
    info = plsc.get_sparse_core_info()
    ncores = info.num_cores
    nw = ncores * info.num_subcores
    ppw = n // nw
    bp = 4
    ib = bp * _K
    nb = ppw // bp

    def body(tab_hbm, idx_hbm, out_hbm, idx_v, rows_v, sem):
        wid = lax.axis_index("s") * ncores + lax.axis_index("c")

        def batch(bi, carry):
            ebase = (wid * ppw + bi * bp) * _K
            pltpu.sync_copy(idx_hbm.at[pl.ds(ebase, ib)], idx_v)
            pltpu.async_copy(tab_hbm.at[idx_v], rows_v, sem).wait()
            pltpu.sync_copy(rows_v, out_hbm.at[pl.ds(ebase, ib)])
            return carry

        lax.fori_loop(0, nb, batch, 0)

    mesh = plsc.VectorSubcoreMesh(core_axis_name="c", subcore_axis_name="s")
    f = pl.kernel(
        body,
        mesh=mesh,
        out_type=jax.ShapeDtypeStruct((n * _K, d), _F32),
        scratch_types=[
            pltpu.VMEM((ib,), jnp.int32),
            pltpu.VMEM((ib, d), _F32),
            pltpu.SemaphoreType.DMA,
        ],
    )
    return f(table, idx_flat)



def _conv_y(cin, xg_ref, xtb, w, j):
    xn = xg_ref[:, j, :cin]
    f = jnp.concatenate([xn - xtb, xtb], axis=1)
    return lax.dot_general(f, w, (((1,), (1,)), ((), ())),
                           preferred_element_type=_F32)


def _conv3_body(cin, xg_ref, xt_ref, w_ref, y_ref, mmax_ref, mmin_ref):
    xtb = xt_ref[...]
    w = w_ref[...]
    m_mx = None
    for j in range(_K):
        y = _conv_y(cin, xg_ref, xtb, w, j)
        y_ref[:, j, :] = y
        if m_mx is None:
            m_mx = y
            m_mn = y
        else:
            m_mx = jnp.maximum(m_mx, y)
            m_mn = jnp.minimum(m_mn, y)
    mmax_ref[...] = m_mx
    mmin_ref[...] = m_mn


def _conv3(xg, xt, w, tr):
    n, c = xt.shape
    d = xg.shape[-1]
    cout = w.shape[0]
    return pl.pallas_call(
        functools.partial(_conv3_body, c),
        grid=(n // tr,),
        in_specs=[pl.BlockSpec((tr, _K, d), lambda i: (i, 0, 0)),
                  pl.BlockSpec((tr, c), lambda i: (i, 0)),
                  pl.BlockSpec((cout, 2 * c), lambda i: (0, 0))],
        out_specs=[pl.BlockSpec((tr, _K, cout), lambda i: (i, 0, 0)),
                   pl.BlockSpec((tr, cout), lambda i: (i, 0)),
                   pl.BlockSpec((tr, cout), lambda i: (i, 0))],
        out_shape=[jax.ShapeDtypeStruct((n, _K, cout), _F32),
                   jax.ShapeDtypeStruct((n, cout), _F32),
                   jax.ShapeDtypeStruct((n, cout), _F32)],
    )(xg, xt, w)


def _conv1_body(cin, xg_ref, xt_ref, w_ref, acc_ref):
    xtb = xt_ref[...]
    w = w_ref[...]
    s1 = None
    for j in range(_K):
        y = _conv_y(cin, xg_ref, xtb, w, j)
        c = jnp.sum(y, axis=0, keepdims=True)
        s1 = c if s1 is None else s1 + c
    i = pl.program_id(0)

    @pl.when(i == 0)
    def _():
        acc_ref[...] = jnp.zeros_like(acc_ref)

    acc_ref[pl.ds(jnp.remainder(i, _ACC), 1), :] += s1


def _conv1(xg, xt, w, tr):
    n, c = xt.shape
    d = xg.shape[-1]
    cout = w.shape[0]
    return pl.pallas_call(
        functools.partial(_conv1_body, c),
        grid=(n // tr,),
        in_specs=[pl.BlockSpec((tr, _K, d), lambda i: (i, 0, 0)),
                  pl.BlockSpec((tr, c), lambda i: (i, 0)),
                  pl.BlockSpec((cout, 2 * c), lambda i: (0, 0))],
        out_specs=pl.BlockSpec((_ACC, cout), lambda i: (0, 0)),
        out_shape=jax.ShapeDtypeStruct((_ACC, cout), _F32),
    )(xg, xt, w)


def _conv2_body(cin, cnt, xg_ref, xt_ref, w_ref, acc1_ref,
                mmax_ref, mmin_ref, acc_ref):
    xtb = xt_ref[...]
    w = w_ref[...]
    mu = jnp.sum(acc1_ref[...], axis=0, keepdims=True) / cnt
    m_mx = None
    s2 = None
    for j in range(_K):
        y = _conv_y(cin, xg_ref, xtb, w, j)
        d = y - mu
        c = jnp.sum(d * d, axis=0, keepdims=True)
        if m_mx is None:
            m_mx = y
            m_mn = y
            s2 = c
        else:
            m_mx = jnp.maximum(m_mx, y)
            m_mn = jnp.minimum(m_mn, y)
            s2 = s2 + c
    mmax_ref[...] = m_mx
    mmin_ref[...] = m_mn
    i = pl.program_id(0)

    @pl.when(i == 0)
    def _():
        acc_ref[...] = jnp.zeros_like(acc_ref)

    acc_ref[pl.ds(jnp.remainder(i, _ACC), 1), :] += s2


def _conv2(xg, xt, w, acc1, tr):
    n, c = xt.shape
    d = xg.shape[-1]
    cout = w.shape[0]
    return pl.pallas_call(
        functools.partial(_conv2_body, c, float(_N * _K)),
        grid=(n // tr,),
        in_specs=[pl.BlockSpec((tr, _K, d), lambda i: (i, 0, 0)),
                  pl.BlockSpec((tr, c), lambda i: (i, 0)),
                  pl.BlockSpec((cout, 2 * c), lambda i: (0, 0)),
                  pl.BlockSpec((_ACC, cout), lambda i: (0, 0))],
        out_specs=[pl.BlockSpec((tr, cout), lambda i: (i, 0)),
                   pl.BlockSpec((tr, cout), lambda i: (i, 0)),
                   pl.BlockSpec((_ACC, cout), lambda i: (0, 0))],
        out_shape=[jax.ShapeDtypeStruct((n, cout), _F32),
                   jax.ShapeDtypeStruct((n, cout), _F32),
                   jax.ShapeDtypeStruct((_ACC, cout), _F32)],
    )(xg, xt, w, acc1)



def _apply_body(mmax_ref, mmin_ref, mu_ref, var_ref, g_ref, b_ref, out_ref):
    mu = mu_ref[...]
    sq = jnp.sqrt(var_ref[...] + _EPS)
    g = g_ref[...]
    m = jnp.where(g >= 0.0, mmax_ref[...], mmin_ref[...])
    out_ref[...] = _elu(((m - mu) / sq) * g + b_ref[...])


def _apply(mmax, mmin, mu, var, g, b, tr):
    n, c = mmax.shape
    return pl.pallas_call(
        _apply_body,
        grid=(n // tr,),
        in_specs=[pl.BlockSpec((tr, c), lambda i: (i, 0))] * 2
        + [pl.BlockSpec((1, c), lambda i: (0, 0))] * 4,
        out_specs=pl.BlockSpec((tr, c), lambda i: (i, 0)),
        out_shape=jax.ShapeDtypeStruct((n, c), _F32),
    )(mmax, mmin, mu, var, g, b)


def _apply4_body(cnt, mmax_ref, mmin_ref, acc1_ref, acc2_ref,
                 g_ref, b_ref, out_ref):
    mu = jnp.sum(acc1_ref[...], axis=0, keepdims=True) / cnt
    var = jnp.sum(acc2_ref[...], axis=0, keepdims=True) / cnt
    sq = jnp.sqrt(var + _EPS)
    g = g_ref[...]
    m = jnp.where(g >= 0.0, mmax_ref[...], mmin_ref[...])
    out_ref[...] = _elu(((m - mu) / sq) * g + b_ref[...])


def _apply4(mmax, mmin, acc1, acc2, g, b, cnt, tr):
    n, c = mmax.shape
    return pl.pallas_call(
        functools.partial(_apply4_body, cnt),
        grid=(n // tr,),
        in_specs=[pl.BlockSpec((tr, c), lambda i: (i, 0))] * 2
        + [pl.BlockSpec((_ACC, c), lambda i: (0, 0))] * 2
        + [pl.BlockSpec((1, c), lambda i: (0, 0))] * 2,
        out_specs=pl.BlockSpec((tr, c), lambda i: (i, 0)),
        out_shape=jax.ShapeDtypeStruct((n, c), _F32),
    )(mmax, mmin, acc1, acc2, g, b)



def _fc_body(cat_ref, w_ref, b_ref, h_ref, acc_ref):
    h = lax.dot_general(cat_ref[...], w_ref[...], (((1,), (1,)), ((), ())),
                        preferred_element_type=_F32)
    h = h + b_ref[...]
    h_ref[...] = h
    s1 = jnp.sum(h, axis=0, keepdims=True)
    i = pl.program_id(0)

    @pl.when(i == 0)
    def _():
        acc_ref[...] = jnp.zeros_like(acc_ref)

    acc_ref[pl.ds(jnp.remainder(i, _ACC), 1), :] += s1


def _fc(cat, w, b, tr):
    n, cin = cat.shape
    cout = w.shape[0]
    return pl.pallas_call(
        _fc_body,
        grid=(n // tr,),
        in_specs=[pl.BlockSpec((tr, cin), lambda i: (i, 0)),
                  pl.BlockSpec((cout, cin), lambda i: (0, 0)),
                  pl.BlockSpec((1, cout), lambda i: (0, 0))],
        out_specs=[pl.BlockSpec((tr, cout), lambda i: (i, 0)),
                   pl.BlockSpec((_ACC, cout), lambda i: (0, 0))],
        out_shape=[jax.ShapeDtypeStruct((n, cout), _F32),
                   jax.ShapeDtypeStruct((_ACC, cout), _F32)],
    )(cat, w, b)


def _hvar_body(cnt, h_ref, acc1_ref, acc_ref):
    mu = jnp.sum(acc1_ref[...], axis=0, keepdims=True) / cnt
    d = h_ref[...] - mu
    s2 = jnp.sum(d * d, axis=0, keepdims=True)
    i = pl.program_id(0)

    @pl.when(i == 0)
    def _():
        acc_ref[...] = jnp.zeros_like(acc_ref)

    acc_ref[pl.ds(jnp.remainder(i, _ACC), 1), :] += s2


def _hvar(h, acc1, tr):
    n, c = h.shape
    return pl.pallas_call(
        functools.partial(_hvar_body, float(_N)),
        grid=(n // tr,),
        in_specs=[pl.BlockSpec((tr, c), lambda i: (i, 0)),
                  pl.BlockSpec((_ACC, c), lambda i: (0, 0))],
        out_specs=pl.BlockSpec((_ACC, c), lambda i: (0, 0)),
        out_shape=jax.ShapeDtypeStruct((_ACC, c), _F32),
    )(h, acc1)


def _happly_body(cnt, h_ref, acc1_ref, acc2_ref, g_ref, b_ref, out_ref):
    mu = jnp.sum(acc1_ref[...], axis=0, keepdims=True) / cnt
    var = jnp.sum(acc2_ref[...], axis=0, keepdims=True) / cnt
    sq = jnp.sqrt(var + _EPS)
    z = ((h_ref[...] - mu) / sq) * g_ref[...] + b_ref[...]
    out_ref[...] = _elu(z)


def _happly(h, acc1, acc2, g, b, tr):
    n, c = h.shape
    return pl.pallas_call(
        functools.partial(_happly_body, float(_N)),
        grid=(n // tr,),
        in_specs=[pl.BlockSpec((tr, c), lambda i: (i, 0))]
        + [pl.BlockSpec((_ACC, c), lambda i: (0, 0))] * 2
        + [pl.BlockSpec((1, c), lambda i: (0, 0)),
           pl.BlockSpec((1, c), lambda i: (0, 0))],
        out_specs=pl.BlockSpec((tr, c), lambda i: (i, 0)),
        out_shape=jax.ShapeDtypeStruct((n, c), _F32),
    )(h, acc1, acc2, g, b)



def _edge_block(xt, w, g, b):
    n, c = xt.shape
    idx = _topk(xt, xt.T, 128)
    table = jnp.pad(xt, ((0, 0), (0, 128 - c))) if c < 128 else xt
    xg = _sc_gather(table, idx.reshape(-1)).reshape(n, _K, -1)
    y, mmax, mmin = _conv3(xg, xt, w, 512)
    yt = y.transpose(2, 0, 1)
    mu = jnp.mean(yt, axis=(1, 2))
    var = jnp.var(yt, axis=(1, 2))
    m = jnp.where(g >= 0.0, mmax, mmin)
    yn = (m - mu[None, :]) / jnp.sqrt(var + _EPS)[None, :]
    return jax.nn.elu(yn * g[None, :] + b[None, :])


def _edge_block4(xt, w, g, b):
    n, c = xt.shape
    idx = _topk(xt, xt.T, 128)
    xg = _sc_gather(xt, idx.reshape(-1)).reshape(n, _K, -1)
    acc1 = _conv1(xg, xt, w, 512)
    mmax, mmin, acc2 = _conv2(xg, xt, w, acc1, 512)
    return _apply4(mmax, mmin, acc1, acc2, g.reshape(1, -1), b.reshape(1, -1),
                   float(_N * _K), 512)


def kernel(x, W1, g1, b1, W2, g2, b2, W3, g3, b3, W4, g4, b4,
           fcw, fcb, g5, b5):
    x1 = _edge_block(x, W1, g1, b1)
    x2 = _edge_block(x1, W2, g2, b2)
    x3 = _edge_block(x2, W3, g3, b3)
    x4 = _edge_block4(x3, W4, g4, b4)
    cat = jnp.concatenate([x1, x2, x3, x4], axis=1)
    h, acc1 = _fc(cat, fcw, fcb.reshape(1, -1), 512)
    acc2 = _hvar(h, acc1, 512)
    return _happly(h, acc1, acc2, g5.reshape(1, -1), b5.reshape(1, -1), 512)

# --- scband reference (transcript-rebuilt; emitter-appended) ---
"""Pipeline reference for scband-feature-embedding-net-77867757076594 (READ-ONLY COPY).

The authoritative reference and input builder live on the scoring server;
editing this copy changes nothing except your own understanding.
"""

import jax, jax.numpy as jnp
import numpy as np

K = 20
EPS = 1e-5


def knn_idx(x, k):
    # x: [C, N]
    inner = -2.0 * (x.T @ x)
    xx = jnp.sum(x * x, axis=0)
    pd = -xx[:, None] - inner - xx[None, :]
    return jax.lax.top_k(pd, k)[1]  # [N, k]


def graph_feature(x, k):
    # x: [C, N] -> [2C, N, k]
    idx = knn_idx(x, k)
    xt = x.T  # [N, C]
    n, c = xt.shape
    feat = jnp.take(xt, idx.reshape(-1), axis=0).reshape(n, k, c)
    xc = jnp.broadcast_to(xt[:, None, :], feat.shape)
    out = jnp.concatenate([feat - xc, xc], axis=-1)  # [N, k, 2C]
    return out.transpose(2, 0, 1)


def bn_elu(y, g, b):
    # y: [C_out, N, k]; BatchNorm2d train-mode over (N, k) per channel (batch=1)
    axes = tuple(range(1, y.ndim))
    mu = jnp.mean(y, axis=axes, keepdims=True)
    var = jnp.var(y, axis=axes, keepdims=True)
    yn = (y - mu) / jnp.sqrt(var + EPS)
    shape = (-1,) + (1,) * (y.ndim - 1)
    return jax.nn.elu(yn * g.reshape(shape) + b.reshape(shape))


def edge_block(x, W, g, b, k):
    f = graph_feature(x, k)                 # [2C_in, N, k]
    y = jnp.einsum('oi,ink->onk', W, f)     # 1x1 conv, bias=False
    y = bn_elu(y, g, b)
    return jnp.max(y, axis=-1)              # [C_out, N]


def setup_inputs(seed: int = 0):
    key = jax.random.key(seed)
    ks = jax.random.split(key, 8)
    N, C = 8192, 3
    x = jax.random.normal(ks[0], (N, C), dtype=jnp.float32)

    def conv_w(k_, o, i):
        return jax.random.normal(k_, (o, i), dtype=jnp.float32) * (1.0 / np.sqrt(i))

    return {
        'x': x,
        'W1': conv_w(ks[1], 64, 6),   'g1': jnp.ones((64,), jnp.float32),  'b1': jnp.zeros((64,), jnp.float32),
        'W2': conv_w(ks[2], 64, 128), 'g2': jnp.ones((64,), jnp.float32),  'b2': jnp.zeros((64,), jnp.float32),
        'W3': conv_w(ks[3], 128, 128),'g3': jnp.ones((128,), jnp.float32), 'b3': jnp.zeros((128,), jnp.float32),
        'W4': conv_w(ks[4], 256, 256),'g4': jnp.ones((256,), jnp.float32), 'b4': jnp.zeros((256,), jnp.float32),
        'fcw': conv_w(ks[5], 256, 512), 'fcb': jnp.zeros((256,), jnp.float32),
        'g5': jnp.ones((256,), jnp.float32), 'b5': jnp.zeros((256,), jnp.float32),
    }


def reference(x, W1, g1, b1, W2, g2, b2, W3, g3, b3, W4, g4, b4, fcw, fcb, g5, b5):
    xt = x.T  # [C, N]
    x1 = edge_block(xt, W1, g1, b1, K)   # [64, N]
    x2 = edge_block(x1, W2, g2, b2, K)   # [64, N]
    x3 = edge_block(x2, W3, g3, b3, K)   # [128, N]
    x4 = edge_block(x3, W4, g4, b4, K)   # [256, N]
    h = jnp.concatenate([x1, x2, x3, x4], axis=0).T  # [N, 512]
    h = h @ fcw.T + fcb                              # [N, 256]
    mu = jnp.mean(h, axis=0, keepdims=True)          # BatchNorm1d train-mode
    var = jnp.var(h, axis=0, keepdims=True)
    hn = (h - mu) / jnp.sqrt(var + EPS)
    return jax.nn.elu(hn * g5 + b5)

if __name__ == "__main__":
    import jax
    _d = setup_inputs()
    print(jax.jit(kernel)(*tuple(_d.values())))

</pallas_src>

<mosaic_0001>
#map = affine_map<(d0, d1) -> (0, 0)>
#map1 = affine_map<(d0, d1) -> (0)>
module attributes {stable_mosaic.version = 14 : i64} {
  func.func @body(%arg0: i32, %arg1: i32, %arg2: memref<8192x128xf32, #tpu.memory_space<hbm>>, %arg3: memref<163840xi32, #tpu.memory_space<hbm>>, %arg4: memref<163840x128xf32, #tpu.memory_space<hbm>>, %arg5: memref<80xi32, #tpu.memory_space<vmem>>, %arg6: memref<80x128xf32, #tpu.memory_space<vmem>>, %arg7: memref<!tpu.dma_semaphore, #tpu.memory_space<semaphore_mem>>) attributes {dimension_semantics = [#tpu.dimension_semantics<core_parallel>, #tpu.dimension_semantics<subcore_parallel>], iteration_bounds = array<i64: 2, 16>, scalar_prefetch = 0 : i64, scratch_operands = 3 : i64, tpu.core_type = #tpu.core_type<sc_vector_subcore>, window_params = [{transform_indices = #map}, {transform_indices = #map1}, {transform_indices = #map}]} {
    %mul3A = arith.constant 2 : i32
    %mul3A_0 = arith.muli %arg1, %mul3A : i32
    %add3A = arith.addi %mul3A_0, %arg0 : i32
    %scan3A = arith.constant 0 : i32
    %scan3A_1 = arith.constant 0 : i32
    %scan3A_2 = arith.constant 64 : i32
    %scan3A_3 = arith.addi %scan3A_1, %scan3A_2 : i32
    %scan3A_4 = arith.constant 1 : i32
    scf.for %scan3A_6 = %scan3A_1 to %scan3A_3 step %scan3A_4  : i32 {
      %mul3A_7 = arith.constant 256 : i32
      %mul3A_8 = arith.muli %add3A, %mul3A_7 : i32
      %mul3A_9 = arith.constant 4 : i32
      %mul3A_10 = arith.muli %scan3A_6, %mul3A_9 : i32
      %add3A_11 = arith.addi %mul3A_8, %mul3A_10 : i32
      %mul3A_12 = arith.constant 20 : i32
      %mul3A_13 = arith.muli %add3A_11, %mul3A_12 : i32
      "tpu.region"() ({
        %run_scoped3A = tpu.sem_alloc : memref<!tpu.dma_semaphore, #tpu.memory_space<semaphore_mem>>
        %dma_start3A_18 = tpu.memref_slice %arg3[%mul3A_13] : memref<163840xi32, #tpu.memory_space<hbm>> -> memref<80xi32, #tpu.memory_space<hbm>>
        %dma_start3A_19 = tpu.memref_slice %arg3[%mul3A_13] : memref<163840xi32, #tpu.memory_space<hbm>> -> memref<80xi32, #tpu.memory_space<hbm>>
        tpu.enqueue_dma source(%dma_start3A_19 : memref<80xi32, #tpu.memory_space<hbm>>) target(%arg5 : memref<80xi32, #tpu.memory_space<vmem>>) target_semaphore(%run_scoped3A : memref<!tpu.dma_semaphore, #tpu.memory_space<semaphore_mem>>)
        %dma_wait3A_20 = tpu.memref_slice %arg3[%mul3A_13] : memref<163840xi32, #tpu.memory_space<hbm>> -> memref<80xi32, #tpu.memory_space<hbm>>
        %dma_wait3A_21 = tpu.memref_slice %arg3[%mul3A_13] : memref<163840xi32, #tpu.memory_space<hbm>> -> memref<80xi32, #tpu.memory_space<hbm>>
        tpu.wait_dma2 semaphore(%run_scoped3A : memref<!tpu.dma_semaphore, #tpu.memory_space<semaphore_mem>>) src(%dma_wait3A_21 : memref<80xi32, #tpu.memory_space<hbm>>) dst(%arg5 : memref<80xi32, #tpu.memory_space<vmem>>)
        tpu.yield
      }) : () -> ()
      %dma_start3A = arith.constant 0 : i32
      %dma_start3A_14 = arith.constant 0 : i32
      %dma_start3A_15 = tpu.memref_slice %arg2[%dma_start3A, %dma_start3A_14] : memref<8192x128xf32, #tpu.memory_space<hbm>> -> memref<8192x128xf32, #tpu.memory_space<hbm>>
      tpu.enqueue_indirect_dma source(%dma_start3A_15 : memref<8192x128xf32, #tpu.memory_space<hbm>>) target(%arg6 : memref<80x128xf32, #tpu.memory_space<vmem>>) offsets(%arg5 : memref<80xi32, #tpu.memory_space<vmem>>) semaphore(%arg7 : memref<!tpu.dma_semaphore, #tpu.memory_space<semaphore_mem>>)
      %dma_wait3A = arith.constant 0 : i32
      %dma_wait3A_16 = arith.constant 0 : i32
      %dma_wait3A_17 = tpu.memref_slice %arg2[%dma_wait3A, %dma_wait3A_16] : memref<8192x128xf32, #tpu.memory_space<hbm>> -> memref<8192x128xf32, #tpu.memory_space<hbm>>
      tpu.wait_indirect_dma semaphore(%arg7 : memref<!tpu.dma_semaphore, #tpu.memory_space<semaphore_mem>>) src(%dma_wait3A_17 : memref<8192x128xf32, #tpu.memory_space<hbm>>) dst(%arg6 : memref<80x128xf32, #tpu.memory_space<vmem>>)
      "tpu.region"() ({
        %run_scoped3A = tpu.sem_alloc : memref<!tpu.dma_semaphore, #tpu.memory_space<semaphore_mem>>
        %dma_start3A_18 = arith.constant 0 : i32
        %dma_start3A_19 = tpu.memref_slice %arg4[%mul3A_13, %dma_start3A_18] : memref<163840x128xf32, #tpu.memory_space<hbm>> -> memref<80x128xf32, #tpu.memory_space<hbm>>
        %dma_start3A_20 = arith.constant 0 : i32
        %dma_start3A_21 = tpu.memref_slice %arg4[%mul3A_13, %dma_start3A_20] : memref<163840x128xf32, #tpu.memory_space<hbm>> -> memref<80x128xf32, #tpu.memory_space<hbm>>
        tpu.enqueue_dma source(%arg6 : memref<80x128xf32, #tpu.memory_space<vmem>>) target(%dma_start3A_21 : memref<80x128xf32, #tpu.memory_space<hbm>>) target_semaphore(%run_scoped3A : memref<!tpu.dma_semaphore, #tpu.memory_space<semaphore_mem>>)
        %dma_wait3A_22 = arith.constant 0 : i32
        %dma_wait3A_23 = tpu.memref_slice %arg4[%mul3A_13, %dma_wait3A_22] : memref<163840x128xf32, #tpu.memory_space<hbm>> -> memref<80x128xf32, #tpu.memory_space<hbm>>
        %dma_wait3A_24 = arith.constant 0 : i32
        %dma_wait3A_25 = tpu.memref_slice %arg4[%mul3A_13, %dma_wait3A_24] : memref<163840x128xf32, #tpu.memory_space<hbm>> -> memref<80x128xf32, #tpu.memory_space<hbm>>
        tpu.wait_dma2 semaphore(%run_scoped3A : memref<!tpu.dma_semaphore, #tpu.memory_space<semaphore_mem>>) src(%arg6 : memref<80x128xf32, #tpu.memory_space<vmem>>) dst(%dma_wait3A_25 : memref<80x128xf32, #tpu.memory_space<hbm>>)
        tpu.yield
      }) : () -> ()
    }
    %scan3A_5 = arith.constant 64 : i32
    return
  }
}

#map = affine_map<(d0, d1) -> (0, 0)>
#map1 = affine_map<(d0, d1) -> (0)>
module attributes {stable_mosaic.version = 14 : i64} {
  func.func @body(%arg0: i32, %arg1: i32, %arg2: memref<8192x128xf32, #tpu.memory_space<hbm>>, %arg3: memref<163840xi32, #tpu.memory_space<hbm>>, %arg4: memref<163840x128xf32, #tpu.memory_space<hbm>>, %arg5: memref<80xi32, #tpu.memory_space<vmem>>, %arg6: memref<80x128xf32, #tpu.memory_space<vmem>>, %arg7: memref<!tpu.dma_semaphore, #tpu.memory_space<semaphore_mem>>) attributes {dimension_semantics = [#tpu.dimension_semantics<core_parallel>, #tpu.dimension_semantics<subcore_parallel>], iteration_bounds = array<i64: 2, 16>, scalar_prefetch = 0 : i64, scratch_operands = 3 : i64, tpu.core_type = #tpu.core_type<sc_vector_subcore>, window_params = [{transform_indices = #map}, {transform_indices = #map1}, {transform_indices = #map}]} {
    %mul3A = arith.constant 2 : i32
    %mul3A_0 = arith.muli %arg1, %mul3A : i32
    %add3A = arith.addi %mul3A_0, %arg0 : i32
    %scan3A = arith.constant 0 : i32
    %scan3A_1 = arith.constant 0 : i32
    %scan3A_2 = arith.constant 64 : i32
    %scan3A_3 = arith.addi %scan3A_1, %scan3A_2 : i32
    %scan3A_4 = arith.constant 1 : i32
    scf.for %scan3A_6 = %scan3A_1 to %scan3A_3 step %scan3A_4  : i32 {
      %mul3A_7 = arith.constant 256 : i32
      %mul3A_8 = arith.muli %add3A, %mul3A_7 : i32
      %mul3A_9 = arith.constant 4 : i32
      %mul3A_10 = arith.muli %scan3A_6, %mul3A_9 : i32
      %add3A_11 = arith.addi %mul3A_8, %mul3A_10 : i32
      %mul3A_12 = arith.constant 20 : i32
      %mul3A_13 = arith.muli %add3A_11, %mul3A_12 : i32
      "tpu.region"() ({
        %run_scoped3A = tpu.sem_alloc : memref<!tpu.dma_semaphore, #tpu.memory_space<semaphore_mem>>
        %dma_start3A_18 = tpu.memref_slice %arg3[%mul3A_13] : memref<163840xi32, #tpu.memory_space<hbm>> -> memref<80xi32, #tpu.memory_space<hbm>>
        %dma_start3A_19 = tpu.memref_slice %arg3[%mul3A_13] : memref<163840xi32, #tpu.memory_space<hbm>> -> memref<80xi32, #tpu.memory_space<hbm>>
        tpu.enqueue_dma source(%dma_start3A_19 : memref<80xi32, #tpu.memory_space<hbm>>) target(%arg5 : memref<80xi32, #tpu.memory_space<vmem>>) target_semaphore(%run_scoped3A : memref<!tpu.dma_semaphore, #tpu.memory_space<semaphore_mem>>)
        %dma_wait3A_20 = tpu.memref_slice %arg3[%mul3A_13] : memref<163840xi32, #tpu.memory_space<hbm>> -> memref<80xi32, #tpu.memory_space<hbm>>
        %dma_wait3A_21 = tpu.memref_slice %arg3[%mul3A_13] : memref<163840xi32, #tpu.memory_space<hbm>> -> memref<80xi32, #tpu.memory_space<hbm>>
        tpu.wait_dma2 semaphore(%run_scoped3A : memref<!tpu.dma_semaphore, #tpu.memory_space<semaphore_mem>>) src(%dma_wait3A_21 : memref<80xi32, #tpu.memory_space<hbm>>) dst(%arg5 : memref<80xi32, #tpu.memory_space<vmem>>)
        tpu.yield
      }) : () -> ()
      %dma_start3A = arith.constant 0 : i32
      %dma_start3A_14 = arith.constant 0 : i32
      %dma_start3A_15 = tpu.memref_slice %arg2[%dma_start3A, %dma_start3A_14] : memref<8192x128xf32, #tpu.memory_space<hbm>> -> memref<8192x128xf32, #tpu.memory_space<hbm>>
      tpu.enqueue_indirect_dma source(%dma_start3A_15 : memref<8192x128xf32, #tpu.memory_space<hbm>>) target(%arg6 : memref<80x128xf32, #tpu.memory_space<vmem>>) offsets(%arg5 : memref<80xi32, #tpu.memory_space<vmem>>) semaphore(%arg7 : memref<!tpu.dma_semaphore, #tpu.memory_space<semaphore_mem>>)
      %dma_wait3A = arith.constant 0 : i32
      %dma_wait3A_16 = arith.constant 0 : i32
      %dma_wait3A_17 = tpu.memref_slice %arg2[%dma_wait3A, %dma_wait3A_16] : memref<8192x128xf32, #tpu.memory_space<hbm>> -> memref<8192x128xf32, #tpu.memory_space<hbm>>
      tpu.wait_indirect_dma semaphore(%arg7 : memref<!tpu.dma_semaphore, #tpu.memory_space<semaphore_mem>>) src(%dma_wait3A_17 : memref<8192x128xf32, #tpu.memory_space<hbm>>) dst(%arg6 : memref<80x128xf32, #tpu.memory_space<vmem>>)
      "tpu.region"() ({
        %run_scoped3A = tpu.sem_alloc : memref<!tpu.dma_semaphore, #tpu.memory_space<semaphore_mem>>
        %dma_start3A_18 = arith.constant 0 : i32
        %dma_start3A_19 = tpu.memref_slice %arg4[%mul3A_13, %dma_start3A_18] : memref<163840x128xf32, #tpu.memory_space<hbm>> -> memref<80x128xf32, #tpu.memory_space<hbm>>
        %dma_start3A_20 = arith.constant 0 : i32
        %dma_start3A_21 = tpu.memref_slice %arg4[%mul3A_13, %dma_start3A_20] : memref<163840x128xf32, #tpu.memory_space<hbm>> -> memref<80x128xf32, #tpu.memory_space<hbm>>
        tpu.enqueue_dma source(%arg6 : memref<80x128xf32, #tpu.memory_space<vmem>>) target(%dma_start3A_21 : memref<80x128xf32, #tpu.memory_space<hbm>>) target_semaphore(%run_scoped3A : memref<!tpu.dma_semaphore, #tpu.memory_space<semaphore_mem>>)
        %dma_wait3A_22 = arith.constant 0 : i32
        %dma_wait3A_23 = tpu.memref_slice %arg4[%mul3A_13, %dma_wait3A_22] : memref<163840x128xf32, #tpu.memory_space<hbm>> -> memref<80x128xf32, #tpu.memory_space<hbm>>
        %dma_wait3A_24 = arith.constant 0 : i32
        %dma_wait3A_25 = tpu.memref_slice %arg4[%mul3A_13, %dma_wait3A_24] : memref<163840x128xf32, #tpu.memory_space<hbm>> -> memref<80x128xf32, #tpu.memory_space<hbm>>
        tpu.wait_dma2 semaphore(%run_scoped3A : memref<!tpu.dma_semaphore, #tpu.memory_space<semaphore_mem>>) src(%arg6 : memref<80x128xf32, #tpu.memory_space<vmem>>) dst(%dma_wait3A_25 : memref<80x128xf32, #tpu.memory_space<hbm>>)
        tpu.yield
      }) : () -> ()
    }
    %scan3A_5 = arith.constant 64 : i32
    return
  }
}

#map = affine_map<(d0, d1) -> (0, 0)>
#map1 = affine_map<(d0, d1) -> (0)>
module attributes {stable_mosaic.version = 14 : i64} {
  func.func @body(%arg0: i32, %arg1: i32, %arg2: memref<8192x128xf32, #tpu.memory_space<hbm>>, %arg3: memref<163840xi32, #tpu.memory_space<hbm>>, %arg4: memref<163840x128xf32, #tpu.memory_space<hbm>>, %arg5: memref<80xi32, #tpu.memory_space<vmem>>, %arg6: memref<80x128xf32, #tpu.memory_space<vmem>>, %arg7: memref<!tpu.dma_semaphore, #tpu.memory_space<semaphore_mem>>) attributes {dimension_semantics = [#tpu.dimension_semantics<core_parallel>, #tpu.dimension_semantics<subcore_parallel>], iteration_bounds = array<i64: 2, 16>, scalar_prefetch = 0 : i64, scratch_operands = 3 : i64, tpu.core_type = #tpu.core_type<sc_vector_subcore>, window_params = [{transform_indices = #map}, {transform_indices = #map1}, {transform_indices = #map}]} {
    %mul3A = arith.constant 2 : i32
    %mul3A_0 = arith.muli %arg1, %mul3A : i32
    %add3A = arith.addi %mul3A_0, %arg0 : i32
    %scan3A = arith.constant 0 : i32
    %scan3A_1 = arith.constant 0 : i32
    %scan3A_2 = arith.constant 64 : i32
    %scan3A_3 = arith.addi %scan3A_1, %scan3A_2 : i32
    %scan3A_4 = arith.constant 1 : i32
    scf.for %scan3A_6 = %scan3A_1 to %scan3A_3 step %scan3A_4  : i32 {
      %mul3A_7 = arith.constant 256 : i32
      %mul3A_8 = arith.muli %add3A, %mul3A_7 : i32
      %mul3A_9 = arith.constant 4 : i32
      %mul3A_10 = arith.muli %scan3A_6, %mul3A_9 : i32
      %add3A_11 = arith.addi %mul3A_8, %mul3A_10 : i32
      %mul3A_12 = arith.constant 20 : i32
      %mul3A_13 = arith.muli %add3A_11, %mul3A_12 : i32
      "tpu.region"() ({
        %run_scoped3A = tpu.sem_alloc : memref<!tpu.dma_semaphore, #tpu.memory_space<semaphore_mem>>
        %dma_start3A_18 = tpu.memref_slice %arg3[%mul3A_13] : memref<163840xi32, #tpu.memory_space<hbm>> -> memref<80xi32, #tpu.memory_space<hbm>>
        %dma_start3A_19 = tpu.memref_slice %arg3[%mul3A_13] : memref<163840xi32, #tpu.memory_space<hbm>> -> memref<80xi32, #tpu.memory_space<hbm>>
        tpu.enqueue_dma source(%dma_start3A_19 : memref<80xi32, #tpu.memory_space<hbm>>) target(%arg5 : memref<80xi32, #tpu.memory_space<vmem>>) target_semaphore(%run_scoped3A : memref<!tpu.dma_semaphore, #tpu.memory_space<semaphore_mem>>)
        %dma_wait3A_20 = tpu.memref_slice %arg3[%mul3A_13] : memref<163840xi32, #tpu.memory_space<hbm>> -> memref<80xi32, #tpu.memory_space<hbm>>
        %dma_wait3A_21 = tpu.memref_slice %arg3[%mul3A_13] : memref<163840xi32, #tpu.memory_space<hbm>> -> memref<80xi32, #tpu.memory_space<hbm>>
        tpu.wait_dma2 semaphore(%run_scoped3A : memref<!tpu.dma_semaphore, #tpu.memory_space<semaphore_mem>>) src(%dma_wait3A_21 : memref<80xi32, #tpu.memory_space<hbm>>) dst(%arg5 : memref<80xi32, #tpu.memory_space<vmem>>)
        tpu.yield
      }) : () -> ()
      %dma_start3A = arith.constant 0 : i32
      %dma_start3A_14 = arith.constant 0 : i32
      %dma_start3A_15 = tpu.memref_slice %arg2[%dma_start3A, %dma_start3A_14] : memref<8192x128xf32, #tpu.memory_space<hbm>> -> memref<8192x128xf32, #tpu.memory_space<hbm>>
      tpu.enqueue_indirect_dma source(%dma_start3A_15 : memref<8192x128xf32, #tpu.memory_space<hbm>>) target(%arg6 : memref<80x128xf32, #tpu.memory_space<vmem>>) offsets(%arg5 : memref<80xi32, #tpu.memory_space<vmem>>) semaphore(%arg7 : memref<!tpu.dma_semaphore, #tpu.memory_space<semaphore_mem>>)
      %dma_wait3A = arith.constant 0 : i32
      %dma_wait3A_16 = arith.constant 0 : i32
      %dma_wait3A_17 = tpu.memref_slice %arg2[%dma_wait3A, %dma_wait3A_16] : memref<8192x128xf32, #tpu.memory_space<hbm>> -> memref<8192x128xf32, #tpu.memory_space<hbm>>
      tpu.wait_indirect_dma semaphore(%arg7 : memref<!tpu.dma_semaphore, #tpu.memory_space<semaphore_mem>>) src(%dma_wait3A_17 : memref<8192x128xf32, #tpu.memory_space<hbm>>) dst(%arg6 : memref<80x128xf32, #tpu.memory_space<vmem>>)
      "tpu.region"() ({
        %run_scoped3A = tpu.sem_alloc : memref<!tpu.dma_semaphore, #tpu.memory_space<semaphore_mem>>
        %dma_start3A_18 = arith.constant 0 : i32
        %dma_start3A_19 = tpu.memref_slice %arg4[%mul3A_13, %dma_start3A_18] : memref<163840x128xf32, #tpu.memory_space<hbm>> -> memref<80x128xf32, #tpu.memory_space<hbm>>
        %dma_start3A_20 = arith.constant 0 : i32
        %dma_start3A_21 = tpu.memref_slice %arg4[%mul3A_13, %dma_start3A_20] : memref<163840x128xf32, #tpu.memory_space<hbm>> -> memref<80x128xf32, #tpu.memory_space<hbm>>
        tpu.enqueue_dma source(%arg6 : memref<80x128xf32, #tpu.memory_space<vmem>>) target(%dma_start3A_21 : memref<80x128xf32, #tpu.memory_space<hbm>>) target_semaphore(%run_scoped3A : memref<!tpu.dma_semaphore, #tpu.memory_space<semaphore_mem>>)
        %dma_wait3A_22 = arith.constant 0 : i32
        %dma_wait3A_23 = tpu.memref_slice %arg4[%mul3A_13, %dma_wait3A_22] : memref<163840x128xf32, #tpu.memory_space<hbm>> -> memref<80x128xf32, #tpu.memory_space<hbm>>
        %dma_wait3A_24 = arith.constant 0 : i32
        %dma_wait3A_25 = tpu.memref_slice %arg4[%mul3A_13, %dma_wait3A_24] : memref<163840x128xf32, #tpu.memory_space<hbm>> -> memref<80x128xf32, #tpu.memory_space<hbm>>
        tpu.wait_dma2 semaphore(%run_scoped3A : memref<!tpu.dma_semaphore, #tpu.memory_space<semaphore_mem>>) src(%arg6 : memref<80x128xf32, #tpu.memory_space<vmem>>) dst(%dma_wait3A_25 : memref<80x128xf32, #tpu.memory_space<hbm>>)
        tpu.yield
      }) : () -> ()
    }
    %scan3A_5 = arith.constant 64 : i32
    return
  }
}

#map = affine_map<(d0, d1) -> (0, 0)>
#map1 = affine_map<(d0, d1) -> (0)>
module attributes {stable_mosaic.version = 14 : i64} {
  func.func @body(%arg0: i32, %arg1: i32, %arg2: memref<8192x128xf32, #tpu.memory_space<hbm>>, %arg3: memref<163840xi32, #tpu.memory_space<hbm>>, %arg4: memref<163840x128xf32, #tpu.memory_space<hbm>>, %arg5: memref<80xi32, #tpu.memory_space<vmem>>, %arg6: memref<80x128xf32, #tpu.memory_space<vmem>>, %arg7: memref<!tpu.dma_semaphore, #tpu.memory_space<semaphore_mem>>) attributes {dimension_semantics = [#tpu.dimension_semantics<core_parallel>, #tpu.dimension_semantics<subcore_parallel>], iteration_bounds = array<i64: 2, 16>, scalar_prefetch = 0 : i64, scratch_operands = 3 : i64, tpu.core_type = #tpu.core_type<sc_vector_subcore>, window_params = [{transform_indices = #map}, {transform_indices = #map1}, {transform_indices = #map}]} {
    %mul3A = arith.constant 2 : i32
    %mul3A_0 = arith.muli %arg1, %mul3A : i32
    %add3A = arith.addi %mul3A_0, %arg0 : i32
    %scan3A = arith.constant 0 : i32
    %scan3A_1 = arith.constant 0 : i32
    %scan3A_2 = arith.constant 64 : i32
    %scan3A_3 = arith.addi %scan3A_1, %scan3A_2 : i32
    %scan3A_4 = arith.constant 1 : i32
    scf.for %scan3A_6 = %scan3A_1 to %scan3A_3 step %scan3A_4  : i32 {
      %mul3A_7 = arith.constant 256 : i32
      %mul3A_8 = arith.muli %add3A, %mul3A_7 : i32
      %mul3A_9 = arith.constant 4 : i32
      %mul3A_10 = arith.muli %scan3A_6, %mul3A_9 : i32
      %add3A_11 = arith.addi %mul3A_8, %mul3A_10 : i32
      %mul3A_12 = arith.constant 20 : i32
      %mul3A_13 = arith.muli %add3A_11, %mul3A_12 : i32
      "tpu.region"() ({
        %run_scoped3A = tpu.sem_alloc : memref<!tpu.dma_semaphore, #tpu.memory_space<semaphore_mem>>
        %dma_start3A_18 = tpu.memref_slice %arg3[%mul3A_13] : memref<163840xi32, #tpu.memory_space<hbm>> -> memref<80xi32, #tpu.memory_space<hbm>>
        %dma_start3A_19 = tpu.memref_slice %arg3[%mul3A_13] : memref<163840xi32, #tpu.memory_space<hbm>> -> memref<80xi32, #tpu.memory_space<hbm>>
        tpu.enqueue_dma source(%dma_start3A_19 : memref<80xi32, #tpu.memory_space<hbm>>) target(%arg5 : memref<80xi32, #tpu.memory_space<vmem>>) target_semaphore(%run_scoped3A : memref<!tpu.dma_semaphore, #tpu.memory_space<semaphore_mem>>)
        %dma_wait3A_20 = tpu.memref_slice %arg3[%mul3A_13] : memref<163840xi32, #tpu.memory_space<hbm>> -> memref<80xi32, #tpu.memory_space<hbm>>
        %dma_wait3A_21 = tpu.memref_slice %arg3[%mul3A_13] : memref<163840xi32, #tpu.memory_space<hbm>> -> memref<80xi32, #tpu.memory_space<hbm>>
        tpu.wait_dma2 semaphore(%run_scoped3A : memref<!tpu.dma_semaphore, #tpu.memory_space<semaphore_mem>>) src(%dma_wait3A_21 : memref<80xi32, #tpu.memory_space<hbm>>) dst(%arg5 : memref<80xi32, #tpu.memory_space<vmem>>)
        tpu.yield
      }) : () -> ()
      %dma_start3A = arith.constant 0 : i32
      %dma_start3A_14 = arith.constant 0 : i32
      %dma_start3A_15 = tpu.memref_slice %arg2[%dma_start3A, %dma_start3A_14] : memref<8192x128xf32, #tpu.memory_space<hbm>> -> memref<8192x128xf32, #tpu.memory_space<hbm>>
      tpu.enqueue_indirect_dma source(%dma_start3A_15 : memref<8192x128xf32, #tpu.memory_space<hbm>>) target(%arg6 : memref<80x128xf32, #tpu.memory_space<vmem>>) offsets(%arg5 : memref<80xi32, #tpu.memory_space<vmem>>) semaphore(%arg7 : memref<!tpu.dma_semaphore, #tpu.memory_space<semaphore_mem>>)
      %dma_wait3A = arith.constant 0 : i32
      %dma_wait3A_16 = arith.constant 0 : i32
      %dma_wait3A_17 = tpu.memref_slice %arg2[%dma_wait3A, %dma_wait3A_16] : memref<8192x128xf32, #tpu.memory_space<hbm>> -> memref<8192x128xf32, #tpu.memory_space<hbm>>
      tpu.wait_indirect_dma semaphore(%arg7 : memref<!tpu.dma_semaphore, #tpu.memory_space<semaphore_mem>>) src(%dma_wait3A_17 : memref<8192x128xf32, #tpu.memory_space<hbm>>) dst(%arg6 : memref<80x128xf32, #tpu.memory_space<vmem>>)
      "tpu.region"() ({
        %run_scoped3A = tpu.sem_alloc : memref<!tpu.dma_semaphore, #tpu.memory_space<semaphore_mem>>
        %dma_start3A_18 = arith.constant 0 : i32
        %dma_start3A_19 = tpu.memref_slice %arg4[%mul3A_13, %dma_start3A_18] : memref<163840x128xf32, #tpu.memory_space<hbm>> -> memref<80x128xf32, #tpu.memory_space<hbm>>
        %dma_start3A_20 = arith.constant 0 : i32
        %dma_start3A_21 = tpu.memref_slice %arg4[%mul3A_13, %dma_start3A_20] : memref<163840x128xf32, #tpu.memory_space<hbm>> -> memref<80x128xf32, #tpu.memory_space<hbm>>
        tpu.enqueue_dma source(%arg6 : memref<80x128xf32, #tpu.memory_space<vmem>>) target(%dma_start3A_21 : memref<80x128xf32, #tpu.memory_space<hbm>>) target_semaphore(%run_scoped3A : memref<!tpu.dma_semaphore, #tpu.memory_space<semaphore_mem>>)
        %dma_wait3A_22 = arith.constant 0 : i32
        %dma_wait3A_23 = tpu.memref_slice %arg4[%mul3A_13, %dma_wait3A_22] : memref<163840x128xf32, #tpu.memory_space<hbm>> -> memref<80x128xf32, #tpu.memory_space<hbm>>
        %dma_wait3A_24 = arith.constant 0 : i32
        %dma_wait3A_25 = tpu.memref_slice %arg4[%mul3A_13, %dma_wait3A_24] : memref<163840x128xf32, #tpu.memory_space<hbm>> -> memref<80x128xf32, #tpu.memory_space<hbm>>
        tpu.wait_dma2 semaphore(%run_scoped3A : memref<!tpu.dma_semaphore, #tpu.memory_space<semaphore_mem>>) src(%arg6 : memref<80x128xf32, #tpu.memory_space<vmem>>) dst(%dma_wait3A_25 : memref<80x128xf32, #tpu.memory_space<hbm>>)
        tpu.yield
      }) : () -> ()
    }
    %scan3A_5 = arith.constant 64 : i32
    return
  }
}

module attributes {stable_mosaic.version = 14 : i64} {
  func.func @_topk_body(%arg0: i32, %arg1: memref<128x3xf32, #tpu.memory_space<vmem>>, %arg2: memref<3x8192xf32, #tpu.memory_space<vmem>>, %arg3: memref<128x20xi32, #tpu.memory_space<vmem>>) attributes {dimension_semantics = [#tpu.dimension_semantics<arbitrary>], iteration_bounds = array<i64: 64>, scalar_prefetch = 0 : i64, scratch_operands = 0 : i64, tpu.core_type = #tpu.core_type<tc>, window_params = [{transform_indices = @transform_0, window_bounds = array<i64: 128, 3>}, {pipeline_mode = #tpu.pipeline_mode<synchronous>, transform_indices = @transform_1, window_bounds = array<i64: 3, 8192>}, {transform_indices = @transform_2, window_bounds = array<i64: 128, 20>}]} {
    %get3A = arith.constant 0 : index
    %get3A_0 = arith.constant 0 : index
    %get3A_1 = vector.load %arg1[%get3A, %get3A_0] : memref<128x3xf32, #tpu.memory_space<vmem>>, vector<128x3xf32>
    %get3A_2 = arith.constant 0 : index
    %get3A_3 = arith.constant 0 : index
    %get3A_4 = vector.load %arg2[%get3A_2, %get3A_3] : memref<3x8192xf32, #tpu.memory_space<vmem>>, vector<3x8192xf32>
    %dot_general3A = arith.constant dense<0.000000e+00> : vector<128x8192xf32>
    %dot_general3A_5 = tpu.matmul %get3A_1, %get3A_4, %dot_general3A {dimension_numbers = #tpu.dot_dimension_numbers<[1], [0], [0], [1], [0, 0, 1, 1], [], []>, transpose_lhs_hint = false} : vector<128x3xf32>, vector<3x8192xf32>, vector<128x8192xf32> -> vector<128x8192xf32>
    %mul3A = arith.mulf %get3A_1, %get3A_1 : vector<128x3xf32>
    %reduce_sum3A = arith.constant dense<0.000000e+00> : vector<128xf32>
    %reduce_sum3A_6 = vector.multi_reduction <add>, %mul3A, %reduce_sum3A [1] : vector<128x3xf32> to vector<128xf32>
    %broadcast_in_dim3A = vector.shape_cast %reduce_sum3A_6 : vector<128xf32> to vector<128x1xf32>
    %mul3A_7 = arith.mulf %get3A_4, %get3A_4 : vector<3x8192xf32>
    %reduce_sum3A_8 = arith.constant dense<0.000000e+00> : vector<8192xf32>
    %reduce_sum3A_9 = vector.multi_reduction <add>, %mul3A_7, %reduce_sum3A_8 [0] : vector<3x8192xf32> to vector<8192xf32>
    %broadcast_in_dim3A_10 = vector.shape_cast %reduce_sum3A_9 : vector<8192xf32> to vector<1x8192xf32>
    %mul3A_11 = arith.constant 2.000000e+00 : f32
    %mul3A_12 = vector.broadcast %mul3A_11 : f32 to vector<128x8192xf32>
    %mul3A_13 = arith.mulf %mul3A_12, %dot_general3A_5 : vector<128x8192xf32>
    %sub3A = vector.broadcast %broadcast_in_dim3A : vector<128x1xf32> to vector<128x8192xf32>
    %sub3A_14 = arith.subf %mul3A_13, %sub3A : vector<128x8192xf32>
    %sub3A_15 = vector.broadcast %broadcast_in_dim3A_10 : vector<1x8192xf32> to vector<128x8192xf32>
    %sub3A_16 = arith.subf %sub3A_14, %sub3A_15 : vector<128x8192xf32>
    %iota3A = tpu.iota {dimensions = array<i32: 1>} : vector<128x8192xi32>
    %argmax3A = tpu.reduce_index %sub3A_16 {axis = 1 : i32, kind = #tpu.reduction_kind<arg_max>} : vector<128x8192xf32> -> vector<128xi32>
    %broadcast_in_dim3A_17 = vector.shape_cast %argmax3A : vector<128xi32> to vector<128x1xi32>
    %swap3A = arith.constant 0 : index
    %swap3A_18 = arith.constant 0 : index
    %swap3A_19 = vector.load %arg3[%swap3A, %swap3A_18] : memref<128x20xi32, #tpu.memory_space<vmem>>, vector<128x1xi32>
    tpu.vector_store %arg3[%swap3A, %swap3A_18], %broadcast_in_dim3A_17 {strides = array<i32>} : memref<128x20xi32, #tpu.memory_space<vmem>>, vector<128x1xi32>,
    %eq3A = vector.broadcast %broadcast_in_dim3A_17 : vector<128x1xi32> to vector<128x8192xi32>
    %eq3A_20 = arith.cmpi eq, %iota3A, %eq3A : vector<128x8192xi32>
    %jit3A = arith.constant -3.000000e+38 : f32
    %broadcast_in_dim3A_21 = vector.broadcast %jit3A : f32 to vector<128x8192xf32>
    %select_n3A = arith.select %eq3A_20, %broadcast_in_dim3A_21, %sub3A_16 : vector<128x8192xi1>, vector<128x8192xf32>
    %argmax3A_22 = tpu.reduce_index %select_n3A {axis = 1 : i32, kind = #tpu.reduction_kind<arg_max>} : vector<128x8192xf32> -> vector<128xi32>
    %broadcast_in_dim3A_23 = vector.shape_cast %argmax3A_22 : vector<128xi32> to vector<128x1xi32>
    %swap3A_24 = arith.constant 0 : index
    %swap3A_25 = arith.constant 1 : index
    %swap3A_26 = vector.load %arg3[%swap3A_24, %swap3A_25] : memref<128x20xi32, #tpu.memory_space<vmem>>, vector<128x1xi32>
    tpu.vector_store %arg3[%swap3A_24, %swap3A_25], %broadcast_in_dim3A_23 {strides = array<i32>} : memref<128x20xi32, #tpu.memory_space<vmem>>, vector<128x1xi32>,
    %eq3A_27 = vector.broadcast %broadcast_in_dim3A_23 : vector<128x1xi32> to vector<128x8192xi32>
    %eq3A_28 = arith.cmpi eq, %iota3A, %eq3A_27 : vector<128x8192xi32>
    %jit3A_29 = arith.constant -3.000000e+38 : f32
    %broadcast_in_dim3A_30 = vector.broadcast %jit3A_29 : f32 to vector<128x8192xf32>
    %select_n3A_31 = arith.select %eq3A_28, %broadcast_in_dim3A_30, %select_n3A : vector<128x8192xi1>, vector<128x8192xf32>
    %argmax3A_32 = tpu.reduce_index %select_n3A_31 {axis = 1 : i32, kind = #tpu.reduction_kind<arg_max>} : vector<128x8192xf32> -> vector<128xi32>
    %broadcast_in_dim3A_33 = vector.shape_cast %argmax3A_32 : vector<128xi32> to vector<128x1xi32>
    %swap3A_34 = arith.constant 0 : index
    %swap3A_35 = arith.constant 2 : index
    %swap3A_36 = vector.load %arg3[%swap3A_34, %swap3A_35] : memref<128x20xi32, #tpu.memory_space<vmem>>, vector<128x1xi32>
    tpu.vector_store %arg3[%swap3A_34, %swap3A_35], %broadcast_in_dim3A_33 {strides = array<i32>} : memref<128x20xi32, #tpu.memory_space<vmem>>, vector<128x1xi32>,
    %eq3A_37 = vector.broadcast %broadcast_in_dim3A_33 : vector<128x1xi32> to vector<128x8192xi32>
    %eq3A_38 = arith.cmpi eq, %iota3A, %eq3A_37 : vector<128x8192xi32>
    %jit3A_39 = arith.constant -3.000000e+38 : f32
    %broadcast_in_dim3A_40 = vector.broadcast %jit3A_39 : f32 to vector<128x8192xf32>
    %select_n3A_41 = arith.select %eq3A_38, %broadcast_in_dim3A_40, %select_n3A_31 : vector<128x8192xi1>, vector<128x8192xf32>
    %argmax3A_42 = tpu.reduce_index %select_n3A_41 {axis = 1 : i32, kind = #tpu.reduction_kind<arg_max>} : vector<128x8192xf32> -> vector<128xi32>
    %broadcast_in_dim3A_43 = vector.shape_cast %argmax3A_42 : vector<128xi32> to vector<128x1xi32>
    %swap3A_44 = arith.constant 0 : index
    %swap3A_45 = arith.constant 3 : index
    %swap3A_46 = vector.load %arg3[%swap3A_44, %swap3A_45] : memref<128x20xi32, #tpu.memory_space<vmem>>, vector<128x1xi32>
    tpu.vector_store %arg3[%swap3A_44, %swap3A_45], %broadcast_in_dim3A_43 {strides = array<i32>} : memref<128x20xi32, #tpu.memory_space<vmem>>, vector<128x1xi32>,
    %eq3A_47 = vector.broadcast %broadcast_in_dim3A_43 : vector<128x1xi32> to vector<128x8192xi32>
    %eq3A_48 = arith.cmpi eq, %iota3A, %eq3A_47 : vector<128x8192xi32>
    %jit3A_49 = arith.constant -3.000000e+38 : f32
    %broadcast_in_dim3A_50 = vector.broadcast %jit3A_49 : f32 to vector<128x8192xf32>
    %select_n3A_51 = arith.select %eq3A_48, %broadcast_in_dim3A_50, %select_n3A_41 : vector<128x8192xi1>, vector<128x8192xf32>
    %argmax3A_52 = tpu.reduce_index %select_n3A_51 {axis = 1 : i32, kind = #tpu.reduction_kind<arg_max>} : vector<128x8192xf32> -> vector<128xi32>
    %broadcast_in_dim3A_53 = vector.shape_cast %argmax3A_52 : vector<128xi32> to vector<128x1xi32>
    %swap3A_54 = arith.constant 0 : index
    %swap3A_55 = arith.constant 4 : index
    %swap3A_56 = vector.load %arg3[%swap3A_54, %swap3A_55] : memref<128x20xi32, #tpu.memory_space<vmem>>, vector<128x1xi32>
    tpu.vector_store %arg3[%swap3A_54, %swap3A_55], %broadcast_in_dim3A_53 {strides = array<i32>} : memref<128x20xi32, #tpu.memory_space<vmem>>, vector<128x1xi32>,
    %eq3A_57 = vector.broadcast %broadcast_in_dim3A_53 : vector<128x1xi32> to vector<128x8192xi32>
    %eq3A_58 = arith.cmpi eq, %iota3A, %eq3A_57 : vector<128x8192xi32>
    %jit3A_59 = arith.constant -3.000000e+38 : f32
    %broadcast_in_dim3A_60 = vector.broadcast %jit3A_59 : f32 to vector<128x8192xf32>
    %select_n3A_61 = arith.select %eq3A_58, %broadcast_in_dim3A_60, %select_n3A_51 : vector<128x8192xi1>, vector<128x8192xf32>
    %argmax3A_62 = tpu.reduce_index %select_n3A_61 {axis = 1 : i32, kind = #tpu.reduction_kind<arg_max>} : vector<128x8192xf32> -> vector<128xi32>
    %broadcast_in_dim3A_63 = vector.shape_cast %argmax3A_62 : vector<128xi32> to vector<128x1xi32>
    %swap3A_64 = arith.constant 0 : index
    %swap3A_65 = arith.constant 5 : index
    %swap3A_66 = vector.load %arg3[%swap3A_64, %swap3A_65] : memref<128x20xi32, #tpu.memory_space<vmem>>, vector<128x1xi32>
    tpu.vector_store %arg3[%swap3A_64, %swap3A_65], %broadcast_in_dim3A_63 {strides = array<i32>} : memref<128x20xi32, #tpu.memory_space<vmem>>, vector<128x1xi32>,
    %eq3A_67 = vector.broadcast %broadcast_in_dim3A_63 : vector<128x1xi32> to vector<128x8192xi32>
    %eq3A_68 = arith.cmpi eq, %iota3A, %eq3A_67 : vector<128x8192xi32>
    %jit3A_69 = arith.constant -3.000000e+38 : f32
    %broadcast_in_dim3A_70 = vector.broadcast %jit3A_69 : f32 to vector<128x8192xf32>
    %select_n3A_71 = arith.select %eq3A_68, %broadcast_in_dim3A_70, %select_n3A_61 : vector<128x8192xi1>, vector<128x8192xf32>
    %argmax3A_72 = tpu.reduce_index %select_n3A_71 {axis = 1 : i32, kind = #tpu.reduction_kind<arg_max>} : vector<128x8192xf32> -> vector<128xi32>
    %broadcast_in_dim3A_73 = vector.shape_cast %argmax3A_72 : vector<128xi32> to vector<128x1xi32>
    %swap3A_74 = arith.constant 0 : index
    %swap3A_75 = arith.constant 6 : index
    %swap3A_76 = vector.load %arg3[%swap3A_74, %swap3A_75] : memref<128x20xi32, #tpu.memory_space<vmem>>, vector<128x1xi32>
    tpu.vector_store %arg3[%swap3A_74, %swap3A_75], %broadcast_in_dim3A_73 {strides = array<i32>} : memref<128x20xi32, #tpu.memory_space<vmem>>, vector<128x1xi32>,
    %eq3A_77 = vector.broadcast %broadcast_in_dim3A_73 : vector<128x1xi32> to vector<128x8192xi32>
    %eq3A_78 = arith.cmpi eq, %iota3A, %eq3A_77 : vector<128x8192xi32>
    %jit3A_79 = arith.constant -3.000000e+38 : f32
    %broadcast_in_dim3A_80 = vector.broadcast %jit3A_79 : f32 to vector<128x8192xf32>
    %select_n3A_81 = arith.select %eq3A_78, %broadcast_in_dim3A_80, %select_n3A_71 : vector<128x8192xi1>, vector<128x8192xf32>
    %argmax3A_82 = tpu.reduce_index %select_n3A_81 {axis = 1 : i32, kind = #tpu.reduction_kind<arg_max>} : vector<128x8192xf32> -> vector<128xi32>
    %broadcast_in_dim3A_83 = vector.shape_cast %argmax3A_82 : vector<128xi32> to vector<128x1xi32>
    %swap3A_84 = arith.constant 0 : index
    %swap3A_85 = arith.constant 7 : index
    %swap3A_86 = vector.load %arg3[%swap3A_84, %swap3A_85] : memref<128x20xi32, #tpu.memory_space<vmem>>, vector<128x1xi32>
    tpu.vector_store %arg3[%swap3A_84, %swap3A_85], %broadcast_in_dim3A_83 {strides = array<i32>} : memref<128x20xi32, #tpu.memory_space<vmem>>, vector<128x1xi32>,
    %eq3A_87 = vector.broadcast %broadcast_in_dim3A_83 : vector<128x1xi32> to vector<128x8192xi32>
    %eq3A_88 = arith.cmpi eq, %iota3A, %eq3A_87 : vector<128x8192xi32>
    %jit3A_89 = arith.constant -3.000000e+38 : f32
    %broadcast_in_dim3A_90 = vector.broadcast %jit3A_89 : f32 to vector<128x8192xf32>
    %select_n3A_91 = arith.select %eq3A_88, %broadcast_in_dim3A_90, %select_n3A_81 : vector<128x8192xi1>, vector<128x8192xf32>
    %argmax3A_92 = tpu.reduce_index %select_n3A_91 {axis = 1 : i32, kind = #tpu.reduction_kind<arg_max>} : vector<128x8192xf32> -> vector<128xi32>
    %broadcast_in_dim3A_93 = vector.shape_cast %argmax3A_92 : vector<128xi32> to vector<128x1xi32>
    %swap3A_94 = arith.constant 0 : index
    %swap3A_95 = arith.constant 8 : index
    %swap3A_96 = vector.load %arg3[%swap3A_94, %swap3A_95] : memref<128x20xi32, #tpu.memory_space<vmem>>, vector<128x1xi32>
    tpu.vector_store %arg3[%swap3A_94, %swap3A_95], %broadcast_in_dim3A_93 {strides = array<i32>} : memref<128x20xi32, #tpu.memory_space<vmem>>, vector<128x1xi32>,
    %eq3A_97 = vector.broadcast %broadcast_in_dim3A_93 : vector<128x1xi32> to vector<128x8192xi32>
    %eq3A_98 = arith.cmpi eq, %iota3A, %eq3A_97 : vector<128x8192xi32>
    %jit3A_99 = arith.constant -3.000000e+38 : f32
    %broadcast_in_dim3A_100 = vector.broadcast %jit3A_99 : f32 to vector<128x8192xf32>
    %select_n3A_101 = arith.select %eq3A_98, %broadcast_in_dim3A_100, %select_n3A_91 : vector<128x8192xi1>, vector<128x8192xf32>
    %argmax3A_102 = tpu.reduce_index %select_n3A_101 {axis = 1 : i32, kind = #tpu.reduction_kind<arg_max>} : vector<128x8192xf32> -> vector<128xi32>
    %broadcast_in_dim3A_103 = vector.shape_cast %argmax3A_102 : vector<128xi32> to vector<128x1xi32>
    %swap3A_104 = arith.constant 0 : index
    %swap3A_105 = arith.constant 9 : index
    %swap3A_106 = vector.load %arg3[%swap3A_104, %swap3A_105] : memref<128x20xi32, #tpu.memory_space<vmem>>, vector<128x1xi32>
    tpu.vector_store %arg3[%swap3A_104, %swap3A_105], %broadcast_in_dim3A_103 {strides = array<i32>} : memref<128x20xi32, #tpu.memory_space<vmem>>, vector<128x1xi32>,
    %eq3A_107 = vector.broadcast %broadcast_in_dim3A_103 : vector<128x1xi32> to vector<128x8192xi32>
    %eq3A_108 = arith.cmpi eq, %iota3A, %eq3A_107 : vector<128x8192xi32>
    %jit3A_109 = arith.constant -3.000000e+38 : f32
    %broadcast_in_dim3A_110 = vector.broadcast %jit3A_109 : f32 to vector<128x8192xf32>
    %select_n3A_111 = arith.select %eq3A_108, %broadcast_in_dim3A_110, %select_n3A_101 : vector<128x8192xi1>, vector<128x8192xf32>
    %argmax3A_112 = tpu.reduce_index %select_n3A_111 {axis = 1 : i32, kind = #tpu.reduction_kind<arg_max>} : vector<128x8192xf32> -> vector<128xi32>
    %broadcast_in_dim3A_113 = vector.shape_cast %argmax3A_112 : vector<128xi32> to vector<128x1xi32>
    %swap3A_114 = arith.constant 0 : index
    %swap3A_115 = arith.constant 10 : index
    %swap3A_116 = vector.load %arg3[%swap3A_114, %swap3A_115] : memref<128x20xi32, #tpu.memory_space<vmem>>, vector<128x1xi32>
    tpu.vector_store %arg3[%swap3A_114, %swap3A_115], %broadcast_in_dim3A_113 {strides = array<i32>} : memref<128x20xi32, #tpu.memory_space<vmem>>, vector<128x1xi32>,
    %eq3A_117 = vector.broadcast %broadcast_in_dim3A_113 : vector<128x1xi32> to vector<128x8192xi32>
    %eq3A_118 = arith.cmpi eq, %iota3A, %eq3A_117 : vector<128x8192xi32>
    %jit3A_119 = arith.constant -3.000000e+38 : f32
    %broadcast_in_dim3A_120 = vector.broadcast %jit3A_119 : f32 to vector<128x8192xf32>
    %select_n3A_121 = arith.select %eq3A_118, %broadcast_in_dim3A_120, %select_n3A_111 : vector<128x8192xi1>, vector<128x8192xf32>
    %argmax3A_122 = tpu.reduce_index %select_n3A_121 {axis = 1 : i32, kind = #tpu.reduction_kind<arg_max>} : vector<128x8192xf32> -> vector<128xi32>
    %broadcast_in_dim3A_123 = vector.shape_cast %argmax3A_122 : vector<128xi32> to vector<128x1xi32>
    %swap3A_124 = arith.constant 0 : index
    %swap3A_125 = arith.constant 11 : index
    %swap3A_126 = vector.load %arg3[%swap3A_124, %swap3A_125] : memref<128x20xi32, #tpu.memory_space<vmem>>, vector<128x1xi32>
    tpu.vector_store %arg3[%swap3A_124, %swap3A_125], %broadcast_in_dim3A_123 {strides = array<i32>} : memref<128x20xi32, #tpu.memory_space<vmem>>, vector<128x1xi32>,
    %eq3A_127 = vector.broadcast %broadcast_in_dim3A_123 : vector<128x1xi32> to vector<128x8192xi32>
    %eq3A_128 = arith.cmpi eq, %iota3A, %eq3A_127 : vector<128x8192xi32>
    %jit3A_129 = arith.constant -3.000000e+38 : f32
    %broadcast_in_dim3A_130 = vector.broadcast %jit3A_129 : f32 to vector<128x8192xf32>
    %select_n3A_131 = arith.select %eq3A_128, %broadcast_in_dim3A_130, %select_n3A_121 : vector<128x8192xi1>, vector<128x8192xf32>
    %argmax3A_132 = tpu.reduce_index %select_n3A_131 {axis = 1 : i32, kind = #tpu.reduction_kind<arg_max>} : vector<128x8192xf32> -> vector<128xi32>
    %broadcast_in_dim3A_133 = vector.shape_cast %argmax3A_132 : vector<128xi32> to vector<128x1xi32>
    %swap3A_134 = arith.constant 0 : index
    %swap3A_135 = arith.constant 12 : index
    %swap3A_136 = vector.load %arg3[%swap3A_134, %swap3A_135] : memref<128x20xi32, #tpu.memory_space<vmem>>, vector<128x1xi32>
    tpu.vector_store %arg3[%swap3A_134, %swap3A_135], %broadcast_in_dim3A_133 {strides = array<i32>} : memref<128x20xi32, #tpu.memory_space<vmem>>, vector<128x1xi32>,
    %eq3A_137 = vector.broadcast %broadcast_in_dim3A_133 : vector<128x1xi32> to vector<128x8192xi32>
    %eq3A_138 = arith.cmpi eq, %iota3A, %eq3A_137 : vector<128x8192xi32>
    %jit3A_139 = arith.constant -3.000000e+38 : f32
    %broadcast_in_dim3A_140 = vector.broadcast %jit3A_139 : f32 to vector<128x8192xf32>
    %select_n3A_141 = arith.select %eq3A_138, %broadcast_in_dim3A_140, %select_n3A_131 : vector<128x8192xi1>, vector<128x8192xf32>
    %argmax3A_142 = tpu.reduce_index %select_n3A_141 {axis = 1 : i32, kind = #tpu.reduction_kind<arg_max>} : vector<128x8192xf32> -> vector<128xi32>
    %broadcast_in_dim3A_143 = vector.shape_cast %argmax3A_142 : vector<128xi32> to vector<128x1xi32>
    %swap3A_144 = arith.constant 0 : index
    %swap3A_145 = arith.constant 13 : index
    %swap3A_146 = vector.load %arg3[%swap3A_144, %swap3A_145] : memref<128x20xi32, #tpu.memory_space<vmem>>, vector<128x1xi32>
    tpu.vector_store %arg3[%swap3A_144, %swap3A_145], %broadcast_in_dim3A_143 {strides = array<i32>} : memref<128x20xi32, #tpu.memory_space<vmem>>, vector<128x1xi32>,
    %eq3A_147 = vector.broadcast %broadcast_in_dim3A_143 : vector<128x1xi32> to vector<128x8192xi32>
    %eq3A_148 = arith.cmpi eq, %iota3A, %eq3A_147 : vector<128x8192xi32>
    %jit3A_149 = arith.constant -3.000000e+38 : f32
    %broadcast_in_dim3A_150 = vector.broadcast %jit3A_149 : f32 to vector<128x8192xf32>
    %select_n3A_151 = arith.select %eq3A_148, %broadcast_in_dim3A_150, %select_n3A_141 : vector<128x8192xi1>, vector<128x8192xf32>
    %argmax3A_152 = tpu.reduce_index %select_n3A_151 {axis = 1 : i32, kind = #tpu.reduction_kind<arg_max>} : vector<128x8192xf32> -> vector<128xi32>
    %broadcast_in_dim3A_153 = vector.shape_cast %argmax3A_152 : vector<128xi32> to vector<128x1xi32>
    %swap3A_154 = arith.constant 0 : index
    %swap3A_155 = arith.constant 14 : index
    %swap3A_156 = vector.load %arg3[%swap3A_154, %swap3A_155] : memref<128x20xi32, #tpu.memory_space<vmem>>, vector<128x1xi32>
    tpu.vector_store %arg3[%swap3A_154, %swap3A_155], %broadcast_in_dim3A_153 {strides = array<i32>} : memref<128x20xi32, #tpu.memory_space<vmem>>, vector<128x1xi32>,
    %eq3A_157 = vector.broadcast %broadcast_in_dim3A_153 : vector<128x1xi32> to vector<128x8192xi32>
    %eq3A_158 = arith.cmpi eq, %iota3A, %eq3A_157 : vector<128x8192xi32>
    %jit3A_159 = arith.constant -3.000000e+38 : f32
    %broadcast_in_dim3A_160 = vector.broadcast %jit3A_159 : f32 to vector<128x8192xf32>
    %select_n3A_161 = arith.select %eq3A_158, %broadcast_in_dim3A_160, %select_n3A_151 : vector<128x8192xi1>, vector<128x8192xf32>
    %argmax3A_162 = tpu.reduce_index %select_n3A_161 {axis = 1 : i32, kind = #tpu.reduction_kind<arg_max>} : vector<128x8192xf32> -> vector<128xi32>
    %broadcast_in_dim3A_163 = vector.shape_cast %argmax3A_162 : vector<128xi32> to vector<128x1xi32>
    %swap3A_164 = arith.constant 0 : index
    %swap3A_165 = arith.constant 15 : index
    %swap3A_166 = vector.load %arg3[%swap3A_164, %swap3A_165] : memref<128x20xi32, #tpu.memory_space<vmem>>, vector<128x1xi32>
    tpu.vector_store %arg3[%swap3A_164, %swap3A_165], %broadcast_in_dim3A_163 {strides = array<i32>} : memref<128x20xi32, #tpu.memory_space<vmem>>, vector<128x1xi32>,
    %eq3A_167 = vector.broadcast %broadcast_in_dim3A_163 : vector<128x1xi32> to vector<128x8192xi32>
    %eq3A_168 = arith.cmpi eq, %iota3A, %eq3A_167 : vector<128x8192xi32>
    %jit3A_169 = arith.constant -3.000000e+38 : f32
    %broadcast_in_dim3A_170 = vector.broadcast %jit3A_169 : f32 to vector<128x8192xf32>
    %select_n3A_171 = arith.select %eq3A_168, %broadcast_in_dim3A_170, %select_n3A_161 : vector<128x8192xi1>, vector<128x8192xf32>
    %argmax3A_172 = tpu.reduce_index %select_n3A_171 {axis = 1 : i32, kind = #tpu.reduction_kind<arg_max>} : vector<128x8192xf32> -> vector<128xi32>
    %broadcast_in_dim3A_173 = vector.shape_cast %argmax3A_172 : vector<128xi32> to vector<128x1xi32>
    %swap3A_174 = arith.constant 0 : index
    %swap3A_175 = arith.constant 16 : index
    %swap3A_176 = vector.load %arg3[%swap3A_174, %swap3A_175] : memref<128x20xi32, #tpu.memory_space<vmem>>, vector<128x1xi32>
    tpu.vector_store %arg3[%swap3A_174, %swap3A_175], %broadcast_in_dim3A_173 {strides = array<i32>} : memref<128x20xi32, #tpu.memory_space<vmem>>, vector<128x1xi32>,
    %eq3A_177 = vector.broadcast %broadcast_in_dim3A_173 : vector<128x1xi32> to vector<128x8192xi32>
    %eq3A_178 = arith.cmpi eq, %iota3A, %eq3A_177 : vector<128x8192xi32>
    %jit3A_179 = arith.constant -3.000000e+38 : f32
    %broadcast_in_dim3A_180 = vector.broadcast %jit3A_179 : f32 to vector<128x8192xf32>
    %select_n3A_181 = arith.select %eq3A_178, %broadcast_in_dim3A_180, %select_n3A_171 : vector<128x8192xi1>, vector<128x8192xf32>
    %argmax3A_182 = tpu.reduce_index %select_n3A_181 {axis = 1 : i32, kind = #tpu.reduction_kind<arg_max>} : vector<128x8192xf32> -> vector<128xi32>
    %broadcast_in_dim3A_183 = vector.shape_cast %argmax3A_182 : vector<128xi32> to vector<128x1xi32>
    %swap3A_184 = arith.constant 0 : index
    %swap3A_185 = arith.constant 17 : index
    %swap3A_186 = vector.load %arg3[%swap3A_184, %swap3A_185] : memref<128x20xi32, #tpu.memory_space<vmem>>, vector<128x1xi32>
    tpu.vector_store %arg3[%swap3A_184, %swap3A_185], %broadcast_in_dim3A_183 {strides = array<i32>} : memref<128x20xi32, #tpu.memory_space<vmem>>, vector<128x1xi32>,
    %eq3A_187 = vector.broadcast %broadcast_in_dim3A_183 : vector<128x1xi32> to vector<128x8192xi32>
    %eq3A_188 = arith.cmpi eq, %iota3A, %eq3A_187 : vector<128x8192xi32>
    %jit3A_189 = arith.constant -3.000000e+38 : f32
    %broadcast_in_dim3A_190 = vector.broadcast %jit3A_189 : f32 to vector<128x8192xf32>
    %select_n3A_191 = arith.select %eq3A_188, %broadcast_in_dim3A_190, %select_n3A_181 : vector<128x8192xi1>, vector<128x8192xf32>
    %argmax3A_192 = tpu.reduce_index %select_n3A_191 {axis = 1 : i32, kind = #tpu.reduction_kind<arg_max>} : vector<128x8192xf32> -> vector<128xi32>
    %broadcast_in_dim3A_193 = vector.shape_cast %argmax3A_192 : vector<128xi32> to vector<128x1xi32>
    %swap3A_194 = arith.constant 0 : index
    %swap3A_195 = arith.constant 18 : index
    %swap3A_196 = vector.load %arg3[%swap3A_194, %swap3A_195] : memref<128x20xi32, #tpu.memory_space<vmem>>, vector<128x1xi32>
    tpu.vector_store %arg3[%swap3A_194, %swap3A_195], %broadcast_in_dim3A_193 {strides = array<i32>} : memref<128x20xi32, #tpu.memory_space<vmem>>, vector<128x1xi32>,
    %eq3A_197 = vector.broadcast %broadcast_in_dim3A_193 : vector<128x1xi32> to vector<128x8192xi32>
    %eq3A_198 = arith.cmpi eq, %iota3A, %eq3A_197 : vector<128x8192xi32>
    %jit3A_199 = arith.constant -3.000000e+38 : f32
    %broadcast_in_dim3A_200 = vector.broadcast %jit3A_199 : f32 to vector<128x8192xf32>
    %select_n3A_201 = arith.select %eq3A_198, %broadcast_in_dim3A_200, %select_n3A_191 : vector<128x8192xi1>, vector<128x8192xf32>
    %argmax3A_202 = tpu.reduce_index %select_n3A_201 {axis = 1 : i32, kind = #tpu.reduction_kind<arg_max>} : vector<128x8192xf32> -> vector<128xi32>
    %broadcast_in_dim3A_203 = vector.shape_cast %argmax3A_202 : vector<128xi32> to vector<128x1xi32>
    %swap3A_204 = arith.constant 0 : index
    %swap3A_205 = arith.constant 19 : index
    %swap3A_206 = vector.load %arg3[%swap3A_204, %swap3A_205] : memref<128x20xi32, #tpu.memory_space<vmem>>, vector<128x1xi32>
    tpu.vector_store %arg3[%swap3A_204, %swap3A_205], %broadcast_in_dim3A_203 {strides = array<i32>} : memref<128x20xi32, #tpu.memory_space<vmem>>, vector<128x1xi32>,
    return
  }
  func.func @transform_0(%arg0: i32) -> (i32, i32) {
    %c0_i32 = arith.constant 0 : i32
    %c0_i32_0 = arith.constant 0 : i32
    return %arg0, %c0_i32 : i32, i32
  }
  func.func @transform_1(%arg0: i32) -> (i32, i32) {
    %c0_i32 = arith.constant 0 : i32
    %c0_i32_0 = arith.constant 0 : i32
    %c0_i32_1 = arith.constant 0 : i32
    return %c0_i32, %c0_i32_0 : i32, i32
  }
  func.func @transform_2(%arg0: i32) -> (i32, i32) {
    %c0_i32 = arith.constant 0 : i32
    %c0_i32_0 = arith.constant 0 : i32
    return %arg0, %c0_i32 : i32, i32
  }
}

module attributes {stable_mosaic.version = 14 : i64} {
  func.func @_conv3_body(%arg0: i32, %arg1: memref<512x20x128xf32, #tpu.memory_space<vmem>>, %arg2: memref<512x3xf32, #tpu.memory_space<vmem>>, %arg3: memref<64x6xf32, #tpu.memory_space<vmem>>, %arg4: memref<512x20x64xf32, #tpu.memory_space<vmem>>, %arg5: memref<512x64xf32, #tpu.memory_space<vmem>>, %arg6: memref<512x64xf32, #tpu.memory_space<vmem>>) attributes {dimension_semantics = [#tpu.dimension_semantics<arbitrary>], iteration_bounds = array<i64: 16>, scalar_prefetch = 0 : i64, scratch_operands = 0 : i64, tpu.core_type = #tpu.core_type<tc>, window_params = [{transform_indices = @transform_0, window_bounds = array<i64: 512, 20, 128>}, {transform_indices = @transform_1, window_bounds = array<i64: 512, 3>}, {pipeline_mode = #tpu.pipeline_mode<synchronous>, transform_indices = @transform_2, window_bounds = array<i64: 64, 6>}, {transform_indices = @transform_3, window_bounds = array<i64: 512, 20, 64>}, {transform_indices = @transform_4, window_bounds = array<i64: 512, 64>}, {transform_indices = @transform_5, window_bounds = array<i64: 512, 64>}]} {
    %get3A = arith.constant 0 : index
    %get3A_0 = arith.constant 0 : index
    %get3A_1 = vector.load %arg2[%get3A, %get3A_0] : memref<512x3xf32, #tpu.memory_space<vmem>>, vector<512x3xf32>
    %get3A_2 = arith.constant 0 : index
    %get3A_3 = arith.constant 0 : index
    %get3A_4 = vector.load %arg3[%get3A_2, %get3A_3] : memref<64x6xf32, #tpu.memory_space<vmem>>, vector<64x6xf32>
    %get3A_5 = arith.constant 0 : index
    %get3A_6 = arith.constant 0 : index
    %get3A_7 = arith.constant 0 : index
    %get3A_8 = vector.load %arg1[%get3A_5, %get3A_6, %get3A_7] : memref<512x20x128xf32, #tpu.memory_space<vmem>>, vector<512x1x3xf32>
    %get3A_9 = vector.shape_cast %get3A_8 : vector<512x1x3xf32> to vector<512x3xf32>
    %sub3A = arith.subf %get3A_9, %get3A_1 : vector<512x3xf32>
    %concatenate3A = tpu.concatenate %sub3A, %get3A_1 in 1 : vector<512x3xf32>, vector<512x3xf32> -> vector<512x6xf32>
    %dot_general3A = arith.constant dense<0.000000e+00> : vector<512x64xf32>
    %dot_general3A_10 = tpu.matmul %concatenate3A, %get3A_4, %dot_general3A {dimension_numbers = #tpu.dot_dimension_numbers<[1], [1], [0], [0], [0, 0, 1, 0], [], []>, transpose_lhs_hint = false} : vector<512x6xf32>, vector<64x6xf32>, vector<512x64xf32> -> vector<512x64xf32>
    %swap3A = arith.constant 0 : index
    %swap3A_11 = arith.constant 0 : index
    %swap3A_12 = arith.constant 0 : index
    %swap3A_13 = vector.load %arg4[%swap3A, %swap3A_11, %swap3A_12] : memref<512x20x64xf32, #tpu.memory_space<vmem>>, vector<512x1x64xf32>
    %swap3A_14 = vector.shape_cast %swap3A_13 : vector<512x1x64xf32> to vector<512x64xf32>
    %swap3A_15 = vector.shape_cast %dot_general3A_10 : vector<512x64xf32> to vector<512x1x64xf32>
    tpu.vector_store %arg4[%swap3A, %swap3A_11, %swap3A_12], %swap3A_15 {strides = array<i32>} : memref<512x20x64xf32, #tpu.memory_space<vmem>>, vector<512x1x64xf32>,
    %get3A_16 = arith.constant 0 : index
    %get3A_17 = arith.constant 1 : index
    %get3A_18 = arith.constant 0 : index
    %get3A_19 = vector.load %arg1[%get3A_16, %get3A_17, %get3A_18] : memref<512x20x128xf32, #tpu.memory_space<vmem>>, vector<512x1x3xf32>
    %get3A_20 = vector.shape_cast %get3A_19 : vector<512x1x3xf32> to vector<512x3xf32>
    %sub3A_21 = arith.subf %get3A_20, %get3A_1 : vector<512x3xf32>
    %concatenate3A_22 = tpu.concatenate %sub3A_21, %get3A_1 in 1 : vector<512x3xf32>, vector<512x3xf32> -> vector<512x6xf32>
    %dot_general3A_23 = arith.constant dense<0.000000e+00> : vector<512x64xf32>
    %dot_general3A_24 = tpu.matmul %concatenate3A_22, %get3A_4, %dot_general3A_23 {dimension_numbers = #tpu.dot_dimension_numbers<[1], [1], [0], [0], [0, 0, 1, 0], [], []>, transpose_lhs_hint = false} : vector<512x6xf32>, vector<64x6xf32>, vector<512x64xf32> -> vector<512x64xf32>
    %swap3A_25 = arith.constant 0 : index
    %swap3A_26 = arith.constant 1 : index
    %swap3A_27 = arith.constant 0 : index
    %swap3A_28 = vector.load %arg4[%swap3A_25, %swap3A_26, %swap3A_27] : memref<512x20x64xf32, #tpu.memory_space<vmem>>, vector<512x1x64xf32>
    %swap3A_29 = vector.shape_cast %swap3A_28 : vector<512x1x64xf32> to vector<512x64xf32>
    %swap3A_30 = vector.shape_cast %dot_general3A_24 : vector<512x64xf32> to vector<512x1x64xf32>
    tpu.vector_store %arg4[%swap3A_25, %swap3A_26, %swap3A_27], %swap3A_30 {strides = array<i32>} : memref<512x20x64xf32, #tpu.memory_space<vmem>>, vector<512x1x64xf32>,
    %max3A = arith.maximumf %dot_general3A_10, %dot_general3A_24 : vector<512x64xf32>
    %min3A = arith.minimumf %dot_general3A_10, %dot_general3A_24 : vector<512x64xf32>
    %get3A_31 = arith.constant 0 : index
    %get3A_32 = arith.constant 2 : index
    %get3A_33 = arith.constant 0 : index
    %get3A_34 = vector.load %arg1[%get3A_31, %get3A_32, %get3A_33] : memref<512x20x128xf32, #tpu.memory_space<vmem>>, vector<512x1x3xf32>
    %get3A_35 = vector.shape_cast %get3A_34 : vector<512x1x3xf32> to vector<512x3xf32>
    %sub3A_36 = arith.subf %get3A_35, %get3A_1 : vector<512x3xf32>
    %concatenate3A_37 = tpu.concatenate %sub3A_36, %get3A_1 in 1 : vector<512x3xf32>, vector<512x3xf32> -> vector<512x6xf32>
    %dot_general3A_38 = arith.constant dense<0.000000e+00> : vector<512x64xf32>
    %dot_general3A_39 = tpu.matmul %concatenate3A_37, %get3A_4, %dot_general3A_38 {dimension_numbers = #tpu.dot_dimension_numbers<[1], [1], [0], [0], [0, 0, 1, 0], [], []>, transpose_lhs_hint = false} : vector<512x6xf32>, vector<64x6xf32>, vector<512x64xf32> -> vector<512x64xf32>
    %swap3A_40 = arith.constant 0 : index
    %swap3A_41 = arith.constant 2 : index
    %swap3A_42 = arith.constant 0 : index
    %swap3A_43 = vector.load %arg4[%swap3A_40, %swap3A_41, %swap3A_42] : memref<512x20x64xf32, #tpu.memory_space<vmem>>, vector<512x1x64xf32>
    %swap3A_44 = vector.shape_cast %swap3A_43 : vector<512x1x64xf32> to vector<512x64xf32>
    %swap3A_45 = vector.shape_cast %dot_general3A_39 : vector<512x64xf32> to vector<512x1x64xf32>
    tpu.vector_store %arg4[%swap3A_40, %swap3A_41, %swap3A_42], %swap3A_45 {strides = array<i32>} : memref<512x20x64xf32, #tpu.memory_space<vmem>>, vector<512x1x64xf32>,
    %max3A_46 = arith.maximumf %max3A, %dot_general3A_39 : vector<512x64xf32>
    %min3A_47 = arith.minimumf %min3A, %dot_general3A_39 : vector<512x64xf32>
    %get3A_48 = arith.constant 0 : index
    %get3A_49 = arith.constant 3 : index
    %get3A_50 = arith.constant 0 : index
    %get3A_51 = vector.load %arg1[%get3A_48, %get3A_49, %get3A_50] : memref<512x20x128xf32, #tpu.memory_space<vmem>>, vector<512x1x3xf32>
    %get3A_52 = vector.shape_cast %get3A_51 : vector<512x1x3xf32> to vector<512x3xf32>
    %sub3A_53 = arith.subf %get3A_52, %get3A_1 : vector<512x3xf32>
    %concatenate3A_54 = tpu.concatenate %sub3A_53, %get3A_1 in 1 : vector<512x3xf32>, vector<512x3xf32> -> vector<512x6xf32>
    %dot_general3A_55 = arith.constant dense<0.000000e+00> : vector<512x64xf32>
    %dot_general3A_56 = tpu.matmul %concatenate3A_54, %get3A_4, %dot_general3A_55 {dimension_numbers = #tpu.dot_dimension_numbers<[1], [1], [0], [0], [0, 0, 1, 0], [], []>, transpose_lhs_hint = false} : vector<512x6xf32>, vector<64x6xf32>, vector<512x64xf32> -> vector<512x64xf32>
    %swap3A_57 = arith.constant 0 : index
    %swap3A_58 = arith.constant 3 : index
    %swap3A_59 = arith.constant 0 : index
    %swap3A_60 = vector.load %arg4[%swap3A_57, %swap3A_58, %swap3A_59] : memref<512x20x64xf32, #tpu.memory_space<vmem>>, vector<512x1x64xf32>
    %swap3A_61 = vector.shape_cast %swap3A_60 : vector<512x1x64xf32> to vector<512x64xf32>
    %swap3A_62 = vector.shape_cast %dot_general3A_56 : vector<512x64xf32> to vector<512x1x64xf32>
    tpu.vector_store %arg4[%swap3A_57, %swap3A_58, %swap3A_59], %swap3A_62 {strides = array<i32>} : memref<512x20x64xf32, #tpu.memory_space<vmem>>, vector<512x1x64xf32>,
    %max3A_63 = arith.maximumf %max3A_46, %dot_general3A_56 : vector<512x64xf32>
    %min3A_64 = arith.minimumf %min3A_47, %dot_general3A_56 : vector<512x64xf32>
    %get3A_65 = arith.constant 0 : index
    %get3A_66 = arith.constant 4 : index
    %get3A_67 = arith.constant 0 : index
    %get3A_68 = vector.load %arg1[%get3A_65, %get3A_66, %get3A_67] : memref<512x20x128xf32, #tpu.memory_space<vmem>>, vector<512x1x3xf32>
    %get3A_69 = vector.shape_cast %get3A_68 : vector<512x1x3xf32> to vector<512x3xf32>
    %sub3A_70 = arith.subf %get3A_69, %get3A_1 : vector<512x3xf32>
    %concatenate3A_71 = tpu.concatenate %sub3A_70, %get3A_1 in 1 : vector<512x3xf32>, vector<512x3xf32> -> vector<512x6xf32>
    %dot_general3A_72 = arith.constant dense<0.000000e+00> : vector<512x64xf32>
    %dot_general3A_73 = tpu.matmul %concatenate3A_71, %get3A_4, %dot_general3A_72 {dimension_numbers = #tpu.dot_dimension_numbers<[1], [1], [0], [0], [0, 0, 1, 0], [], []>, transpose_lhs_hint = false} : vector<512x6xf32>, vector<64x6xf32>, vector<512x64xf32> -> vector<512x64xf32>
    %swap3A_74 = arith.constant 0 : index
    %swap3A_75 = arith.constant 4 : index
    %swap3A_76 = arith.constant 0 : index
    %swap3A_77 = vector.load %arg4[%swap3A_74, %swap3A_75, %swap3A_76] : memref<512x20x64xf32, #tpu.memory_space<vmem>>, vector<512x1x64xf32>
    %swap3A_78 = vector.shape_cast %swap3A_77 : vector<512x1x64xf32> to vector<512x64xf32>
    %swap3A_79 = vector.shape_cast %dot_general3A_73 : vector<512x64xf32> to vector<512x1x64xf32>
    tpu.vector_store %arg4[%swap3A_74, %swap3A_75, %swap3A_76], %swap3A_79 {strides = array<i32>} : memref<512x20x64xf32, #tpu.memory_space<vmem>>, vector<512x1x64xf32>,
    %max3A_80 = arith.maximumf %max3A_63, %dot_general3A_73 : vector<512x64xf32>
    %min3A_81 = arith.minimumf %min3A_64, %dot_general3A_73 : vector<512x64xf32>
    %get3A_82 = arith.constant 0 : index
    %get3A_83 = arith.constant 5 : index
    %get3A_84 = arith.constant 0 : index
    %get3A_85 = vector.load %arg1[%get3A_82, %get3A_83, %get3A_84] : memref<512x20x128xf32, #tpu.memory_space<vmem>>, vector<512x1x3xf32>
    %get3A_86 = vector.shape_cast %get3A_85 : vector<512x1x3xf32> to vector<512x3xf32>
    %sub3A_87 = arith.subf %get3A_86, %get3A_1 : vector<512x3xf32>
    %concatenate3A_88 = tpu.concatenate %sub3A_87, %get3A_1 in 1 : vector<512x3xf32>, vector<512x3xf32> -> vector<512x6xf32>
    %dot_general3A_89 = arith.constant dense<0.000000e+00> : vector<512x64xf32>
    %dot_general3A_90 = tpu.matmul %concatenate3A_88, %get3A_4, %dot_general3A_89 {dimension_numbers = #tpu.dot_dimension_numbers<[1], [1], [0], [0], [0, 0, 1, 0], [], []>, transpose_lhs_hint = false} : vector<512x6xf32>, vector<64x6xf32>, vector<512x64xf32> -> vector<512x64xf32>
    %swap3A_91 = arith.constant 0 : index
    %swap3A_92 = arith.constant 5 : index
    %swap3A_93 = arith.constant 0 : index
    %swap3A_94 = vector.load %arg4[%swap3A_91, %swap3A_92, %swap3A_93] : memref<512x20x64xf32, #tpu.memory_space<vmem>>, vector<512x1x64xf32>
    %swap3A_95 = vector.shape_cast %swap3A_94 : vector<512x1x64xf32> to vector<512x64xf32>
    %swap3A_96 = vector.shape_cast %dot_general3A_90 : vector<512x64xf32> to vector<512x1x64xf32>
    tpu.vector_store %arg4[%swap3A_91, %swap3A_92, %swap3A_93], %swap3A_96 {strides = array<i32>} : memref<512x20x64xf32, #tpu.memory_space<vmem>>, vector<512x1x64xf32>,
    %max3A_97 = arith.maximumf %max3A_80, %dot_general3A_90 : vector<512x64xf32>
    %min3A_98 = arith.minimumf %min3A_81, %dot_general3A_90 : vector<512x64xf32>
    %get3A_99 = arith.constant 0 : index
    %get3A_100 = arith.constant 6 : index
    %get3A_101 = arith.constant 0 : index
    %get3A_102 = vector.load %arg1[%get3A_99, %get3A_100, %get3A_101] : memref<512x20x128xf32, #tpu.memory_space<vmem>>, vector<512x1x3xf32>
    %get3A_103 = vector.shape_cast %get3A_102 : vector<512x1x3xf32> to vector<512x3xf32>
    %sub3A_104 = arith.subf %get3A_103, %get3A_1 : vector<512x3xf32>
    %concatenate3A_105 = tpu.concatenate %sub3A_104, %get3A_1 in 1 : vector<512x3xf32>, vector<512x3xf32> -> vector<512x6xf32>
    %dot_general3A_106 = arith.constant dense<0.000000e+00> : vector<512x64xf32>
    %dot_general3A_107 = tpu.matmul %concatenate3A_105, %get3A_4, %dot_general3A_106 {dimension_numbers = #tpu.dot_dimension_numbers<[1], [1], [0], [0], [0, 0, 1, 0], [], []>, transpose_lhs_hint = false} : vector<512x6xf32>, vector<64x6xf32>, vector<512x64xf32> -> vector<512x64xf32>
    %swap3A_108 = arith.constant 0 : index
    %swap3A_109 = arith.constant 6 : index
    %swap3A_110 = arith.constant 0 : index
    %swap3A_111 = vector.load %arg4[%swap3A_108, %swap3A_109, %swap3A_110] : memref<512x20x64xf32, #tpu.memory_space<vmem>>, vector<512x1x64xf32>
    %swap3A_112 = vector.shape_cast %swap3A_111 : vector<512x1x64xf32> to vector<512x64xf32>
    %swap3A_113 = vector.shape_cast %dot_general3A_107 : vector<512x64xf32> to vector<512x1x64xf32>
    tpu.vector_store %arg4[%swap3A_108, %swap3A_109, %swap3A_110], %swap3A_113 {strides = array<i32>} : memref<512x20x64xf32, #tpu.memory_space<vmem>>, vector<512x1x64xf32>,
    %max3A_114 = arith.maximumf %max3A_97, %dot_general3A_107 : vector<512x64xf32>
    %min3A_115 = arith.minimumf %min3A_98, %dot_general3A_107 : vector<512x64xf32>
    %get3A_116 = arith.constant 0 : index
    %get3A_117 = arith.constant 7 : index
    %get3A_118 = arith.constant 0 : index
    %get3A_119 = vector.load %arg1[%get3A_116, %get3A_117, %get3A_118] : memref<512x20x128xf32, #tpu.memory_space<vmem>>, vector<512x1x3xf32>
    %get3A_120 = vector.shape_cast %get3A_119 : vector<512x1x3xf32> to vector<512x3xf32>
    %sub3A_121 = arith.subf %get3A_120, %get3A_1 : vector<512x3xf32>
    %concatenate3A_122 = tpu.concatenate %sub3A_121, %get3A_1 in 1 : vector<512x3xf32>, vector<512x3xf32> -> vector<512x6xf32>
    %dot_general3A_123 = arith.constant dense<0.000000e+00> : vector<512x64xf32>
    %dot_general3A_124 = tpu.matmul %concatenate3A_122, %get3A_4, %dot_general3A_123 {dimension_numbers = #tpu.dot_dimension_numbers<[1], [1], [0], [0], [0, 0, 1, 0], [], []>, transpose_lhs_hint = false} : vector<512x6xf32>, vector<64x6xf32>, vector<512x64xf32> -> vector<512x64xf32>
    %swap3A_125 = arith.constant 0 : index
    %swap3A_126 = arith.constant 7 : index
    %swap3A_127 = arith.constant 0 : index
    %swap3A_128 = vector.load %arg4[%swap3A_125, %swap3A_126, %swap3A_127] : memref<512x20x64xf32, #tpu.memory_space<vmem>>, vector<512x1x64xf32>
    %swap3A_129 = vector.shape_cast %swap3A_128 : vector<512x1x64xf32> to vector<512x64xf32>
    %swap3A_130 = vector.shape_cast %dot_general3A_124 : vector<512x64xf32> to vector<512x1x64xf32>
    tpu.vector_store %arg4[%swap3A_125, %swap3A_126, %swap3A_127], %swap3A_130 {strides = array<i32>} : memref<512x20x64xf32, #tpu.memory_space<vmem>>, vector<512x1x64xf32>,
    %max3A_131 = arith.maximumf %max3A_114, %dot_general3A_124 : vector<512x64xf32>
    %min3A_132 = arith.minimumf %min3A_115, %dot_general3A_124 : vector<512x64xf32>
    %get3A_133 = arith.constant 0 : index
    %get3A_134 = arith.constant 8 : index
    %get3A_135 = arith.constant 0 : index
    %get3A_136 = vector.load %arg1[%get3A_133, %get3A_134, %get3A_135] : memref<512x20x128xf32, #tpu.memory_space<vmem>>, vector<512x1x3xf32>
    %get3A_137 = vector.shape_cast %get3A_136 : vector<512x1x3xf32> to vector<512x3xf32>
    %sub3A_138 = arith.subf %get3A_137, %get3A_1 : vector<512x3xf32>
    %concatenate3A_139 = tpu.concatenate %sub3A_138, %get3A_1 in 1 : vector<512x3xf32>, vector<512x3xf32> -> vector<512x6xf32>
    %dot_general3A_140 = arith.constant dense<0.000000e+00> : vector<512x64xf32>
    %dot_general3A_141 = tpu.matmul %concatenate3A_139, %get3A_4, %dot_general3A_140 {dimension_numbers = #tpu.dot_dimension_numbers<[1], [1], [0], [0], [0, 0, 1, 0], [], []>, transpose_lhs_hint = false} : vector<512x6xf32>, vector<64x6xf32>, vector<512x64xf32> -> vector<512x64xf32>
    %swap3A_142 = arith.constant 0 : index
    %swap3A_143 = arith.constant 8 : index
    %swap3A_144 = arith.constant 0 : index
    %swap3A_145 = vector.load %arg4[%swap3A_142, %swap3A_143, %swap3A_144] : memref<512x20x64xf32, #tpu.memory_space<vmem>>, vector<512x1x64xf32>
    %swap3A_146 = vector.shape_cast %swap3A_145 : vector<512x1x64xf32> to vector<512x64xf32>
    %swap3A_147 = vector.shape_cast %dot_general3A_141 : vector<512x64xf32> to vector<512x1x64xf32>
    tpu.vector_store %arg4[%swap3A_142, %swap3A_143, %swap3A_144], %swap3A_147 {strides = array<i32>} : memref<512x20x64xf32, #tpu.memory_space<vmem>>, vector<512x1x64xf32>,
    %max3A_148 = arith.maximumf %max3A_131, %dot_general3A_141 : vector<512x64xf32>
    %min3A_149 = arith.minimumf %min3A_132, %dot_general3A_141 : vector<512x64xf32>
    %get3A_150 = arith.constant 0 : index
    %get3A_151 = arith.constant 9 : index
    %get3A_152 = arith.constant 0 : index
    %get3A_153 = vector.load %arg1[%get3A_150, %get3A_151, %get3A_152] : memref<512x20x128xf32, #tpu.memory_space<vmem>>, vector<512x1x3xf32>
    %get3A_154 = vector.shape_cast %get3A_153 : vector<512x1x3xf32> to vector<512x3xf32>
    %sub3A_155 = arith.subf %get3A_154, %get3A_1 : vector<512x3xf32>
    %concatenate3A_156 = tpu.concatenate %sub3A_155, %get3A_1 in 1 : vector<512x3xf32>, vector<512x3xf32> -> vector<512x6xf32>
    %dot_general3A_157 = arith.constant dense<0.000000e+00> : vector<512x64xf32>
    %dot_general3A_158 = tpu.matmul %concatenate3A_156, %get3A_4, %dot_general3A_157 {dimension_numbers = #tpu.dot_dimension_numbers<[1], [1], [0], [0], [0, 0, 1, 0], [], []>, transpose_lhs_hint = false} : vector<512x6xf32>, vector<64x6xf32>, vector<512x64xf32> -> vector<512x64xf32>
    %swap3A_159 = arith.constant 0 : index
    %swap3A_160 = arith.constant 9 : index
    %swap3A_161 = arith.constant 0 : index
    %swap3A_162 = vector.load %arg4[%swap3A_159, %swap3A_160, %swap3A_161] : memref<512x20x64xf32, #tpu.memory_space<vmem>>, vector<512x1x64xf32>
    %swap3A_163 = vector.shape_cast %swap3A_162 : vector<512x1x64xf32> to vector<512x64xf32>
    %swap3A_164 = vector.shape_cast %dot_general3A_158 : vector<512x64xf32> to vector<512x1x64xf32>
    tpu.vector_store %arg4[%swap3A_159, %swap3A_160, %swap3A_161], %swap3A_164 {strides = array<i32>} : memref<512x20x64xf32, #tpu.memory_space<vmem>>, vector<512x1x64xf32>,
    %max3A_165 = arith.maximumf %max3A_148, %dot_general3A_158 : vector<512x64xf32>
    %min3A_166 = arith.minimumf %min3A_149, %dot_general3A_158 : vector<512x64xf32>
    %get3A_167 = arith.constant 0 : index
    %get3A_168 = arith.constant 10 : index
    %get3A_169 = arith.constant 0 : index
    %get3A_170 = vector.load %arg1[%get3A_167, %get3A_168, %get3A_169] : memref<512x20x128xf32, #tpu.memory_space<vmem>>, vector<512x1x3xf32>
    %get3A_171 = vector.shape_cast %get3A_170 : vector<512x1x3xf32> to vector<512x3xf32>
    %sub3A_172 = arith.subf %get3A_171, %get3A_1 : vector<512x3xf32>
    %concatenate3A_173 = tpu.concatenate %sub3A_172, %get3A_1 in 1 : vector<512x3xf32>, vector<512x3xf32> -> vector<512x6xf32>
    %dot_general3A_174 = arith.constant dense<0.000000e+00> : vector<512x64xf32>
    %dot_general3A_175 = tpu.matmul %concatenate3A_173, %get3A_4, %dot_general3A_174 {dimension_numbers = #tpu.dot_dimension_numbers<[1], [1], [0], [0], [0, 0, 1, 0], [], []>, transpose_lhs_hint = false} : vector<512x6xf32>, vector<64x6xf32>, vector<512x64xf32> -> vector<512x64xf32>
    %swap3A_176 = arith.constant 0 : index
    %swap3A_177 = arith.constant 10 : index
    %swap3A_178 = arith.constant 0 : index
    %swap3A_179 = vector.load %arg4[%swap3A_176, %swap3A_177, %swap3A_178] : memref<512x20x64xf32, #tpu.memory_space<vmem>>, vector<512x1x64xf32>
    %swap3A_180 = vector.shape_cast %swap3A_179 : vector<512x1x64xf32> to vector<512x64xf32>
    %swap3A_181 = vector.shape_cast %dot_general3A_175 : vector<512x64xf32> to vector<512x1x64xf32>
    tpu.vector_store %arg4[%swap3A_176, %swap3A_177, %swap3A_178], %swap3A_181 {strides = array<i32>} : memref<512x20x64xf32, #tpu.memory_space<vmem>>, vector<512x1x64xf32>,
    %max3A_182 = arith.maximumf %max3A_165, %dot_general3A_175 : vector<512x64xf32>
    %min3A_183 = arith.minimumf %min3A_166, %dot_general3A_175 : vector<512x64xf32>
    %get3A_184 = arith.constant 0 : index
    %get3A_185 = arith.constant 11 : index
    %get3A_186 = arith.constant 0 : index
    %get3A_187 = vector.load %arg1[%get3A_184, %get3A_185, %get3A_186] : memref<512x20x128xf32, #tpu.memory_space<vmem>>, vector<512x1x3xf32>
    %get3A_188 = vector.shape_cast %get3A_187 : vector<512x1x3xf32> to vector<512x3xf32>
    %sub3A_189 = arith.subf %get3A_188, %get3A_1 : vector<512x3xf32>
    %concatenate3A_190 = tpu.concatenate %sub3A_189, %get3A_1 in 1 : vector<512x3xf32>, vector<512x3xf32> -> vector<512x6xf32>
    %dot_general3A_191 = arith.constant dense<0.000000e+00> : vector<512x64xf32>
    %dot_general3A_192 = tpu.matmul %concatenate3A_190, %get3A_4, %dot_general3A_191 {dimension_numbers = #tpu.dot_dimension_numbers<[1], [1], [0], [0], [0, 0, 1, 0], [], []>, transpose_lhs_hint = false} : vector<512x6xf32>, vector<64x6xf32>, vector<512x64xf32> -> vector<512x64xf32>
    %swap3A_193 = arith.constant 0 : index
    %swap3A_194 = arith.constant 11 : index
    %swap3A_195 = arith.constant 0 : index
    %swap3A_196 = vector.load %arg4[%swap3A_193, %swap3A_194, %swap3A_195] : memref<512x20x64xf32, #tpu.memory_space<vmem>>, vector<512x1x64xf32>
    %swap3A_197 = vector.shape_cast %swap3A_196 : vector<512x1x64xf32> to vector<512x64xf32>
    %swap3A_198 = vector.shape_cast %dot_general3A_192 : vector<512x64xf32> to vector<512x1x64xf32>
    tpu.vector_store %arg4[%swap3A_193, %swap3A_194, %swap3A_195], %swap3A_198 {strides = array<i32>} : memref<512x20x64xf32, #tpu.memory_space<vmem>>, vector<512x1x64xf32>,
    %max3A_199 = arith.maximumf %max3A_182, %dot_general3A_192 : vector<512x64xf32>
    %min3A_200 = arith.minimumf %min3A_183, %dot_general3A_192 : vector<512x64xf32>
    %get3A_201 = arith.constant 0 : index
    %get3A_202 = arith.constant 12 : index
    %get3A_203 = arith.constant 0 : index
    %get3A_204 = vector.load %arg1[%get3A_201, %get3A_202, %get3A_203] : memref<512x20x128xf32, #tpu.memory_space<vmem>>, vector<512x1x3xf32>
    %get3A_205 = vector.shape_cast %get3A_204 : vector<512x1x3xf32> to vector<512x3xf32>
    %sub3A_206 = arith.subf %get3A_205, %get3A_1 : vector<512x3xf32>
    %concatenate3A_207 = tpu.concatenate %sub3A_206, %get3A_1 in 1 : vector<512x3xf32>, vector<512x3xf32> -> vector<512x6xf32>
    %dot_general3A_208 = arith.constant dense<0.000000e+00> : vector<512x64xf32>
    %dot_general3A_209 = tpu.matmul %concatenate3A_207, %get3A_4, %dot_general3A_208 {dimension_numbers = #tpu.dot_dimension_numbers<[1], [1], [0], [0], [0, 0, 1, 0], [], []>, transpose_lhs_hint = false} : vector<512x6xf32>, vector<64x6xf32>, vector<512x64xf32> -> vector<512x64xf32>
    %swap3A_210 = arith.constant 0 : index
    %swap3A_211 = arith.constant 12 : index
    %swap3A_212 = arith.constant 0 : index
    %swap3A_213 = vector.load %arg4[%swap3A_210, %swap3A_211, %swap3A_212] : memref<512x20x64xf32, #tpu.memory_space<vmem>>, vector<512x1x64xf32>
    %swap3A_214 = vector.shape_cast %swap3A_213 : vector<512x1x64xf32> to vector<512x64xf32>
    %swap3A_215 = vector.shape_cast %dot_general3A_209 : vector<512x64xf32> to vector<512x1x64xf32>
    tpu.vector_store %arg4[%swap3A_210, %swap3A_211, %swap3A_212], %swap3A_215 {strides = array<i32>} : memref<512x20x64xf32, #tpu.memory_space<vmem>>, vector<512x1x64xf32>,
    %max3A_216 = arith.maximumf %max3A_199, %dot_general3A_209 : vector<512x64xf32>
    %min3A_217 = arith.minimumf %min3A_200, %dot_general3A_209 : vector<512x64xf32>
    %get3A_218 = arith.constant 0 : index
    %get3A_219 = arith.constant 13 : index
    %get3A_220 = arith.constant 0 : index
    %get3A_221 = vector.load %arg1[%get3A_218, %get3A_219, %get3A_220] : memref<512x20x128xf32, #tpu.memory_space<vmem>>, vector<512x1x3xf32>
    %get3A_222 = vector.shape_cast %get3A_221 : vector<512x1x3xf32> to vector<512x3xf32>
    %sub3A_223 = arith.subf %get3A_222, %get3A_1 : vector<512x3xf32>
    %concatenate3A_224 = tpu.concatenate %sub3A_223, %get3A_1 in 1 : vector<512x3xf32>, vector<512x3xf32> -> vector<512x6xf32>
    %dot_general3A_225 = arith.constant dense<0.000000e+00> : vector<512x64xf32>
    %dot_general3A_226 = tpu.matmul %concatenate3A_224, %get3A_4, %dot_general3A_225 {dimension_numbers = #tpu.dot_dimension_numbers<[1], [1], [0], [0], [0, 0, 1, 0], [], []>, transpose_lhs_hint = false} : vector<512x6xf32>, vector<64x6xf32>, vector<512x64xf32> -> vector<512x64xf32>
    %swap3A_227 = arith.constant 0 : index
    %swap3A_228 = arith.constant 13 : index
    %swap3A_229 = arith.constant 0 : index
    %swap3A_230 = vector.load %arg4[%swap3A_227, %swap3A_228, %swap3A_229] : memref<512x20x64xf32, #tpu.memory_space<vmem>>, vector<512x1x64xf32>
    %swap3A_231 = vector.shape_cast %swap3A_230 : vector<512x1x64xf32> to vector<512x64xf32>
    %swap3A_232 = vector.shape_cast %dot_general3A_226 : vector<512x64xf32> to vector<512x1x64xf32>
    tpu.vector_store %arg4[%swap3A_227, %swap3A_228, %swap3A_229], %swap3A_232 {strides = array<i32>} : memref<512x20x64xf32, #tpu.memory_space<vmem>>, vector<512x1x64xf32>,
    %max3A_233 = arith.maximumf %max3A_216, %dot_general3A_226 : vector<512x64xf32>
    %min3A_234 = arith.minimumf %min3A_217, %dot_general3A_226 : vector<512x64xf32>
    %get3A_235 = arith.constant 0 : index
    %get3A_236 = arith.constant 14 : index
    %get3A_237 = arith.constant 0 : index
    %get3A_238 = vector.load %arg1[%get3A_235, %get3A_236, %get3A_237] : memref<512x20x128xf32, #tpu.memory_space<vmem>>, vector<512x1x3xf32>
    %get3A_239 = vector.shape_cast %get3A_238 : vector<512x1x3xf32> to vector<512x3xf32>
    %sub3A_240 = arith.subf %get3A_239, %get3A_1 : vector<512x3xf32>
    %concatenate3A_241 = tpu.concatenate %sub3A_240, %get3A_1 in 1 : vector<512x3xf32>, vector<512x3xf32> -> vector<512x6xf32>
    %dot_general3A_242 = arith.constant dense<0.000000e+00> : vector<512x64xf32>
    %dot_general3A_243 = tpu.matmul %concatenate3A_241, %get3A_4, %dot_general3A_242 {dimension_numbers = #tpu.dot_dimension_numbers<[1], [1], [0], [0], [0, 0, 1, 0], [], []>, transpose_lhs_hint = false} : vector<512x6xf32>, vector<64x6xf32>, vector<512x64xf32> -> vector<512x64xf32>
    %swap3A_244 = arith.constant 0 : index
    %swap3A_245 = arith.constant 14 : index
    %swap3A_246 = arith.constant 0 : index
    %swap3A_247 = vector.load %arg4[%swap3A_244, %swap3A_245, %swap3A_246] : memref<512x20x64xf32, #tpu.memory_space<vmem>>, vector<512x1x64xf32>
    %swap3A_248 = vector.shape_cast %swap3A_247 : vector<512x1x64xf32> to vector<512x64xf32>
    %swap3A_249 = vector.shape_cast %dot_general3A_243 : vector<512x64xf32> to vector<512x1x64xf32>
    tpu.vector_store %arg4[%swap3A_244, %swap3A_245, %swap3A_246], %swap3A_249 {strides = array<i32>} : memref<512x20x64xf32, #tpu.memory_space<vmem>>, vector<512x1x64xf32>,
    %max3A_250 = arith.maximumf %max3A_233, %dot_general3A_243 : vector<512x64xf32>
    %min3A_251 = arith.minimumf %min3A_234, %dot_general3A_243 : vector<512x64xf32>
    %get3A_252 = arith.constant 0 : index
    %get3A_253 = arith.constant 15 : index
    %get3A_254 = arith.constant 0 : index
    %get3A_255 = vector.load %arg1[%get3A_252, %get3A_253, %get3A_254] : memref<512x20x128xf32, #tpu.memory_space<vmem>>, vector<512x1x3xf32>
    %get3A_256 = vector.shape_cast %get3A_255 : vector<512x1x3xf32> to vector<512x3xf32>
    %sub3A_257 = arith.subf %get3A_256, %get3A_1 : vector<512x3xf32>
    %concatenate3A_258 = tpu.concatenate %sub3A_257, %get3A_1 in 1 : vector<512x3xf32>, vector<512x3xf32> -> vector<512x6xf32>
    %dot_general3A_259 = arith.constant dense<0.000000e+00> : vector<512x64xf32>
    %dot_general3A_260 = tpu.matmul %concatenate3A_258, %get3A_4, %dot_general3A_259 {dimension_numbers = #tpu.dot_dimension_numbers<[1], [1], [0], [0], [0, 0, 1, 0], [], []>, transpose_lhs_hint = false} : vector<512x6xf32>, vector<64x6xf32>, vector<512x64xf32> -> vector<512x64xf32>
    %swap3A_261 = arith.constant 0 : index
    %swap3A_262 = arith.constant 15 : index
    %swap3A_263 = arith.constant 0 : index
    %swap3A_264 = vector.load %arg4[%swap3A_261, %swap3A_262, %swap3A_263] : memref<512x20x64xf32, #tpu.memory_space<vmem>>, vector<512x1x64xf32>
    %swap3A_265 = vector.shape_cast %swap3A_264 : vector<512x1x64xf32> to vector<512x64xf32>
    %swap3A_266 = vector.shape_cast %dot_general3A_260 : vector<512x64xf32> to vector<512x1x64xf32>
    tpu.vector_store %arg4[%swap3A_261, %swap3A_262, %swap3A_263], %swap3A_266 {strides = array<i32>} : memref<512x20x64xf32, #tpu.memory_space<vmem>>, vector<512x1x64xf32>,
    %max3A_267 = arith.maximumf %max3A_250, %dot_general3A_260 : vector<512x64xf32>
    %min3A_268 = arith.minimumf %min3A_251, %dot_general3A_260 : vector<512x64xf32>
    %get3A_269 = arith.constant 0 : index
    %get3A_270 = arith.constant 16 : index
    %get3A_271 = arith.constant 0 : index
    %get3A_272 = vector.load %arg1[%get3A_269, %get3A_270, %get3A_271] : memref<512x20x128xf32, #tpu.memory_space<vmem>>, vector<512x1x3xf32>
    %get3A_273 = vector.shape_cast %get3A_272 : vector<512x1x3xf32> to vector<512x3xf32>
    %sub3A_274 = arith.subf %get3A_273, %get3A_1 : vector<512x3xf32>
    %concatenate3A_275 = tpu.concatenate %sub3A_274, %get3A_1 in 1 : vector<512x3xf32>, vector<512x3xf32> -> vector<512x6xf32>
    %dot_general3A_276 = arith.constant dense<0.000000e+00> : vector<512x64xf32>
    %dot_general3A_277 = tpu.matmul %concatenate3A_275, %get3A_4, %dot_general3A_276 {dimension_numbers = #tpu.dot_dimension_numbers<[1], [1], [0], [0], [0, 0, 1, 0], [], []>, transpose_lhs_hint = false} : vector<512x6xf32>, vector<64x6xf32>, vector<512x64xf32> -> vector<512x64xf32>
    %swap3A_278 = arith.constant 0 : index
    %swap3A_279 = arith.constant 16 : index
    %swap3A_280 = arith.constant 0 : index
    %swap3A_281 = vector.load %arg4[%swap3A_278, %swap3A_279, %swap3A_280] : memref<512x20x64xf32, #tpu.memory_space<vmem>>, vector<512x1x64xf32>
    %swap3A_282 = vector.shape_cast %swap3A_281 : vector<512x1x64xf32> to vector<512x64xf32>
    %swap3A_283 = vector.shape_cast %dot_general3A_277 : vector<512x64xf32> to vector<512x1x64xf32>
    tpu.vector_store %arg4[%swap3A_278, %swap3A_279, %swap3A_280], %swap3A_283 {strides = array<i32>} : memref<512x20x64xf32, #tpu.memory_space<vmem>>, vector<512x1x64xf32>,
    %max3A_284 = arith.maximumf %max3A_267, %dot_general3A_277 : vector<512x64xf32>
    %min3A_285 = arith.minimumf %min3A_268, %dot_general3A_277 : vector<512x64xf32>
    %get3A_286 = arith.constant 0 : index
    %get3A_287 = arith.constant 17 : index
    %get3A_288 = arith.constant 0 : index
    %get3A_289 = vector.load %arg1[%get3A_286, %get3A_287, %get3A_288] : memref<512x20x128xf32, #tpu.memory_space<vmem>>, vector<512x1x3xf32>
    %get3A_290 = vector.shape_cast %get3A_289 : vector<512x1x3xf32> to vector<512x3xf32>
    %sub3A_291 = arith.subf %get3A_290, %get3A_1 : vector<512x3xf32>
    %concatenate3A_292 = tpu.concatenate %sub3A_291, %get3A_1 in 1 : vector<512x3xf32>, vector<512x3xf32> -> vector<512x6xf32>
    %dot_general3A_293 = arith.constant dense<0.000000e+00> : vector<512x64xf32>
    %dot_general3A_294 = tpu.matmul %concatenate3A_292, %get3A_4, %dot_general3A_293 {dimension_numbers = #tpu.dot_dimension_numbers<[1], [1], [0], [0], [0, 0, 1, 0], [], []>, transpose_lhs_hint = false} : vector<512x6xf32>, vector<64x6xf32>, vector<512x64xf32> -> vector<512x64xf32>
    %swap3A_295 = arith.constant 0 : index
    %swap3A_296 = arith.constant 17 : index
    %swap3A_297 = arith.constant 0 : index
    %swap3A_298 = vector.load %arg4[%swap3A_295, %swap3A_296, %swap3A_297] : memref<512x20x64xf32, #tpu.memory_space<vmem>>, vector<512x1x64xf32>
    %swap3A_299 = vector.shape_cast %swap3A_298 : vector<512x1x64xf32> to vector<512x64xf32>
    %swap3A_300 = vector.shape_cast %dot_general3A_294 : vector<512x64xf32> to vector<512x1x64xf32>
    tpu.vector_store %arg4[%swap3A_295, %swap3A_296, %swap3A_297], %swap3A_300 {strides = array<i32>} : memref<512x20x64xf32, #tpu.memory_space<vmem>>, vector<512x1x64xf32>,
    %max3A_301 = arith.maximumf %max3A_284, %dot_general3A_294 : vector<512x64xf32>
    %min3A_302 = arith.minimumf %min3A_285, %dot_general3A_294 : vector<512x64xf32>
    %get3A_303 = arith.constant 0 : index
    %get3A_304 = arith.constant 18 : index
    %get3A_305 = arith.constant 0 : index
    %get3A_306 = vector.load %arg1[%get3A_303, %get3A_304, %get3A_305] : memref<512x20x128xf32, #tpu.memory_space<vmem>>, vector<512x1x3xf32>
    %get3A_307 = vector.shape_cast %get3A_306 : vector<512x1x3xf32> to vector<512x3xf32>
    %sub3A_308 = arith.subf %get3A_307, %get3A_1 : vector<512x3xf32>
    %concatenate3A_309 = tpu.concatenate %sub3A_308, %get3A_1 in 1 : vector<512x3xf32>, vector<512x3xf32> -> vector<512x6xf32>
    %dot_general3A_310 = arith.constant dense<0.000000e+00> : vector<512x64xf32>
    %dot_general3A_311 = tpu.matmul %concatenate3A_309, %get3A_4, %dot_general3A_310 {dimension_numbers = #tpu.dot_dimension_numbers<[1], [1], [0], [0], [0, 0, 1, 0], [], []>, transpose_lhs_hint = false} : vector<512x6xf32>, vector<64x6xf32>, vector<512x64xf32> -> vector<512x64xf32>
    %swap3A_312 = arith.constant 0 : index
    %swap3A_313 = arith.constant 18 : index
    %swap3A_314 = arith.constant 0 : index
    %swap3A_315 = vector.load %arg4[%swap3A_312, %swap3A_313, %swap3A_314] : memref<512x20x64xf32, #tpu.memory_space<vmem>>, vector<512x1x64xf32>
    %swap3A_316 = vector.shape_cast %swap3A_315 : vector<512x1x64xf32> to vector<512x64xf32>
    %swap3A_317 = vector.shape_cast %dot_general3A_311 : vector<512x64xf32> to vector<512x1x64xf32>
    tpu.vector_store %arg4[%swap3A_312, %swap3A_313, %swap3A_314], %swap3A_317 {strides = array<i32>} : memref<512x20x64xf32, #tpu.memory_space<vmem>>, vector<512x1x64xf32>,
    %max3A_318 = arith.maximumf %max3A_301, %dot_general3A_311 : vector<512x64xf32>
    %min3A_319 = arith.minimumf %min3A_302, %dot_general3A_311 : vector<512x64xf32>
    %get3A_320 = arith.constant 0 : index
    %get3A_321 = arith.constant 19 : index
    %get3A_322 = arith.constant 0 : index
    %get3A_323 = vector.load %arg1[%get3A_320, %get3A_321, %get3A_322] : memref<512x20x128xf32, #tpu.memory_space<vmem>>, vector<512x1x3xf32>
    %get3A_324 = vector.shape_cast %get3A_323 : vector<512x1x3xf32> to vector<512x3xf32>
    %sub3A_325 = arith.subf %get3A_324, %get3A_1 : vector<512x3xf32>
    %concatenate3A_326 = tpu.concatenate %sub3A_325, %get3A_1 in 1 : vector<512x3xf32>, vector<512x3xf32> -> vector<512x6xf32>
    %dot_general3A_327 = arith.constant dense<0.000000e+00> : vector<512x64xf32>
    %dot_general3A_328 = tpu.matmul %concatenate3A_326, %get3A_4, %dot_general3A_327 {dimension_numbers = #tpu.dot_dimension_numbers<[1], [1], [0], [0], [0, 0, 1, 0], [], []>, transpose_lhs_hint = false} : vector<512x6xf32>, vector<64x6xf32>, vector<512x64xf32> -> vector<512x64xf32>
    %swap3A_329 = arith.constant 0 : index
    %swap3A_330 = arith.constant 19 : index
    %swap3A_331 = arith.constant 0 : index
    %swap3A_332 = vector.load %arg4[%swap3A_329, %swap3A_330, %swap3A_331] : memref<512x20x64xf32, #tpu.memory_space<vmem>>, vector<512x1x64xf32>
    %swap3A_333 = vector.shape_cast %swap3A_332 : vector<512x1x64xf32> to vector<512x64xf32>
    %swap3A_334 = vector.shape_cast %dot_general3A_328 : vector<512x64xf32> to vector<512x1x64xf32>
    tpu.vector_store %arg4[%swap3A_329, %swap3A_330, %swap3A_331], %swap3A_334 {strides = array<i32>} : memref<512x20x64xf32, #tpu.memory_space<vmem>>, vector<512x1x64xf32>,
    %max3A_335 = arith.maximumf %max3A_318, %dot_general3A_328 : vector<512x64xf32>
    %min3A_336 = arith.minimumf %min3A_319, %dot_general3A_328 : vector<512x64xf32>
    %swap3A_337 = arith.constant 0 : index
    %swap3A_338 = arith.constant 0 : index
    %swap3A_339 = vector.load %arg5[%swap3A_337, %swap3A_338] : memref<512x64xf32, #tpu.memory_space<vmem>>, vector<512x64xf32>
    tpu.vector_store %arg5[%swap3A_337, %swap3A_338], %max3A_335 {strides = array<i32>} : memref<512x64xf32, #tpu.memory_space<vmem>>, vector<512x64xf32>,
    %swap3A_340 = arith.constant 0 : index
    %swap3A_341 = arith.constant 0 : index
    %swap3A_342 = vector.load %arg6[%swap3A_340, %swap3A_341] : memref<512x64xf32, #tpu.memory_space<vmem>>, vector<512x64xf32>
    tpu.vector_store %arg6[%swap3A_340, %swap3A_341], %min3A_336 {strides = array<i32>} : memref<512x64xf32, #tpu.memory_space<vmem>>, vector<512x64xf32>,
    return
  }
  func.func @transform_0(%arg0: i32) -> (i32, i32, i32) {
    %c0_i32 = arith.constant 0 : i32
    %c0_i32_0 = arith.constant 0 : i32
    %c0_i32_1 = arith.constant 0 : i32
    return %arg0, %c0_i32, %c0_i32_0 : i32, i32, i32
  }
  func.func @transform_1(%arg0: i32) -> (i32, i32) {
    %c0_i32 = arith.constant 0 : i32
    %c0_i32_0 = arith.constant 0 : i32
    return %arg0, %c0_i32 : i32, i32
  }
  func.func @transform_2(%arg0: i32) -> (i32, i32) {
    %c0_i32 = arith.constant 0 : i32
    %c0_i32_0 = arith.constant 0 : i32
    %c0_i32_1 = arith.constant 0 : i32
    return %c0_i32, %c0_i32_0 : i32, i32
  }
  func.func @transform_3(%arg0: i32) -> (i32, i32, i32) {
    %c0_i32 = arith.constant 0 : i32
    %c0_i32_0 = arith.constant 0 : i32
    %c0_i32_1 = arith.constant 0 : i32
    return %arg0, %c0_i32, %c0_i32_0 : i32, i32, i32
  }
  func.func @transform_4(%arg0: i32) -> (i32, i32) {
    %c0_i32 = arith.constant 0 : i32
    %c0_i32_0 = arith.constant 0 : i32
    return %arg0, %c0_i32 : i32, i32
  }
  func.func @transform_5(%arg0: i32) -> (i32, i32) {
    %c0_i32 = arith.constant 0 : i32
    %c0_i32_0 = arith.constant 0 : i32
    return %arg0, %c0_i32 : i32, i32
  }
}

module attributes {stable_mosaic.version = 14 : i64} {
  func.func @_topk_body(%arg0: i32, %arg1: memref<128x64xf32, #tpu.memory_space<vmem>>, %arg2: memref<64x8192xf32, #tpu.memory_space<vmem>>, %arg3: memref<128x20xi32, #tpu.memory_space<vmem>>) attributes {dimension_semantics = [#tpu.dimension_semantics<arbitrary>], iteration_bounds = array<i64: 64>, scalar_prefetch = 0 : i64, scratch_operands = 0 : i64, tpu.core_type = #tpu.core_type<tc>, window_params = [{transform_indices = @transform_0, window_bounds = array<i64: 128, 64>}, {pipeline_mode = #tpu.pipeline_mode<synchronous>, transform_indices = @transform_1, window_bounds = array<i64: 64, 8192>}, {transform_indices = @transform_2, window_bounds = array<i64: 128, 20>}]} {
    %get3A = arith.constant 0 : index
    %get3A_0 = arith.constant 0 : index
    %get3A_1 = vector.load %arg1[%get3A, %get3A_0] : memref<128x64xf32, #tpu.memory_space<vmem>>, vector<128x64xf32>
    %get3A_2 = arith.constant 0 : index
    %get3A_3 = arith.constant 0 : index
    %get3A_4 = vector.load %arg2[%get3A_2, %get3A_3] : memref<64x8192xf32, #tpu.memory_space<vmem>>, vector<64x8192xf32>
    %dot_general3A = arith.constant dense<0.000000e+00> : vector<128x8192xf32>
    %dot_general3A_5 = tpu.matmul %get3A_1, %get3A_4, %dot_general3A {dimension_numbers = #tpu.dot_dimension_numbers<[1], [0], [0], [1], [0, 0, 1, 1], [], []>, transpose_lhs_hint = false} : vector<128x64xf32>, vector<64x8192xf32>, vector<128x8192xf32> -> vector<128x8192xf32>
    %mul3A = arith.mulf %get3A_1, %get3A_1 : vector<128x64xf32>
    %reduce_sum3A = arith.constant dense<0.000000e+00> : vector<128xf32>
    %reduce_sum3A_6 = vector.multi_reduction <add>, %mul3A, %reduce_sum3A [1] : vector<128x64xf32> to vector<128xf32>
    %broadcast_in_dim3A = vector.shape_cast %reduce_sum3A_6 : vector<128xf32> to vector<128x1xf32>
    %mul3A_7 = arith.mulf %get3A_4, %get3A_4 : vector<64x8192xf32>
    %reduce_sum3A_8 = arith.constant dense<0.000000e+00> : vector<8192xf32>
    %reduce_sum3A_9 = vector.multi_reduction <add>, %mul3A_7, %reduce_sum3A_8 [0] : vector<64x8192xf32> to vector<8192xf32>
    %broadcast_in_dim3A_10 = vector.shape_cast %reduce_sum3A_9 : vector<8192xf32> to vector<1x8192xf32>
    %mul3A_11 = arith.constant 2.000000e+00 : f32
    %mul3A_12 = vector.broadcast %mul3A_11 : f32 to vector<128x8192xf32>
    %mul3A_13 = arith.mulf %mul3A_12, %dot_general3A_5 : vector<128x8192xf32>
    %sub3A = vector.broadcast %broadcast_in_dim3A : vector<128x1xf32> to vector<128x8192xf32>
    %sub3A_14 = arith.subf %mul3A_13, %sub3A : vector<128x8192xf32>
    %sub3A_15 = vector.broadcast %broadcast_in_dim3A_10 : vector<1x8192xf32> to vector<128x8192xf32>
    %sub3A_16 = arith.subf %sub3A_14, %sub3A_15 : vector<128x8192xf32>
    %iota3A = tpu.iota {dimensions = array<i32: 1>} : vector<128x8192xi32>
    %argmax3A = tpu.reduce_index %sub3A_16 {axis = 1 : i32, kind = #tpu.reduction_kind<arg_max>} : vector<128x8192xf32> -> vector<128xi32>
    %broadcast_in_dim3A_17 = vector.shape_cast %argmax3A : vector<128xi32> to vector<128x1xi32>
    %swap3A = arith.constant 0 : index
    %swap3A_18 = arith.constant 0 : index
    %swap3A_19 = vector.load %arg3[%swap3A, %swap3A_18] : memref<128x20xi32, #tpu.memory_space<vmem>>, vector<128x1xi32>
    tpu.vector_store %arg3[%swap3A, %swap3A_18], %broadcast_in_dim3A_17 {strides = array<i32>} : memref<128x20xi32, #tpu.memory_space<vmem>>, vector<128x1xi32>,
    %eq3A = vector.broadcast %broadcast_in_dim3A_17 : vector<128x1xi32> to vector<128x8192xi32>
    %eq3A_20 = arith.cmpi eq, %iota3A, %eq3A : vector<128x8192xi32>
    %jit3A = arith.constant -3.000000e+38 : f32
    %broadcast_in_dim3A_21 = vector.broadcast %jit3A : f32 to vector<128x8192xf32>
    %select_n3A = arith.select %eq3A_20, %broadcast_in_dim3A_21, %sub3A_16 : vector<128x8192xi1>, vector<128x8192xf32>
    %argmax3A_22 = tpu.reduce_index %select_n3A {axis = 1 : i32, kind = #tpu.reduction_kind<arg_max>} : vector<128x8192xf32> -> vector<128xi32>
    %broadcast_in_dim3A_23 = vector.shape_cast %argmax3A_22 : vector<128xi32> to vector<128x1xi32>
    %swap3A_24 = arith.constant 0 : index
    %swap3A_25 = arith.constant 1 : index
    %swap3A_26 = vector.load %arg3[%swap3A_24, %swap3A_25] : memref<128x20xi32, #tpu.memory_space<vmem>>, vector<128x1xi32>
    tpu.vector_store %arg3[%swap3A_24, %swap3A_25], %broadcast_in_dim3A_23 {strides = array<i32>} : memref<128x20xi32, #tpu.memory_space<vmem>>, vector<128x1xi32>,
    %eq3A_27 = vector.broadcast %broadcast_in_dim3A_23 : vector<128x1xi32> to vector<128x8192xi32>
    %eq3A_28 = arith.cmpi eq, %iota3A, %eq3A_27 : vector<128x8192xi32>
    %jit3A_29 = arith.constant -3.000000e+38 : f32
    %broadcast_in_dim3A_30 = vector.broadcast %jit3A_29 : f32 to vector<128x8192xf32>
    %select_n3A_31 = arith.select %eq3A_28, %broadcast_in_dim3A_30, %select_n3A : vector<128x8192xi1>, vector<128x8192xf32>
    %argmax3A_32 = tpu.reduce_index %select_n3A_31 {axis = 1 : i32, kind = #tpu.reduction_kind<arg_max>} : vector<128x8192xf32> -> vector<128xi32>
    %broadcast_in_dim3A_33 = vector.shape_cast %argmax3A_32 : vector<128xi32> to vector<128x1xi32>
    %swap3A_34 = arith.constant 0 : index
    %swap3A_35 = arith.constant 2 : index
    %swap3A_36 = vector.load %arg3[%swap3A_34, %swap3A_35] : memref<128x20xi32, #tpu.memory_space<vmem>>, vector<128x1xi32>
    tpu.vector_store %arg3[%swap3A_34, %swap3A_35], %broadcast_in_dim3A_33 {strides = array<i32>} : memref<128x20xi32, #tpu.memory_space<vmem>>, vector<128x1xi32>,
    %eq3A_37 = vector.broadcast %broadcast_in_dim3A_33 : vector<128x1xi32> to vector<128x8192xi32>
    %eq3A_38 = arith.cmpi eq, %iota3A, %eq3A_37 : vector<128x8192xi32>
    %jit3A_39 = arith.constant -3.000000e+38 : f32
    %broadcast_in_dim3A_40 = vector.broadcast %jit3A_39 : f32 to vector<128x8192xf32>
    %select_n3A_41 = arith.select %eq3A_38, %broadcast_in_dim3A_40, %select_n3A_31 : vector<128x8192xi1>, vector<128x8192xf32>
    %argmax3A_42 = tpu.reduce_index %select_n3A_41 {axis = 1 : i32, kind = #tpu.reduction_kind<arg_max>} : vector<128x8192xf32> -> vector<128xi32>
    %broadcast_in_dim3A_43 = vector.shape_cast %argmax3A_42 : vector<128xi32> to vector<128x1xi32>
    %swap3A_44 = arith.constant 0 : index
    %swap3A_45 = arith.constant 3 : index
    %swap3A_46 = vector.load %arg3[%swap3A_44, %swap3A_45] : memref<128x20xi32, #tpu.memory_space<vmem>>, vector<128x1xi32>
    tpu.vector_store %arg3[%swap3A_44, %swap3A_45], %broadcast_in_dim3A_43 {strides = array<i32>} : memref<128x20xi32, #tpu.memory_space<vmem>>, vector<128x1xi32>,
    %eq3A_47 = vector.broadcast %broadcast_in_dim3A_43 : vector<128x1xi32> to vector<128x8192xi32>
    %eq3A_48 = arith.cmpi eq, %iota3A, %eq3A_47 : vector<128x8192xi32>
    %jit3A_49 = arith.constant -3.000000e+38 : f32
    %broadcast_in_dim3A_50 = vector.broadcast %jit3A_49 : f32 to vector<128x8192xf32>
    %select_n3A_51 = arith.select %eq3A_48, %broadcast_in_dim3A_50, %select_n3A_41 : vector<128x8192xi1>, vector<128x8192xf32>
    %argmax3A_52 = tpu.reduce_index %select_n3A_51 {axis = 1 : i32, kind = #tpu.reduction_kind<arg_max>} : vector<128x8192xf32> -> vector<128xi32>
    %broadcast_in_dim3A_53 = vector.shape_cast %argmax3A_52 : vector<128xi32> to vector<128x1xi32>
    %swap3A_54 = arith.constant 0 : index
    %swap3A_55 = arith.constant 4 : index
    %swap3A_56 = vector.load %arg3[%swap3A_54, %swap3A_55] : memref<128x20xi32, #tpu.memory_space<vmem>>, vector<128x1xi32>
    tpu.vector_store %arg3[%swap3A_54, %swap3A_55], %broadcast_in_dim3A_53 {strides = array<i32>} : memref<128x20xi32, #tpu.memory_space<vmem>>, vector<128x1xi32>,
    %eq3A_57 = vector.broadcast %broadcast_in_dim3A_53 : vector<128x1xi32> to vector<128x8192xi32>
    %eq3A_58 = arith.cmpi eq, %iota3A, %eq3A_57 : vector<128x8192xi32>
    %jit3A_59 = arith.constant -3.000000e+38 : f32
    %broadcast_in_dim3A_60 = vector.broadcast %jit3A_59 : f32 to vector<128x8192xf32>
    %select_n3A_61 = arith.select %eq3A_58, %broadcast_in_dim3A_60, %select_n3A_51 : vector<128x8192xi1>, vector<128x8192xf32>
    %argmax3A_62 = tpu.reduce_index %select_n3A_61 {axis = 1 : i32, kind = #tpu.reduction_kind<arg_max>} : vector<128x8192xf32> -> vector<128xi32>
    %broadcast_in_dim3A_63 = vector.shape_cast %argmax3A_62 : vector<128xi32> to vector<128x1xi32>
    %swap3A_64 = arith.constant 0 : index
    %swap3A_65 = arith.constant 5 : index
    %swap3A_66 = vector.load %arg3[%swap3A_64, %swap3A_65] : memref<128x20xi32, #tpu.memory_space<vmem>>, vector<128x1xi32>
    tpu.vector_store %arg3[%swap3A_64, %swap3A_65], %broadcast_in_dim3A_63 {strides = array<i32>} : memref<128x20xi32, #tpu.memory_space<vmem>>, vector<128x1xi32>,
    %eq3A_67 = vector.broadcast %broadcast_in_dim3A_63 : vector<128x1xi32> to vector<128x8192xi32>
    %eq3A_68 = arith.cmpi eq, %iota3A, %eq3A_67 : vector<128x8192xi32>
    %jit3A_69 = arith.constant -3.000000e+38 : f32
    %broadcast_in_dim3A_70 = vector.broadcast %jit3A_69 : f32 to vector<128x8192xf32>
    %select_n3A_71 = arith.select %eq3A_68, %broadcast_in_dim3A_70, %select_n3A_61 : vector<128x8192xi1>, vector<128x8192xf32>
    %argmax3A_72 = tpu.reduce_index %select_n3A_71 {axis = 1 : i32, kind = #tpu.reduction_kind<arg_max>} : vector<128x8192xf32> -> vector<128xi32>
    %broadcast_in_dim3A_73 = vector.shape_cast %argmax3A_72 : vector<128xi32> to vector<128x1xi32>
    %swap3A_74 = arith.constant 0 : index
    %swap3A_75 = arith.constant 6 : index
    %swap3A_76 = vector.load %arg3[%swap3A_74, %swap3A_75] : memref<128x20xi32, #tpu.memory_space<vmem>>, vector<128x1xi32>
    tpu.vector_store %arg3[%swap3A_74, %swap3A_75], %broadcast_in_dim3A_73 {strides = array<i32>} : memref<128x20xi32, #tpu.memory_space<vmem>>, vector<128x1xi32>,
    %eq3A_77 = vector.broadcast %broadcast_in_dim3A_73 : vector<128x1xi32> to vector<128x8192xi32>
    %eq3A_78 = arith.cmpi eq, %iota3A, %eq3A_77 : vector<128x8192xi32>
    %jit3A_79 = arith.constant -3.000000e+38 : f32
    %broadcast_in_dim3A_80 = vector.broadcast %jit3A_79 : f32 to vector<128x8192xf32>
    %select_n3A_81 = arith.select %eq3A_78, %broadcast_in_dim3A_80, %select_n3A_71 : vector<128x8192xi1>, vector<128x8192xf32>
    %argmax3A_82 = tpu.reduce_index %select_n3A_81 {axis = 1 : i32, kind = #tpu.reduction_kind<arg_max>} : vector<128x8192xf32> -> vector<128xi32>
    %broadcast_in_dim3A_83 = vector.shape_cast %argmax3A_82 : vector<128xi32> to vector<128x1xi32>
    %swap3A_84 = arith.constant 0 : index
    %swap3A_85 = arith.constant 7 : index
    %swap3A_86 = vector.load %arg3[%swap3A_84, %swap3A_85] : memref<128x20xi32, #tpu.memory_space<vmem>>, vector<128x1xi32>
    tpu.vector_store %arg3[%swap3A_84, %swap3A_85], %broadcast_in_dim3A_83 {strides = array<i32>} : memref<128x20xi32, #tpu.memory_space<vmem>>, vector<128x1xi32>,
    %eq3A_87 = vector.broadcast %broadcast_in_dim3A_83 : vector<128x1xi32> to vector<128x8192xi32>
    %eq3A_88 = arith.cmpi eq, %iota3A, %eq3A_87 : vector<128x8192xi32>
    %jit3A_89 = arith.constant -3.000000e+38 : f32
    %broadcast_in_dim3A_90 = vector.broadcast %jit3A_89 : f32 to vector<128x8192xf32>
    %select_n3A_91 = arith.select %eq3A_88, %broadcast_in_dim3A_90, %select_n3A_81 : vector<128x8192xi1>, vector<128x8192xf32>
    %argmax3A_92 = tpu.reduce_index %select_n3A_91 {axis = 1 : i32, kind = #tpu.reduction_kind<arg_max>} : vector<128x8192xf32> -> vector<128xi32>
    %broadcast_in_dim3A_93 = vector.shape_cast %argmax3A_92 : vector<128xi32> to vector<128x1xi32>
    %swap3A_94 = arith.constant 0 : index
    %swap3A_95 = arith.constant 8 : index
    %swap3A_96 = vector.load %arg3[%swap3A_94, %swap3A_95] : memref<128x20xi32, #tpu.memory_space<vmem>>, vector<128x1xi32>
    tpu.vector_store %arg3[%swap3A_94, %swap3A_95], %broadcast_in_dim3A_93 {strides = array<i32>} : memref<128x20xi32, #tpu.memory_space<vmem>>, vector<128x1xi32>,
    %eq3A_97 = vector.broadcast %broadcast_in_dim3A_93 : vector<128x1xi32> to vector<128x8192xi32>
    %eq3A_98 = arith.cmpi eq, %iota3A, %eq3A_97 : vector<128x8192xi32>
    %jit3A_99 = arith.constant -3.000000e+38 : f32
    %broadcast_in_dim3A_100 = vector.broadcast %jit3A_99 : f32 to vector<128x8192xf32>
    %select_n3A_101 = arith.select %eq3A_98, %broadcast_in_dim3A_100, %select_n3A_91 : vector<128x8192xi1>, vector<128x8192xf32>
    %argmax3A_102 = tpu.reduce_index %select_n3A_101 {axis = 1 : i32, kind = #tpu.reduction_kind<arg_max>} : vector<128x8192xf32> -> vector<128xi32>
    %broadcast_in_dim3A_103 = vector.shape_cast %argmax3A_102 : vector<128xi32> to vector<128x1xi32>
    %swap3A_104 = arith.constant 0 : index
    %swap3A_105 = arith.constant 9 : index
    %swap3A_106 = vector.load %arg3[%swap3A_104, %swap3A_105] : memref<128x20xi32, #tpu.memory_space<vmem>>, vector<128x1xi32>
    tpu.vector_store %arg3[%swap3A_104, %swap3A_105], %broadcast_in_dim3A_103 {strides = array<i32>} : memref<128x20xi32, #tpu.memory_space<vmem>>, vector<128x1xi32>,
    %eq3A_107 = vector.broadcast %broadcast_in_dim3A_103 : vector<128x1xi32> to vector<128x8192xi32>
    %eq3A_108 = arith.cmpi eq, %iota3A, %eq3A_107 : vector<128x8192xi32>
    %jit3A_109 = arith.constant -3.000000e+38 : f32
    %broadcast_in_dim3A_110 = vector.broadcast %jit3A_109 : f32 to vector<128x8192xf32>
    %select_n3A_111 = arith.select %eq3A_108, %broadcast_in_dim3A_110, %select_n3A_101 : vector<128x8192xi1>, vector<128x8192xf32>
    %argmax3A_112 = tpu.reduce_index %select_n3A_111 {axis = 1 : i32, kind = #tpu.reduction_kind<arg_max>} : vector<128x8192xf32> -> vector<128xi32>
    %broadcast_in_dim3A_113 = vector.shape_cast %argmax3A_112 : vector<128xi32> to vector<128x1xi32>
    %swap3A_114 = arith.constant 0 : index
    %swap3A_115 = arith.constant 10 : index
    %swap3A_116 = vector.load %arg3[%swap3A_114, %swap3A_115] : memref<128x20xi32, #tpu.memory_space<vmem>>, vector<128x1xi32>
    tpu.vector_store %arg3[%swap3A_114, %swap3A_115], %broadcast_in_dim3A_113 {strides = array<i32>} : memref<128x20xi32, #tpu.memory_space<vmem>>, vector<128x1xi32>,
    %eq3A_117 = vector.broadcast %broadcast_in_dim3A_113 : vector<128x1xi32> to vector<128x8192xi32>
    %eq3A_118 = arith.cmpi eq, %iota3A, %eq3A_117 : vector<128x8192xi32>
    %jit3A_119 = arith.constant -3.000000e+38 : f32
    %broadcast_in_dim3A_120 = vector.broadcast %jit3A_119 : f32 to vector<128x8192xf32>
    %select_n3A_121 = arith.select %eq3A_118, %broadcast_in_dim3A_120, %select_n3A_111 : vector<128x8192xi1>, vector<128x8192xf32>
    %argmax3A_122 = tpu.reduce_index %select_n3A_121 {axis = 1 : i32, kind = #tpu.reduction_kind<arg_max>} : vector<128x8192xf32> -> vector<128xi32>
    %broadcast_in_dim3A_123 = vector.shape_cast %argmax3A_122 : vector<128xi32> to vector<128x1xi32>
    %swap3A_124 = arith.constant 0 : index
    %swap3A_125 = arith.constant 11 : index
    %swap3A_126 = vector.load %arg3[%swap3A_124, %swap3A_125] : memref<128x20xi32, #tpu.memory_space<vmem>>, vector<128x1xi32>
    tpu.vector_store %arg3[%swap3A_124, %swap3A_125], %broadcast_in_dim3A_123 {strides = array<i32>} : memref<128x20xi32, #tpu.memory_space<vmem>>, vector<128x1xi32>,
    %eq3A_127 = vector.broadcast %broadcast_in_dim3A_123 : vector<128x1xi32> to vector<128x8192xi32>
    %eq3A_128 = arith.cmpi eq, %iota3A, %eq3A_127 : vector<128x8192xi32>
    %jit3A_129 = arith.constant -3.000000e+38 : f32
    %broadcast_in_dim3A_130 = vector.broadcast %jit3A_129 : f32 to vector<128x8192xf32>
    %select_n3A_131 = arith.select %eq3A_128, %broadcast_in_dim3A_130, %select_n3A_121 : vector<128x8192xi1>, vector<128x8192xf32>
    %argmax3A_132 = tpu.reduce_index %select_n3A_131 {axis = 1 : i32, kind = #tpu.reduction_kind<arg_max>} : vector<128x8192xf32> -> vector<128xi32>
    %broadcast_in_dim3A_133 = vector.shape_cast %argmax3A_132 : vector<128xi32> to vector<128x1xi32>
    %swap3A_134 = arith.constant 0 : index
    %swap3A_135 = arith.constant 12 : index
    %swap3A_136 = vector.load %arg3[%swap3A_134, %swap3A_135] : memref<128x20xi32, #tpu.memory_space<vmem>>, vector<128x1xi32>
    tpu.vector_store %arg3[%swap3A_134, %swap3A_135], %broadcast_in_dim3A_133 {strides = array<i32>} : memref<128x20xi32, #tpu.memory_space<vmem>>, vector<128x1xi32>,
    %eq3A_137 = vector.broadcast %broadcast_in_dim3A_133 : vector<128x1xi32> to vector<128x8192xi32>
    %eq3A_138 = arith.cmpi eq, %iota3A, %eq3A_137 : vector<128x8192xi32>
    %jit3A_139 = arith.constant -3.000000e+38 : f32
    %broadcast_in_dim3A_140 = vector.broadcast %jit3A_139 : f32 to vector<128x8192xf32>
    %select_n3A_141 = arith.select %eq3A_138, %broadcast_in_dim3A_140, %select_n3A_131 : vector<128x8192xi1>, vector<128x8192xf32>
    %argmax3A_142 = tpu.reduce_index %select_n3A_141 {axis = 1 : i32, kind = #tpu.reduction_kind<arg_max>} : vector<128x8192xf32> -> vector<128xi32>
    %broadcast_in_dim3A_143 = vector.shape_cast %argmax3A_142 : vector<128xi32> to vector<128x1xi32>
    %swap3A_144 = arith.constant 0 : index
    %swap3A_145 = arith.constant 13 : index
    %swap3A_146 = vector.load %arg3[%swap3A_144, %swap3A_145] : memref<128x20xi32, #tpu.memory_space<vmem>>, vector<128x1xi32>
    tpu.vector_store %arg3[%swap3A_144, %swap3A_145], %broadcast_in_dim3A_143 {strides = array<i32>} : memref<128x20xi32, #tpu.memory_space<vmem>>, vector<128x1xi32>,
    %eq3A_147 = vector.broadcast %broadcast_in_dim3A_143 : vector<128x1xi32> to vector<128x8192xi32>
    %eq3A_148 = arith.cmpi eq, %iota3A, %eq3A_147 : vector<128x8192xi32>
    %jit3A_149 = arith.constant -3.000000e+38 : f32
    %broadcast_in_dim3A_150 = vector.broadcast %jit3A_149 : f32 to vector<128x8192xf32>
    %select_n3A_151 = arith.select %eq3A_148, %broadcast_in_dim3A_150, %select_n3A_141 : vector<128x8192xi1>, vector<128x8192xf32>
    %argmax3A_152 = tpu.reduce_index %select_n3A_151 {axis = 1 : i32, kind = #tpu.reduction_kind<arg_max>} : vector<128x8192xf32> -> vector<128xi32>
    %broadcast_in_dim3A_153 = vector.shape_cast %argmax3A_152 : vector<128xi32> to vector<128x1xi32>
    %swap3A_154 = arith.constant 0 : index
    %swap3A_155 = arith.constant 14 : index
    %swap3A_156 = vector.load %arg3[%swap3A_154, %swap3A_155] : memref<128x20xi32, #tpu.memory_space<vmem>>, vector<128x1xi32>
    tpu.vector_store %arg3[%swap3A_154, %swap3A_155], %broadcast_in_dim3A_153 {strides = array<i32>} : memref<128x20xi32, #tpu.memory_space<vmem>>, vector<128x1xi32>,
    %eq3A_157 = vector.broadcast %broadcast_in_dim3A_153 : vector<128x1xi32> to vector<128x8192xi32>
    %eq3A_158 = arith.cmpi eq, %iota3A, %eq3A_157 : vector<128x8192xi32>
    %jit3A_159 = arith.constant -3.000000e+38 : f32
    %broadcast_in_dim3A_160 = vector.broadcast %jit3A_159 : f32 to vector<128x8192xf32>
    %select_n3A_161 = arith.select %eq3A_158, %broadcast_in_dim3A_160, %select_n3A_151 : vector<128x8192xi1>, vector<128x8192xf32>
    %argmax3A_162 = tpu.reduce_index %select_n3A_161 {axis = 1 : i32, kind = #tpu.reduction_kind<arg_max>} : vector<128x8192xf32> -> vector<128xi32>
    %broadcast_in_dim3A_163 = vector.shape_cast %argmax3A_162 : vector<128xi32> to vector<128x1xi32>
    %swap3A_164 = arith.constant 0 : index
    %swap3A_165 = arith.constant 15 : index
    %swap3A_166 = vector.load %arg3[%swap3A_164, %swap3A_165] : memref<128x20xi32, #tpu.memory_space<vmem>>, vector<128x1xi32>
    tpu.vector_store %arg3[%swap3A_164, %swap3A_165], %broadcast_in_dim3A_163 {strides = array<i32>} : memref<128x20xi32, #tpu.memory_space<vmem>>, vector<128x1xi32>,
    %eq3A_167 = vector.broadcast %broadcast_in_dim3A_163 : vector<128x1xi32> to vector<128x8192xi32>
    %eq3A_168 = arith.cmpi eq, %iota3A, %eq3A_167 : vector<128x8192xi32>
    %jit3A_169 = arith.constant -3.000000e+38 : f32
    %broadcast_in_dim3A_170 = vector.broadcast %jit3A_169 : f32 to vector<128x8192xf32>
    %select_n3A_171 = arith.select %eq3A_168, %broadcast_in_dim3A_170, %select_n3A_161 : vector<128x8192xi1>, vector<128x8192xf32>
    %argmax3A_172 = tpu.reduce_index %select_n3A_171 {axis = 1 : i32, kind = #tpu.reduction_kind<arg_max>} : vector<128x8192xf32> -> vector<128xi32>
    %broadcast_in_dim3A_173 = vector.shape_cast %argmax3A_172 : vector<128xi32> to vector<128x1xi32>
    %swap3A_174 = arith.constant 0 : index
    %swap3A_175 = arith.constant 16 : index
    %swap3A_176 = vector.load %arg3[%swap3A_174, %swap3A_175] : memref<128x20xi32, #tpu.memory_space<vmem>>, vector<128x1xi32>
    tpu.vector_store %arg3[%swap3A_174, %swap3A_175], %broadcast_in_dim3A_173 {strides = array<i32>} : memref<128x20xi32, #tpu.memory_space<vmem>>, vector<128x1xi32>,
    %eq3A_177 = vector.broadcast %broadcast_in_dim3A_173 : vector<128x1xi32> to vector<128x8192xi32>
    %eq3A_178 = arith.cmpi eq, %iota3A, %eq3A_177 : vector<128x8192xi32>
    %jit3A_179 = arith.constant -3.000000e+38 : f32
    %broadcast_in_dim3A_180 = vector.broadcast %jit3A_179 : f32 to vector<128x8192xf32>
    %select_n3A_181 = arith.select %eq3A_178, %broadcast_in_dim3A_180, %select_n3A_171 : vector<128x8192xi1>, vector<128x8192xf32>
    %argmax3A_182 = tpu.reduce_index %select_n3A_181 {axis = 1 : i32, kind = #tpu.reduction_kind<arg_max>} : vector<128x8192xf32> -> vector<128xi32>
    %broadcast_in_dim3A_183 = vector.shape_cast %argmax3A_182 : vector<128xi32> to vector<128x1xi32>
    %swap3A_184 = arith.constant 0 : index
    %swap3A_185 = arith.constant 17 : index
    %swap3A_186 = vector.load %arg3[%swap3A_184, %swap3A_185] : memref<128x20xi32, #tpu.memory_space<vmem>>, vector<128x1xi32>
    tpu.vector_store %arg3[%swap3A_184, %swap3A_185], %broadcast_in_dim3A_183 {strides = array<i32>} : memref<128x20xi32, #tpu.memory_space<vmem>>, vector<128x1xi32>,
    %eq3A_187 = vector.broadcast %broadcast_in_dim3A_183 : vector<128x1xi32> to vector<128x8192xi32>
    %eq3A_188 = arith.cmpi eq, %iota3A, %eq3A_187 : vector<128x8192xi32>
    %jit3A_189 = arith.constant -3.000000e+38 : f32
    %broadcast_in_dim3A_190 = vector.broadcast %jit3A_189 : f32 to vector<128x8192xf32>
    %select_n3A_191 = arith.select %eq3A_188, %broadcast_in_dim3A_190, %select_n3A_181 : vector<128x8192xi1>, vector<128x8192xf32>
    %argmax3A_192 = tpu.reduce_index %select_n3A_191 {axis = 1 : i32, kind = #tpu.reduction_kind<arg_max>} : vector<128x8192xf32> -> vector<128xi32>
    %broadcast_in_dim3A_193 = vector.shape_cast %argmax3A_192 : vector<128xi32> to vector<128x1xi32>
    %swap3A_194 = arith.constant 0 : index
    %swap3A_195 = arith.constant 18 : index
    %swap3A_196 = vector.load %arg3[%swap3A_194, %swap3A_195] : memref<128x20xi32, #tpu.memory_space<vmem>>, vector<128x1xi32>
    tpu.vector_store %arg3[%swap3A_194, %swap3A_195], %broadcast_in_dim3A_193 {strides = array<i32>} : memref<128x20xi32, #tpu.memory_space<vmem>>, vector<128x1xi32>,
    %eq3A_197 = vector.broadcast %broadcast_in_dim3A_193 : vector<128x1xi32> to vector<128x8192xi32>
    %eq3A_198 = arith.cmpi eq, %iota3A, %eq3A_197 : vector<128x8192xi32>
    %jit3A_199 = arith.constant -3.000000e+38 : f32
    %broadcast_in_dim3A_200 = vector.broadcast %jit3A_199 : f32 to vector<128x8192xf32>
    %select_n3A_201 = arith.select %eq3A_198, %broadcast_in_dim3A_200, %select_n3A_191 : vector<128x8192xi1>, vector<128x8192xf32>
    %argmax3A_202 = tpu.reduce_index %select_n3A_201 {axis = 1 : i32, kind = #tpu.reduction_kind<arg_max>} : vector<128x8192xf32> -> vector<128xi32>
    %broadcast_in_dim3A_203 = vector.shape_cast %argmax3A_202 : vector<128xi32> to vector<128x1xi32>
    %swap3A_204 = arith.constant 0 : index
    %swap3A_205 = arith.constant 19 : index
    %swap3A_206 = vector.load %arg3[%swap3A_204, %swap3A_205] : memref<128x20xi32, #tpu.memory_space<vmem>>, vector<128x1xi32>
    tpu.vector_store %arg3[%swap3A_204, %swap3A_205], %broadcast_in_dim3A_203 {strides = array<i32>} : memref<128x20xi32, #tpu.memory_space<vmem>>, vector<128x1xi32>,
    return
  }
  func.func @transform_0(%arg0: i32) -> (i32, i32) {
    %c0_i32 = arith.constant 0 : i32
    %c0_i32_0 = arith.constant 0 : i32
    return %arg0, %c0_i32 : i32, i32
  }
  func.func @transform_1(%arg0: i32) -> (i32, i32) {
    %c0_i32 = arith.constant 0 : i32
    %c0_i32_0 = arith.constant 0 : i32
    %c0_i32_1 = arith.constant 0 : i32
    return %c0_i32, %c0_i32_0 : i32, i32
  }
  func.func @transform_2(%arg0: i32) -> (i32, i32) {
    %c0_i32 = arith.constant 0 : i32
    %c0_i32_0 = arith.constant 0 : i32
    return %arg0, %c0_i32 : i32, i32
  }
}

module attributes {stable_mosaic.version = 14 : i64} {
  func.func @_conv3_body(%arg0: i32, %arg1: memref<512x20x128xf32, #tpu.memory_space<vmem>>, %arg2: memref<512x64xf32, #tpu.memory_space<vmem>>, %arg3: memref<64x128xf32, #tpu.memory_space<vmem>>, %arg4: memref<512x20x64xf32, #tpu.memory_space<vmem>>, %arg5: memref<512x64xf32, #tpu.memory_space<vmem>>, %arg6: memref<512x64xf32, #tpu.memory_space<vmem>>) attributes {dimension_semantics = [#tpu.dimension_semantics<arbitrary>], iteration_bounds = array<i64: 16>, scalar_prefetch = 0 : i64, scratch_operands = 0 : i64, tpu.core_type = #tpu.core_type<tc>, window_params = [{transform_indices = @transform_0, window_bounds = array<i64: 512, 20, 128>}, {transform_indices = @transform_1, window_bounds = array<i64: 512, 64>}, {pipeline_mode = #tpu.pipeline_mode<synchronous>, transform_indices = @transform_2, window_bounds = array<i64: 64, 128>}, {transform_indices = @transform_3, window_bounds = array<i64: 512, 20, 64>}, {transform_indices = @transform_4, window_bounds = array<i64: 512, 64>}, {transform_indices = @transform_5, window_bounds = array<i64: 512, 64>}]} {
    %get3A = arith.constant 0 : index
    %get3A_0 = arith.constant 0 : index
    %get3A_1 = vector.load %arg2[%get3A, %get3A_0] : memref<512x64xf32, #tpu.memory_space<vmem>>, vector<512x64xf32>
    %get3A_2 = arith.constant 0 : index
    %get3A_3 = arith.constant 0 : index
    %get3A_4 = vector.load %arg3[%get3A_2, %get3A_3] : memref<64x128xf32, #tpu.memory_space<vmem>>, vector<64x128xf32>
    %get3A_5 = arith.constant 0 : index
    %get3A_6 = arith.constant 0 : index
    %get3A_7 = arith.constant 0 : index
    %get3A_8 = vector.load %arg1[%get3A_5, %get3A_6, %get3A_7] : memref<512x20x128xf32, #tpu.memory_space<vmem>>, vector<512x1x64xf32>
    %get3A_9 = vector.shape_cast %get3A_8 : vector<512x1x64xf32> to vector<512x64xf32>
    %sub3A = arith.subf %get3A_9, %get3A_1 : vector<512x64xf32>
    %concatenate3A = tpu.concatenate %sub3A, %get3A_1 in 1 : vector<512x64xf32>, vector<512x64xf32> -> vector<512x128xf32>
    %dot_general3A = arith.constant dense<0.000000e+00> : vector<512x64xf32>
    %dot_general3A_10 = tpu.matmul %concatenate3A, %get3A_4, %dot_general3A {dimension_numbers = #tpu.dot_dimension_numbers<[1], [1], [0], [0], [0, 0, 1, 0], [], []>, transpose_lhs_hint = false} : vector<512x128xf32>, vector<64x128xf32>, vector<512x64xf32> -> vector<512x64xf32>
    %swap3A = arith.constant 0 : index
    %swap3A_11 = arith.constant 0 : index
    %swap3A_12 = arith.constant 0 : index
    %swap3A_13 = vector.load %arg4[%swap3A, %swap3A_11, %swap3A_12] : memref<512x20x64xf32, #tpu.memory_space<vmem>>, vector<512x1x64xf32>
    %swap3A_14 = vector.shape_cast %swap3A_13 : vector<512x1x64xf32> to vector<512x64xf32>
    %swap3A_15 = vector.shape_cast %dot_general3A_10 : vector<512x64xf32> to vector<512x1x64xf32>
    tpu.vector_store %arg4[%swap3A, %swap3A_11, %swap3A_12], %swap3A_15 {strides = array<i32>} : memref<512x20x64xf32, #tpu.memory_space<vmem>>, vector<512x1x64xf32>,
    %get3A_16 = arith.constant 0 : index
    %get3A_17 = arith.constant 1 : index
    %get3A_18 = arith.constant 0 : index
    %get3A_19 = vector.load %arg1[%get3A_16, %get3A_17, %get3A_18] : memref<512x20x128xf32, #tpu.memory_space<vmem>>, vector<512x1x64xf32>
    %get3A_20 = vector.shape_cast %get3A_19 : vector<512x1x64xf32> to vector<512x64xf32>
    %sub3A_21 = arith.subf %get3A_20, %get3A_1 : vector<512x64xf32>
    %concatenate3A_22 = tpu.concatenate %sub3A_21, %get3A_1 in 1 : vector<512x64xf32>, vector<512x64xf32> -> vector<512x128xf32>
    %dot_general3A_23 = arith.constant dense<0.000000e+00> : vector<512x64xf32>
    %dot_general3A_24 = tpu.matmul %concatenate3A_22, %get3A_4, %dot_general3A_23 {dimension_numbers = #tpu.dot_dimension_numbers<[1], [1], [0], [0], [0, 0, 1, 0], [], []>, transpose_lhs_hint = false} : vector<512x128xf32>, vector<64x128xf32>, vector<512x64xf32> -> vector<512x64xf32>
    %swap3A_25 = arith.constant 0 : index
    %swap3A_26 = arith.constant 1 : index
    %swap3A_27 = arith.constant 0 : index
    %swap3A_28 = vector.load %arg4[%swap3A_25, %swap3A_26, %swap3A_27] : memref<512x20x64xf32, #tpu.memory_space<vmem>>, vector<512x1x64xf32>
    %swap3A_29 = vector.shape_cast %swap3A_28 : vector<512x1x64xf32> to vector<512x64xf32>
    %swap3A_30 = vector.shape_cast %dot_general3A_24 : vector<512x64xf32> to vector<512x1x64xf32>
    tpu.vector_store %arg4[%swap3A_25, %swap3A_26, %swap3A_27], %swap3A_30 {strides = array<i32>} : memref<512x20x64xf32, #tpu.memory_space<vmem>>, vector<512x1x64xf32>,
    %max3A = arith.maximumf %dot_general3A_10, %dot_general3A_24 : vector<512x64xf32>
    %min3A = arith.minimumf %dot_general3A_10, %dot_general3A_24 : vector<512x64xf32>
    %get3A_31 = arith.constant 0 : index
    %get3A_32 = arith.constant 2 : index
    %get3A_33 = arith.constant 0 : index
    %get3A_34 = vector.load %arg1[%get3A_31, %get3A_32, %get3A_33] : memref<512x20x128xf32, #tpu.memory_space<vmem>>, vector<512x1x64xf32>
    %get3A_35 = vector.shape_cast %get3A_34 : vector<512x1x64xf32> to vector<512x64xf32>
    %sub3A_36 = arith.subf %get3A_35, %get3A_1 : vector<512x64xf32>
    %concatenate3A_37 = tpu.concatenate %sub3A_36, %get3A_1 in 1 : vector<512x64xf32>, vector<512x64xf32> -> vector<512x128xf32>
    %dot_general3A_38 = arith.constant dense<0.000000e+00> : vector<512x64xf32>
    %dot_general3A_39 = tpu.matmul %concatenate3A_37, %get3A_4, %dot_general3A_38 {dimension_numbers = #tpu.dot_dimension_numbers<[1], [1], [0], [0], [0, 0, 1, 0], [], []>, transpose_lhs_hint = false} : vector<512x128xf32>, vector<64x128xf32>, vector<512x64xf32> -> vector<512x64xf32>
    %swap3A_40 = arith.constant 0 : index
    %swap3A_41 = arith.constant 2 : index
    %swap3A_42 = arith.constant 0 : index
    %swap3A_43 = vector.load %arg4[%swap3A_40, %swap3A_41, %swap3A_42] : memref<512x20x64xf32, #tpu.memory_space<vmem>>, vector<512x1x64xf32>
    %swap3A_44 = vector.shape_cast %swap3A_43 : vector<512x1x64xf32> to vector<512x64xf32>
    %swap3A_45 = vector.shape_cast %dot_general3A_39 : vector<512x64xf32> to vector<512x1x64xf32>
    tpu.vector_store %arg4[%swap3A_40, %swap3A_41, %swap3A_42], %swap3A_45 {strides = array<i32>} : memref<512x20x64xf32, #tpu.memory_space<vmem>>, vector<512x1x64xf32>,
    %max3A_46 = arith.maximumf %max3A, %dot_general3A_39 : vector<512x64xf32>
    %min3A_47 = arith.minimumf %min3A, %dot_general3A_39 : vector<512x64xf32>
    %get3A_48 = arith.constant 0 : index
    %get3A_49 = arith.constant 3 : index
    %get3A_50 = arith.constant 0 : index
    %get3A_51 = vector.load %arg1[%get3A_48, %get3A_49, %get3A_50] : memref<512x20x128xf32, #tpu.memory_space<vmem>>, vector<512x1x64xf32>
    %get3A_52 = vector.shape_cast %get3A_51 : vector<512x1x64xf32> to vector<512x64xf32>
    %sub3A_53 = arith.subf %get3A_52, %get3A_1 : vector<512x64xf32>
    %concatenate3A_54 = tpu.concatenate %sub3A_53, %get3A_1 in 1 : vector<512x64xf32>, vector<512x64xf32> -> vector<512x128xf32>
    %dot_general3A_55 = arith.constant dense<0.000000e+00> : vector<512x64xf32>
    %dot_general3A_56 = tpu.matmul %concatenate3A_54, %get3A_4, %dot_general3A_55 {dimension_numbers = #tpu.dot_dimension_numbers<[1], [1], [0], [0], [0, 0, 1, 0], [], []>, transpose_lhs_hint = false} : vector<512x128xf32>, vector<64x128xf32>, vector<512x64xf32> -> vector<512x64xf32>
    %swap3A_57 = arith.constant 0 : index
    %swap3A_58 = arith.constant 3 : index
    %swap3A_59 = arith.constant 0 : index
    %swap3A_60 = vector.load %arg4[%swap3A_57, %swap3A_58, %swap3A_59] : memref<512x20x64xf32, #tpu.memory_space<vmem>>, vector<512x1x64xf32>
    %swap3A_61 = vector.shape_cast %swap3A_60 : vector<512x1x64xf32> to vector<512x64xf32>
    %swap3A_62 = vector.shape_cast %dot_general3A_56 : vector<512x64xf32> to vector<512x1x64xf32>
    tpu.vector_store %arg4[%swap3A_57, %swap3A_58, %swap3A_59], %swap3A_62 {strides = array<i32>} : memref<512x20x64xf32, #tpu.memory_space<vmem>>, vector<512x1x64xf32>,
    %max3A_63 = arith.maximumf %max3A_46, %dot_general3A_56 : vector<512x64xf32>
    %min3A_64 = arith.minimumf %min3A_47, %dot_general3A_56 : vector<512x64xf32>
    %get3A_65 = arith.constant 0 : index
    %get3A_66 = arith.constant 4 : index
    %get3A_67 = arith.constant 0 : index
    %get3A_68 = vector.load %arg1[%get3A_65, %get3A_66, %get3A_67] : memref<512x20x128xf32, #tpu.memory_space<vmem>>, vector<512x1x64xf32>
    %get3A_69 = vector.shape_cast %get3A_68 : vector<512x1x64xf32> to vector<512x64xf32>
    %sub3A_70 = arith.subf %get3A_69, %get3A_1 : vector<512x64xf32>
    %concatenate3A_71 = tpu.concatenate %sub3A_70, %get3A_1 in 1 : vector<512x64xf32>, vector<512x64xf32> -> vector<512x128xf32>
    %dot_general3A_72 = arith.constant dense<0.000000e+00> : vector<512x64xf32>
    %dot_general3A_73 = tpu.matmul %concatenate3A_71, %get3A_4, %dot_general3A_72 {dimension_numbers = #tpu.dot_dimension_numbers<[1], [1], [0], [0], [0, 0, 1, 0], [], []>, transpose_lhs_hint = false} : vector<512x128xf32>, vector<64x128xf32>, vector<512x64xf32> -> vector<512x64xf32>
    %swap3A_74 = arith.constant 0 : index
    %swap3A_75 = arith.constant 4 : index
    %swap3A_76 = arith.constant 0 : index
    %swap3A_77 = vector.load %arg4[%swap3A_74, %swap3A_75, %swap3A_76] : memref<512x20x64xf32, #tpu.memory_space<vmem>>, vector<512x1x64xf32>
    %swap3A_78 = vector.shape_cast %swap3A_77 : vector<512x1x64xf32> to vector<512x64xf32>
    %swap3A_79 = vector.shape_cast %dot_general3A_73 : vector<512x64xf32> to vector<512x1x64xf32>
    tpu.vector_store %arg4[%swap3A_74, %swap3A_75, %swap3A_76], %swap3A_79 {strides = array<i32>} : memref<512x20x64xf32, #tpu.memory_space<vmem>>, vector<512x1x64xf32>,
    %max3A_80 = arith.maximumf %max3A_63, %dot_general3A_73 : vector<512x64xf32>
    %min3A_81 = arith.minimumf %min3A_64, %dot_general3A_73 : vector<512x64xf32>
    %get3A_82 = arith.constant 0 : index
    %get3A_83 = arith.constant 5 : index
    %get3A_84 = arith.constant 0 : index
    %get3A_85 = vector.load %arg1[%get3A_82, %get3A_83, %get3A_84] : memref<512x20x128xf32, #tpu.memory_space<vmem>>, vector<512x1x64xf32>
    %get3A_86 = vector.shape_cast %get3A_85 : vector<512x1x64xf32> to vector<512x64xf32>
    %sub3A_87 = arith.subf %get3A_86, %get3A_1 : vector<512x64xf32>
    %concatenate3A_88 = tpu.concatenate %sub3A_87, %get3A_1 in 1 : vector<512x64xf32>, vector<512x64xf32> -> vector<512x128xf32>
    %dot_general3A_89 = arith.constant dense<0.000000e+00> : vector<512x64xf32>
    %dot_general3A_90 = tpu.matmul %concatenate3A_88, %get3A_4, %dot_general3A_89 {dimension_numbers = #tpu.dot_dimension_numbers<[1], [1], [0], [0], [0, 0, 1, 0], [], []>, transpose_lhs_hint = false} : vector<512x128xf32>, vector<64x128xf32>, vector<512x64xf32> -> vector<512x64xf32>
    %swap3A_91 = arith.constant 0 : index
    %swap3A_92 = arith.constant 5 : index
    %swap3A_93 = arith.constant 0 : index
    %swap3A_94 = vector.load %arg4[%swap3A_91, %swap3A_92, %swap3A_93] : memref<512x20x64xf32, #tpu.memory_space<vmem>>, vector<512x1x64xf32>
    %swap3A_95 = vector.shape_cast %swap3A_94 : vector<512x1x64xf32> to vector<512x64xf32>
    %swap3A_96 = vector.shape_cast %dot_general3A_90 : vector<512x64xf32> to vector<512x1x64xf32>
    tpu.vector_store %arg4[%swap3A_91, %swap3A_92, %swap3A_93], %swap3A_96 {strides = array<i32>} : memref<512x20x64xf32, #tpu.memory_space<vmem>>, vector<512x1x64xf32>,
    %max3A_97 = arith.maximumf %max3A_80, %dot_general3A_90 : vector<512x64xf32>
    %min3A_98 = arith.minimumf %min3A_81, %dot_general3A_90 : vector<512x64xf32>
    %get3A_99 = arith.constant 0 : index
    %get3A_100 = arith.constant 6 : index
    %get3A_101 = arith.constant 0 : index
    %get3A_102 = vector.load %arg1[%get3A_99, %get3A_100, %get3A_101] : memref<512x20x128xf32, #tpu.memory_space<vmem>>, vector<512x1x64xf32>
    %get3A_103 = vector.shape_cast %get3A_102 : vector<512x1x64xf32> to vector<512x64xf32>
    %sub3A_104 = arith.subf %get3A_103, %get3A_1 : vector<512x64xf32>
    %concatenate3A_105 = tpu.concatenate %sub3A_104, %get3A_1 in 1 : vector<512x64xf32>, vector<512x64xf32> -> vector<512x128xf32>
    %dot_general3A_106 = arith.constant dense<0.000000e+00> : vector<512x64xf32>
    %dot_general3A_107 = tpu.matmul %concatenate3A_105, %get3A_4, %dot_general3A_106 {dimension_numbers = #tpu.dot_dimension_numbers<[1], [1], [0], [0], [0, 0, 1, 0], [], []>, transpose_lhs_hint = false} : vector<512x128xf32>, vector<64x128xf32>, vector<512x64xf32> -> vector<512x64xf32>
    %swap3A_108 = arith.constant 0 : index
    %swap3A_109 = arith.constant 6 : index
    %swap3A_110 = arith.constant 0 : index
    %swap3A_111 = vector.load %arg4[%swap3A_108, %swap3A_109, %swap3A_110] : memref<512x20x64xf32, #tpu.memory_space<vmem>>, vector<512x1x64xf32>
    %swap3A_112 = vector.shape_cast %swap3A_111 : vector<512x1x64xf32> to vector<512x64xf32>
    %swap3A_113 = vector.shape_cast %dot_general3A_107 : vector<512x64xf32> to vector<512x1x64xf32>
    tpu.vector_store %arg4[%swap3A_108, %swap3A_109, %swap3A_110], %swap3A_113 {strides = array<i32>} : memref<512x20x64xf32, #tpu.memory_space<vmem>>, vector<512x1x64xf32>,
    %max3A_114 = arith.maximumf %max3A_97, %dot_general3A_107 : vector<512x64xf32>
    %min3A_115 = arith.minimumf %min3A_98, %dot_general3A_107 : vector<512x64xf32>
    %get3A_116 = arith.constant 0 : index
    %get3A_117 = arith.constant 7 : index
    %get3A_118 = arith.constant 0 : index
    %get3A_119 = vector.load %arg1[%get3A_116, %get3A_117, %get3A_118] : memref<512x20x128xf32, #tpu.memory_space<vmem>>, vector<512x1x64xf32>
    %get3A_120 = vector.shape_cast %get3A_119 : vector<512x1x64xf32> to vector<512x64xf32>
    %sub3A_121 = arith.subf %get3A_120, %get3A_1 : vector<512x64xf32>
    %concatenate3A_122 = tpu.concatenate %sub3A_121, %get3A_1 in 1 : vector<512x64xf32>, vector<512x64xf32> -> vector<512x128xf32>
    %dot_general3A_123 = arith.constant dense<0.000000e+00> : vector<512x64xf32>
    %dot_general3A_124 = tpu.matmul %concatenate3A_122, %get3A_4, %dot_general3A_123 {dimension_numbers = #tpu.dot_dimension_numbers<[1], [1], [0], [0], [0, 0, 1, 0], [], []>, transpose_lhs_hint = false} : vector<512x128xf32>, vector<64x128xf32>, vector<512x64xf32> -> vector<512x64xf32>
    %swap3A_125 = arith.constant 0 : index
    %swap3A_126 = arith.constant 7 : index
    %swap3A_127 = arith.constant 0 : index
    %swap3A_128 = vector.load %arg4[%swap3A_125, %swap3A_126, %swap3A_127] : memref<512x20x64xf32, #tpu.memory_space<vmem>>, vector<512x1x64xf32>
    %swap3A_129 = vector.shape_cast %swap3A_128 : vector<512x1x64xf32> to vector<512x64xf32>
    %swap3A_130 = vector.shape_cast %dot_general3A_124 : vector<512x64xf32> to vector<512x1x64xf32>
    tpu.vector_store %arg4[%swap3A_125, %swap3A_126, %swap3A_127], %swap3A_130 {strides = array<i32>} : memref<512x20x64xf32, #tpu.memory_space<vmem>>, vector<512x1x64xf32>,
    %max3A_131 = arith.maximumf %max3A_114, %dot_general3A_124 : vector<512x64xf32>
    %min3A_132 = arith.minimumf %min3A_115, %dot_general3A_124 : vector<512x64xf32>
    %get3A_133 = arith.constant 0 : index
    %get3A_134 = arith.constant 8 : index
    %get3A_135 = arith.constant 0 : index
    %get3A_136 = vector.load %arg1[%get3A_133, %get3A_134, %get3A_135] : memref<512x20x128xf32, #tpu.memory_space<vmem>>, vector<512x1x64xf32>
    %get3A_137 = vector.shape_cast %get3A_136 : vector<512x1x64xf32> to vector<512x64xf32>
    %sub3A_138 = arith.subf %get3A_137, %get3A_1 : vector<512x64xf32>
    %concatenate3A_139 = tpu.concatenate %sub3A_138, %get3A_1 in 1 : vector<512x64xf32>, vector<512x64xf32> -> vector<512x128xf32>
    %dot_general3A_140 = arith.constant dense<0.000000e+00> : vector<512x64xf32>
    %dot_general3A_141 = tpu.matmul %concatenate3A_139, %get3A_4, %dot_general3A_140 {dimension_numbers = #tpu.dot_dimension_numbers<[1], [1], [0], [0], [0, 0, 1, 0], [], []>, transpose_lhs_hint = false} : vector<512x128xf32>, vector<64x128xf32>, vector<512x64xf32> -> vector<512x64xf32>
    %swap3A_142 = arith.constant 0 : index
    %swap3A_143 = arith.constant 8 : index
    %swap3A_144 = arith.constant 0 : index
    %swap3A_145 = vector.load %arg4[%swap3A_142, %swap3A_143, %swap3A_144] : memref<512x20x64xf32, #tpu.memory_space<vmem>>, vector<512x1x64xf32>
    %swap3A_146 = vector.shape_cast %swap3A_145 : vector<512x1x64xf32> to vector<512x64xf32>
    %swap3A_147 = vector.shape_cast %dot_general3A_141 : vector<512x64xf32> to vector<512x1x64xf32>
    tpu.vector_store %arg4[%swap3A_142, %swap3A_143, %swap3A_144], %swap3A_147 {strides = array<i32>} : memref<512x20x64xf32, #tpu.memory_space<vmem>>, vector<512x1x64xf32>,
    %max3A_148 = arith.maximumf %max3A_131, %dot_general3A_141 : vector<512x64xf32>
    %min3A_149 = arith.minimumf %min3A_132, %dot_general3A_141 : vector<512x64xf32>
    %get3A_150 = arith.constant 0 : index
    %get3A_151 = arith.constant 9 : index
    %get3A_152 = arith.constant 0 : index
    %get3A_153 = vector.load %arg1[%get3A_150, %get3A_151, %get3A_152] : memref<512x20x128xf32, #tpu.memory_space<vmem>>, vector<512x1x64xf32>
    %get3A_154 = vector.shape_cast %get3A_153 : vector<512x1x64xf32> to vector<512x64xf32>
    %sub3A_155 = arith.subf %get3A_154, %get3A_1 : vector<512x64xf32>
    %concatenate3A_156 = tpu.concatenate %sub3A_155, %get3A_1 in 1 : vector<512x64xf32>, vector<512x64xf32> -> vector<512x128xf32>
    %dot_general3A_157 = arith.constant dense<0.000000e+00> : vector<512x64xf32>
    %dot_general3A_158 = tpu.matmul %concatenate3A_156, %get3A_4, %dot_general3A_157 {dimension_numbers = #tpu.dot_dimension_numbers<[1], [1], [0], [0], [0, 0, 1, 0], [], []>, transpose_lhs_hint = false} : vector<512x128xf32>, vector<64x128xf32>, vector<512x64xf32> -> vector<512x64xf32>
    %swap3A_159 = arith.constant 0 : index
    %swap3A_160 = arith.constant 9 : index
    %swap3A_161 = arith.constant 0 : index
    %swap3A_162 = vector.load %arg4[%swap3A_159, %swap3A_160, %swap3A_161] : memref<512x20x64xf32, #tpu.memory_space<vmem>>, vector<512x1x64xf32>
    %swap3A_163 = vector.shape_cast %swap3A_162 : vector<512x1x64xf32> to vector<512x64xf32>
    %swap3A_164 = vector.shape_cast %dot_general3A_158 : vector<512x64xf32> to vector<512x1x64xf32>
    tpu.vector_store %arg4[%swap3A_159, %swap3A_160, %swap3A_161], %swap3A_164 {strides = array<i32>} : memref<512x20x64xf32, #tpu.memory_space<vmem>>, vector<512x1x64xf32>,
    %max3A_165 = arith.maximumf %max3A_148, %dot_general3A_158 : vector<512x64xf32>
    %min3A_166 = arith.minimumf %min3A_149, %dot_general3A_158 : vector<512x64xf32>
    %get3A_167 = arith.constant 0 : index
    %get3A_168 = arith.constant 10 : index
    %get3A_169 = arith.constant 0 : index
    %get3A_170 = vector.load %arg1[%get3A_167, %get3A_168, %get3A_169] : memref<512x20x128xf32, #tpu.memory_space<vmem>>, vector<512x1x64xf32>
    %get3A_171 = vector.shape_cast %get3A_170 : vector<512x1x64xf32> to vector<512x64xf32>
    %sub3A_172 = arith.subf %get3A_171, %get3A_1 : vector<512x64xf32>
    %concatenate3A_173 = tpu.concatenate %sub3A_172, %get3A_1 in 1 : vector<512x64xf32>, vector<512x64xf32> -> vector<512x128xf32>
    %dot_general3A_174 = arith.constant dense<0.000000e+00> : vector<512x64xf32>
    %dot_general3A_175 = tpu.matmul %concatenate3A_173, %get3A_4, %dot_general3A_174 {dimension_numbers = #tpu.dot_dimension_numbers<[1], [1], [0], [0], [0, 0, 1, 0], [], []>, transpose_lhs_hint = false} : vector<512x128xf32>, vector<64x128xf32>, vector<512x64xf32> -> vector<512x64xf32>
    %swap3A_176 = arith.constant 0 : index
    %swap3A_177 = arith.constant 10 : index
    %swap3A_178 = arith.constant 0 : index
    %swap3A_179 = vector.load %arg4[%swap3A_176, %swap3A_177, %swap3A_178] : memref<512x20x64xf32, #tpu.memory_space<vmem>>, vector<512x1x64xf32>
    %swap3A_180 = vector.shape_cast %swap3A_179 : vector<512x1x64xf32> to vector<512x64xf32>
    %swap3A_181 = vector.shape_cast %dot_general3A_175 : vector<512x64xf32> to vector<512x1x64xf32>
    tpu.vector_store %arg4[%swap3A_176, %swap3A_177, %swap3A_178], %swap3A_181 {strides = array<i32>} : memref<512x20x64xf32, #tpu.memory_space<vmem>>, vector<512x1x64xf32>,
    %max3A_182 = arith.maximumf %max3A_165, %dot_general3A_175 : vector<512x64xf32>
    %min3A_183 = arith.minimumf %min3A_166, %dot_general3A_175 : vector<512x64xf32>
    %get3A_184 = arith.constant 0 : index
    %get3A_185 = arith.constant 11 : index
    %get3A_186 = arith.constant 0 : index
    %get3A_187 = vector.load %arg1[%get3A_184, %get3A_185, %get3A_186] : memref<512x20x128xf32, #tpu.memory_space<vmem>>, vector<512x1x64xf32>
    %get3A_188 = vector.shape_cast %get3A_187 : vector<512x1x64xf32> to vector<512x64xf32>
    %sub3A_189 = arith.subf %get3A_188, %get3A_1 : vector<512x64xf32>
    %concatenate3A_190 = tpu.concatenate %sub3A_189, %get3A_1 in 1 : vector<512x64xf32>, vector<512x64xf32> -> vector<512x128xf32>
    %dot_general3A_191 = arith.constant dense<0.000000e+00> : vector<512x64xf32>
    %dot_general3A_192 = tpu.matmul %concatenate3A_190, %get3A_4, %dot_general3A_191 {dimension_numbers = #tpu.dot_dimension_numbers<[1], [1], [0], [0], [0, 0, 1, 0], [], []>, transpose_lhs_hint = false} : vector<512x128xf32>, vector<64x128xf32>, vector<512x64xf32> -> vector<512x64xf32>
    %swap3A_193 = arith.constant 0 : index
    %swap3A_194 = arith.constant 11 : index
    %swap3A_195 = arith.constant 0 : index
    %swap3A_196 = vector.load %arg4[%swap3A_193, %swap3A_194, %swap3A_195] : memref<512x20x64xf32, #tpu.memory_space<vmem>>, vector<512x1x64xf32>
    %swap3A_197 = vector.shape_cast %swap3A_196 : vector<512x1x64xf32> to vector<512x64xf32>
    %swap3A_198 = vector.shape_cast %dot_general3A_192 : vector<512x64xf32> to vector<512x1x64xf32>
    tpu.vector_store %arg4[%swap3A_193, %swap3A_194, %swap3A_195], %swap3A_198 {strides = array<i32>} : memref<512x20x64xf32, #tpu.memory_space<vmem>>, vector<512x1x64xf32>,
    %max3A_199 = arith.maximumf %max3A_182, %dot_general3A_192 : vector<512x64xf32>
    %min3A_200 = arith.minimumf %min3A_183, %dot_general3A_192 : vector<512x64xf32>
    %get3A_201 = arith.constant 0 : index
    %get3A_202 = arith.constant 12 : index
    %get3A_203 = arith.constant 0 : index
    %get3A_204 = vector.load %arg1[%get3A_201, %get3A_202, %get3A_203] : memref<512x20x128xf32, #tpu.memory_space<vmem>>, vector<512x1x64xf32>
    %get3A_205 = vector.shape_cast %get3A_204 : vector<512x1x64xf32> to vector<512x64xf32>
    %sub3A_206 = arith.subf %get3A_205, %get3A_1 : vector<512x64xf32>
    %concatenate3A_207 = tpu.concatenate %sub3A_206, %get3A_1 in 1 : vector<512x64xf32>, vector<512x64xf32> -> vector<512x128xf32>
    %dot_general3A_208 = arith.constant dense<0.000000e+00> : vector<512x64xf32>
    %dot_general3A_209 = tpu.matmul %concatenate3A_207, %get3A_4, %dot_general3A_208 {dimension_numbers = #tpu.dot_dimension_numbers<[1], [1], [0], [0], [0, 0, 1, 0], [], []>, transpose_lhs_hint = false} : vector<512x128xf32>, vector<64x128xf32>, vector<512x64xf32> -> vector<512x64xf32>
    %swap3A_210 = arith.constant 0 : index
    %swap3A_211 = arith.constant 12 : index
    %swap3A_212 = arith.constant 0 : index
    %swap3A_213 = vector.load %arg4[%swap3A_210, %swap3A_211, %swap3A_212] : memref<512x20x64xf32, #tpu.memory_space<vmem>>, vector<512x1x64xf32>
    %swap3A_214 = vector.shape_cast %swap3A_213 : vector<512x1x64xf32> to vector<512x64xf32>
    %swap3A_215 = vector.shape_cast %dot_general3A_209 : vector<512x64xf32> to vector<512x1x64xf32>
    tpu.vector_store %arg4[%swap3A_210, %swap3A_211, %swap3A_212], %swap3A_215 {strides = array<i32>} : memref<512x20x64xf32, #tpu.memory_space<vmem>>, vector<512x1x64xf32>,
    %max3A_216 = arith.maximumf %max3A_199, %dot_general3A_209 : vector<512x64xf32>
    %min3A_217 = arith.minimumf %min3A_200, %dot_general3A_209 : vector<512x64xf32>
    %get3A_218 = arith.constant 0 : index
    %get3A_219 = arith.constant 13 : index
    %get3A_220 = arith.constant 0 : index
    %get3A_221 = vector.load %arg1[%get3A_218, %get3A_219, %get3A_220] : memref<512x20x128xf32, #tpu.memory_space<vmem>>, vector<512x1x64xf32>
    %get3A_222 = vector.shape_cast %get3A_221 : vector<512x1x64xf32> to vector<512x64xf32>
    %sub3A_223 = arith.subf %get3A_222, %get3A_1 : vector<512x64xf32>
    %concatenate3A_224 = tpu.concatenate %sub3A_223, %get3A_1 in 1 : vector<512x64xf32>, vector<512x64xf32> -> vector<512x128xf32>
    %dot_general3A_225 = arith.constant dense<0.000000e+00> : vector<512x64xf32>
    %dot_general3A_226 = tpu.matmul %concatenate3A_224, %get3A_4, %dot_general3A_225 {dimension_numbers = #tpu.dot_dimension_numbers<[1], [1], [0], [0], [0, 0, 1, 0], [], []>, transpose_lhs_hint = false} : vector<512x128xf32>, vector<64x128xf32>, vector<512x64xf32> -> vector<512x64xf32>
    %swap3A_227 = arith.constant 0 : index
    %swap3A_228 = arith.constant 13 : index
    %swap3A_229 = arith.constant 0 : index
    %swap3A_230 = vector.load %arg4[%swap3A_227, %swap3A_228, %swap3A_229] : memref<512x20x64xf32, #tpu.memory_space<vmem>>, vector<512x1x64xf32>
    %swap3A_231 = vector.shape_cast %swap3A_230 : vector<512x1x64xf32> to vector<512x64xf32>
    %swap3A_232 = vector.shape_cast %dot_general3A_226 : vector<512x64xf32> to vector<512x1x64xf32>
    tpu.vector_store %arg4[%swap3A_227, %swap3A_228, %swap3A_229], %swap3A_232 {strides = array<i32>} : memref<512x20x64xf32, #tpu.memory_space<vmem>>, vector<512x1x64xf32>,
    %max3A_233 = arith.maximumf %max3A_216, %dot_general3A_226 : vector<512x64xf32>
    %min3A_234 = arith.minimumf %min3A_217, %dot_general3A_226 : vector<512x64xf32>
    %get3A_235 = arith.constant 0 : index
    %get3A_236 = arith.constant 14 : index
    %get3A_237 = arith.constant 0 : index
    %get3A_238 = vector.load %arg1[%get3A_235, %get3A_236, %get3A_237] : memref<512x20x128xf32, #tpu.memory_space<vmem>>, vector<512x1x64xf32>
    %get3A_239 = vector.shape_cast %get3A_238 : vector<512x1x64xf32> to vector<512x64xf32>
    %sub3A_240 = arith.subf %get3A_239, %get3A_1 : vector<512x64xf32>
    %concatenate3A_241 = tpu.concatenate %sub3A_240, %get3A_1 in 1 : vector<512x64xf32>, vector<512x64xf32> -> vector<512x128xf32>
    %dot_general3A_242 = arith.constant dense<0.000000e+00> : vector<512x64xf32>
    %dot_general3A_243 = tpu.matmul %concatenate3A_241, %get3A_4, %dot_general3A_242 {dimension_numbers = #tpu.dot_dimension_numbers<[1], [1], [0], [0], [0, 0, 1, 0], [], []>, transpose_lhs_hint = false} : vector<512x128xf32>, vector<64x128xf32>, vector<512x64xf32> -> vector<512x64xf32>
    %swap3A_244 = arith.constant 0 : index
    %swap3A_245 = arith.constant 14 : index
    %swap3A_246 = arith.constant 0 : index
    %swap3A_247 = vector.load %arg4[%swap3A_244, %swap3A_245, %swap3A_246] : memref<512x20x64xf32, #tpu.memory_space<vmem>>, vector<512x1x64xf32>
    %swap3A_248 = vector.shape_cast %swap3A_247 : vector<512x1x64xf32> to vector<512x64xf32>
    %swap3A_249 = vector.shape_cast %dot_general3A_243 : vector<512x64xf32> to vector<512x1x64xf32>
    tpu.vector_store %arg4[%swap3A_244, %swap3A_245, %swap3A_246], %swap3A_249 {strides = array<i32>} : memref<512x20x64xf32, #tpu.memory_space<vmem>>, vector<512x1x64xf32>,
    %max3A_250 = arith.maximumf %max3A_233, %dot_general3A_243 : vector<512x64xf32>
    %min3A_251 = arith.minimumf %min3A_234, %dot_general3A_243 : vector<512x64xf32>
    %get3A_252 = arith.constant 0 : index
    %get3A_253 = arith.constant 15 : index
    %get3A_254 = arith.constant 0 : index
    %get3A_255 = vector.load %arg1[%get3A_252, %get3A_253, %get3A_254] : memref<512x20x128xf32, #tpu.memory_space<vmem>>, vector<512x1x64xf32>
    %get3A_256 = vector.shape_cast %get3A_255 : vector<512x1x64xf32> to vector<512x64xf32>
    %sub3A_257 = arith.subf %get3A_256, %get3A_1 : vector<512x64xf32>
    %concatenate3A_258 = tpu.concatenate %sub3A_257, %get3A_1 in 1 : vector<512x64xf32>, vector<512x64xf32> -> vector<512x128xf32>
    %dot_general3A_259 = arith.constant dense<0.000000e+00> : vector<512x64xf32>
    %dot_general3A_260 = tpu.matmul %concatenate3A_258, %get3A_4, %dot_general3A_259 {dimension_numbers = #tpu.dot_dimension_numbers<[1], [1], [0], [0], [0, 0, 1, 0], [], []>, transpose_lhs_hint = false} : vector<512x128xf32>, vector<64x128xf32>, vector<512x64xf32> -> vector<512x64xf32>
    %swap3A_261 = arith.constant 0 : index
    %swap3A_262 = arith.constant 15 : index
    %swap3A_263 = arith.constant 0 : index
    %swap3A_264 = vector.load %arg4[%swap3A_261, %swap3A_262, %swap3A_263] : memref<512x20x64xf32, #tpu.memory_space<vmem>>, vector<512x1x64xf32>
    %swap3A_265 = vector.shape_cast %swap3A_264 : vector<512x1x64xf32> to vector<512x64xf32>
    %swap3A_266 = vector.shape_cast %dot_general3A_260 : vector<512x64xf32> to vector<512x1x64xf32>
    tpu.vector_store %arg4[%swap3A_261, %swap3A_262, %swap3A_263], %swap3A_266 {strides = array<i32>} : memref<512x20x64xf32, #tpu.memory_space<vmem>>, vector<512x1x64xf32>,
    %max3A_267 = arith.maximumf %max3A_250, %dot_general3A_260 : vector<512x64xf32>
    %min3A_268 = arith.minimumf %min3A_251, %dot_general3A_260 : vector<512x64xf32>
    %get3A_269 = arith.constant 0 : index
    %get3A_270 = arith.constant 16 : index
    %get3A_271 = arith.constant 0 : index
    %get3A_272 = vector.load %arg1[%get3A_269, %get3A_270, %get3A_271] : memref<512x20x128xf32, #tpu.memory_space<vmem>>, vector<512x1x64xf32>
    %get3A_273 = vector.shape_cast %get3A_272 : vector<512x1x64xf32> to vector<512x64xf32>
    %sub3A_274 = arith.subf %get3A_273, %get3A_1 : vector<512x64xf32>
    %concatenate3A_275 = tpu.concatenate %sub3A_274, %get3A_1 in 1 : vector<512x64xf32>, vector<512x64xf32> -> vector<512x128xf32>
    %dot_general3A_276 = arith.constant dense<0.000000e+00> : vector<512x64xf32>
    %dot_general3A_277 = tpu.matmul %concatenate3A_275, %get3A_4, %dot_general3A_276 {dimension_numbers = #tpu.dot_dimension_numbers<[1], [1], [0], [0], [0, 0, 1, 0], [], []>, transpose_lhs_hint = false} : vector<512x128xf32>, vector<64x128xf32>, vector<512x64xf32> -> vector<512x64xf32>
    %swap3A_278 = arith.constant 0 : index
    %swap3A_279 = arith.constant 16 : index
    %swap3A_280 = arith.constant 0 : index
    %swap3A_281 = vector.load %arg4[%swap3A_278, %swap3A_279, %swap3A_280] : memref<512x20x64xf32, #tpu.memory_space<vmem>>, vector<512x1x64xf32>
    %swap3A_282 = vector.shape_cast %swap3A_281 : vector<512x1x64xf32> to vector<512x64xf32>
    %swap3A_283 = vector.shape_cast %dot_general3A_277 : vector<512x64xf32> to vector<512x1x64xf32>
    tpu.vector_store %arg4[%swap3A_278, %swap3A_279, %swap3A_280], %swap3A_283 {strides = array<i32>} : memref<512x20x64xf32, #tpu.memory_space<vmem>>, vector<512x1x64xf32>,
    %max3A_284 = arith.maximumf %max3A_267, %dot_general3A_277 : vector<512x64xf32>
    %min3A_285 = arith.minimumf %min3A_268, %dot_general3A_277 : vector<512x64xf32>
    %get3A_286 = arith.constant 0 : index
    %get3A_287 = arith.constant 17 : index
    %get3A_288 = arith.constant 0 : index
    %get3A_289 = vector.load %arg1[%get3A_286, %get3A_287, %get3A_288] : memref<512x20x128xf32, #tpu.memory_space<vmem>>, vector<512x1x64xf32>
    %get3A_290 = vector.shape_cast %get3A_289 : vector<512x1x64xf32> to vector<512x64xf32>
    %sub3A_291 = arith.subf %get3A_290, %get3A_1 : vector<512x64xf32>
    %concatenate3A_292 = tpu.concatenate %sub3A_291, %get3A_1 in 1 : vector<512x64xf32>, vector<512x64xf32> -> vector<512x128xf32>
    %dot_general3A_293 = arith.constant dense<0.000000e+00> : vector<512x64xf32>
    %dot_general3A_294 = tpu.matmul %concatenate3A_292, %get3A_4, %dot_general3A_293 {dimension_numbers = #tpu.dot_dimension_numbers<[1], [1], [0], [0], [0, 0, 1, 0], [], []>, transpose_lhs_hint = false} : vector<512x128xf32>, vector<64x128xf32>, vector<512x64xf32> -> vector<512x64xf32>
    %swap3A_295 = arith.constant 0 : index
    %swap3A_296 = arith.constant 17 : index
    %swap3A_297 = arith.constant 0 : index
    %swap3A_298 = vector.load %arg4[%swap3A_295, %swap3A_296, %swap3A_297] : memref<512x20x64xf32, #tpu.memory_space<vmem>>, vector<512x1x64xf32>
    %swap3A_299 = vector.shape_cast %swap3A_298 : vector<512x1x64xf32> to vector<512x64xf32>
    %swap3A_300 = vector.shape_cast %dot_general3A_294 : vector<512x64xf32> to vector<512x1x64xf32>
    tpu.vector_store %arg4[%swap3A_295, %swap3A_296, %swap3A_297], %swap3A_300 {strides = array<i32>} : memref<512x20x64xf32, #tpu.memory_space<vmem>>, vector<512x1x64xf32>,
    %max3A_301 = arith.maximumf %max3A_284, %dot_general3A_294 : vector<512x64xf32>
    %min3A_302 = arith.minimumf %min3A_285, %dot_general3A_294 : vector<512x64xf32>
    %get3A_303 = arith.constant 0 : index
    %get3A_304 = arith.constant 18 : index
    %get3A_305 = arith.constant 0 : index
    %get3A_306 = vector.load %arg1[%get3A_303, %get3A_304, %get3A_305] : memref<512x20x128xf32, #tpu.memory_space<vmem>>, vector<512x1x64xf32>
    %get3A_307 = vector.shape_cast %get3A_306 : vector<512x1x64xf32> to vector<512x64xf32>
    %sub3A_308 = arith.subf %get3A_307, %get3A_1 : vector<512x64xf32>
    %concatenate3A_309 = tpu.concatenate %sub3A_308, %get3A_1 in 1 : vector<512x64xf32>, vector<512x64xf32> -> vector<512x128xf32>
    %dot_general3A_310 = arith.constant dense<0.000000e+00> : vector<512x64xf32>
    %dot_general3A_311 = tpu.matmul %concatenate3A_309, %get3A_4, %dot_general3A_310 {dimension_numbers = #tpu.dot_dimension_numbers<[1], [1], [0], [0], [0, 0, 1, 0], [], []>, transpose_lhs_hint = false} : vector<512x128xf32>, vector<64x128xf32>, vector<512x64xf32> -> vector<512x64xf32>
    %swap3A_312 = arith.constant 0 : index
    %swap3A_313 = arith.constant 18 : index
    %swap3A_314 = arith.constant 0 : index
    %swap3A_315 = vector.load %arg4[%swap3A_312, %swap3A_313, %swap3A_314] : memref<512x20x64xf32, #tpu.memory_space<vmem>>, vector<512x1x64xf32>
    %swap3A_316 = vector.shape_cast %swap3A_315 : vector<512x1x64xf32> to vector<512x64xf32>
    %swap3A_317 = vector.shape_cast %dot_general3A_311 : vector<512x64xf32> to vector<512x1x64xf32>
    tpu.vector_store %arg4[%swap3A_312, %swap3A_313, %swap3A_314], %swap3A_317 {strides = array<i32>} : memref<512x20x64xf32, #tpu.memory_space<vmem>>, vector<512x1x64xf32>,
    %max3A_318 = arith.maximumf %max3A_301, %dot_general3A_311 : vector<512x64xf32>
    %min3A_319 = arith.minimumf %min3A_302, %dot_general3A_311 : vector<512x64xf32>
    %get3A_320 = arith.constant 0 : index
    %get3A_321 = arith.constant 19 : index
    %get3A_322 = arith.constant 0 : index
    %get3A_323 = vector.load %arg1[%get3A_320, %get3A_321, %get3A_322] : memref<512x20x128xf32, #tpu.memory_space<vmem>>, vector<512x1x64xf32>
    %get3A_324 = vector.shape_cast %get3A_323 : vector<512x1x64xf32> to vector<512x64xf32>
    %sub3A_325 = arith.subf %get3A_324, %get3A_1 : vector<512x64xf32>
    %concatenate3A_326 = tpu.concatenate %sub3A_325, %get3A_1 in 1 : vector<512x64xf32>, vector<512x64xf32> -> vector<512x128xf32>
    %dot_general3A_327 = arith.constant dense<0.000000e+00> : vector<512x64xf32>
    %dot_general3A_328 = tpu.matmul %concatenate3A_326, %get3A_4, %dot_general3A_327 {dimension_numbers = #tpu.dot_dimension_numbers<[1], [1], [0], [0], [0, 0, 1, 0], [], []>, transpose_lhs_hint = false} : vector<512x128xf32>, vector<64x128xf32>, vector<512x64xf32> -> vector<512x64xf32>
    %swap3A_329 = arith.constant 0 : index
    %swap3A_330 = arith.constant 19 : index
    %swap3A_331 = arith.constant 0 : index
    %swap3A_332 = vector.load %arg4[%swap3A_329, %swap3A_330, %swap3A_331] : memref<512x20x64xf32, #tpu.memory_space<vmem>>, vector<512x1x64xf32>
    %swap3A_333 = vector.shape_cast %swap3A_332 : vector<512x1x64xf32> to vector<512x64xf32>
    %swap3A_334 = vector.shape_cast %dot_general3A_328 : vector<512x64xf32> to vector<512x1x64xf32>
    tpu.vector_store %arg4[%swap3A_329, %swap3A_330, %swap3A_331], %swap3A_334 {strides = array<i32>} : memref<512x20x64xf32, #tpu.memory_space<vmem>>, vector<512x1x64xf32>,
    %max3A_335 = arith.maximumf %max3A_318, %dot_general3A_328 : vector<512x64xf32>
    %min3A_336 = arith.minimumf %min3A_319, %dot_general3A_328 : vector<512x64xf32>
    %swap3A_337 = arith.constant 0 : index
    %swap3A_338 = arith.constant 0 : index
    %swap3A_339 = vector.load %arg5[%swap3A_337, %swap3A_338] : memref<512x64xf32, #tpu.memory_space<vmem>>, vector<512x64xf32>
    tpu.vector_store %arg5[%swap3A_337, %swap3A_338], %max3A_335 {strides = array<i32>} : memref<512x64xf32, #tpu.memory_space<vmem>>, vector<512x64xf32>,
    %swap3A_340 = arith.constant 0 : index
    %swap3A_341 = arith.constant 0 : index
    %swap3A_342 = vector.load %arg6[%swap3A_340, %swap3A_341] : memref<512x64xf32, #tpu.memory_space<vmem>>, vector<512x64xf32>
    tpu.vector_store %arg6[%swap3A_340, %swap3A_341], %min3A_336 {strides = array<i32>} : memref<512x64xf32, #tpu.memory_space<vmem>>, vector<512x64xf32>,
    return
  }
  func.func @transform_0(%arg0: i32) -> (i32, i32, i32) {
    %c0_i32 = arith.constant 0 : i32
    %c0_i32_0 = arith.constant 0 : i32
    %c0_i32_1 = arith.constant 0 : i32
    return %arg0, %c0_i32, %c0_i32_0 : i32, i32, i32
  }
  func.func @transform_1(%arg0: i32) -> (i32, i32) {
    %c0_i32 = arith.constant 0 : i32
    %c0_i32_0 = arith.constant 0 : i32
    return %arg0, %c0_i32 : i32, i32
  }
  func.func @transform_2(%arg0: i32) -> (i32, i32) {
    %c0_i32 = arith.constant 0 : i32
    %c0_i32_0 = arith.constant 0 : i32
    %c0_i32_1 = arith.constant 0 : i32
    return %c0_i32, %c0_i32_0 : i32, i32
  }
  func.func @transform_3(%arg0: i32) -> (i32, i32, i32) {
    %c0_i32 = arith.constant 0 : i32
    %c0_i32_0 = arith.constant 0 : i32
    %c0_i32_1 = arith.constant 0 : i32
    return %arg0, %c0_i32, %c0_i32_0 : i32, i32, i32
  }
  func.func @transform_4(%arg0: i32) -> (i32, i32) {
    %c0_i32 = arith.constant 0 : i32
    %c0_i32_0 = arith.constant 0 : i32
    return %arg0, %c0_i32 : i32, i32
  }
  func.func @transform_5(%arg0: i32) -> (i32, i32) {
    %c0_i32 = arith.constant 0 : i32
    %c0_i32_0 = arith.constant 0 : i32
    return %arg0, %c0_i32 : i32, i32
  }
}

module attributes {stable_mosaic.version = 14 : i64} {
  func.func @_conv3_body(%arg0: i32, %arg1: memref<512x20x128xf32, #tpu.memory_space<vmem>>, %arg2: memref<512x64xf32, #tpu.memory_space<vmem>>, %arg3: memref<128x128xf32, #tpu.memory_space<vmem>>, %arg4: memref<512x20x128xf32, #tpu.memory_space<vmem>>, %arg5: memref<512x128xf32, #tpu.memory_space<vmem>>, %arg6: memref<512x128xf32, #tpu.memory_space<vmem>>) attributes {dimension_semantics = [#tpu.dimension_semantics<arbitrary>], iteration_bounds = array<i64: 16>, scalar_prefetch = 0 : i64, scratch_operands = 0 : i64, tpu.core_type = #tpu.core_type<tc>, window_params = [{transform_indices = @transform_0, window_bounds = array<i64: 512, 20, 128>}, {transform_indices = @transform_1, window_bounds = array<i64: 512, 64>}, {pipeline_mode = #tpu.pipeline_mode<synchronous>, transform_indices = @transform_2, window_bounds = array<i64: 128, 128>}, {transform_indices = @transform_3, window_bounds = array<i64: 512, 20, 128>}, {transform_indices = @transform_4, window_bounds = array<i64: 512, 128>}, {transform_indices = @transform_5, window_bounds = array<i64: 512, 128>}]} {
    %get3A = arith.constant 0 : index
    %get3A_0 = arith.constant 0 : index
    %get3A_1 = vector.load %arg2[%get3A, %get3A_0] : memref<512x64xf32, #tpu.memory_space<vmem>>, vector<512x64xf32>
    %get3A_2 = arith.constant 0 : index
    %get3A_3 = arith.constant 0 : index
    %get3A_4 = vector.load %arg3[%get3A_2, %get3A_3] : memref<128x128xf32, #tpu.memory_space<vmem>>, vector<128x128xf32>
    %get3A_5 = arith.constant 0 : index
    %get3A_6 = arith.constant 0 : index
    %get3A_7 = arith.constant 0 : index
    %get3A_8 = vector.load %arg1[%get3A_5, %get3A_6, %get3A_7] : memref<512x20x128xf32, #tpu.memory_space<vmem>>, vector<512x1x64xf32>
    %get3A_9 = vector.shape_cast %get3A_8 : vector<512x1x64xf32> to vector<512x64xf32>
    %sub3A = arith.subf %get3A_9, %get3A_1 : vector<512x64xf32>
    %concatenate3A = tpu.concatenate %sub3A, %get3A_1 in 1 : vector<512x64xf32>, vector<512x64xf32> -> vector<512x128xf32>
    %dot_general3A = arith.constant dense<0.000000e+00> : vector<512x128xf32>
    %dot_general3A_10 = tpu.matmul %concatenate3A, %get3A_4, %dot_general3A {dimension_numbers = #tpu.dot_dimension_numbers<[1], [1], [0], [0], [0, 0, 1, 0], [], []>, transpose_lhs_hint = false} : vector<512x128xf32>, vector<128x128xf32>, vector<512x128xf32> -> vector<512x128xf32>
    %swap3A = arith.constant 0 : index
    %swap3A_11 = arith.constant 0 : index
    %swap3A_12 = arith.constant 0 : index
    %swap3A_13 = vector.load %arg4[%swap3A, %swap3A_11, %swap3A_12] : memref<512x20x128xf32, #tpu.memory_space<vmem>>, vector<512x1x128xf32>
    %swap3A_14 = vector.shape_cast %swap3A_13 : vector<512x1x128xf32> to vector<512x128xf32>
    %swap3A_15 = vector.shape_cast %dot_general3A_10 : vector<512x128xf32> to vector<512x1x128xf32>
    tpu.vector_store %arg4[%swap3A, %swap3A_11, %swap3A_12], %swap3A_15 {strides = array<i32>} : memref<512x20x128xf32, #tpu.memory_space<vmem>>, vector<512x1x128xf32>,
    %get3A_16 = arith.constant 0 : index
    %get3A_17 = arith.constant 1 : index
    %get3A_18 = arith.constant 0 : index
    %get3A_19 = vector.load %arg1[%get3A_16, %get3A_17, %get3A_18] : memref<512x20x128xf32, #tpu.memory_space<vmem>>, vector<512x1x64xf32>
    %get3A_20 = vector.shape_cast %get3A_19 : vector<512x1x64xf32> to vector<512x64xf32>
    %sub3A_21 = arith.subf %get3A_20, %get3A_1 : vector<512x64xf32>
    %concatenate3A_22 = tpu.concatenate %sub3A_21, %get3A_1 in 1 : vector<512x64xf32>, vector<512x64xf32> -> vector<512x128xf32>
    %dot_general3A_23 = arith.constant dense<0.000000e+00> : vector<512x128xf32>
    %dot_general3A_24 = tpu.matmul %concatenate3A_22, %get3A_4, %dot_general3A_23 {dimension_numbers = #tpu.dot_dimension_numbers<[1], [1], [0], [0], [0, 0, 1, 0], [], []>, transpose_lhs_hint = false} : vector<512x128xf32>, vector<128x128xf32>, vector<512x128xf32> -> vector<512x128xf32>
    %swap3A_25 = arith.constant 0 : index
    %swap3A_26 = arith.constant 1 : index
    %swap3A_27 = arith.constant 0 : index
    %swap3A_28 = vector.load %arg4[%swap3A_25, %swap3A_26, %swap3A_27] : memref<512x20x128xf32, #tpu.memory_space<vmem>>, vector<512x1x128xf32>
    %swap3A_29 = vector.shape_cast %swap3A_28 : vector<512x1x128xf32> to vector<512x128xf32>
    %swap3A_30 = vector.shape_cast %dot_general3A_24 : vector<512x128xf32> to vector<512x1x128xf32>
    tpu.vector_store %arg4[%swap3A_25, %swap3A_26, %swap3A_27], %swap3A_30 {strides = array<i32>} : memref<512x20x128xf32, #tpu.memory_space<vmem>>, vector<512x1x128xf32>,
    %max3A = arith.maximumf %dot_general3A_10, %dot_general3A_24 : vector<512x128xf32>
    %min3A = arith.minimumf %dot_general3A_10, %dot_general3A_24 : vector<512x128xf32>
    %get3A_31 = arith.constant 0 : index
    %get3A_32 = arith.constant 2 : index
    %get3A_33 = arith.constant 0 : index
    %get3A_34 = vector.load %arg1[%get3A_31, %get3A_32, %get3A_33] : memref<512x20x128xf32, #tpu.memory_space<vmem>>, vector<512x1x64xf32>
    %get3A_35 = vector.shape_cast %get3A_34 : vector<512x1x64xf32> to vector<512x64xf32>
    %sub3A_36 = arith.subf %get3A_35, %get3A_1 : vector<512x64xf32>
    %concatenate3A_37 = tpu.concatenate %sub3A_36, %get3A_1 in 1 : vector<512x64xf32>, vector<512x64xf32> -> vector<512x128xf32>
    %dot_general3A_38 = arith.constant dense<0.000000e+00> : vector<512x128xf32>
    %dot_general3A_39 = tpu.matmul %concatenate3A_37, %get3A_4, %dot_general3A_38 {dimension_numbers = #tpu.dot_dimension_numbers<[1], [1], [0], [0], [0, 0, 1, 0], [], []>, transpose_lhs_hint = false} : vector<512x128xf32>, vector<128x128xf32>, vector<512x128xf32> -> vector<512x128xf32>
    %swap3A_40 = arith.constant 0 : index
    %swap3A_41 = arith.constant 2 : index
    %swap3A_42 = arith.constant 0 : index
    %swap3A_43 = vector.load %arg4[%swap3A_40, %swap3A_41, %swap3A_42] : memref<512x20x128xf32, #tpu.memory_space<vmem>>, vector<512x1x128xf32>
    %swap3A_44 = vector.shape_cast %swap3A_43 : vector<512x1x128xf32> to vector<512x128xf32>
    %swap3A_45 = vector.shape_cast %dot_general3A_39 : vector<512x128xf32> to vector<512x1x128xf32>
    tpu.vector_store %arg4[%swap3A_40, %swap3A_41, %swap3A_42], %swap3A_45 {strides = array<i32>} : memref<512x20x128xf32, #tpu.memory_space<vmem>>, vector<512x1x128xf32>,
    %max3A_46 = arith.maximumf %max3A, %dot_general3A_39 : vector<512x128xf32>
    %min3A_47 = arith.minimumf %min3A, %dot_general3A_39 : vector<512x128xf32>
    %get3A_48 = arith.constant 0 : index
    %get3A_49 = arith.constant 3 : index
    %get3A_50 = arith.constant 0 : index
    %get3A_51 = vector.load %arg1[%get3A_48, %get3A_49, %get3A_50] : memref<512x20x128xf32, #tpu.memory_space<vmem>>, vector<512x1x64xf32>
    %get3A_52 = vector.shape_cast %get3A_51 : vector<512x1x64xf32> to vector<512x64xf32>
    %sub3A_53 = arith.subf %get3A_52, %get3A_1 : vector<512x64xf32>
    %concatenate3A_54 = tpu.concatenate %sub3A_53, %get3A_1 in 1 : vector<512x64xf32>, vector<512x64xf32> -> vector<512x128xf32>
    %dot_general3A_55 = arith.constant dense<0.000000e+00> : vector<512x128xf32>
    %dot_general3A_56 = tpu.matmul %concatenate3A_54, %get3A_4, %dot_general3A_55 {dimension_numbers = #tpu.dot_dimension_numbers<[1], [1], [0], [0], [0, 0, 1, 0], [], []>, transpose_lhs_hint = false} : vector<512x128xf32>, vector<128x128xf32>, vector<512x128xf32> -> vector<512x128xf32>
    %swap3A_57 = arith.constant 0 : index
    %swap3A_58 = arith.constant 3 : index
    %swap3A_59 = arith.constant 0 : index
    %swap3A_60 = vector.load %arg4[%swap3A_57, %swap3A_58, %swap3A_59] : memref<512x20x128xf32, #tpu.memory_space<vmem>>, vector<512x1x128xf32>
    %swap3A_61 = vector.shape_cast %swap3A_60 : vector<512x1x128xf32> to vector<512x128xf32>
    %swap3A_62 = vector.shape_cast %dot_general3A_56 : vector<512x128xf32> to vector<512x1x128xf32>
    tpu.vector_store %arg4[%swap3A_57, %swap3A_58, %swap3A_59], %swap3A_62 {strides = array<i32>} : memref<512x20x128xf32, #tpu.memory_space<vmem>>, vector<512x1x128xf32>,
    %max3A_63 = arith.maximumf %max3A_46, %dot_general3A_56 : vector<512x128xf32>
    %min3A_64 = arith.minimumf %min3A_47, %dot_general3A_56 : vector<512x128xf32>
    %get3A_65 = arith.constant 0 : index
    %get3A_66 = arith.constant 4 : index
    %get3A_67 = arith.constant 0 : index
    %get3A_68 = vector.load %arg1[%get3A_65, %get3A_66, %get3A_67] : memref<512x20x128xf32, #tpu.memory_space<vmem>>, vector<512x1x64xf32>
    %get3A_69 = vector.shape_cast %get3A_68 : vector<512x1x64xf32> to vector<512x64xf32>
    %sub3A_70 = arith.subf %get3A_69, %get3A_1 : vector<512x64xf32>
    %concatenate3A_71 = tpu.concatenate %sub3A_70, %get3A_1 in 1 : vector<512x64xf32>, vector<512x64xf32> -> vector<512x128xf32>
    %dot_general3A_72 = arith.constant dense<0.000000e+00> : vector<512x128xf32>
    %dot_general3A_73 = tpu.matmul %concatenate3A_71, %get3A_4, %dot_general3A_72 {dimension_numbers = #tpu.dot_dimension_numbers<[1], [1], [0], [0], [0, 0, 1, 0], [], []>, transpose_lhs_hint = false} : vector<512x128xf32>, vector<128x128xf32>, vector<512x128xf32> -> vector<512x128xf32>
    %swap3A_74 = arith.constant 0 : index
    %swap3A_75 = arith.constant 4 : index
    %swap3A_76 = arith.constant 0 : index
    %swap3A_77 = vector.load %arg4[%swap3A_74, %swap3A_75, %swap3A_76] : memref<512x20x128xf32, #tpu.memory_space<vmem>>, vector<512x1x128xf32>
    %swap3A_78 = vector.shape_cast %swap3A_77 : vector<512x1x128xf32> to vector<512x128xf32>
    %swap3A_79 = vector.shape_cast %dot_general3A_73 : vector<512x128xf32> to vector<512x1x128xf32>
    tpu.vector_store %arg4[%swap3A_74, %swap3A_75, %swap3A_76], %swap3A_79 {strides = array<i32>} : memref<512x20x128xf32, #tpu.memory_space<vmem>>, vector<512x1x128xf32>,
    %max3A_80 = arith.maximumf %max3A_63, %dot_general3A_73 : vector<512x128xf32>
    %min3A_81 = arith.minimumf %min3A_64, %dot_general3A_73 : vector<512x128xf32>
    %get3A_82 = arith.constant 0 : index
    %get3A_83 = arith.constant 5 : index
    %get3A_84 = arith.constant 0 : index
    %get3A_85 = vector.load %arg1[%get3A_82, %get3A_83, %get3A_84] : memref<512x20x128xf32, #tpu.memory_space<vmem>>, vector<512x1x64xf32>
    %get3A_86 = vector.shape_cast %get3A_85 : vector<512x1x64xf32> to vector<512x64xf32>
    %sub3A_87 = arith.subf %get3A_86, %get3A_1 : vector<512x64xf32>
    %concatenate3A_88 = tpu.concatenate %sub3A_87, %get3A_1 in 1 : vector<512x64xf32>, vector<512x64xf32> -> vector<512x128xf32>
    %dot_general3A_89 = arith.constant dense<0.000000e+00> : vector<512x128xf32>
    %dot_general3A_90 = tpu.matmul %concatenate3A_88, %get3A_4, %dot_general3A_89 {dimension_numbers = #tpu.dot_dimension_numbers<[1], [1], [0], [0], [0, 0, 1, 0], [], []>, transpose_lhs_hint = false} : vector<512x128xf32>, vector<128x128xf32>, vector<512x128xf32> -> vector<512x128xf32>
    %swap3A_91 = arith.constant 0 : index
    %swap3A_92 = arith.constant 5 : index
    %swap3A_93 = arith.constant 0 : index
    %swap3A_94 = vector.load %arg4[%swap3A_91, %swap3A_92, %swap3A_93] : memref<512x20x128xf32, #tpu.memory_space<vmem>>, vector<512x1x128xf32>
    %swap3A_95 = vector.shape_cast %swap3A_94 : vector<512x1x128xf32> to vector<512x128xf32>
    %swap3A_96 = vector.shape_cast %dot_general3A_90 : vector<512x128xf32> to vector<512x1x128xf32>
    tpu.vector_store %arg4[%swap3A_91, %swap3A_92, %swap3A_93], %swap3A_96 {strides = array<i32>} : memref<512x20x128xf32, #tpu.memory_space<vmem>>, vector<512x1x128xf32>,
    %max3A_97 = arith.maximumf %max3A_80, %dot_general3A_90 : vector<512x128xf32>
    %min3A_98 = arith.minimumf %min3A_81, %dot_general3A_90 : vector<512x128xf32>
    %get3A_99 = arith.constant 0 : index
    %get3A_100 = arith.constant 6 : index
    %get3A_101 = arith.constant 0 : index
    %get3A_102 = vector.load %arg1[%get3A_99, %get3A_100, %get3A_101] : memref<512x20x128xf32, #tpu.memory_space<vmem>>, vector<512x1x64xf32>
    %get3A_103 = vector.shape_cast %get3A_102 : vector<512x1x64xf32> to vector<512x64xf32>
    %sub3A_104 = arith.subf %get3A_103, %get3A_1 : vector<512x64xf32>
    %concatenate3A_105 = tpu.concatenate %sub3A_104, %get3A_1 in 1 : vector<512x64xf32>, vector<512x64xf32> -> vector<512x128xf32>
    %dot_general3A_106 = arith.constant dense<0.000000e+00> : vector<512x128xf32>
    %dot_general3A_107 = tpu.matmul %concatenate3A_105, %get3A_4, %dot_general3A_106 {dimension_numbers = #tpu.dot_dimension_numbers<[1], [1], [0], [0], [0, 0, 1, 0], [], []>, transpose_lhs_hint = false} : vector<512x128xf32>, vector<128x128xf32>, vector<512x128xf32> -> vector<512x128xf32>
    %swap3A_108 = arith.constant 0 : index
    %swap3A_109 = arith.constant 6 : index
    %swap3A_110 = arith.constant 0 : index
    %swap3A_111 = vector.load %arg4[%swap3A_108, %swap3A_109, %swap3A_110] : memref<512x20x128xf32, #tpu.memory_space<vmem>>, vector<512x1x128xf32>
    %swap3A_112 = vector.shape_cast %swap3A_111 : vector<512x1x128xf32> to vector<512x128xf32>
    %swap3A_113 = vector.shape_cast %dot_general3A_107 : vector<512x128xf32> to vector<512x1x128xf32>
    tpu.vector_store %arg4[%swap3A_108, %swap3A_109, %swap3A_110], %swap3A_113 {strides = array<i32>} : memref<512x20x128xf32, #tpu.memory_space<vmem>>, vector<512x1x128xf32>,
    %max3A_114 = arith.maximumf %max3A_97, %dot_general3A_107 : vector<512x128xf32>
    %min3A_115 = arith.minimumf %min3A_98, %dot_general3A_107 : vector<512x128xf32>
    %get3A_116 = arith.constant 0 : index
    %get3A_117 = arith.constant 7 : index
    %get3A_118 = arith.constant 0 : index
    %get3A_119 = vector.load %arg1[%get3A_116, %get3A_117, %get3A_118] : memref<512x20x128xf32, #tpu.memory_space<vmem>>, vector<512x1x64xf32>
    %get3A_120 = vector.shape_cast %get3A_119 : vector<512x1x64xf32> to vector<512x64xf32>
    %sub3A_121 = arith.subf %get3A_120, %get3A_1 : vector<512x64xf32>
    %concatenate3A_122 = tpu.concatenate %sub3A_121, %get3A_1 in 1 : vector<512x64xf32>, vector<512x64xf32> -> vector<512x128xf32>
    %dot_general3A_123 = arith.constant dense<0.000000e+00> : vector<512x128xf32>
    %dot_general3A_124 = tpu.matmul %concatenate3A_122, %get3A_4, %dot_general3A_123 {dimension_numbers = #tpu.dot_dimension_numbers<[1], [1], [0], [0], [0, 0, 1, 0], [], []>, transpose_lhs_hint = false} : vector<512x128xf32>, vector<128x128xf32>, vector<512x128xf32> -> vector<512x128xf32>
    %swap3A_125 = arith.constant 0 : index
    %swap3A_126 = arith.constant 7 : index
    %swap3A_127 = arith.constant 0 : index
    %swap3A_128 = vector.load %arg4[%swap3A_125, %swap3A_126, %swap3A_127] : memref<512x20x128xf32, #tpu.memory_space<vmem>>, vector<512x1x128xf32>
    %swap3A_129 = vector.shape_cast %swap3A_128 : vector<512x1x128xf32> to vector<512x128xf32>
    %swap3A_130 = vector.shape_cast %dot_general3A_124 : vector<512x128xf32> to vector<512x1x128xf32>
    tpu.vector_store %arg4[%swap3A_125, %swap3A_126, %swap3A_127], %swap3A_130 {strides = array<i32>} : memref<512x20x128xf32, #tpu.memory_space<vmem>>, vector<512x1x128xf32>,
    %max3A_131 = arith.maximumf %max3A_114, %dot_general3A_124 : vector<512x128xf32>
    %min3A_132 = arith.minimumf %min3A_115, %dot_general3A_124 : vector<512x128xf32>
    %get3A_133 = arith.constant 0 : index
    %get3A_134 = arith.constant 8 : index
    %get3A_135 = arith.constant 0 : index
    %get3A_136 = vector.load %arg1[%get3A_133, %get3A_134, %get3A_135] : memref<512x20x128xf32, #tpu.memory_space<vmem>>, vector<512x1x64xf32>
    %get3A_137 = vector.shape_cast %get3A_136 : vector<512x1x64xf32> to vector<512x64xf32>
    %sub3A_138 = arith.subf %get3A_137, %get3A_1 : vector<512x64xf32>
    %concatenate3A_139 = tpu.concatenate %sub3A_138, %get3A_1 in 1 : vector<512x64xf32>, vector<512x64xf32> -> vector<512x128xf32>
    %dot_general3A_140 = arith.constant dense<0.000000e+00> : vector<512x128xf32>
    %dot_general3A_141 = tpu.matmul %concatenate3A_139, %get3A_4, %dot_general3A_140 {dimension_numbers = #tpu.dot_dimension_numbers<[1], [1], [0], [0], [0, 0, 1, 0], [], []>, transpose_lhs_hint = false} : vector<512x128xf32>, vector<128x128xf32>, vector<512x128xf32> -> vector<512x128xf32>
    %swap3A_142 = arith.constant 0 : index
    %swap3A_143 = arith.constant 8 : index
    %swap3A_144 = arith.constant 0 : index
    %swap3A_145 = vector.load %arg4[%swap3A_142, %swap3A_143, %swap3A_144] : memref<512x20x128xf32, #tpu.memory_space<vmem>>, vector<512x1x128xf32>
    %swap3A_146 = vector.shape_cast %swap3A_145 : vector<512x1x128xf32> to vector<512x128xf32>
    %swap3A_147 = vector.shape_cast %dot_general3A_141 : vector<512x128xf32> to vector<512x1x128xf32>
    tpu.vector_store %arg4[%swap3A_142, %swap3A_143, %swap3A_144], %swap3A_147 {strides = array<i32>} : memref<512x20x128xf32, #tpu.memory_space<vmem>>, vector<512x1x128xf32>,
    %max3A_148 = arith.maximumf %max3A_131, %dot_general3A_141 : vector<512x128xf32>
    %min3A_149 = arith.minimumf %min3A_132, %dot_general3A_141 : vector<512x128xf32>
    %get3A_150 = arith.constant 0 : index
    %get3A_151 = arith.constant 9 : index
    %get3A_152 = arith.constant 0 : index
    %get3A_153 = vector.load %arg1[%get3A_150, %get3A_151, %get3A_152] : memref<512x20x128xf32, #tpu.memory_space<vmem>>, vector<512x1x64xf32>
    %get3A_154 = vector.shape_cast %get3A_153 : vector<512x1x64xf32> to vector<512x64xf32>
    %sub3A_155 = arith.subf %get3A_154, %get3A_1 : vector<512x64xf32>
    %concatenate3A_156 = tpu.concatenate %sub3A_155, %get3A_1 in 1 : vector<512x64xf32>, vector<512x64xf32> -> vector<512x128xf32>
    %dot_general3A_157 = arith.constant dense<0.000000e+00> : vector<512x128xf32>
    %dot_general3A_158 = tpu.matmul %concatenate3A_156, %get3A_4, %dot_general3A_157 {dimension_numbers = #tpu.dot_dimension_numbers<[1], [1], [0], [0], [0, 0, 1, 0], [], []>, transpose_lhs_hint = false} : vector<512x128xf32>, vector<128x128xf32>, vector<512x128xf32> -> vector<512x128xf32>
    %swap3A_159 = arith.constant 0 : index
    %swap3A_160 = arith.constant 9 : index
    %swap3A_161 = arith.constant 0 : index
    %swap3A_162 = vector.load %arg4[%swap3A_159, %swap3A_160, %swap3A_161] : memref<512x20x128xf32, #tpu.memory_space<vmem>>, vector<512x1x128xf32>
    %swap3A_163 = vector.shape_cast %swap3A_162 : vector<512x1x128xf32> to vector<512x128xf32>
    %swap3A_164 = vector.shape_cast %dot_general3A_158 : vector<512x128xf32> to vector<512x1x128xf32>
    tpu.vector_store %arg4[%swap3A_159, %swap3A_160, %swap3A_161], %swap3A_164 {strides = array<i32>} : memref<512x20x128xf32, #tpu.memory_space<vmem>>, vector<512x1x128xf32>,
    %max3A_165 = arith.maximumf %max3A_148, %dot_general3A_158 : vector<512x128xf32>
    %min3A_166 = arith.minimumf %min3A_149, %dot_general3A_158 : vector<512x128xf32>
    %get3A_167 = arith.constant 0 : index
    %get3A_168 = arith.constant 10 : index
    %get3A_169 = arith.constant 0 : index
    %get3A_170 = vector.load %arg1[%get3A_167, %get3A_168, %get3A_169] : memref<512x20x128xf32, #tpu.memory_space<vmem>>, vector<512x1x64xf32>
    %get3A_171 = vector.shape_cast %get3A_170 : vector<512x1x64xf32> to vector<512x64xf32>
    %sub3A_172 = arith.subf %get3A_171, %get3A_1 : vector<512x64xf32>
    %concatenate3A_173 = tpu.concatenate %sub3A_172, %get3A_1 in 1 : vector<512x64xf32>, vector<512x64xf32> -> vector<512x128xf32>
    %dot_general3A_174 = arith.constant dense<0.000000e+00> : vector<512x128xf32>
    %dot_general3A_175 = tpu.matmul %concatenate3A_173, %get3A_4, %dot_general3A_174 {dimension_numbers = #tpu.dot_dimension_numbers<[1], [1], [0], [0], [0, 0, 1, 0], [], []>, transpose_lhs_hint = false} : vector<512x128xf32>, vector<128x128xf32>, vector<512x128xf32> -> vector<512x128xf32>
    %swap3A_176 = arith.constant 0 : index
    %swap3A_177 = arith.constant 10 : index
    %swap3A_178 = arith.constant 0 : index
    %swap3A_179 = vector.load %arg4[%swap3A_176, %swap3A_177, %swap3A_178] : memref<512x20x128xf32, #tpu.memory_space<vmem>>, vector<512x1x128xf32>
    %swap3A_180 = vector.shape_cast %swap3A_179 : vector<512x1x128xf32> to vector<512x128xf32>
    %swap3A_181 = vector.shape_cast %dot_general3A_175 : vector<512x128xf32> to vector<512x1x128xf32>
    tpu.vector_store %arg4[%swap3A_176, %swap3A_177, %swap3A_178], %swap3A_181 {strides = array<i32>} : memref<512x20x128xf32, #tpu.memory_space<vmem>>, vector<512x1x128xf32>,
    %max3A_182 = arith.maximumf %max3A_165, %dot_general3A_175 : vector<512x128xf32>
    %min3A_183 = arith.minimumf %min3A_166, %dot_general3A_175 : vector<512x128xf32>
    %get3A_184 = arith.constant 0 : index
    %get3A_185 = arith.constant 11 : index
    %get3A_186 = arith.constant 0 : index
    %get3A_187 = vector.load %arg1[%get3A_184, %get3A_185, %get3A_186] : memref<512x20x128xf32, #tpu.memory_space<vmem>>, vector<512x1x64xf32>
    %get3A_188 = vector.shape_cast %get3A_187 : vector<512x1x64xf32> to vector<512x64xf32>
    %sub3A_189 = arith.subf %get3A_188, %get3A_1 : vector<512x64xf32>
    %concatenate3A_190 = tpu.concatenate %sub3A_189, %get3A_1 in 1 : vector<512x64xf32>, vector<512x64xf32> -> vector<512x128xf32>
    %dot_general3A_191 = arith.constant dense<0.000000e+00> : vector<512x128xf32>
    %dot_general3A_192 = tpu.matmul %concatenate3A_190, %get3A_4, %dot_general3A_191 {dimension_numbers = #tpu.dot_dimension_numbers<[1], [1], [0], [0], [0, 0, 1, 0], [], []>, transpose_lhs_hint = false} : vector<512x128xf32>, vector<128x128xf32>, vector<512x128xf32> -> vector<512x128xf32>
    %swap3A_193 = arith.constant 0 : index
    %swap3A_194 = arith.constant 11 : index
    %swap3A_195 = arith.constant 0 : index
    %swap3A_196 = vector.load %arg4[%swap3A_193, %swap3A_194, %swap3A_195] : memref<512x20x128xf32, #tpu.memory_space<vmem>>, vector<512x1x128xf32>
    %swap3A_197 = vector.shape_cast %swap3A_196 : vector<512x1x128xf32> to vector<512x128xf32>
    %swap3A_198 = vector.shape_cast %dot_general3A_192 : vector<512x128xf32> to vector<512x1x128xf32>
    tpu.vector_store %arg4[%swap3A_193, %swap3A_194, %swap3A_195], %swap3A_198 {strides = array<i32>} : memref<512x20x128xf32, #tpu.memory_space<vmem>>, vector<512x1x128xf32>,
    %max3A_199 = arith.maximumf %max3A_182, %dot_general3A_192 : vector<512x128xf32>
    %min3A_200 = arith.minimumf %min3A_183, %dot_general3A_192 : vector<512x128xf32>
    %get3A_201 = arith.constant 0 : index
    %get3A_202 = arith.constant 12 : index
    %get3A_203 = arith.constant 0 : index
    %get3A_204 = vector.load %arg1[%get3A_201, %get3A_202, %get3A_203] : memref<512x20x128xf32, #tpu.memory_space<vmem>>, vector<512x1x64xf32>
    %get3A_205 = vector.shape_cast %get3A_204 : vector<512x1x64xf32> to vector<512x64xf32>
    %sub3A_206 = arith.subf %get3A_205, %get3A_1 : vector<512x64xf32>
    %concatenate3A_207 = tpu.concatenate %sub3A_206, %get3A_1 in 1 : vector<512x64xf32>, vector<512x64xf32> -> vector<512x128xf32>
    %dot_general3A_208 = arith.constant dense<0.000000e+00> : vector<512x128xf32>
    %dot_general3A_209 = tpu.matmul %concatenate3A_207, %get3A_4, %dot_general3A_208 {dimension_numbers = #tpu.dot_dimension_numbers<[1], [1], [0], [0], [0, 0, 1, 0], [], []>, transpose_lhs_hint = false} : vector<512x128xf32>, vector<128x128xf32>, vector<512x128xf32> -> vector<512x128xf32>
    %swap3A_210 = arith.constant 0 : index
    %swap3A_211 = arith.constant 12 : index
    %swap3A_212 = arith.constant 0 : index
    %swap3A_213 = vector.load %arg4[%swap3A_210, %swap3A_211, %swap3A_212] : memref<512x20x128xf32, #tpu.memory_space<vmem>>, vector<512x1x128xf32>
    %swap3A_214 = vector.shape_cast %swap3A_213 : vector<512x1x128xf32> to vector<512x128xf32>
    %swap3A_215 = vector.shape_cast %dot_general3A_209 : vector<512x128xf32> to vector<512x1x128xf32>
    tpu.vector_store %arg4[%swap3A_210, %swap3A_211, %swap3A_212], %swap3A_215 {strides = array<i32>} : memref<512x20x128xf32, #tpu.memory_space<vmem>>, vector<512x1x128xf32>,
    %max3A_216 = arith.maximumf %max3A_199, %dot_general3A_209 : vector<512x128xf32>
    %min3A_217 = arith.minimumf %min3A_200, %dot_general3A_209 : vector<512x128xf32>
    %get3A_218 = arith.constant 0 : index
    %get3A_219 = arith.constant 13 : index
    %get3A_220 = arith.constant 0 : index
    %get3A_221 = vector.load %arg1[%get3A_218, %get3A_219, %get3A_220] : memref<512x20x128xf32, #tpu.memory_space<vmem>>, vector<512x1x64xf32>
    %get3A_222 = vector.shape_cast %get3A_221 : vector<512x1x64xf32> to vector<512x64xf32>
    %sub3A_223 = arith.subf %get3A_222, %get3A_1 : vector<512x64xf32>
    %concatenate3A_224 = tpu.concatenate %sub3A_223, %get3A_1 in 1 : vector<512x64xf32>, vector<512x64xf32> -> vector<512x128xf32>
    %dot_general3A_225 = arith.constant dense<0.000000e+00> : vector<512x128xf32>
    %dot_general3A_226 = tpu.matmul %concatenate3A_224, %get3A_4, %dot_general3A_225 {dimension_numbers = #tpu.dot_dimension_numbers<[1], [1], [0], [0], [0, 0, 1, 0], [], []>, transpose_lhs_hint = false} : vector<512x128xf32>, vector<128x128xf32>, vector<512x128xf32> -> vector<512x128xf32>
    %swap3A_227 = arith.constant 0 : index
    %swap3A_228 = arith.constant 13 : index
    %swap3A_229 = arith.constant 0 : index
    %swap3A_230 = vector.load %arg4[%swap3A_227, %swap3A_228, %swap3A_229] : memref<512x20x128xf32, #tpu.memory_space<vmem>>, vector<512x1x128xf32>
    %swap3A_231 = vector.shape_cast %swap3A_230 : vector<512x1x128xf32> to vector<512x128xf32>
    %swap3A_232 = vector.shape_cast %dot_general3A_226 : vector<512x128xf32> to vector<512x1x128xf32>
    tpu.vector_store %arg4[%swap3A_227, %swap3A_228, %swap3A_229], %swap3A_232 {strides = array<i32>} : memref<512x20x128xf32, #tpu.memory_space<vmem>>, vector<512x1x128xf32>,
    %max3A_233 = arith.maximumf %max3A_216, %dot_general3A_226 : vector<512x128xf32>
    %min3A_234 = arith.minimumf %min3A_217, %dot_general3A_226 : vector<512x128xf32>
    %get3A_235 = arith.constant 0 : index
    %get3A_236 = arith.constant 14 : index
    %get3A_237 = arith.constant 0 : index
    %get3A_238 = vector.load %arg1[%get3A_235, %get3A_236, %get3A_237] : memref<512x20x128xf32, #tpu.memory_space<vmem>>, vector<512x1x64xf32>
    %get3A_239 = vector.shape_cast %get3A_238 : vector<512x1x64xf32> to vector<512x64xf32>
    %sub3A_240 = arith.subf %get3A_239, %get3A_1 : vector<512x64xf32>
    %concatenate3A_241 = tpu.concatenate %sub3A_240, %get3A_1 in 1 : vector<512x64xf32>, vector<512x64xf32> -> vector<512x128xf32>
    %dot_general3A_242 = arith.constant dense<0.000000e+00> : vector<512x128xf32>
    %dot_general3A_243 = tpu.matmul %concatenate3A_241, %get3A_4, %dot_general3A_242 {dimension_numbers = #tpu.dot_dimension_numbers<[1], [1], [0], [0], [0, 0, 1, 0], [], []>, transpose_lhs_hint = false} : vector<512x128xf32>, vector<128x128xf32>, vector<512x128xf32> -> vector<512x128xf32>
    %swap3A_244 = arith.constant 0 : index
    %swap3A_245 = arith.constant 14 : index
    %swap3A_246 = arith.constant 0 : index
    %swap3A_247 = vector.load %arg4[%swap3A_244, %swap3A_245, %swap3A_246] : memref<512x20x128xf32, #tpu.memory_space<vmem>>, vector<512x1x128xf32>
    %swap3A_248 = vector.shape_cast %swap3A_247 : vector<512x1x128xf32> to vector<512x128xf32>
    %swap3A_249 = vector.shape_cast %dot_general3A_243 : vector<512x128xf32> to vector<512x1x128xf32>
    tpu.vector_store %arg4[%swap3A_244, %swap3A_245, %swap3A_246], %swap3A_249 {strides = array<i32>} : memref<512x20x128xf32, #tpu.memory_space<vmem>>, vector<512x1x128xf32>,
    %max3A_250 = arith.maximumf %max3A_233, %dot_general3A_243 : vector<512x128xf32>
    %min3A_251 = arith.minimumf %min3A_234, %dot_general3A_243 : vector<512x128xf32>
    %get3A_252 = arith.constant 0 : index
    %get3A_253 = arith.constant 15 : index
    %get3A_254 = arith.constant 0 : index
    %get3A_255 = vector.load %arg1[%get3A_252, %get3A_253, %get3A_254] : memref<512x20x128xf32, #tpu.memory_space<vmem>>, vector<512x1x64xf32>
    %get3A_256 = vector.shape_cast %get3A_255 : vector<512x1x64xf32> to vector<512x64xf32>
    %sub3A_257 = arith.subf %get3A_256, %get3A_1 : vector<512x64xf32>
    %concatenate3A_258 = tpu.concatenate %sub3A_257, %get3A_1 in 1 : vector<512x64xf32>, vector<512x64xf32> -> vector<512x128xf32>
    %dot_general3A_259 = arith.constant dense<0.000000e+00> : vector<512x128xf32>
    %dot_general3A_260 = tpu.matmul %concatenate3A_258, %get3A_4, %dot_general3A_259 {dimension_numbers = #tpu.dot_dimension_numbers<[1], [1], [0], [0], [0, 0, 1, 0], [], []>, transpose_lhs_hint = false} : vector<512x128xf32>, vector<128x128xf32>, vector<512x128xf32> -> vector<512x128xf32>
    %swap3A_261 = arith.constant 0 : index
    %swap3A_262 = arith.constant 15 : index
    %swap3A_263 = arith.constant 0 : index
    %swap3A_264 = vector.load %arg4[%swap3A_261, %swap3A_262, %swap3A_263] : memref<512x20x128xf32, #tpu.memory_space<vmem>>, vector<512x1x128xf32>
    %swap3A_265 = vector.shape_cast %swap3A_264 : vector<512x1x128xf32> to vector<512x128xf32>
    %swap3A_266 = vector.shape_cast %dot_general3A_260 : vector<512x128xf32> to vector<512x1x128xf32>
    tpu.vector_store %arg4[%swap3A_261, %swap3A_262, %swap3A_263], %swap3A_266 {strides = array<i32>} : memref<512x20x128xf32, #tpu.memory_space<vmem>>, vector<512x1x128xf32>,
    %max3A_267 = arith.maximumf %max3A_250, %dot_general3A_260 : vector<512x128xf32>
    %min3A_268 = arith.minimumf %min3A_251, %dot_general3A_260 : vector<512x128xf32>
    %get3A_269 = arith.constant 0 : index
    %get3A_270 = arith.constant 16 : index
    %get3A_271 = arith.constant 0 : index
    %get3A_272 = vector.load %arg1[%get3A_269, %get3A_270, %get3A_271] : memref<512x20x128xf32, #tpu.memory_space<vmem>>, vector<512x1x64xf32>
    %get3A_273 = vector.shape_cast %get3A_272 : vector<512x1x64xf32> to vector<512x64xf32>
    %sub3A_274 = arith.subf %get3A_273, %get3A_1 : vector<512x64xf32>
    %concatenate3A_275 = tpu.concatenate %sub3A_274, %get3A_1 in 1 : vector<512x64xf32>, vector<512x64xf32> -> vector<512x128xf32>
    %dot_general3A_276 = arith.constant dense<0.000000e+00> : vector<512x128xf32>
    %dot_general3A_277 = tpu.matmul %concatenate3A_275, %get3A_4, %dot_general3A_276 {dimension_numbers = #tpu.dot_dimension_numbers<[1], [1], [0], [0], [0, 0, 1, 0], [], []>, transpose_lhs_hint = false} : vector<512x128xf32>, vector<128x128xf32>, vector<512x128xf32> -> vector<512x128xf32>
    %swap3A_278 = arith.constant 0 : index
    %swap3A_279 = arith.constant 16 : index
    %swap3A_280 = arith.constant 0 : index
    %swap3A_281 = vector.load %arg4[%swap3A_278, %swap3A_279, %swap3A_280] : memref<512x20x128xf32, #tpu.memory_space<vmem>>, vector<512x1x128xf32>
    %swap3A_282 = vector.shape_cast %swap3A_281 : vector<512x1x128xf32> to vector<512x128xf32>
    %swap3A_283 = vector.shape_cast %dot_general3A_277 : vector<512x128xf32> to vector<512x1x128xf32>
    tpu.vector_store %arg4[%swap3A_278, %swap3A_279, %swap3A_280], %swap3A_283 {strides = array<i32>} : memref<512x20x128xf32, #tpu.memory_space<vmem>>, vector<512x1x128xf32>,
    %max3A_284 = arith.maximumf %max3A_267, %dot_general3A_277 : vector<512x128xf32>
    %min3A_285 = arith.minimumf %min3A_268, %dot_general3A_277 : vector<512x128xf32>
    %get3A_286 = arith.constant 0 : index
    %get3A_287 = arith.constant 17 : index
    %get3A_288 = arith.constant 0 : index
    %get3A_289 = vector.load %arg1[%get3A_286, %get3A_287, %get3A_288] : memref<512x20x128xf32, #tpu.memory_space<vmem>>, vector<512x1x64xf32>
    %get3A_290 = vector.shape_cast %get3A_289 : vector<512x1x64xf32> to vector<512x64xf32>
    %sub3A_291 = arith.subf %get3A_290, %get3A_1 : vector<512x64xf32>
    %concatenate3A_292 = tpu.concatenate %sub3A_291, %get3A_1 in 1 : vector<512x64xf32>, vector<512x64xf32> -> vector<512x128xf32>
    %dot_general3A_293 = arith.constant dense<0.000000e+00> : vector<512x128xf32>
    %dot_general3A_294 = tpu.matmul %concatenate3A_292, %get3A_4, %dot_general3A_293 {dimension_numbers = #tpu.dot_dimension_numbers<[1], [1], [0], [0], [0, 0, 1, 0], [], []>, transpose_lhs_hint = false} : vector<512x128xf32>, vector<128x128xf32>, vector<512x128xf32> -> vector<512x128xf32>
    %swap3A_295 = arith.constant 0 : index
    %swap3A_296 = arith.constant 17 : index
    %swap3A_297 = arith.constant 0 : index
    %swap3A_298 = vector.load %arg4[%swap3A_295, %swap3A_296, %swap3A_297] : memref<512x20x128xf32, #tpu.memory_space<vmem>>, vector<512x1x128xf32>
    %swap3A_299 = vector.shape_cast %swap3A_298 : vector<512x1x128xf32> to vector<512x128xf32>
    %swap3A_300 = vector.shape_cast %dot_general3A_294 : vector<512x128xf32> to vector<512x1x128xf32>
    tpu.vector_store %arg4[%swap3A_295, %swap3A_296, %swap3A_297], %swap3A_300 {strides = array<i32>} : memref<512x20x128xf32, #tpu.memory_space<vmem>>, vector<512x1x128xf32>,
    %max3A_301 = arith.maximumf %max3A_284, %dot_general3A_294 : vector<512x128xf32>
    %min3A_302 = arith.minimumf %min3A_285, %dot_general3A_294 : vector<512x128xf32>
    %get3A_303 = arith.constant 0 : index
    %get3A_304 = arith.constant 18 : index
    %get3A_305 = arith.constant 0 : index
    %get3A_306 = vector.load %arg1[%get3A_303, %get3A_304, %get3A_305] : memref<512x20x128xf32, #tpu.memory_space<vmem>>, vector<512x1x64xf32>
    %get3A_307 = vector.shape_cast %get3A_306 : vector<512x1x64xf32> to vector<512x64xf32>
    %sub3A_308 = arith.subf %get3A_307, %get3A_1 : vector<512x64xf32>
    %concatenate3A_309 = tpu.concatenate %sub3A_308, %get3A_1 in 1 : vector<512x64xf32>, vector<512x64xf32> -> vector<512x128xf32>
    %dot_general3A_310 = arith.constant dense<0.000000e+00> : vector<512x128xf32>
    %dot_general3A_311 = tpu.matmul %concatenate3A_309, %get3A_4, %dot_general3A_310 {dimension_numbers = #tpu.dot_dimension_numbers<[1], [1], [0], [0], [0, 0, 1, 0], [], []>, transpose_lhs_hint = false} : vector<512x128xf32>, vector<128x128xf32>, vector<512x128xf32> -> vector<512x128xf32>
    %swap3A_312 = arith.constant 0 : index
    %swap3A_313 = arith.constant 18 : index
    %swap3A_314 = arith.constant 0 : index
    %swap3A_315 = vector.load %arg4[%swap3A_312, %swap3A_313, %swap3A_314] : memref<512x20x128xf32, #tpu.memory_space<vmem>>, vector<512x1x128xf32>
    %swap3A_316 = vector.shape_cast %swap3A_315 : vector<512x1x128xf32> to vector<512x128xf32>
    %swap3A_317 = vector.shape_cast %dot_general3A_311 : vector<512x128xf32> to vector<512x1x128xf32>
    tpu.vector_store %arg4[%swap3A_312, %swap3A_313, %swap3A_314], %swap3A_317 {strides = array<i32>} : memref<512x20x128xf32, #tpu.memory_space<vmem>>, vector<512x1x128xf32>,
    %max3A_318 = arith.maximumf %max3A_301, %dot_general3A_311 : vector<512x128xf32>
    %min3A_319 = arith.minimumf %min3A_302, %dot_general3A_311 : vector<512x128xf32>
    %get3A_320 = arith.constant 0 : index
    %get3A_321 = arith.constant 19 : index
    %get3A_322 = arith.constant 0 : index
    %get3A_323 = vector.load %arg1[%get3A_320, %get3A_321, %get3A_322] : memref<512x20x128xf32, #tpu.memory_space<vmem>>, vector<512x1x64xf32>
    %get3A_324 = vector.shape_cast %get3A_323 : vector<512x1x64xf32> to vector<512x64xf32>
    %sub3A_325 = arith.subf %get3A_324, %get3A_1 : vector<512x64xf32>
    %concatenate3A_326 = tpu.concatenate %sub3A_325, %get3A_1 in 1 : vector<512x64xf32>, vector<512x64xf32> -> vector<512x128xf32>
    %dot_general3A_327 = arith.constant dense<0.000000e+00> : vector<512x128xf32>
    %dot_general3A_328 = tpu.matmul %concatenate3A_326, %get3A_4, %dot_general3A_327 {dimension_numbers = #tpu.dot_dimension_numbers<[1], [1], [0], [0], [0, 0, 1, 0], [], []>, transpose_lhs_hint = false} : vector<512x128xf32>, vector<128x128xf32>, vector<512x128xf32> -> vector<512x128xf32>
    %swap3A_329 = arith.constant 0 : index
    %swap3A_330 = arith.constant 19 : index
    %swap3A_331 = arith.constant 0 : index
    %swap3A_332 = vector.load %arg4[%swap3A_329, %swap3A_330, %swap3A_331] : memref<512x20x128xf32, #tpu.memory_space<vmem>>, vector<512x1x128xf32>
    %swap3A_333 = vector.shape_cast %swap3A_332 : vector<512x1x128xf32> to vector<512x128xf32>
    %swap3A_334 = vector.shape_cast %dot_general3A_328 : vector<512x128xf32> to vector<512x1x128xf32>
    tpu.vector_store %arg4[%swap3A_329, %swap3A_330, %swap3A_331], %swap3A_334 {strides = array<i32>} : memref<512x20x128xf32, #tpu.memory_space<vmem>>, vector<512x1x128xf32>,
    %max3A_335 = arith.maximumf %max3A_318, %dot_general3A_328 : vector<512x128xf32>
    %min3A_336 = arith.minimumf %min3A_319, %dot_general3A_328 : vector<512x128xf32>
    %swap3A_337 = arith.constant 0 : index
    %swap3A_338 = arith.constant 0 : index
    %swap3A_339 = vector.load %arg5[%swap3A_337, %swap3A_338] : memref<512x128xf32, #tpu.memory_space<vmem>>, vector<512x128xf32>
    tpu.vector_store %arg5[%swap3A_337, %swap3A_338], %max3A_335 {strides = array<i32>} : memref<512x128xf32, #tpu.memory_space<vmem>>, vector<512x128xf32>,
    %swap3A_340 = arith.constant 0 : index
    %swap3A_341 = arith.constant 0 : index
    %swap3A_342 = vector.load %arg6[%swap3A_340, %swap3A_341] : memref<512x128xf32, #tpu.memory_space<vmem>>, vector<512x128xf32>
    tpu.vector_store %arg6[%swap3A_340, %swap3A_341], %min3A_336 {strides = array<i32>} : memref<512x128xf32, #tpu.memory_space<vmem>>, vector<512x128xf32>,
    return
  }
  func.func @transform_0(%arg0: i32) -> (i32, i32, i32) {
    %c0_i32 = arith.constant 0 : i32
    %c0_i32_0 = arith.constant 0 : i32
    %c0_i32_1 = arith.constant 0 : i32
    return %arg0, %c0_i32, %c0_i32_0 : i32, i32, i32
  }
  func.func @transform_1(%arg0: i32) -> (i32, i32) {
    %c0_i32 = arith.constant 0 : i32
    %c0_i32_0 = arith.constant 0 : i32
    return %arg0, %c0_i32 : i32, i32
  }
  func.func @transform_2(%arg0: i32) -> (i32, i32) {
    %c0_i32 = arith.constant 0 : i32
    %c0_i32_0 = arith.constant 0 : i32
    %c0_i32_1 = arith.constant 0 : i32
    return %c0_i32, %c0_i32_0 : i32, i32
  }
  func.func @transform_3(%arg0: i32) -> (i32, i32, i32) {
    %c0_i32 = arith.constant 0 : i32
    %c0_i32_0 = arith.constant 0 : i32
    %c0_i32_1 = arith.constant 0 : i32
    return %arg0, %c0_i32, %c0_i32_0 : i32, i32, i32
  }
  func.func @transform_4(%arg0: i32) -> (i32, i32) {
    %c0_i32 = arith.constant 0 : i32
    %c0_i32_0 = arith.constant 0 : i32
    return %arg0, %c0_i32 : i32, i32
  }
  func.func @transform_5(%arg0: i32) -> (i32, i32) {
    %c0_i32 = arith.constant 0 : i32
    %c0_i32_0 = arith.constant 0 : i32
    return %arg0, %c0_i32 : i32, i32
  }
}

module attributes {stable_mosaic.version = 14 : i64} {
  func.func @_topk_body(%arg0: i32, %arg1: memref<128x128xf32, #tpu.memory_space<vmem>>, %arg2: memref<128x8192xf32, #tpu.memory_space<vmem>>, %arg3: memref<128x20xi32, #tpu.memory_space<vmem>>) attributes {dimension_semantics = [#tpu.dimension_semantics<arbitrary>], iteration_bounds = array<i64: 64>, scalar_prefetch = 0 : i64, scratch_operands = 0 : i64, tpu.core_type = #tpu.core_type<tc>, window_params = [{transform_indices = @transform_0, window_bounds = array<i64: 128, 128>}, {pipeline_mode = #tpu.pipeline_mode<synchronous>, transform_indices = @transform_1, window_bounds = array<i64: 128, 8192>}, {transform_indices = @transform_2, window_bounds = array<i64: 128, 20>}]} {
    %get3A = arith.constant 0 : index
    %get3A_0 = arith.constant 0 : index
    %get3A_1 = vector.load %arg1[%get3A, %get3A_0] : memref<128x128xf32, #tpu.memory_space<vmem>>, vector<128x128xf32>
    %get3A_2 = arith.constant 0 : index
    %get3A_3 = arith.constant 0 : index
    %get3A_4 = vector.load %arg2[%get3A_2, %get3A_3] : memref<128x8192xf32, #tpu.memory_space<vmem>>, vector<128x8192xf32>
    %dot_general3A = arith.constant dense<0.000000e+00> : vector<128x8192xf32>
    %dot_general3A_5 = tpu.matmul %get3A_1, %get3A_4, %dot_general3A {dimension_numbers = #tpu.dot_dimension_numbers<[1], [0], [0], [1], [0, 0, 1, 1], [], []>, transpose_lhs_hint = false} : vector<128x128xf32>, vector<128x8192xf32>, vector<128x8192xf32> -> vector<128x8192xf32>
    %mul3A = arith.mulf %get3A_1, %get3A_1 : vector<128x128xf32>
    %reduce_sum3A = arith.constant dense<0.000000e+00> : vector<128xf32>
    %reduce_sum3A_6 = vector.multi_reduction <add>, %mul3A, %reduce_sum3A [1] : vector<128x128xf32> to vector<128xf32>
    %broadcast_in_dim3A = vector.shape_cast %reduce_sum3A_6 : vector<128xf32> to vector<128x1xf32>
    %mul3A_7 = arith.mulf %get3A_4, %get3A_4 : vector<128x8192xf32>
    %reduce_sum3A_8 = arith.constant dense<0.000000e+00> : vector<8192xf32>
    %reduce_sum3A_9 = vector.multi_reduction <add>, %mul3A_7, %reduce_sum3A_8 [0] : vector<128x8192xf32> to vector<8192xf32>
    %broadcast_in_dim3A_10 = vector.shape_cast %reduce_sum3A_9 : vector<8192xf32> to vector<1x8192xf32>
    %mul3A_11 = arith.constant 2.000000e+00 : f32
    %mul3A_12 = vector.broadcast %mul3A_11 : f32 to vector<128x8192xf32>
    %mul3A_13 = arith.mulf %mul3A_12, %dot_general3A_5 : vector<128x8192xf32>
    %sub3A = vector.broadcast %broadcast_in_dim3A : vector<128x1xf32> to vector<128x8192xf32>
    %sub3A_14 = arith.subf %mul3A_13, %sub3A : vector<128x8192xf32>
    %sub3A_15 = vector.broadcast %broadcast_in_dim3A_10 : vector<1x8192xf32> to vector<128x8192xf32>
    %sub3A_16 = arith.subf %sub3A_14, %sub3A_15 : vector<128x8192xf32>
    %iota3A = tpu.iota {dimensions = array<i32: 1>} : vector<128x8192xi32>
    %argmax3A = tpu.reduce_index %sub3A_16 {axis = 1 : i32, kind = #tpu.reduction_kind<arg_max>} : vector<128x8192xf32> -> vector<128xi32>
    %broadcast_in_dim3A_17 = vector.shape_cast %argmax3A : vector<128xi32> to vector<128x1xi32>
    %swap3A = arith.constant 0 : index
    %swap3A_18 = arith.constant 0 : index
    %swap3A_19 = vector.load %arg3[%swap3A, %swap3A_18] : memref<128x20xi32, #tpu.memory_space<vmem>>, vector<128x1xi32>
    tpu.vector_store %arg3[%swap3A, %swap3A_18], %broadcast_in_dim3A_17 {strides = array<i32>} : memref<128x20xi32, #tpu.memory_space<vmem>>, vector<128x1xi32>,
    %eq3A = vector.broadcast %broadcast_in_dim3A_17 : vector<128x1xi32> to vector<128x8192xi32>
    %eq3A_20 = arith.cmpi eq, %iota3A, %eq3A : vector<128x8192xi32>
    %jit3A = arith.constant -3.000000e+38 : f32
    %broadcast_in_dim3A_21 = vector.broadcast %jit3A : f32 to vector<128x8192xf32>
    %select_n3A = arith.select %eq3A_20, %broadcast_in_dim3A_21, %sub3A_16 : vector<128x8192xi1>, vector<128x8192xf32>
    %argmax3A_22 = tpu.reduce_index %select_n3A {axis = 1 : i32, kind = #tpu.reduction_kind<arg_max>} : vector<128x8192xf32> -> vector<128xi32>
    %broadcast_in_dim3A_23 = vector.shape_cast %argmax3A_22 : vector<128xi32> to vector<128x1xi32>
    %swap3A_24 = arith.constant 0 : index
    %swap3A_25 = arith.constant 1 : index
    %swap3A_26 = vector.load %arg3[%swap3A_24, %swap3A_25] : memref<128x20xi32, #tpu.memory_space<vmem>>, vector<128x1xi32>
    tpu.vector_store %arg3[%swap3A_24, %swap3A_25], %broadcast_in_dim3A_23 {strides = array<i32>} : memref<128x20xi32, #tpu.memory_space<vmem>>, vector<128x1xi32>,
    %eq3A_27 = vector.broadcast %broadcast_in_dim3A_23 : vector<128x1xi32> to vector<128x8192xi32>
    %eq3A_28 = arith.cmpi eq, %iota3A, %eq3A_27 : vector<128x8192xi32>
    %jit3A_29 = arith.constant -3.000000e+38 : f32
    %broadcast_in_dim3A_30 = vector.broadcast %jit3A_29 : f32 to vector<128x8192xf32>
    %select_n3A_31 = arith.select %eq3A_28, %broadcast_in_dim3A_30, %select_n3A : vector<128x8192xi1>, vector<128x8192xf32>
    %argmax3A_32 = tpu.reduce_index %select_n3A_31 {axis = 1 : i32, kind = #tpu.reduction_kind<arg_max>} : vector<128x8192xf32> -> vector<128xi32>
    %broadcast_in_dim3A_33 = vector.shape_cast %argmax3A_32 : vector<128xi32> to vector<128x1xi32>
    %swap3A_34 = arith.constant 0 : index
    %swap3A_35 = arith.constant 2 : index
    %swap3A_36 = vector.load %arg3[%swap3A_34, %swap3A_35] : memref<128x20xi32, #tpu.memory_space<vmem>>, vector<128x1xi32>
    tpu.vector_store %arg3[%swap3A_34, %swap3A_35], %broadcast_in_dim3A_33 {strides = array<i32>} : memref<128x20xi32, #tpu.memory_space<vmem>>, vector<128x1xi32>,
    %eq3A_37 = vector.broadcast %broadcast_in_dim3A_33 : vector<128x1xi32> to vector<128x8192xi32>
    %eq3A_38 = arith.cmpi eq, %iota3A, %eq3A_37 : vector<128x8192xi32>
    %jit3A_39 = arith.constant -3.000000e+38 : f32
    %broadcast_in_dim3A_40 = vector.broadcast %jit3A_39 : f32 to vector<128x8192xf32>
    %select_n3A_41 = arith.select %eq3A_38, %broadcast_in_dim3A_40, %select_n3A_31 : vector<128x8192xi1>, vector<128x8192xf32>
    %argmax3A_42 = tpu.reduce_index %select_n3A_41 {axis = 1 : i32, kind = #tpu.reduction_kind<arg_max>} : vector<128x8192xf32> -> vector<128xi32>
    %broadcast_in_dim3A_43 = vector.shape_cast %argmax3A_42 : vector<128xi32> to vector<128x1xi32>
    %swap3A_44 = arith.constant 0 : index
    %swap3A_45 = arith.constant 3 : index
    %swap3A_46 = vector.load %arg3[%swap3A_44, %swap3A_45] : memref<128x20xi32, #tpu.memory_space<vmem>>, vector<128x1xi32>
    tpu.vector_store %arg3[%swap3A_44, %swap3A_45], %broadcast_in_dim3A_43 {strides = array<i32>} : memref<128x20xi32, #tpu.memory_space<vmem>>, vector<128x1xi32>,
    %eq3A_47 = vector.broadcast %broadcast_in_dim3A_43 : vector<128x1xi32> to vector<128x8192xi32>
    %eq3A_48 = arith.cmpi eq, %iota3A, %eq3A_47 : vector<128x8192xi32>
    %jit3A_49 = arith.constant -3.000000e+38 : f32
    %broadcast_in_dim3A_50 = vector.broadcast %jit3A_49 : f32 to vector<128x8192xf32>
    %select_n3A_51 = arith.select %eq3A_48, %broadcast_in_dim3A_50, %select_n3A_41 : vector<128x8192xi1>, vector<128x8192xf32>
    %argmax3A_52 = tpu.reduce_index %select_n3A_51 {axis = 1 : i32, kind = #tpu.reduction_kind<arg_max>} : vector<128x8192xf32> -> vector<128xi32>
    %broadcast_in_dim3A_53 = vector.shape_cast %argmax3A_52 : vector<128xi32> to vector<128x1xi32>
    %swap3A_54 = arith.constant 0 : index
    %swap3A_55 = arith.constant 4 : index
    %swap3A_56 = vector.load %arg3[%swap3A_54, %swap3A_55] : memref<128x20xi32, #tpu.memory_space<vmem>>, vector<128x1xi32>
    tpu.vector_store %arg3[%swap3A_54, %swap3A_55], %broadcast_in_dim3A_53 {strides = array<i32>} : memref<128x20xi32, #tpu.memory_space<vmem>>, vector<128x1xi32>,
    %eq3A_57 = vector.broadcast %broadcast_in_dim3A_53 : vector<128x1xi32> to vector<128x8192xi32>
    %eq3A_58 = arith.cmpi eq, %iota3A, %eq3A_57 : vector<128x8192xi32>
    %jit3A_59 = arith.constant -3.000000e+38 : f32
    %broadcast_in_dim3A_60 = vector.broadcast %jit3A_59 : f32 to vector<128x8192xf32>
    %select_n3A_61 = arith.select %eq3A_58, %broadcast_in_dim3A_60, %select_n3A_51 : vector<128x8192xi1>, vector<128x8192xf32>
    %argmax3A_62 = tpu.reduce_index %select_n3A_61 {axis = 1 : i32, kind = #tpu.reduction_kind<arg_max>} : vector<128x8192xf32> -> vector<128xi32>
    %broadcast_in_dim3A_63 = vector.shape_cast %argmax3A_62 : vector<128xi32> to vector<128x1xi32>
    %swap3A_64 = arith.constant 0 : index
    %swap3A_65 = arith.constant 5 : index
    %swap3A_66 = vector.load %arg3[%swap3A_64, %swap3A_65] : memref<128x20xi32, #tpu.memory_space<vmem>>, vector<128x1xi32>
    tpu.vector_store %arg3[%swap3A_64, %swap3A_65], %broadcast_in_dim3A_63 {strides = array<i32>} : memref<128x20xi32, #tpu.memory_space<vmem>>, vector<128x1xi32>,
    %eq3A_67 = vector.broadcast %broadcast_in_dim3A_63 : vector<128x1xi32> to vector<128x8192xi32>
    %eq3A_68 = arith.cmpi eq, %iota3A, %eq3A_67 : vector<128x8192xi32>
    %jit3A_69 = arith.constant -3.000000e+38 : f32
    %broadcast_in_dim3A_70 = vector.broadcast %jit3A_69 : f32 to vector<128x8192xf32>
    %select_n3A_71 = arith.select %eq3A_68, %broadcast_in_dim3A_70, %select_n3A_61 : vector<128x8192xi1>, vector<128x8192xf32>
    %argmax3A_72 = tpu.reduce_index %select_n3A_71 {axis = 1 : i32, kind = #tpu.reduction_kind<arg_max>} : vector<128x8192xf32> -> vector<128xi32>
    %broadcast_in_dim3A_73 = vector.shape_cast %argmax3A_72 : vector<128xi32> to vector<128x1xi32>
    %swap3A_74 = arith.constant 0 : index
    %swap3A_75 = arith.constant 6 : index
    %swap3A_76 = vector.load %arg3[%swap3A_74, %swap3A_75] : memref<128x20xi32, #tpu.memory_space<vmem>>, vector<128x1xi32>
    tpu.vector_store %arg3[%swap3A_74, %swap3A_75], %broadcast_in_dim3A_73 {strides = array<i32>} : memref<128x20xi32, #tpu.memory_space<vmem>>, vector<128x1xi32>,
    %eq3A_77 = vector.broadcast %broadcast_in_dim3A_73 : vector<128x1xi32> to vector<128x8192xi32>
    %eq3A_78 = arith.cmpi eq, %iota3A, %eq3A_77 : vector<128x8192xi32>
    %jit3A_79 = arith.constant -3.000000e+38 : f32
    %broadcast_in_dim3A_80 = vector.broadcast %jit3A_79 : f32 to vector<128x8192xf32>
    %select_n3A_81 = arith.select %eq3A_78, %broadcast_in_dim3A_80, %select_n3A_71 : vector<128x8192xi1>, vector<128x8192xf32>
    %argmax3A_82 = tpu.reduce_index %select_n3A_81 {axis = 1 : i32, kind = #tpu.reduction_kind<arg_max>} : vector<128x8192xf32> -> vector<128xi32>
    %broadcast_in_dim3A_83 = vector.shape_cast %argmax3A_82 : vector<128xi32> to vector<128x1xi32>
    %swap3A_84 = arith.constant 0 : index
    %swap3A_85 = arith.constant 7 : index
    %swap3A_86 = vector.load %arg3[%swap3A_84, %swap3A_85] : memref<128x20xi32, #tpu.memory_space<vmem>>, vector<128x1xi32>
    tpu.vector_store %arg3[%swap3A_84, %swap3A_85], %broadcast_in_dim3A_83 {strides = array<i32>} : memref<128x20xi32, #tpu.memory_space<vmem>>, vector<128x1xi32>,
    %eq3A_87 = vector.broadcast %broadcast_in_dim3A_83 : vector<128x1xi32> to vector<128x8192xi32>
    %eq3A_88 = arith.cmpi eq, %iota3A, %eq3A_87 : vector<128x8192xi32>
    %jit3A_89 = arith.constant -3.000000e+38 : f32
    %broadcast_in_dim3A_90 = vector.broadcast %jit3A_89 : f32 to vector<128x8192xf32>
    %select_n3A_91 = arith.select %eq3A_88, %broadcast_in_dim3A_90, %select_n3A_81 : vector<128x8192xi1>, vector<128x8192xf32>
    %argmax3A_92 = tpu.reduce_index %select_n3A_91 {axis = 1 : i32, kind = #tpu.reduction_kind<arg_max>} : vector<128x8192xf32> -> vector<128xi32>
    %broadcast_in_dim3A_93 = vector.shape_cast %argmax3A_92 : vector<128xi32> to vector<128x1xi32>
    %swap3A_94 = arith.constant 0 : index
    %swap3A_95 = arith.constant 8 : index
    %swap3A_96 = vector.load %arg3[%swap3A_94, %swap3A_95] : memref<128x20xi32, #tpu.memory_space<vmem>>, vector<128x1xi32>
    tpu.vector_store %arg3[%swap3A_94, %swap3A_95], %broadcast_in_dim3A_93 {strides = array<i32>} : memref<128x20xi32, #tpu.memory_space<vmem>>, vector<128x1xi32>,
    %eq3A_97 = vector.broadcast %broadcast_in_dim3A_93 : vector<128x1xi32> to vector<128x8192xi32>
    %eq3A_98 = arith.cmpi eq, %iota3A, %eq3A_97 : vector<128x8192xi32>
    %jit3A_99 = arith.constant -3.000000e+38 : f32
    %broadcast_in_dim3A_100 = vector.broadcast %jit3A_99 : f32 to vector<128x8192xf32>
    %select_n3A_101 = arith.select %eq3A_98, %broadcast_in_dim3A_100, %select_n3A_91 : vector<128x8192xi1>, vector<128x8192xf32>
    %argmax3A_102 = tpu.reduce_index %select_n3A_101 {axis = 1 : i32, kind = #tpu.reduction_kind<arg_max>} : vector<128x8192xf32> -> vector<128xi32>
    %broadcast_in_dim3A_103 = vector.shape_cast %argmax3A_102 : vector<128xi32> to vector<128x1xi32>
    %swap3A_104 = arith.constant 0 : index
    %swap3A_105 = arith.constant 9 : index
    %swap3A_106 = vector.load %arg3[%swap3A_104, %swap3A_105] : memref<128x20xi32, #tpu.memory_space<vmem>>, vector<128x1xi32>
    tpu.vector_store %arg3[%swap3A_104, %swap3A_105], %broadcast_in_dim3A_103 {strides = array<i32>} : memref<128x20xi32, #tpu.memory_space<vmem>>, vector<128x1xi32>,
    %eq3A_107 = vector.broadcast %broadcast_in_dim3A_103 : vector<128x1xi32> to vector<128x8192xi32>
    %eq3A_108 = arith.cmpi eq, %iota3A, %eq3A_107 : vector<128x8192xi32>
    %jit3A_109 = arith.constant -3.000000e+38 : f32
    %broadcast_in_dim3A_110 = vector.broadcast %jit3A_109 : f32 to vector<128x8192xf32>
    %select_n3A_111 = arith.select %eq3A_108, %broadcast_in_dim3A_110, %select_n3A_101 : vector<128x8192xi1>, vector<128x8192xf32>
    %argmax3A_112 = tpu.reduce_index %select_n3A_111 {axis = 1 : i32, kind = #tpu.reduction_kind<arg_max>} : vector<128x8192xf32> -> vector<128xi32>
    %broadcast_in_dim3A_113 = vector.shape_cast %argmax3A_112 : vector<128xi32> to vector<128x1xi32>
    %swap3A_114 = arith.constant 0 : index
    %swap3A_115 = arith.constant 10 : index
    %swap3A_116 = vector.load %arg3[%swap3A_114, %swap3A_115] : memref<128x20xi32, #tpu.memory_space<vmem>>, vector<128x1xi32>
    tpu.vector_store %arg3[%swap3A_114, %swap3A_115], %broadcast_in_dim3A_113 {strides = array<i32>} : memref<128x20xi32, #tpu.memory_space<vmem>>, vector<128x1xi32>,
    %eq3A_117 = vector.broadcast %broadcast_in_dim3A_113 : vector<128x1xi32> to vector<128x8192xi32>
    %eq3A_118 = arith.cmpi eq, %iota3A, %eq3A_117 : vector<128x8192xi32>
    %jit3A_119 = arith.constant -3.000000e+38 : f32
    %broadcast_in_dim3A_120 = vector.broadcast %jit3A_119 : f32 to vector<128x8192xf32>
    %select_n3A_121 = arith.select %eq3A_118, %broadcast_in_dim3A_120, %select_n3A_111 : vector<128x8192xi1>, vector<128x8192xf32>
    %argmax3A_122 = tpu.reduce_index %select_n3A_121 {axis = 1 : i32, kind = #tpu.reduction_kind<arg_max>} : vector<128x8192xf32> -> vector<128xi32>
    %broadcast_in_dim3A_123 = vector.shape_cast %argmax3A_122 : vector<128xi32> to vector<128x1xi32>
    %swap3A_124 = arith.constant 0 : index
    %swap3A_125 = arith.constant 11 : index
    %swap3A_126 = vector.load %arg3[%swap3A_124, %swap3A_125] : memref<128x20xi32, #tpu.memory_space<vmem>>, vector<128x1xi32>
    tpu.vector_store %arg3[%swap3A_124, %swap3A_125], %broadcast_in_dim3A_123 {strides = array<i32>} : memref<128x20xi32, #tpu.memory_space<vmem>>, vector<128x1xi32>,
    %eq3A_127 = vector.broadcast %broadcast_in_dim3A_123 : vector<128x1xi32> to vector<128x8192xi32>
    %eq3A_128 = arith.cmpi eq, %iota3A, %eq3A_127 : vector<128x8192xi32>
    %jit3A_129 = arith.constant -3.000000e+38 : f32
    %broadcast_in_dim3A_130 = vector.broadcast %jit3A_129 : f32 to vector<128x8192xf32>
    %select_n3A_131 = arith.select %eq3A_128, %broadcast_in_dim3A_130, %select_n3A_121 : vector<128x8192xi1>, vector<128x8192xf32>
    %argmax3A_132 = tpu.reduce_index %select_n3A_131 {axis = 1 : i32, kind = #tpu.reduction_kind<arg_max>} : vector<128x8192xf32> -> vector<128xi32>
    %broadcast_in_dim3A_133 = vector.shape_cast %argmax3A_132 : vector<128xi32> to vector<128x1xi32>
    %swap3A_134 = arith.constant 0 : index
    %swap3A_135 = arith.constant 12 : index
    %swap3A_136 = vector.load %arg3[%swap3A_134, %swap3A_135] : memref<128x20xi32, #tpu.memory_space<vmem>>, vector<128x1xi32>
    tpu.vector_store %arg3[%swap3A_134, %swap3A_135], %broadcast_in_dim3A_133 {strides = array<i32>} : memref<128x20xi32, #tpu.memory_space<vmem>>, vector<128x1xi32>,
    %eq3A_137 = vector.broadcast %broadcast_in_dim3A_133 : vector<128x1xi32> to vector<128x8192xi32>
    %eq3A_138 = arith.cmpi eq, %iota3A, %eq3A_137 : vector<128x8192xi32>
    %jit3A_139 = arith.constant -3.000000e+38 : f32
    %broadcast_in_dim3A_140 = vector.broadcast %jit3A_139 : f32 to vector<128x8192xf32>
    %select_n3A_141 = arith.select %eq3A_138, %broadcast_in_dim3A_140, %select_n3A_131 : vector<128x8192xi1>, vector<128x8192xf32>
    %argmax3A_142 = tpu.reduce_index %select_n3A_141 {axis = 1 : i32, kind = #tpu.reduction_kind<arg_max>} : vector<128x8192xf32> -> vector<128xi32>
    %broadcast_in_dim3A_143 = vector.shape_cast %argmax3A_142 : vector<128xi32> to vector<128x1xi32>
    %swap3A_144 = arith.constant 0 : index
    %swap3A_145 = arith.constant 13 : index
    %swap3A_146 = vector.load %arg3[%swap3A_144, %swap3A_145] : memref<128x20xi32, #tpu.memory_space<vmem>>, vector<128x1xi32>
    tpu.vector_store %arg3[%swap3A_144, %swap3A_145], %broadcast_in_dim3A_143 {strides = array<i32>} : memref<128x20xi32, #tpu.memory_space<vmem>>, vector<128x1xi32>,
    %eq3A_147 = vector.broadcast %broadcast_in_dim3A_143 : vector<128x1xi32> to vector<128x8192xi32>
    %eq3A_148 = arith.cmpi eq, %iota3A, %eq3A_147 : vector<128x8192xi32>
    %jit3A_149 = arith.constant -3.000000e+38 : f32
    %broadcast_in_dim3A_150 = vector.broadcast %jit3A_149 : f32 to vector<128x8192xf32>
    %select_n3A_151 = arith.select %eq3A_148, %broadcast_in_dim3A_150, %select_n3A_141 : vector<128x8192xi1>, vector<128x8192xf32>
    %argmax3A_152 = tpu.reduce_index %select_n3A_151 {axis = 1 : i32, kind = #tpu.reduction_kind<arg_max>} : vector<128x8192xf32> -> vector<128xi32>
    %broadcast_in_dim3A_153 = vector.shape_cast %argmax3A_152 : vector<128xi32> to vector<128x1xi32>
    %swap3A_154 = arith.constant 0 : index
    %swap3A_155 = arith.constant 14 : index
    %swap3A_156 = vector.load %arg3[%swap3A_154, %swap3A_155] : memref<128x20xi32, #tpu.memory_space<vmem>>, vector<128x1xi32>
    tpu.vector_store %arg3[%swap3A_154, %swap3A_155], %broadcast_in_dim3A_153 {strides = array<i32>} : memref<128x20xi32, #tpu.memory_space<vmem>>, vector<128x1xi32>,
    %eq3A_157 = vector.broadcast %broadcast_in_dim3A_153 : vector<128x1xi32> to vector<128x8192xi32>
    %eq3A_158 = arith.cmpi eq, %iota3A, %eq3A_157 : vector<128x8192xi32>
    %jit3A_159 = arith.constant -3.000000e+38 : f32
    %broadcast_in_dim3A_160 = vector.broadcast %jit3A_159 : f32 to vector<128x8192xf32>
    %select_n3A_161 = arith.select %eq3A_158, %broadcast_in_dim3A_160, %select_n3A_151 : vector<128x8192xi1>, vector<128x8192xf32>
    %argmax3A_162 = tpu.reduce_index %select_n3A_161 {axis = 1 : i32, kind = #tpu.reduction_kind<arg_max>} : vector<128x8192xf32> -> vector<128xi32>
    %broadcast_in_dim3A_163 = vector.shape_cast %argmax3A_162 : vector<128xi32> to vector<128x1xi32>
    %swap3A_164 = arith.constant 0 : index
    %swap3A_165 = arith.constant 15 : index
    %swap3A_166 = vector.load %arg3[%swap3A_164, %swap3A_165] : memref<128x20xi32, #tpu.memory_space<vmem>>, vector<128x1xi32>
    tpu.vector_store %arg3[%swap3A_164, %swap3A_165], %broadcast_in_dim3A_163 {strides = array<i32>} : memref<128x20xi32, #tpu.memory_space<vmem>>, vector<128x1xi32>,
    %eq3A_167 = vector.broadcast %broadcast_in_dim3A_163 : vector<128x1xi32> to vector<128x8192xi32>
    %eq3A_168 = arith.cmpi eq, %iota3A, %eq3A_167 : vector<128x8192xi32>
    %jit3A_169 = arith.constant -3.000000e+38 : f32
    %broadcast_in_dim3A_170 = vector.broadcast %jit3A_169 : f32 to vector<128x8192xf32>
    %select_n3A_171 = arith.select %eq3A_168, %broadcast_in_dim3A_170, %select_n3A_161 : vector<128x8192xi1>, vector<128x8192xf32>
    %argmax3A_172 = tpu.reduce_index %select_n3A_171 {axis = 1 : i32, kind = #tpu.reduction_kind<arg_max>} : vector<128x8192xf32> -> vector<128xi32>
    %broadcast_in_dim3A_173 = vector.shape_cast %argmax3A_172 : vector<128xi32> to vector<128x1xi32>
    %swap3A_174 = arith.constant 0 : index
    %swap3A_175 = arith.constant 16 : index
    %swap3A_176 = vector.load %arg3[%swap3A_174, %swap3A_175] : memref<128x20xi32, #tpu.memory_space<vmem>>, vector<128x1xi32>
    tpu.vector_store %arg3[%swap3A_174, %swap3A_175], %broadcast_in_dim3A_173 {strides = array<i32>} : memref<128x20xi32, #tpu.memory_space<vmem>>, vector<128x1xi32>,
    %eq3A_177 = vector.broadcast %broadcast_in_dim3A_173 : vector<128x1xi32> to vector<128x8192xi32>
    %eq3A_178 = arith.cmpi eq, %iota3A, %eq3A_177 : vector<128x8192xi32>
    %jit3A_179 = arith.constant -3.000000e+38 : f32
    %broadcast_in_dim3A_180 = vector.broadcast %jit3A_179 : f32 to vector<128x8192xf32>
    %select_n3A_181 = arith.select %eq3A_178, %broadcast_in_dim3A_180, %select_n3A_171 : vector<128x8192xi1>, vector<128x8192xf32>
    %argmax3A_182 = tpu.reduce_index %select_n3A_181 {axis = 1 : i32, kind = #tpu.reduction_kind<arg_max>} : vector<128x8192xf32> -> vector<128xi32>
    %broadcast_in_dim3A_183 = vector.shape_cast %argmax3A_182 : vector<128xi32> to vector<128x1xi32>
    %swap3A_184 = arith.constant 0 : index
    %swap3A_185 = arith.constant 17 : index
    %swap3A_186 = vector.load %arg3[%swap3A_184, %swap3A_185] : memref<128x20xi32, #tpu.memory_space<vmem>>, vector<128x1xi32>
    tpu.vector_store %arg3[%swap3A_184, %swap3A_185], %broadcast_in_dim3A_183 {strides = array<i32>} : memref<128x20xi32, #tpu.memory_space<vmem>>, vector<128x1xi32>,
    %eq3A_187 = vector.broadcast %broadcast_in_dim3A_183 : vector<128x1xi32> to vector<128x8192xi32>
    %eq3A_188 = arith.cmpi eq, %iota3A, %eq3A_187 : vector<128x8192xi32>
    %jit3A_189 = arith.constant -3.000000e+38 : f32
    %broadcast_in_dim3A_190 = vector.broadcast %jit3A_189 : f32 to vector<128x8192xf32>
    %select_n3A_191 = arith.select %eq3A_188, %broadcast_in_dim3A_190, %select_n3A_181 : vector<128x8192xi1>, vector<128x8192xf32>
    %argmax3A_192 = tpu.reduce_index %select_n3A_191 {axis = 1 : i32, kind = #tpu.reduction_kind<arg_max>} : vector<128x8192xf32> -> vector<128xi32>
    %broadcast_in_dim3A_193 = vector.shape_cast %argmax3A_192 : vector<128xi32> to vector<128x1xi32>
    %swap3A_194 = arith.constant 0 : index
    %swap3A_195 = arith.constant 18 : index
    %swap3A_196 = vector.load %arg3[%swap3A_194, %swap3A_195] : memref<128x20xi32, #tpu.memory_space<vmem>>, vector<128x1xi32>
    tpu.vector_store %arg3[%swap3A_194, %swap3A_195], %broadcast_in_dim3A_193 {strides = array<i32>} : memref<128x20xi32, #tpu.memory_space<vmem>>, vector<128x1xi32>,
    %eq3A_197 = vector.broadcast %broadcast_in_dim3A_193 : vector<128x1xi32> to vector<128x8192xi32>
    %eq3A_198 = arith.cmpi eq, %iota3A, %eq3A_197 : vector<128x8192xi32>
    %jit3A_199 = arith.constant -3.000000e+38 : f32
    %broadcast_in_dim3A_200 = vector.broadcast %jit3A_199 : f32 to vector<128x8192xf32>
    %select_n3A_201 = arith.select %eq3A_198, %broadcast_in_dim3A_200, %select_n3A_191 : vector<128x8192xi1>, vector<128x8192xf32>
    %argmax3A_202 = tpu.reduce_index %select_n3A_201 {axis = 1 : i32, kind = #tpu.reduction_kind<arg_max>} : vector<128x8192xf32> -> vector<128xi32>
    %broadcast_in_dim3A_203 = vector.shape_cast %argmax3A_202 : vector<128xi32> to vector<128x1xi32>
    %swap3A_204 = arith.constant 0 : index
    %swap3A_205 = arith.constant 19 : index
    %swap3A_206 = vector.load %arg3[%swap3A_204, %swap3A_205] : memref<128x20xi32, #tpu.memory_space<vmem>>, vector<128x1xi32>
    tpu.vector_store %arg3[%swap3A_204, %swap3A_205], %broadcast_in_dim3A_203 {strides = array<i32>} : memref<128x20xi32, #tpu.memory_space<vmem>>, vector<128x1xi32>,
    return
  }
  func.func @transform_0(%arg0: i32) -> (i32, i32) {
    %c0_i32 = arith.constant 0 : i32
    %c0_i32_0 = arith.constant 0 : i32
    return %arg0, %c0_i32 : i32, i32
  }
  func.func @transform_1(%arg0: i32) -> (i32, i32) {
    %c0_i32 = arith.constant 0 : i32
    %c0_i32_0 = arith.constant 0 : i32
    %c0_i32_1 = arith.constant 0 : i32
    return %c0_i32, %c0_i32_0 : i32, i32
  }
  func.func @transform_2(%arg0: i32) -> (i32, i32) {
    %c0_i32 = arith.constant 0 : i32
    %c0_i32_0 = arith.constant 0 : i32
    return %arg0, %c0_i32 : i32, i32
  }
}

module attributes {stable_mosaic.version = 14 : i64} {
  func.func @_conv1_body(%arg0: i32, %arg1: memref<512x20x128xf32, #tpu.memory_space<vmem>>, %arg2: memref<512x128xf32, #tpu.memory_space<vmem>>, %arg3: memref<256x256xf32, #tpu.memory_space<vmem>>, %arg4: memref<8x256xf32, #tpu.memory_space<vmem>>) attributes {dimension_semantics = [#tpu.dimension_semantics<arbitrary>], iteration_bounds = array<i64: 16>, scalar_prefetch = 0 : i64, scratch_operands = 0 : i64, tpu.core_type = #tpu.core_type<tc>, window_params = [{transform_indices = @transform_0, window_bounds = array<i64: 512, 20, 128>}, {transform_indices = @transform_1, window_bounds = array<i64: 512, 128>}, {pipeline_mode = #tpu.pipeline_mode<synchronous>, transform_indices = @transform_2, window_bounds = array<i64: 256, 256>}, {pipeline_mode = #tpu.pipeline_mode<synchronous>, transform_indices = @transform_3, window_bounds = array<i64: 8, 256>}]} {
    %get3A = arith.constant 0 : index
    %get3A_0 = arith.constant 0 : index
    %get3A_1 = vector.load %arg2[%get3A, %get3A_0] : memref<512x128xf32, #tpu.memory_space<vmem>>, vector<512x128xf32>
    %get3A_2 = arith.constant 0 : index
    %get3A_3 = arith.constant 0 : index
    %get3A_4 = vector.load %arg3[%get3A_2, %get3A_3] : memref<256x256xf32, #tpu.memory_space<vmem>>, vector<256x256xf32>
    %get3A_5 = arith.constant 0 : index
    %get3A_6 = arith.constant 0 : index
    %get3A_7 = arith.constant 0 : index
    %get3A_8 = vector.load %arg1[%get3A_5, %get3A_6, %get3A_7] : memref<512x20x128xf32, #tpu.memory_space<vmem>>, vector<512x1x128xf32>
    %get3A_9 = vector.shape_cast %get3A_8 : vector<512x1x128xf32> to vector<512x128xf32>
    %sub3A = arith.subf %get3A_9, %get3A_1 : vector<512x128xf32>
    %concatenate3A = tpu.concatenate %sub3A, %get3A_1 in 1 : vector<512x128xf32>, vector<512x128xf32> -> vector<512x256xf32>
    %dot_general3A = arith.constant dense<0.000000e+00> : vector<512x256xf32>
    %dot_general3A_10 = tpu.matmul %concatenate3A, %get3A_4, %dot_general3A {dimension_numbers = #tpu.dot_dimension_numbers<[1], [1], [0], [0], [0, 0, 1, 0], [], []>, transpose_lhs_hint = false} : vector<512x256xf32>, vector<256x256xf32>, vector<512x256xf32> -> vector<512x256xf32>
    %reduce_sum3A = arith.constant dense<0.000000e+00> : vector<256xf32>
    %reduce_sum3A_11 = vector.multi_reduction <add>, %dot_general3A_10, %reduce_sum3A [0] : vector<512x256xf32> to vector<256xf32>
    %broadcast_in_dim3A = vector.shape_cast %reduce_sum3A_11 : vector<256xf32> to vector<1x256xf32>
    %get3A_12 = arith.constant 0 : index
    %get3A_13 = arith.constant 1 : index
    %get3A_14 = arith.constant 0 : index
    %get3A_15 = vector.load %arg1[%get3A_12, %get3A_13, %get3A_14] : memref<512x20x128xf32, #tpu.memory_space<vmem>>, vector<512x1x128xf32>
    %get3A_16 = vector.shape_cast %get3A_15 : vector<512x1x128xf32> to vector<512x128xf32>
    %sub3A_17 = arith.subf %get3A_16, %get3A_1 : vector<512x128xf32>
    %concatenate3A_18 = tpu.concatenate %sub3A_17, %get3A_1 in 1 : vector<512x128xf32>, vector<512x128xf32> -> vector<512x256xf32>
    %dot_general3A_19 = arith.constant dense<0.000000e+00> : vector<512x256xf32>
    %dot_general3A_20 = tpu.matmul %concatenate3A_18, %get3A_4, %dot_general3A_19 {dimension_numbers = #tpu.dot_dimension_numbers<[1], [1], [0], [0], [0, 0, 1, 0], [], []>, transpose_lhs_hint = false} : vector<512x256xf32>, vector<256x256xf32>, vector<512x256xf32> -> vector<512x256xf32>
    %reduce_sum3A_21 = arith.constant dense<0.000000e+00> : vector<256xf32>
    %reduce_sum3A_22 = vector.multi_reduction <add>, %dot_general3A_20, %reduce_sum3A_21 [0] : vector<512x256xf32> to vector<256xf32>
    %broadcast_in_dim3A_23 = vector.shape_cast %reduce_sum3A_22 : vector<256xf32> to vector<1x256xf32>
    %add3A = arith.addf %broadcast_in_dim3A, %broadcast_in_dim3A_23 : vector<1x256xf32>
    %get3A_24 = arith.constant 0 : index
    %get3A_25 = arith.constant 2 : index
    %get3A_26 = arith.constant 0 : index
    %get3A_27 = vector.load %arg1[%get3A_24, %get3A_25, %get3A_26] : memref<512x20x128xf32, #tpu.memory_space<vmem>>, vector<512x1x128xf32>
    %get3A_28 = vector.shape_cast %get3A_27 : vector<512x1x128xf32> to vector<512x128xf32>
    %sub3A_29 = arith.subf %get3A_28, %get3A_1 : vector<512x128xf32>
    %concatenate3A_30 = tpu.concatenate %sub3A_29, %get3A_1 in 1 : vector<512x128xf32>, vector<512x128xf32> -> vector<512x256xf32>
    %dot_general3A_31 = arith.constant dense<0.000000e+00> : vector<512x256xf32>
    %dot_general3A_32 = tpu.matmul %concatenate3A_30, %get3A_4, %dot_general3A_31 {dimension_numbers = #tpu.dot_dimension_numbers<[1], [1], [0], [0], [0, 0, 1, 0], [], []>, transpose_lhs_hint = false} : vector<512x256xf32>, vector<256x256xf32>, vector<512x256xf32> -> vector<512x256xf32>
    %reduce_sum3A_33 = arith.constant dense<0.000000e+00> : vector<256xf32>
    %reduce_sum3A_34 = vector.multi_reduction <add>, %dot_general3A_32, %reduce_sum3A_33 [0] : vector<512x256xf32> to vector<256xf32>
    %broadcast_in_dim3A_35 = vector.shape_cast %reduce_sum3A_34 : vector<256xf32> to vector<1x256xf32>
    %add3A_36 = arith.addf %add3A, %broadcast_in_dim3A_35 : vector<1x256xf32>
    %get3A_37 = arith.constant 0 : index
    %get3A_38 = arith.constant 3 : index
    %get3A_39 = arith.constant 0 : index
    %get3A_40 = vector.load %arg1[%get3A_37, %get3A_38, %get3A_39] : memref<512x20x128xf32, #tpu.memory_space<vmem>>, vector<512x1x128xf32>
    %get3A_41 = vector.shape_cast %get3A_40 : vector<512x1x128xf32> to vector<512x128xf32>
    %sub3A_42 = arith.subf %get3A_41, %get3A_1 : vector<512x128xf32>
    %concatenate3A_43 = tpu.concatenate %sub3A_42, %get3A_1 in 1 : vector<512x128xf32>, vector<512x128xf32> -> vector<512x256xf32>
    %dot_general3A_44 = arith.constant dense<0.000000e+00> : vector<512x256xf32>
    %dot_general3A_45 = tpu.matmul %concatenate3A_43, %get3A_4, %dot_general3A_44 {dimension_numbers = #tpu.dot_dimension_numbers<[1], [1], [0], [0], [0, 0, 1, 0], [], []>, transpose_lhs_hint = false} : vector<512x256xf32>, vector<256x256xf32>, vector<512x256xf32> -> vector<512x256xf32>
    %reduce_sum3A_46 = arith.constant dense<0.000000e+00> : vector<256xf32>
    %reduce_sum3A_47 = vector.multi_reduction <add>, %dot_general3A_45, %reduce_sum3A_46 [0] : vector<512x256xf32> to vector<256xf32>
    %broadcast_in_dim3A_48 = vector.shape_cast %reduce_sum3A_47 : vector<256xf32> to vector<1x256xf32>
    %add3A_49 = arith.addf %add3A_36, %broadcast_in_dim3A_48 : vector<1x256xf32>
    %get3A_50 = arith.constant 0 : index
    %get3A_51 = arith.constant 4 : index
    %get3A_52 = arith.constant 0 : index
    %get3A_53 = vector.load %arg1[%get3A_50, %get3A_51, %get3A_52] : memref<512x20x128xf32, #tpu.memory_space<vmem>>, vector<512x1x128xf32>
    %get3A_54 = vector.shape_cast %get3A_53 : vector<512x1x128xf32> to vector<512x128xf32>
    %sub3A_55 = arith.subf %get3A_54, %get3A_1 : vector<512x128xf32>
    %concatenate3A_56 = tpu.concatenate %sub3A_55, %get3A_1 in 1 : vector<512x128xf32>, vector<512x128xf32> -> vector<512x256xf32>
    %dot_general3A_57 = arith.constant dense<0.000000e+00> : vector<512x256xf32>
    %dot_general3A_58 = tpu.matmul %concatenate3A_56, %get3A_4, %dot_general3A_57 {dimension_numbers = #tpu.dot_dimension_numbers<[1], [1], [0], [0], [0, 0, 1, 0], [], []>, transpose_lhs_hint = false} : vector<512x256xf32>, vector<256x256xf32>, vector<512x256xf32> -> vector<512x256xf32>
    %reduce_sum3A_59 = arith.constant dense<0.000000e+00> : vector<256xf32>
    %reduce_sum3A_60 = vector.multi_reduction <add>, %dot_general3A_58, %reduce_sum3A_59 [0] : vector<512x256xf32> to vector<256xf32>
    %broadcast_in_dim3A_61 = vector.shape_cast %reduce_sum3A_60 : vector<256xf32> to vector<1x256xf32>
    %add3A_62 = arith.addf %add3A_49, %broadcast_in_dim3A_61 : vector<1x256xf32>
    %get3A_63 = arith.constant 0 : index
    %get3A_64 = arith.constant 5 : index
    %get3A_65 = arith.constant 0 : index
    %get3A_66 = vector.load %arg1[%get3A_63, %get3A_64, %get3A_65] : memref<512x20x128xf32, #tpu.memory_space<vmem>>, vector<512x1x128xf32>
    %get3A_67 = vector.shape_cast %get3A_66 : vector<512x1x128xf32> to vector<512x128xf32>
    %sub3A_68 = arith.subf %get3A_67, %get3A_1 : vector<512x128xf32>
    %concatenate3A_69 = tpu.concatenate %sub3A_68, %get3A_1 in 1 : vector<512x128xf32>, vector<512x128xf32> -> vector<512x256xf32>
    %dot_general3A_70 = arith.constant dense<0.000000e+00> : vector<512x256xf32>
    %dot_general3A_71 = tpu.matmul %concatenate3A_69, %get3A_4, %dot_general3A_70 {dimension_numbers = #tpu.dot_dimension_numbers<[1], [1], [0], [0], [0, 0, 1, 0], [], []>, transpose_lhs_hint = false} : vector<512x256xf32>, vector<256x256xf32>, vector<512x256xf32> -> vector<512x256xf32>
    %reduce_sum3A_72 = arith.constant dense<0.000000e+00> : vector<256xf32>
    %reduce_sum3A_73 = vector.multi_reduction <add>, %dot_general3A_71, %reduce_sum3A_72 [0] : vector<512x256xf32> to vector<256xf32>
    %broadcast_in_dim3A_74 = vector.shape_cast %reduce_sum3A_73 : vector<256xf32> to vector<1x256xf32>
    %add3A_75 = arith.addf %add3A_62, %broadcast_in_dim3A_74 : vector<1x256xf32>
    %get3A_76 = arith.constant 0 : index
    %get3A_77 = arith.constant 6 : index
    %get3A_78 = arith.constant 0 : index
    %get3A_79 = vector.load %arg1[%get3A_76, %get3A_77, %get3A_78] : memref<512x20x128xf32, #tpu.memory_space<vmem>>, vector<512x1x128xf32>
    %get3A_80 = vector.shape_cast %get3A_79 : vector<512x1x128xf32> to vector<512x128xf32>
    %sub3A_81 = arith.subf %get3A_80, %get3A_1 : vector<512x128xf32>
    %concatenate3A_82 = tpu.concatenate %sub3A_81, %get3A_1 in 1 : vector<512x128xf32>, vector<512x128xf32> -> vector<512x256xf32>
    %dot_general3A_83 = arith.constant dense<0.000000e+00> : vector<512x256xf32>
    %dot_general3A_84 = tpu.matmul %concatenate3A_82, %get3A_4, %dot_general3A_83 {dimension_numbers = #tpu.dot_dimension_numbers<[1], [1], [0], [0], [0, 0, 1, 0], [], []>, transpose_lhs_hint = false} : vector<512x256xf32>, vector<256x256xf32>, vector<512x256xf32> -> vector<512x256xf32>
    %reduce_sum3A_85 = arith.constant dense<0.000000e+00> : vector<256xf32>
    %reduce_sum3A_86 = vector.multi_reduction <add>, %dot_general3A_84, %reduce_sum3A_85 [0] : vector<512x256xf32> to vector<256xf32>
    %broadcast_in_dim3A_87 = vector.shape_cast %reduce_sum3A_86 : vector<256xf32> to vector<1x256xf32>
    %add3A_88 = arith.addf %add3A_75, %broadcast_in_dim3A_87 : vector<1x256xf32>
    %get3A_89 = arith.constant 0 : index
    %get3A_90 = arith.constant 7 : index
    %get3A_91 = arith.constant 0 : index
    %get3A_92 = vector.load %arg1[%get3A_89, %get3A_90, %get3A_91] : memref<512x20x128xf32, #tpu.memory_space<vmem>>, vector<512x1x128xf32>
    %get3A_93 = vector.shape_cast %get3A_92 : vector<512x1x128xf32> to vector<512x128xf32>
    %sub3A_94 = arith.subf %get3A_93, %get3A_1 : vector<512x128xf32>
    %concatenate3A_95 = tpu.concatenate %sub3A_94, %get3A_1 in 1 : vector<512x128xf32>, vector<512x128xf32> -> vector<512x256xf32>
    %dot_general3A_96 = arith.constant dense<0.000000e+00> : vector<512x256xf32>
    %dot_general3A_97 = tpu.matmul %concatenate3A_95, %get3A_4, %dot_general3A_96 {dimension_numbers = #tpu.dot_dimension_numbers<[1], [1], [0], [0], [0, 0, 1, 0], [], []>, transpose_lhs_hint = false} : vector<512x256xf32>, vector<256x256xf32>, vector<512x256xf32> -> vector<512x256xf32>
    %reduce_sum3A_98 = arith.constant dense<0.000000e+00> : vector<256xf32>
    %reduce_sum3A_99 = vector.multi_reduction <add>, %dot_general3A_97, %reduce_sum3A_98 [0] : vector<512x256xf32> to vector<256xf32>
    %broadcast_in_dim3A_100 = vector.shape_cast %reduce_sum3A_99 : vector<256xf32> to vector<1x256xf32>
    %add3A_101 = arith.addf %add3A_88, %broadcast_in_dim3A_100 : vector<1x256xf32>
    %get3A_102 = arith.constant 0 : index
    %get3A_103 = arith.constant 8 : index
    %get3A_104 = arith.constant 0 : index
    %get3A_105 = vector.load %arg1[%get3A_102, %get3A_103, %get3A_104] : memref<512x20x128xf32, #tpu.memory_space<vmem>>, vector<512x1x128xf32>
    %get3A_106 = vector.shape_cast %get3A_105 : vector<512x1x128xf32> to vector<512x128xf32>
    %sub3A_107 = arith.subf %get3A_106, %get3A_1 : vector<512x128xf32>
    %concatenate3A_108 = tpu.concatenate %sub3A_107, %get3A_1 in 1 : vector<512x128xf32>, vector<512x128xf32> -> vector<512x256xf32>
    %dot_general3A_109 = arith.constant dense<0.000000e+00> : vector<512x256xf32>
    %dot_general3A_110 = tpu.matmul %concatenate3A_108, %get3A_4, %dot_general3A_109 {dimension_numbers = #tpu.dot_dimension_numbers<[1], [1], [0], [0], [0, 0, 1, 0], [], []>, transpose_lhs_hint = false} : vector<512x256xf32>, vector<256x256xf32>, vector<512x256xf32> -> vector<512x256xf32>
    %reduce_sum3A_111 = arith.constant dense<0.000000e+00> : vector<256xf32>
    %reduce_sum3A_112 = vector.multi_reduction <add>, %dot_general3A_110, %reduce_sum3A_111 [0] : vector<512x256xf32> to vector<256xf32>
    %broadcast_in_dim3A_113 = vector.shape_cast %reduce_sum3A_112 : vector<256xf32> to vector<1x256xf32>
    %add3A_114 = arith.addf %add3A_101, %broadcast_in_dim3A_113 : vector<1x256xf32>
    %get3A_115 = arith.constant 0 : index
    %get3A_116 = arith.constant 9 : index
    %get3A_117 = arith.constant 0 : index
    %get3A_118 = vector.load %arg1[%get3A_115, %get3A_116, %get3A_117] : memref<512x20x128xf32, #tpu.memory_space<vmem>>, vector<512x1x128xf32>
    %get3A_119 = vector.shape_cast %get3A_118 : vector<512x1x128xf32> to vector<512x128xf32>
    %sub3A_120 = arith.subf %get3A_119, %get3A_1 : vector<512x128xf32>
    %concatenate3A_121 = tpu.concatenate %sub3A_120, %get3A_1 in 1 : vector<512x128xf32>, vector<512x128xf32> -> vector<512x256xf32>
    %dot_general3A_122 = arith.constant dense<0.000000e+00> : vector<512x256xf32>
    %dot_general3A_123 = tpu.matmul %concatenate3A_121, %get3A_4, %dot_general3A_122 {dimension_numbers = #tpu.dot_dimension_numbers<[1], [1], [0], [0], [0, 0, 1, 0], [], []>, transpose_lhs_hint = false} : vector<512x256xf32>, vector<256x256xf32>, vector<512x256xf32> -> vector<512x256xf32>
    %reduce_sum3A_124 = arith.constant dense<0.000000e+00> : vector<256xf32>
    %reduce_sum3A_125 = vector.multi_reduction <add>, %dot_general3A_123, %reduce_sum3A_124 [0] : vector<512x256xf32> to vector<256xf32>
    %broadcast_in_dim3A_126 = vector.shape_cast %reduce_sum3A_125 : vector<256xf32> to vector<1x256xf32>
    %add3A_127 = arith.addf %add3A_114, %broadcast_in_dim3A_126 : vector<1x256xf32>
    %get3A_128 = arith.constant 0 : index
    %get3A_129 = arith.constant 10 : index
    %get3A_130 = arith.constant 0 : index
    %get3A_131 = vector.load %arg1[%get3A_128, %get3A_129, %get3A_130] : memref<512x20x128xf32, #tpu.memory_space<vmem>>, vector<512x1x128xf32>
    %get3A_132 = vector.shape_cast %get3A_131 : vector<512x1x128xf32> to vector<512x128xf32>
    %sub3A_133 = arith.subf %get3A_132, %get3A_1 : vector<512x128xf32>
    %concatenate3A_134 = tpu.concatenate %sub3A_133, %get3A_1 in 1 : vector<512x128xf32>, vector<512x128xf32> -> vector<512x256xf32>
    %dot_general3A_135 = arith.constant dense<0.000000e+00> : vector<512x256xf32>
    %dot_general3A_136 = tpu.matmul %concatenate3A_134, %get3A_4, %dot_general3A_135 {dimension_numbers = #tpu.dot_dimension_numbers<[1], [1], [0], [0], [0, 0, 1, 0], [], []>, transpose_lhs_hint = false} : vector<512x256xf32>, vector<256x256xf32>, vector<512x256xf32> -> vector<512x256xf32>
    %reduce_sum3A_137 = arith.constant dense<0.000000e+00> : vector<256xf32>
    %reduce_sum3A_138 = vector.multi_reduction <add>, %dot_general3A_136, %reduce_sum3A_137 [0] : vector<512x256xf32> to vector<256xf32>
    %broadcast_in_dim3A_139 = vector.shape_cast %reduce_sum3A_138 : vector<256xf32> to vector<1x256xf32>
    %add3A_140 = arith.addf %add3A_127, %broadcast_in_dim3A_139 : vector<1x256xf32>
    %get3A_141 = arith.constant 0 : index
    %get3A_142 = arith.constant 11 : index
    %get3A_143 = arith.constant 0 : index
    %get3A_144 = vector.load %arg1[%get3A_141, %get3A_142, %get3A_143] : memref<512x20x128xf32, #tpu.memory_space<vmem>>, vector<512x1x128xf32>
    %get3A_145 = vector.shape_cast %get3A_144 : vector<512x1x128xf32> to vector<512x128xf32>
    %sub3A_146 = arith.subf %get3A_145, %get3A_1 : vector<512x128xf32>
    %concatenate3A_147 = tpu.concatenate %sub3A_146, %get3A_1 in 1 : vector<512x128xf32>, vector<512x128xf32> -> vector<512x256xf32>
    %dot_general3A_148 = arith.constant dense<0.000000e+00> : vector<512x256xf32>
    %dot_general3A_149 = tpu.matmul %concatenate3A_147, %get3A_4, %dot_general3A_148 {dimension_numbers = #tpu.dot_dimension_numbers<[1], [1], [0], [0], [0, 0, 1, 0], [], []>, transpose_lhs_hint = false} : vector<512x256xf32>, vector<256x256xf32>, vector<512x256xf32> -> vector<512x256xf32>
    %reduce_sum3A_150 = arith.constant dense<0.000000e+00> : vector<256xf32>
    %reduce_sum3A_151 = vector.multi_reduction <add>, %dot_general3A_149, %reduce_sum3A_150 [0] : vector<512x256xf32> to vector<256xf32>
    %broadcast_in_dim3A_152 = vector.shape_cast %reduce_sum3A_151 : vector<256xf32> to vector<1x256xf32>
    %add3A_153 = arith.addf %add3A_140, %broadcast_in_dim3A_152 : vector<1x256xf32>
    %get3A_154 = arith.constant 0 : index
    %get3A_155 = arith.constant 12 : index
    %get3A_156 = arith.constant 0 : index
    %get3A_157 = vector.load %arg1[%get3A_154, %get3A_155, %get3A_156] : memref<512x20x128xf32, #tpu.memory_space<vmem>>, vector<512x1x128xf32>
    %get3A_158 = vector.shape_cast %get3A_157 : vector<512x1x128xf32> to vector<512x128xf32>
    %sub3A_159 = arith.subf %get3A_158, %get3A_1 : vector<512x128xf32>
    %concatenate3A_160 = tpu.concatenate %sub3A_159, %get3A_1 in 1 : vector<512x128xf32>, vector<512x128xf32> -> vector<512x256xf32>
    %dot_general3A_161 = arith.constant dense<0.000000e+00> : vector<512x256xf32>
    %dot_general3A_162 = tpu.matmul %concatenate3A_160, %get3A_4, %dot_general3A_161 {dimension_numbers = #tpu.dot_dimension_numbers<[1], [1], [0], [0], [0, 0, 1, 0], [], []>, transpose_lhs_hint = false} : vector<512x256xf32>, vector<256x256xf32>, vector<512x256xf32> -> vector<512x256xf32>
    %reduce_sum3A_163 = arith.constant dense<0.000000e+00> : vector<256xf32>
    %reduce_sum3A_164 = vector.multi_reduction <add>, %dot_general3A_162, %reduce_sum3A_163 [0] : vector<512x256xf32> to vector<256xf32>
    %broadcast_in_dim3A_165 = vector.shape_cast %reduce_sum3A_164 : vector<256xf32> to vector<1x256xf32>
    %add3A_166 = arith.addf %add3A_153, %broadcast_in_dim3A_165 : vector<1x256xf32>
    %get3A_167 = arith.constant 0 : index
    %get3A_168 = arith.constant 13 : index
    %get3A_169 = arith.constant 0 : index
    %get3A_170 = vector.load %arg1[%get3A_167, %get3A_168, %get3A_169] : memref<512x20x128xf32, #tpu.memory_space<vmem>>, vector<512x1x128xf32>
    %get3A_171 = vector.shape_cast %get3A_170 : vector<512x1x128xf32> to vector<512x128xf32>
    %sub3A_172 = arith.subf %get3A_171, %get3A_1 : vector<512x128xf32>
    %concatenate3A_173 = tpu.concatenate %sub3A_172, %get3A_1 in 1 : vector<512x128xf32>, vector<512x128xf32> -> vector<512x256xf32>
    %dot_general3A_174 = arith.constant dense<0.000000e+00> : vector<512x256xf32>
    %dot_general3A_175 = tpu.matmul %concatenate3A_173, %get3A_4, %dot_general3A_174 {dimension_numbers = #tpu.dot_dimension_numbers<[1], [1], [0], [0], [0, 0, 1, 0], [], []>, transpose_lhs_hint = false} : vector<512x256xf32>, vector<256x256xf32>, vector<512x256xf32> -> vector<512x256xf32>
    %reduce_sum3A_176 = arith.constant dense<0.000000e+00> : vector<256xf32>
    %reduce_sum3A_177 = vector.multi_reduction <add>, %dot_general3A_175, %reduce_sum3A_176 [0] : vector<512x256xf32> to vector<256xf32>
    %broadcast_in_dim3A_178 = vector.shape_cast %reduce_sum3A_177 : vector<256xf32> to vector<1x256xf32>
    %add3A_179 = arith.addf %add3A_166, %broadcast_in_dim3A_178 : vector<1x256xf32>
    %get3A_180 = arith.constant 0 : index
    %get3A_181 = arith.constant 14 : index
    %get3A_182 = arith.constant 0 : index
    %get3A_183 = vector.load %arg1[%get3A_180, %get3A_181, %get3A_182] : memref<512x20x128xf32, #tpu.memory_space<vmem>>, vector<512x1x128xf32>
    %get3A_184 = vector.shape_cast %get3A_183 : vector<512x1x128xf32> to vector<512x128xf32>
    %sub3A_185 = arith.subf %get3A_184, %get3A_1 : vector<512x128xf32>
    %concatenate3A_186 = tpu.concatenate %sub3A_185, %get3A_1 in 1 : vector<512x128xf32>, vector<512x128xf32> -> vector<512x256xf32>
    %dot_general3A_187 = arith.constant dense<0.000000e+00> : vector<512x256xf32>
    %dot_general3A_188 = tpu.matmul %concatenate3A_186, %get3A_4, %dot_general3A_187 {dimension_numbers = #tpu.dot_dimension_numbers<[1], [1], [0], [0], [0, 0, 1, 0], [], []>, transpose_lhs_hint = false} : vector<512x256xf32>, vector<256x256xf32>, vector<512x256xf32> -> vector<512x256xf32>
    %reduce_sum3A_189 = arith.constant dense<0.000000e+00> : vector<256xf32>
    %reduce_sum3A_190 = vector.multi_reduction <add>, %dot_general3A_188, %reduce_sum3A_189 [0] : vector<512x256xf32> to vector<256xf32>
    %broadcast_in_dim3A_191 = vector.shape_cast %reduce_sum3A_190 : vector<256xf32> to vector<1x256xf32>
    %add3A_192 = arith.addf %add3A_179, %broadcast_in_dim3A_191 : vector<1x256xf32>
    %get3A_193 = arith.constant 0 : index
    %get3A_194 = arith.constant 15 : index
    %get3A_195 = arith.constant 0 : index
    %get3A_196 = vector.load %arg1[%get3A_193, %get3A_194, %get3A_195] : memref<512x20x128xf32, #tpu.memory_space<vmem>>, vector<512x1x128xf32>
    %get3A_197 = vector.shape_cast %get3A_196 : vector<512x1x128xf32> to vector<512x128xf32>
    %sub3A_198 = arith.subf %get3A_197, %get3A_1 : vector<512x128xf32>
    %concatenate3A_199 = tpu.concatenate %sub3A_198, %get3A_1 in 1 : vector<512x128xf32>, vector<512x128xf32> -> vector<512x256xf32>
    %dot_general3A_200 = arith.constant dense<0.000000e+00> : vector<512x256xf32>
    %dot_general3A_201 = tpu.matmul %concatenate3A_199, %get3A_4, %dot_general3A_200 {dimension_numbers = #tpu.dot_dimension_numbers<[1], [1], [0], [0], [0, 0, 1, 0], [], []>, transpose_lhs_hint = false} : vector<512x256xf32>, vector<256x256xf32>, vector<512x256xf32> -> vector<512x256xf32>
    %reduce_sum3A_202 = arith.constant dense<0.000000e+00> : vector<256xf32>
    %reduce_sum3A_203 = vector.multi_reduction <add>, %dot_general3A_201, %reduce_sum3A_202 [0] : vector<512x256xf32> to vector<256xf32>
    %broadcast_in_dim3A_204 = vector.shape_cast %reduce_sum3A_203 : vector<256xf32> to vector<1x256xf32>
    %add3A_205 = arith.addf %add3A_192, %broadcast_in_dim3A_204 : vector<1x256xf32>
    %get3A_206 = arith.constant 0 : index
    %get3A_207 = arith.constant 16 : index
    %get3A_208 = arith.constant 0 : index
    %get3A_209 = vector.load %arg1[%get3A_206, %get3A_207, %get3A_208] : memref<512x20x128xf32, #tpu.memory_space<vmem>>, vector<512x1x128xf32>
    %get3A_210 = vector.shape_cast %get3A_209 : vector<512x1x128xf32> to vector<512x128xf32>
    %sub3A_211 = arith.subf %get3A_210, %get3A_1 : vector<512x128xf32>
    %concatenate3A_212 = tpu.concatenate %sub3A_211, %get3A_1 in 1 : vector<512x128xf32>, vector<512x128xf32> -> vector<512x256xf32>
    %dot_general3A_213 = arith.constant dense<0.000000e+00> : vector<512x256xf32>
    %dot_general3A_214 = tpu.matmul %concatenate3A_212, %get3A_4, %dot_general3A_213 {dimension_numbers = #tpu.dot_dimension_numbers<[1], [1], [0], [0], [0, 0, 1, 0], [], []>, transpose_lhs_hint = false} : vector<512x256xf32>, vector<256x256xf32>, vector<512x256xf32> -> vector<512x256xf32>
    %reduce_sum3A_215 = arith.constant dense<0.000000e+00> : vector<256xf32>
    %reduce_sum3A_216 = vector.multi_reduction <add>, %dot_general3A_214, %reduce_sum3A_215 [0] : vector<512x256xf32> to vector<256xf32>
    %broadcast_in_dim3A_217 = vector.shape_cast %reduce_sum3A_216 : vector<256xf32> to vector<1x256xf32>
    %add3A_218 = arith.addf %add3A_205, %broadcast_in_dim3A_217 : vector<1x256xf32>
    %get3A_219 = arith.constant 0 : index
    %get3A_220 = arith.constant 17 : index
    %get3A_221 = arith.constant 0 : index
    %get3A_222 = vector.load %arg1[%get3A_219, %get3A_220, %get3A_221] : memref<512x20x128xf32, #tpu.memory_space<vmem>>, vector<512x1x128xf32>
    %get3A_223 = vector.shape_cast %get3A_222 : vector<512x1x128xf32> to vector<512x128xf32>
    %sub3A_224 = arith.subf %get3A_223, %get3A_1 : vector<512x128xf32>
    %concatenate3A_225 = tpu.concatenate %sub3A_224, %get3A_1 in 1 : vector<512x128xf32>, vector<512x128xf32> -> vector<512x256xf32>
    %dot_general3A_226 = arith.constant dense<0.000000e+00> : vector<512x256xf32>
    %dot_general3A_227 = tpu.matmul %concatenate3A_225, %get3A_4, %dot_general3A_226 {dimension_numbers = #tpu.dot_dimension_numbers<[1], [1], [0], [0], [0, 0, 1, 0], [], []>, transpose_lhs_hint = false} : vector<512x256xf32>, vector<256x256xf32>, vector<512x256xf32> -> vector<512x256xf32>
    %reduce_sum3A_228 = arith.constant dense<0.000000e+00> : vector<256xf32>
    %reduce_sum3A_229 = vector.multi_reduction <add>, %dot_general3A_227, %reduce_sum3A_228 [0] : vector<512x256xf32> to vector<256xf32>
    %broadcast_in_dim3A_230 = vector.shape_cast %reduce_sum3A_229 : vector<256xf32> to vector<1x256xf32>
    %add3A_231 = arith.addf %add3A_218, %broadcast_in_dim3A_230 : vector<1x256xf32>
    %get3A_232 = arith.constant 0 : index
    %get3A_233 = arith.constant 18 : index
    %get3A_234 = arith.constant 0 : index
    %get3A_235 = vector.load %arg1[%get3A_232, %get3A_233, %get3A_234] : memref<512x20x128xf32, #tpu.memory_space<vmem>>, vector<512x1x128xf32>
    %get3A_236 = vector.shape_cast %get3A_235 : vector<512x1x128xf32> to vector<512x128xf32>
    %sub3A_237 = arith.subf %get3A_236, %get3A_1 : vector<512x128xf32>
    %concatenate3A_238 = tpu.concatenate %sub3A_237, %get3A_1 in 1 : vector<512x128xf32>, vector<512x128xf32> -> vector<512x256xf32>
    %dot_general3A_239 = arith.constant dense<0.000000e+00> : vector<512x256xf32>
    %dot_general3A_240 = tpu.matmul %concatenate3A_238, %get3A_4, %dot_general3A_239 {dimension_numbers = #tpu.dot_dimension_numbers<[1], [1], [0], [0], [0, 0, 1, 0], [], []>, transpose_lhs_hint = false} : vector<512x256xf32>, vector<256x256xf32>, vector<512x256xf32> -> vector<512x256xf32>
    %reduce_sum3A_241 = arith.constant dense<0.000000e+00> : vector<256xf32>
    %reduce_sum3A_242 = vector.multi_reduction <add>, %dot_general3A_240, %reduce_sum3A_241 [0] : vector<512x256xf32> to vector<256xf32>
    %broadcast_in_dim3A_243 = vector.shape_cast %reduce_sum3A_242 : vector<256xf32> to vector<1x256xf32>
    %add3A_244 = arith.addf %add3A_231, %broadcast_in_dim3A_243 : vector<1x256xf32>
    %get3A_245 = arith.constant 0 : index
    %get3A_246 = arith.constant 19 : index
    %get3A_247 = arith.constant 0 : index
    %get3A_248 = vector.load %arg1[%get3A_245, %get3A_246, %get3A_247] : memref<512x20x128xf32, #tpu.memory_space<vmem>>, vector<512x1x128xf32>
    %get3A_249 = vector.shape_cast %get3A_248 : vector<512x1x128xf32> to vector<512x128xf32>
    %sub3A_250 = arith.subf %get3A_249, %get3A_1 : vector<512x128xf32>
    %concatenate3A_251 = tpu.concatenate %sub3A_250, %get3A_1 in 1 : vector<512x128xf32>, vector<512x128xf32> -> vector<512x256xf32>
    %dot_general3A_252 = arith.constant dense<0.000000e+00> : vector<512x256xf32>
    %dot_general3A_253 = tpu.matmul %concatenate3A_251, %get3A_4, %dot_general3A_252 {dimension_numbers = #tpu.dot_dimension_numbers<[1], [1], [0], [0], [0, 0, 1, 0], [], []>, transpose_lhs_hint = false} : vector<512x256xf32>, vector<256x256xf32>, vector<512x256xf32> -> vector<512x256xf32>
    %reduce_sum3A_254 = arith.constant dense<0.000000e+00> : vector<256xf32>
    %reduce_sum3A_255 = vector.multi_reduction <add>, %dot_general3A_253, %reduce_sum3A_254 [0] : vector<512x256xf32> to vector<256xf32>
    %broadcast_in_dim3A_256 = vector.shape_cast %reduce_sum3A_255 : vector<256xf32> to vector<1x256xf32>
    %add3A_257 = arith.addf %add3A_244, %broadcast_in_dim3A_256 : vector<1x256xf32>
    %eq3A = arith.constant 0 : i32
    %eq3A_258 = arith.cmpi eq, %arg0, %eq3A : i32
    %convert_element_type3A = arith.extui %eq3A_258 : i1 to i32
    %cond3A = arith.constant 0 : i32
    %cond3A_259 = arith.cmpi ne, %convert_element_type3A, %cond3A : i32
    scf.if %cond3A_259 {
      %broadcast_in_dim3A_276 = arith.constant 0.000000e+00 : f32
      %broadcast_in_dim3A_277 = vector.broadcast %broadcast_in_dim3A_276 : f32 to vector<8x256xf32>
      %swap3A_278 = arith.constant 0 : index
      %swap3A_279 = arith.constant 0 : index
      %swap3A_280 = vector.load %arg4[%swap3A_278, %swap3A_279] : memref<8x256xf32, #tpu.memory_space<vmem>>, vector<8x256xf32>
      tpu.vector_store %arg4[%swap3A_278, %swap3A_279], %broadcast_in_dim3A_277 {strides = array<i32>} : memref<8x256xf32, #tpu.memory_space<vmem>>, vector<8x256xf32>,
    } else {
    }
    %jit3A = arith.constant 8 : i32
    %eq3A_260 = arith.constant 0 : i32
    %eq3A_261 = arith.cmpi eq, %jit3A, %eq3A_260 : i32
    %jit3A_262 = arith.constant 1 : i32
    %select_n3A = arith.select %eq3A_261, %jit3A_262, %jit3A : i32
    %rem3A = arith.remsi %arg0, %select_n3A : i32
    %ne3A = arith.constant 0 : i32
    %ne3A_263 = arith.cmpi ne, %rem3A, %ne3A : i32
    %lt3A = arith.constant 0 : i32
    %lt3A_264 = arith.cmpi slt, %rem3A, %lt3A : i32
    %lt3A_265 = arith.constant 0 : i32
    %lt3A_266 = arith.cmpi slt, %select_n3A, %lt3A_265 : i32
    %ne3A_267 = arith.xori %lt3A_264, %lt3A_266 : i1
    %and3A = arith.andi %ne3A_267, %ne3A_263 : i1
    %add3A_268 = arith.addi %rem3A, %select_n3A : i32
    %select_n3A_269 = arith.select %and3A, %add3A_268, %rem3A : i32
    %get3A_270 = arith.index_cast %select_n3A_269 : i32 to index
    %get3A_271 = arith.constant 0 : index
    %get3A_272 = vector.load %arg4[%get3A_270, %get3A_271] : memref<8x256xf32, #tpu.memory_space<vmem>>, vector<1x256xf32>
    %add3A_273 = arith.addf %get3A_272, %add3A_257 : vector<1x256xf32>
    %swap3A = arith.index_cast %select_n3A_269 : i32 to index
    %swap3A_274 = arith.constant 0 : index
    %swap3A_275 = vector.load %arg4[%swap3A, %swap3A_274] : memref<8x256xf32, #tpu.memory_space<vmem>>, vector<1x256xf32>
    tpu.vector_store %arg4[%swap3A, %swap3A_274], %add3A_273 {strides = array<i32>} : memref<8x256xf32, #tpu.memory_space<vmem>>, vector<1x256xf32>,
    return
  }
  func.func @transform_0(%arg0: i32) -> (i32, i32, i32) {
    %c0_i32 = arith.constant 0 : i32
    %c0_i32_0 = arith.constant 0 : i32
    %c0_i32_1 = arith.constant 0 : i32
    return %arg0, %c0_i32, %c0_i32_0 : i32, i32, i32
  }
  func.func @transform_1(%arg0: i32) -> (i32, i32) {
    %c0_i32 = arith.constant 0 : i32
    %c0_i32_0 = arith.constant 0 : i32
    return %arg0, %c0_i32 : i32, i32
  }
  func.func @transform_2(%arg0: i32) -> (i32, i32) {
    %c0_i32 = arith.constant 0 : i32
    %c0_i32_0 = arith.constant 0 : i32
    %c0_i32_1 = arith.constant 0 : i32
    return %c0_i32, %c0_i32_0 : i32, i32
  }
  func.func @transform_3(%arg0: i32) -> (i32, i32) {
    %c0_i32 = arith.constant 0 : i32
    %c0_i32_0 = arith.constant 0 : i32
    %c0_i32_1 = arith.constant 0 : i32
    return %c0_i32, %c0_i32_0 : i32, i32
  }
}

module attributes {stable_mosaic.version = 14 : i64} {
  func.func @_conv2_body(%arg0: i32, %arg1: memref<512x20x128xf32, #tpu.memory_space<vmem>>, %arg2: memref<512x128xf32, #tpu.memory_space<vmem>>, %arg3: memref<256x256xf32, #tpu.memory_space<vmem>>, %arg4: memref<8x256xf32, #tpu.memory_space<vmem>>, %arg5: memref<512x256xf32, #tpu.memory_space<vmem>>, %arg6: memref<512x256xf32, #tpu.memory_space<vmem>>, %arg7: memref<8x256xf32, #tpu.memory_space<vmem>>) attributes {dimension_semantics = [#tpu.dimension_semantics<arbitrary>], iteration_bounds = array<i64: 16>, scalar_prefetch = 0 : i64, scratch_operands = 0 : i64, tpu.core_type = #tpu.core_type<tc>, window_params = [{transform_indices = @transform_0, window_bounds = array<i64: 512, 20, 128>}, {transform_indices = @transform_1, window_bounds = array<i64: 512, 128>}, {pipeline_mode = #tpu.pipeline_mode<synchronous>, transform_indices = @transform_2, window_bounds = array<i64: 256, 256>}, {pipeline_mode = #tpu.pipeline_mode<synchronous>, transform_indices = @transform_3, window_bounds = array<i64: 8, 256>}, {transform_indices = @transform_4, window_bounds = array<i64: 512, 256>}, {transform_indices = @transform_5, window_bounds = array<i64: 512, 256>}, {pipeline_mode = #tpu.pipeline_mode<synchronous>, transform_indices = @transform_6, window_bounds = array<i64: 8, 256>}]} {
    %get3A = arith.constant 0 : index
    %get3A_0 = arith.constant 0 : index
    %get3A_1 = vector.load %arg2[%get3A, %get3A_0] : memref<512x128xf32, #tpu.memory_space<vmem>>, vector<512x128xf32>
    %get3A_2 = arith.constant 0 : index
    %get3A_3 = arith.constant 0 : index
    %get3A_4 = vector.load %arg3[%get3A_2, %get3A_3] : memref<256x256xf32, #tpu.memory_space<vmem>>, vector<256x256xf32>
    %get3A_5 = arith.constant 0 : index
    %get3A_6 = arith.constant 0 : index
    %get3A_7 = vector.load %arg4[%get3A_5, %get3A_6] : memref<8x256xf32, #tpu.memory_space<vmem>>, vector<8x256xf32>
    %reduce_sum3A = arith.constant dense<0.000000e+00> : vector<256xf32>
    %reduce_sum3A_8 = vector.multi_reduction <add>, %get3A_7, %reduce_sum3A [0] : vector<8x256xf32> to vector<256xf32>
    %broadcast_in_dim3A = vector.shape_cast %reduce_sum3A_8 : vector<256xf32> to vector<1x256xf32>
    %div3A = arith.constant 1.638400e+05 : f32
    %div3A_9 = vector.broadcast %div3A : f32 to vector<1x256xf32>
    %div3A_10 = arith.divf %broadcast_in_dim3A, %div3A_9 : vector<1x256xf32>
    %get3A_11 = arith.constant 0 : index
    %get3A_12 = arith.constant 0 : index
    %get3A_13 = arith.constant 0 : index
    %get3A_14 = vector.load %arg1[%get3A_11, %get3A_12, %get3A_13] : memref<512x20x128xf32, #tpu.memory_space<vmem>>, vector<512x1x128xf32>
    %get3A_15 = vector.shape_cast %get3A_14 : vector<512x1x128xf32> to vector<512x128xf32>
    %sub3A = arith.subf %get3A_15, %get3A_1 : vector<512x128xf32>
    %concatenate3A = tpu.concatenate %sub3A, %get3A_1 in 1 : vector<512x128xf32>, vector<512x128xf32> -> vector<512x256xf32>
    %dot_general3A = arith.constant dense<0.000000e+00> : vector<512x256xf32>
    %dot_general3A_16 = tpu.matmul %concatenate3A, %get3A_4, %dot_general3A {dimension_numbers = #tpu.dot_dimension_numbers<[1], [1], [0], [0], [0, 0, 1, 0], [], []>, transpose_lhs_hint = false} : vector<512x256xf32>, vector<256x256xf32>, vector<512x256xf32> -> vector<512x256xf32>
    %sub3A_17 = vector.broadcast %div3A_10 : vector<1x256xf32> to vector<512x256xf32>
    %sub3A_18 = arith.subf %dot_general3A_16, %sub3A_17 : vector<512x256xf32>
    %mul3A = arith.mulf %sub3A_18, %sub3A_18 : vector<512x256xf32>
    %reduce_sum3A_19 = arith.constant dense<0.000000e+00> : vector<256xf32>
    %reduce_sum3A_20 = vector.multi_reduction <add>, %mul3A, %reduce_sum3A_19 [0] : vector<512x256xf32> to vector<256xf32>
    %broadcast_in_dim3A_21 = vector.shape_cast %reduce_sum3A_20 : vector<256xf32> to vector<1x256xf32>
    %get3A_22 = arith.constant 0 : index
    %get3A_23 = arith.constant 1 : index
    %get3A_24 = arith.constant 0 : index
    %get3A_25 = vector.load %arg1[%get3A_22, %get3A_23, %get3A_24] : memref<512x20x128xf32, #tpu.memory_space<vmem>>, vector<512x1x128xf32>
    %get3A_26 = vector.shape_cast %get3A_25 : vector<512x1x128xf32> to vector<512x128xf32>
    %sub3A_27 = arith.subf %get3A_26, %get3A_1 : vector<512x128xf32>
    %concatenate3A_28 = tpu.concatenate %sub3A_27, %get3A_1 in 1 : vector<512x128xf32>, vector<512x128xf32> -> vector<512x256xf32>
    %dot_general3A_29 = arith.constant dense<0.000000e+00> : vector<512x256xf32>
    %dot_general3A_30 = tpu.matmul %concatenate3A_28, %get3A_4, %dot_general3A_29 {dimension_numbers = #tpu.dot_dimension_numbers<[1], [1], [0], [0], [0, 0, 1, 0], [], []>, transpose_lhs_hint = false} : vector<512x256xf32>, vector<256x256xf32>, vector<512x256xf32> -> vector<512x256xf32>
    %sub3A_31 = vector.broadcast %div3A_10 : vector<1x256xf32> to vector<512x256xf32>
    %sub3A_32 = arith.subf %dot_general3A_30, %sub3A_31 : vector<512x256xf32>
    %mul3A_33 = arith.mulf %sub3A_32, %sub3A_32 : vector<512x256xf32>
    %reduce_sum3A_34 = arith.constant dense<0.000000e+00> : vector<256xf32>
    %reduce_sum3A_35 = vector.multi_reduction <add>, %mul3A_33, %reduce_sum3A_34 [0] : vector<512x256xf32> to vector<256xf32>
    %broadcast_in_dim3A_36 = vector.shape_cast %reduce_sum3A_35 : vector<256xf32> to vector<1x256xf32>
    %max3A = arith.maximumf %dot_general3A_16, %dot_general3A_30 : vector<512x256xf32>
    %min3A = arith.minimumf %dot_general3A_16, %dot_general3A_30 : vector<512x256xf32>
    %add3A = arith.addf %broadcast_in_dim3A_21, %broadcast_in_dim3A_36 : vector<1x256xf32>
    %get3A_37 = arith.constant 0 : index
    %get3A_38 = arith.constant 2 : index
    %get3A_39 = arith.constant 0 : index
    %get3A_40 = vector.load %arg1[%get3A_37, %get3A_38, %get3A_39] : memref<512x20x128xf32, #tpu.memory_space<vmem>>, vector<512x1x128xf32>
    %get3A_41 = vector.shape_cast %get3A_40 : vector<512x1x128xf32> to vector<512x128xf32>
    %sub3A_42 = arith.subf %get3A_41, %get3A_1 : vector<512x128xf32>
    %concatenate3A_43 = tpu.concatenate %sub3A_42, %get3A_1 in 1 : vector<512x128xf32>, vector<512x128xf32> -> vector<512x256xf32>
    %dot_general3A_44 = arith.constant dense<0.000000e+00> : vector<512x256xf32>
    %dot_general3A_45 = tpu.matmul %concatenate3A_43, %get3A_4, %dot_general3A_44 {dimension_numbers = #tpu.dot_dimension_numbers<[1], [1], [0], [0], [0, 0, 1, 0], [], []>, transpose_lhs_hint = false} : vector<512x256xf32>, vector<256x256xf32>, vector<512x256xf32> -> vector<512x256xf32>
    %sub3A_46 = vector.broadcast %div3A_10 : vector<1x256xf32> to vector<512x256xf32>
    %sub3A_47 = arith.subf %dot_general3A_45, %sub3A_46 : vector<512x256xf32>
    %mul3A_48 = arith.mulf %sub3A_47, %sub3A_47 : vector<512x256xf32>
    %reduce_sum3A_49 = arith.constant dense<0.000000e+00> : vector<256xf32>
    %reduce_sum3A_50 = vector.multi_reduction <add>, %mul3A_48, %reduce_sum3A_49 [0] : vector<512x256xf32> to vector<256xf32>
    %broadcast_in_dim3A_51 = vector.shape_cast %reduce_sum3A_50 : vector<256xf32> to vector<1x256xf32>
    %max3A_52 = arith.maximumf %max3A, %dot_general3A_45 : vector<512x256xf32>
    %min3A_53 = arith.minimumf %min3A, %dot_general3A_45 : vector<512x256xf32>
    %add3A_54 = arith.addf %add3A, %broadcast_in_dim3A_51 : vector<1x256xf32>
    %get3A_55 = arith.constant 0 : index
    %get3A_56 = arith.constant 3 : index
    %get3A_57 = arith.constant 0 : index
    %get3A_58 = vector.load %arg1[%get3A_55, %get3A_56, %get3A_57] : memref<512x20x128xf32, #tpu.memory_space<vmem>>, vector<512x1x128xf32>
    %get3A_59 = vector.shape_cast %get3A_58 : vector<512x1x128xf32> to vector<512x128xf32>
    %sub3A_60 = arith.subf %get3A_59, %get3A_1 : vector<512x128xf32>
    %concatenate3A_61 = tpu.concatenate %sub3A_60, %get3A_1 in 1 : vector<512x128xf32>, vector<512x128xf32> -> vector<512x256xf32>
    %dot_general3A_62 = arith.constant dense<0.000000e+00> : vector<512x256xf32>
    %dot_general3A_63 = tpu.matmul %concatenate3A_61, %get3A_4, %dot_general3A_62 {dimension_numbers = #tpu.dot_dimension_numbers<[1], [1], [0], [0], [0, 0, 1, 0], [], []>, transpose_lhs_hint = false} : vector<512x256xf32>, vector<256x256xf32>, vector<512x256xf32> -> vector<512x256xf32>
    %sub3A_64 = vector.broadcast %div3A_10 : vector<1x256xf32> to vector<512x256xf32>
    %sub3A_65 = arith.subf %dot_general3A_63, %sub3A_64 : vector<512x256xf32>
    %mul3A_66 = arith.mulf %sub3A_65, %sub3A_65 : vector<512x256xf32>
    %reduce_sum3A_67 = arith.constant dense<0.000000e+00> : vector<256xf32>
    %reduce_sum3A_68 = vector.multi_reduction <add>, %mul3A_66, %reduce_sum3A_67 [0] : vector<512x256xf32> to vector<256xf32>
    %broadcast_in_dim3A_69 = vector.shape_cast %reduce_sum3A_68 : vector<256xf32> to vector<1x256xf32>
    %max3A_70 = arith.maximumf %max3A_52, %dot_general3A_63 : vector<512x256xf32>
    %min3A_71 = arith.minimumf %min3A_53, %dot_general3A_63 : vector<512x256xf32>
    %add3A_72 = arith.addf %add3A_54, %broadcast_in_dim3A_69 : vector<1x256xf32>
    %get3A_73 = arith.constant 0 : index
    %get3A_74 = arith.constant 4 : index
    %get3A_75 = arith.constant 0 : index
    %get3A_76 = vector.load %arg1[%get3A_73, %get3A_74, %get3A_75] : memref<512x20x128xf32, #tpu.memory_space<vmem>>, vector<512x1x128xf32>
    %get3A_77 = vector.shape_cast %get3A_76 : vector<512x1x128xf32> to vector<512x128xf32>
    %sub3A_78 = arith.subf %get3A_77, %get3A_1 : vector<512x128xf32>
    %concatenate3A_79 = tpu.concatenate %sub3A_78, %get3A_1 in 1 : vector<512x128xf32>, vector<512x128xf32> -> vector<512x256xf32>
    %dot_general3A_80 = arith.constant dense<0.000000e+00> : vector<512x256xf32>
    %dot_general3A_81 = tpu.matmul %concatenate3A_79, %get3A_4, %dot_general3A_80 {dimension_numbers = #tpu.dot_dimension_numbers<[1], [1], [0], [0], [0, 0, 1, 0], [], []>, transpose_lhs_hint = false} : vector<512x256xf32>, vector<256x256xf32>, vector<512x256xf32> -> vector<512x256xf32>
    %sub3A_82 = vector.broadcast %div3A_10 : vector<1x256xf32> to vector<512x256xf32>
    %sub3A_83 = arith.subf %dot_general3A_81, %sub3A_82 : vector<512x256xf32>
    %mul3A_84 = arith.mulf %sub3A_83, %sub3A_83 : vector<512x256xf32>
    %reduce_sum3A_85 = arith.constant dense<0.000000e+00> : vector<256xf32>
    %reduce_sum3A_86 = vector.multi_reduction <add>, %mul3A_84, %reduce_sum3A_85 [0] : vector<512x256xf32> to vector<256xf32>
    %broadcast_in_dim3A_87 = vector.shape_cast %reduce_sum3A_86 : vector<256xf32> to vector<1x256xf32>
    %max3A_88 = arith.maximumf %max3A_70, %dot_general3A_81 : vector<512x256xf32>
    %min3A_89 = arith.minimumf %min3A_71, %dot_general3A_81 : vector<512x256xf32>
    %add3A_90 = arith.addf %add3A_72, %broadcast_in_dim3A_87 : vector<1x256xf32>
    %get3A_91 = arith.constant 0 : index
    %get3A_92 = arith.constant 5 : index
    %get3A_93 = arith.constant 0 : index
    %get3A_94 = vector.load %arg1[%get3A_91, %get3A_92, %get3A_93] : memref<512x20x128xf32, #tpu.memory_space<vmem>>, vector<512x1x128xf32>
    %get3A_95 = vector.shape_cast %get3A_94 : vector<512x1x128xf32> to vector<512x128xf32>
    %sub3A_96 = arith.subf %get3A_95, %get3A_1 : vector<512x128xf32>
    %concatenate3A_97 = tpu.concatenate %sub3A_96, %get3A_1 in 1 : vector<512x128xf32>, vector<512x128xf32> -> vector<512x256xf32>
    %dot_general3A_98 = arith.constant dense<0.000000e+00> : vector<512x256xf32>
    %dot_general3A_99 = tpu.matmul %concatenate3A_97, %get3A_4, %dot_general3A_98 {dimension_numbers = #tpu.dot_dimension_numbers<[1], [1], [0], [0], [0, 0, 1, 0], [], []>, transpose_lhs_hint = false} : vector<512x256xf32>, vector<256x256xf32>, vector<512x256xf32> -> vector<512x256xf32>
    %sub3A_100 = vector.broadcast %div3A_10 : vector<1x256xf32> to vector<512x256xf32>
    %sub3A_101 = arith.subf %dot_general3A_99, %sub3A_100 : vector<512x256xf32>
    %mul3A_102 = arith.mulf %sub3A_101, %sub3A_101 : vector<512x256xf32>
    %reduce_sum3A_103 = arith.constant dense<0.000000e+00> : vector<256xf32>
    %reduce_sum3A_104 = vector.multi_reduction <add>, %mul3A_102, %reduce_sum3A_103 [0] : vector<512x256xf32> to vector<256xf32>
    %broadcast_in_dim3A_105 = vector.shape_cast %reduce_sum3A_104 : vector<256xf32> to vector<1x256xf32>
    %max3A_106 = arith.maximumf %max3A_88, %dot_general3A_99 : vector<512x256xf32>
    %min3A_107 = arith.minimumf %min3A_89, %dot_general3A_99 : vector<512x256xf32>
    %add3A_108 = arith.addf %add3A_90, %broadcast_in_dim3A_105 : vector<1x256xf32>
    %get3A_109 = arith.constant 0 : index
    %get3A_110 = arith.constant 6 : index
    %get3A_111 = arith.constant 0 : index
    %get3A_112 = vector.load %arg1[%get3A_109, %get3A_110, %get3A_111] : memref<512x20x128xf32, #tpu.memory_space<vmem>>, vector<512x1x128xf32>
    %get3A_113 = vector.shape_cast %get3A_112 : vector<512x1x128xf32> to vector<512x128xf32>
    %sub3A_114 = arith.subf %get3A_113, %get3A_1 : vector<512x128xf32>
    %concatenate3A_115 = tpu.concatenate %sub3A_114, %get3A_1 in 1 : vector<512x128xf32>, vector<512x128xf32> -> vector<512x256xf32>
    %dot_general3A_116 = arith.constant dense<0.000000e+00> : vector<512x256xf32>
    %dot_general3A_117 = tpu.matmul %concatenate3A_115, %get3A_4, %dot_general3A_116 {dimension_numbers = #tpu.dot_dimension_numbers<[1], [1], [0], [0], [0, 0, 1, 0], [], []>, transpose_lhs_hint = false} : vector<512x256xf32>, vector<256x256xf32>, vector<512x256xf32> -> vector<512x256xf32>
    %sub3A_118 = vector.broadcast %div3A_10 : vector<1x256xf32> to vector<512x256xf32>
    %sub3A_119 = arith.subf %dot_general3A_117, %sub3A_118 : vector<512x256xf32>
    %mul3A_120 = arith.mulf %sub3A_119, %sub3A_119 : vector<512x256xf32>
    %reduce_sum3A_121 = arith.constant dense<0.000000e+00> : vector<256xf32>
    %reduce_sum3A_122 = vector.multi_reduction <add>, %mul3A_120, %reduce_sum3A_121 [0] : vector<512x256xf32> to vector<256xf32>
    %broadcast_in_dim3A_123 = vector.shape_cast %reduce_sum3A_122 : vector<256xf32> to vector<1x256xf32>
    %max3A_124 = arith.maximumf %max3A_106, %dot_general3A_117 : vector<512x256xf32>
    %min3A_125 = arith.minimumf %min3A_107, %dot_general3A_117 : vector<512x256xf32>
    %add3A_126 = arith.addf %add3A_108, %broadcast_in_dim3A_123 : vector<1x256xf32>
    %get3A_127 = arith.constant 0 : index
    %get3A_128 = arith.constant 7 : index
    %get3A_129 = arith.constant 0 : index
    %get3A_130 = vector.load %arg1[%get3A_127, %get3A_128, %get3A_129] : memref<512x20x128xf32, #tpu.memory_space<vmem>>, vector<512x1x128xf32>
    %get3A_131 = vector.shape_cast %get3A_130 : vector<512x1x128xf32> to vector<512x128xf32>
    %sub3A_132 = arith.subf %get3A_131, %get3A_1 : vector<512x128xf32>
    %concatenate3A_133 = tpu.concatenate %sub3A_132, %get3A_1 in 1 : vector<512x128xf32>, vector<512x128xf32> -> vector<512x256xf32>
    %dot_general3A_134 = arith.constant dense<0.000000e+00> : vector<512x256xf32>
    %dot_general3A_135 = tpu.matmul %concatenate3A_133, %get3A_4, %dot_general3A_134 {dimension_numbers = #tpu.dot_dimension_numbers<[1], [1], [0], [0], [0, 0, 1, 0], [], []>, transpose_lhs_hint = false} : vector<512x256xf32>, vector<256x256xf32>, vector<512x256xf32> -> vector<512x256xf32>
    %sub3A_136 = vector.broadcast %div3A_10 : vector<1x256xf32> to vector<512x256xf32>
    %sub3A_137 = arith.subf %dot_general3A_135, %sub3A_136 : vector<512x256xf32>
    %mul3A_138 = arith.mulf %sub3A_137, %sub3A_137 : vector<512x256xf32>
    %reduce_sum3A_139 = arith.constant dense<0.000000e+00> : vector<256xf32>
    %reduce_sum3A_140 = vector.multi_reduction <add>, %mul3A_138, %reduce_sum3A_139 [0] : vector<512x256xf32> to vector<256xf32>
    %broadcast_in_dim3A_141 = vector.shape_cast %reduce_sum3A_140 : vector<256xf32> to vector<1x256xf32>
    %max3A_142 = arith.maximumf %max3A_124, %dot_general3A_135 : vector<512x256xf32>
    %min3A_143 = arith.minimumf %min3A_125, %dot_general3A_135 : vector<512x256xf32>
    %add3A_144 = arith.addf %add3A_126, %broadcast_in_dim3A_141 : vector<1x256xf32>
    %get3A_145 = arith.constant 0 : index
    %get3A_146 = arith.constant 8 : index
    %get3A_147 = arith.constant 0 : index
    %get3A_148 = vector.load %arg1[%get3A_145, %get3A_146, %get3A_147] : memref<512x20x128xf32, #tpu.memory_space<vmem>>, vector<512x1x128xf32>
    %get3A_149 = vector.shape_cast %get3A_148 : vector<512x1x128xf32> to vector<512x128xf32>
    %sub3A_150 = arith.subf %get3A_149, %get3A_1 : vector<512x128xf32>
    %concatenate3A_151 = tpu.concatenate %sub3A_150, %get3A_1 in 1 : vector<512x128xf32>, vector<512x128xf32> -> vector<512x256xf32>
    %dot_general3A_152 = arith.constant dense<0.000000e+00> : vector<512x256xf32>
    %dot_general3A_153 = tpu.matmul %concatenate3A_151, %get3A_4, %dot_general3A_152 {dimension_numbers = #tpu.dot_dimension_numbers<[1], [1], [0], [0], [0, 0, 1, 0], [], []>, transpose_lhs_hint = false} : vector<512x256xf32>, vector<256x256xf32>, vector<512x256xf32> -> vector<512x256xf32>
    %sub3A_154 = vector.broadcast %div3A_10 : vector<1x256xf32> to vector<512x256xf32>
    %sub3A_155 = arith.subf %dot_general3A_153, %sub3A_154 : vector<512x256xf32>
    %mul3A_156 = arith.mulf %sub3A_155, %sub3A_155 : vector<512x256xf32>
    %reduce_sum3A_157 = arith.constant dense<0.000000e+00> : vector<256xf32>
    %reduce_sum3A_158 = vector.multi_reduction <add>, %mul3A_156, %reduce_sum3A_157 [0] : vector<512x256xf32> to vector<256xf32>
    %broadcast_in_dim3A_159 = vector.shape_cast %reduce_sum3A_158 : vector<256xf32> to vector<1x256xf32>
    %max3A_160 = arith.maximumf %max3A_142, %dot_general3A_153 : vector<512x256xf32>
    %min3A_161 = arith.minimumf %min3A_143, %dot_general3A_153 : vector<512x256xf32>
    %add3A_162 = arith.addf %add3A_144, %broadcast_in_dim3A_159 : vector<1x256xf32>
    %get3A_163 = arith.constant 0 : index
    %get3A_164 = arith.constant 9 : index
    %get3A_165 = arith.constant 0 : index
    %get3A_166 = vector.load %arg1[%get3A_163, %get3A_164, %get3A_165] : memref<512x20x128xf32, #tpu.memory_space<vmem>>, vector<512x1x128xf32>
    %get3A_167 = vector.shape_cast %get3A_166 : vector<512x1x128xf32> to vector<512x128xf32>
    %sub3A_168 = arith.subf %get3A_167, %get3A_1 : vector<512x128xf32>
    %concatenate3A_169 = tpu.concatenate %sub3A_168, %get3A_1 in 1 : vector<512x128xf32>, vector<512x128xf32> -> vector<512x256xf32>
    %dot_general3A_170 = arith.constant dense<0.000000e+00> : vector<512x256xf32>
    %dot_general3A_171 = tpu.matmul %concatenate3A_169, %get3A_4, %dot_general3A_170 {dimension_numbers = #tpu.dot_dimension_numbers<[1], [1], [0], [0], [0, 0, 1, 0], [], []>, transpose_lhs_hint = false} : vector<512x256xf32>, vector<256x256xf32>, vector<512x256xf32> -> vector<512x256xf32>
    %sub3A_172 = vector.broadcast %div3A_10 : vector<1x256xf32> to vector<512x256xf32>
    %sub3A_173 = arith.subf %dot_general3A_171, %sub3A_172 : vector<512x256xf32>
    %mul3A_174 = arith.mulf %sub3A_173, %sub3A_173 : vector<512x256xf32>
    %reduce_sum3A_175 = arith.constant dense<0.000000e+00> : vector<256xf32>
    %reduce_sum3A_176 = vector.multi_reduction <add>, %mul3A_174, %reduce_sum3A_175 [0] : vector<512x256xf32> to vector<256xf32>
    %broadcast_in_dim3A_177 = vector.shape_cast %reduce_sum3A_176 : vector<256xf32> to vector<1x256xf32>
    %max3A_178 = arith.maximumf %max3A_160, %dot_general3A_171 : vector<512x256xf32>
    %min3A_179 = arith.minimumf %min3A_161, %dot_general3A_171 : vector<512x256xf32>
    %add3A_180 = arith.addf %add3A_162, %broadcast_in_dim3A_177 : vector<1x256xf32>
    %get3A_181 = arith.constant 0 : index
    %get3A_182 = arith.constant 10 : index
    %get3A_183 = arith.constant 0 : index
    %get3A_184 = vector.load %arg1[%get3A_181, %get3A_182, %get3A_183] : memref<512x20x128xf32, #tpu.memory_space<vmem>>, vector<512x1x128xf32>
    %get3A_185 = vector.shape_cast %get3A_184 : vector<512x1x128xf32> to vector<512x128xf32>
    %sub3A_186 = arith.subf %get3A_185, %get3A_1 : vector<512x128xf32>
    %concatenate3A_187 = tpu.concatenate %sub3A_186, %get3A_1 in 1 : vector<512x128xf32>, vector<512x128xf32> -> vector<512x256xf32>
    %dot_general3A_188 = arith.constant dense<0.000000e+00> : vector<512x256xf32>
    %dot_general3A_189 = tpu.matmul %concatenate3A_187, %get3A_4, %dot_general3A_188 {dimension_numbers = #tpu.dot_dimension_numbers<[1], [1], [0], [0], [0, 0, 1, 0], [], []>, transpose_lhs_hint = false} : vector<512x256xf32>, vector<256x256xf32>, vector<512x256xf32> -> vector<512x256xf32>
    %sub3A_190 = vector.broadcast %div3A_10 : vector<1x256xf32> to vector<512x256xf32>
    %sub3A_191 = arith.subf %dot_general3A_189, %sub3A_190 : vector<512x256xf32>
    %mul3A_192 = arith.mulf %sub3A_191, %sub3A_191 : vector<512x256xf32>
    %reduce_sum3A_193 = arith.constant dense<0.000000e+00> : vector<256xf32>
    %reduce_sum3A_194 = vector.multi_reduction <add>, %mul3A_192, %reduce_sum3A_193 [0] : vector<512x256xf32> to vector<256xf32>
    %broadcast_in_dim3A_195 = vector.shape_cast %reduce_sum3A_194 : vector<256xf32> to vector<1x256xf32>
    %max3A_196 = arith.maximumf %max3A_178, %dot_general3A_189 : vector<512x256xf32>
    %min3A_197 = arith.minimumf %min3A_179, %dot_general3A_189 : vector<512x256xf32>
    %add3A_198 = arith.addf %add3A_180, %broadcast_in_dim3A_195 : vector<1x256xf32>
    %get3A_199 = arith.constant 0 : index
    %get3A_200 = arith.constant 11 : index
    %get3A_201 = arith.constant 0 : index
    %get3A_202 = vector.load %arg1[%get3A_199, %get3A_200, %get3A_201] : memref<512x20x128xf32, #tpu.memory_space<vmem>>, vector<512x1x128xf32>
    %get3A_203 = vector.shape_cast %get3A_202 : vector<512x1x128xf32> to vector<512x128xf32>
    %sub3A_204 = arith.subf %get3A_203, %get3A_1 : vector<512x128xf32>
    %concatenate3A_205 = tpu.concatenate %sub3A_204, %get3A_1 in 1 : vector<512x128xf32>, vector<512x128xf32> -> vector<512x256xf32>
    %dot_general3A_206 = arith.constant dense<0.000000e+00> : vector<512x256xf32>
    %dot_general3A_207 = tpu.matmul %concatenate3A_205, %get3A_4, %dot_general3A_206 {dimension_numbers = #tpu.dot_dimension_numbers<[1], [1], [0], [0], [0, 0, 1, 0], [], []>, transpose_lhs_hint = false} : vector<512x256xf32>, vector<256x256xf32>, vector<512x256xf32> -> vector<512x256xf32>
    %sub3A_208 = vector.broadcast %div3A_10 : vector<1x256xf32> to vector<512x256xf32>
    %sub3A_209 = arith.subf %dot_general3A_207, %sub3A_208 : vector<512x256xf32>
    %mul3A_210 = arith.mulf %sub3A_209, %sub3A_209 : vector<512x256xf32>
    %reduce_sum3A_211 = arith.constant dense<0.000000e+00> : vector<256xf32>
    %reduce_sum3A_212 = vector.multi_reduction <add>, %mul3A_210, %reduce_sum3A_211 [0] : vector<512x256xf32> to vector<256xf32>
    %broadcast_in_dim3A_213 = vector.shape_cast %reduce_sum3A_212 : vector<256xf32> to vector<1x256xf32>
    %max3A_214 = arith.maximumf %max3A_196, %dot_general3A_207 : vector<512x256xf32>
    %min3A_215 = arith.minimumf %min3A_197, %dot_general3A_207 : vector<512x256xf32>
    %add3A_216 = arith.addf %add3A_198, %broadcast_in_dim3A_213 : vector<1x256xf32>
    %get3A_217 = arith.constant 0 : index
    %get3A_218 = arith.constant 12 : index
    %get3A_219 = arith.constant 0 : index
    %get3A_220 = vector.load %arg1[%get3A_217, %get3A_218, %get3A_219] : memref<512x20x128xf32, #tpu.memory_space<vmem>>, vector<512x1x128xf32>
    %get3A_221 = vector.shape_cast %get3A_220 : vector<512x1x128xf32> to vector<512x128xf32>
    %sub3A_222 = arith.subf %get3A_221, %get3A_1 : vector<512x128xf32>
    %concatenate3A_223 = tpu.concatenate %sub3A_222, %get3A_1 in 1 : vector<512x128xf32>, vector<512x128xf32> -> vector<512x256xf32>
    %dot_general3A_224 = arith.constant dense<0.000000e+00> : vector<512x256xf32>
    %dot_general3A_225 = tpu.matmul %concatenate3A_223, %get3A_4, %dot_general3A_224 {dimension_numbers = #tpu.dot_dimension_numbers<[1], [1], [0], [0], [0, 0, 1, 0], [], []>, transpose_lhs_hint = false} : vector<512x256xf32>, vector<256x256xf32>, vector<512x256xf32> -> vector<512x256xf32>
    %sub3A_226 = vector.broadcast %div3A_10 : vector<1x256xf32> to vector<512x256xf32>
    %sub3A_227 = arith.subf %dot_general3A_225, %sub3A_226 : vector<512x256xf32>
    %mul3A_228 = arith.mulf %sub3A_227, %sub3A_227 : vector<512x256xf32>
    %reduce_sum3A_229 = arith.constant dense<0.000000e+00> : vector<256xf32>
    %reduce_sum3A_230 = vector.multi_reduction <add>, %mul3A_228, %reduce_sum3A_229 [0] : vector<512x256xf32> to vector<256xf32>
    %broadcast_in_dim3A_231 = vector.shape_cast %reduce_sum3A_230 : vector<256xf32> to vector<1x256xf32>
    %max3A_232 = arith.maximumf %max3A_214, %dot_general3A_225 : vector<512x256xf32>
    %min3A_233 = arith.minimumf %min3A_215, %dot_general3A_225 : vector<512x256xf32>
    %add3A_234 = arith.addf %add3A_216, %broadcast_in_dim3A_231 : vector<1x256xf32>
    %get3A_235 = arith.constant 0 : index
    %get3A_236 = arith.constant 13 : index
    %get3A_237 = arith.constant 0 : index
    %get3A_238 = vector.load %arg1[%get3A_235, %get3A_236, %get3A_237] : memref<512x20x128xf32, #tpu.memory_space<vmem>>, vector<512x1x128xf32>
    %get3A_239 = vector.shape_cast %get3A_238 : vector<512x1x128xf32> to vector<512x128xf32>
    %sub3A_240 = arith.subf %get3A_239, %get3A_1 : vector<512x128xf32>
    %concatenate3A_241 = tpu.concatenate %sub3A_240, %get3A_1 in 1 : vector<512x128xf32>, vector<512x128xf32> -> vector<512x256xf32>
    %dot_general3A_242 = arith.constant dense<0.000000e+00> : vector<512x256xf32>
    %dot_general3A_243 = tpu.matmul %concatenate3A_241, %get3A_4, %dot_general3A_242 {dimension_numbers = #tpu.dot_dimension_numbers<[1], [1], [0], [0], [0, 0, 1, 0], [], []>, transpose_lhs_hint = false} : vector<512x256xf32>, vector<256x256xf32>, vector<512x256xf32> -> vector<512x256xf32>
    %sub3A_244 = vector.broadcast %div3A_10 : vector<1x256xf32> to vector<512x256xf32>
    %sub3A_245 = arith.subf %dot_general3A_243, %sub3A_244 : vector<512x256xf32>
    %mul3A_246 = arith.mulf %sub3A_245, %sub3A_245 : vector<512x256xf32>
    %reduce_sum3A_247 = arith.constant dense<0.000000e+00> : vector<256xf32>
    %reduce_sum3A_248 = vector.multi_reduction <add>, %mul3A_246, %reduce_sum3A_247 [0] : vector<512x256xf32> to vector<256xf32>
    %broadcast_in_dim3A_249 = vector.shape_cast %reduce_sum3A_248 : vector<256xf32> to vector<1x256xf32>
    %max3A_250 = arith.maximumf %max3A_232, %dot_general3A_243 : vector<512x256xf32>
    %min3A_251 = arith.minimumf %min3A_233, %dot_general3A_243 : vector<512x256xf32>
    %add3A_252 = arith.addf %add3A_234, %broadcast_in_dim3A_249 : vector<1x256xf32>
    %get3A_253 = arith.constant 0 : index
    %get3A_254 = arith.constant 14 : index
    %get3A_255 = arith.constant 0 : index
    %get3A_256 = vector.load %arg1[%get3A_253, %get3A_254, %get3A_255] : memref<512x20x128xf32, #tpu.memory_space<vmem>>, vector<512x1x128xf32>
    %get3A_257 = vector.shape_cast %get3A_256 : vector<512x1x128xf32> to vector<512x128xf32>
    %sub3A_258 = arith.subf %get3A_257, %get3A_1 : vector<512x128xf32>
    %concatenate3A_259 = tpu.concatenate %sub3A_258, %get3A_1 in 1 : vector<512x128xf32>, vector<512x128xf32> -> vector<512x256xf32>
    %dot_general3A_260 = arith.constant dense<0.000000e+00> : vector<512x256xf32>
    %dot_general3A_261 = tpu.matmul %concatenate3A_259, %get3A_4, %dot_general3A_260 {dimension_numbers = #tpu.dot_dimension_numbers<[1], [1], [0], [0], [0, 0, 1, 0], [], []>, transpose_lhs_hint = false} : vector<512x256xf32>, vector<256x256xf32>, vector<512x256xf32> -> vector<512x256xf32>
    %sub3A_262 = vector.broadcast %div3A_10 : vector<1x256xf32> to vector<512x256xf32>
    %sub3A_263 = arith.subf %dot_general3A_261, %sub3A_262 : vector<512x256xf32>
    %mul3A_264 = arith.mulf %sub3A_263, %sub3A_263 : vector<512x256xf32>
    %reduce_sum3A_265 = arith.constant dense<0.000000e+00> : vector<256xf32>
    %reduce_sum3A_266 = vector.multi_reduction <add>, %mul3A_264, %reduce_sum3A_265 [0] : vector<512x256xf32> to vector<256xf32>
    %broadcast_in_dim3A_267 = vector.shape_cast %reduce_sum3A_266 : vector<256xf32> to vector<1x256xf32>
    %max3A_268 = arith.maximumf %max3A_250, %dot_general3A_261 : vector<512x256xf32>
    %min3A_269 = arith.minimumf %min3A_251, %dot_general3A_261 : vector<512x256xf32>
    %add3A_270 = arith.addf %add3A_252, %broadcast_in_dim3A_267 : vector<1x256xf32>
    %get3A_271 = arith.constant 0 : index
    %get3A_272 = arith.constant 15 : index
    %get3A_273 = arith.constant 0 : index
    %get3A_274 = vector.load %arg1[%get3A_271, %get3A_272, %get3A_273] : memref<512x20x128xf32, #tpu.memory_space<vmem>>, vector<512x1x128xf32>
    %get3A_275 = vector.shape_cast %get3A_274 : vector<512x1x128xf32> to vector<512x128xf32>
    %sub3A_276 = arith.subf %get3A_275, %get3A_1 : vector<512x128xf32>
    %concatenate3A_277 = tpu.concatenate %sub3A_276, %get3A_1 in 1 : vector<512x128xf32>, vector<512x128xf32> -> vector<512x256xf32>
    %dot_general3A_278 = arith.constant dense<0.000000e+00> : vector<512x256xf32>
    %dot_general3A_279 = tpu.matmul %concatenate3A_277, %get3A_4, %dot_general3A_278 {dimension_numbers = #tpu.dot_dimension_numbers<[1], [1], [0], [0], [0, 0, 1, 0], [], []>, transpose_lhs_hint = false} : vector<512x256xf32>, vector<256x256xf32>, vector<512x256xf32> -> vector<512x256xf32>
    %sub3A_280 = vector.broadcast %div3A_10 : vector<1x256xf32> to vector<512x256xf32>
    %sub3A_281 = arith.subf %dot_general3A_279, %sub3A_280 : vector<512x256xf32>
    %mul3A_282 = arith.mulf %sub3A_281, %sub3A_281 : vector<512x256xf32>
    %reduce_sum3A_283 = arith.constant dense<0.000000e+00> : vector<256xf32>
    %reduce_sum3A_284 = vector.multi_reduction <add>, %mul3A_282, %reduce_sum3A_283 [0] : vector<512x256xf32> to vector<256xf32>
    %broadcast_in_dim3A_285 = vector.shape_cast %reduce_sum3A_284 : vector<256xf32> to vector<1x256xf32>
    %max3A_286 = arith.maximumf %max3A_268, %dot_general3A_279 : vector<512x256xf32>
    %min3A_287 = arith.minimumf %min3A_269, %dot_general3A_279 : vector<512x256xf32>
    %add3A_288 = arith.addf %add3A_270, %broadcast_in_dim3A_285 : vector<1x256xf32>
    %get3A_289 = arith.constant 0 : index
    %get3A_290 = arith.constant 16 : index
    %get3A_291 = arith.constant 0 : index
    %get3A_292 = vector.load %arg1[%get3A_289, %get3A_290, %get3A_291] : memref<512x20x128xf32, #tpu.memory_space<vmem>>, vector<512x1x128xf32>
    %get3A_293 = vector.shape_cast %get3A_292 : vector<512x1x128xf32> to vector<512x128xf32>
    %sub3A_294 = arith.subf %get3A_293, %get3A_1 : vector<512x128xf32>
    %concatenate3A_295 = tpu.concatenate %sub3A_294, %get3A_1 in 1 : vector<512x128xf32>, vector<512x128xf32> -> vector<512x256xf32>
    %dot_general3A_296 = arith.constant dense<0.000000e+00> : vector<512x256xf32>
    %dot_general3A_297 = tpu.matmul %concatenate3A_295, %get3A_4, %dot_general3A_296 {dimension_numbers = #tpu.dot_dimension_numbers<[1], [1], [0], [0], [0, 0, 1, 0], [], []>, transpose_lhs_hint = false} : vector<512x256xf32>, vector<256x256xf32>, vector<512x256xf32> -> vector<512x256xf32>
    %sub3A_298 = vector.broadcast %div3A_10 : vector<1x256xf32> to vector<512x256xf32>
    %sub3A_299 = arith.subf %dot_general3A_297, %sub3A_298 : vector<512x256xf32>
    %mul3A_300 = arith.mulf %sub3A_299, %sub3A_299 : vector<512x256xf32>
    %reduce_sum3A_301 = arith.constant dense<0.000000e+00> : vector<256xf32>
    %reduce_sum3A_302 = vector.multi_reduction <add>, %mul3A_300, %reduce_sum3A_301 [0] : vector<512x256xf32> to vector<256xf32>
    %broadcast_in_dim3A_303 = vector.shape_cast %reduce_sum3A_302 : vector<256xf32> to vector<1x256xf32>
    %max3A_304 = arith.maximumf %max3A_286, %dot_general3A_297 : vector<512x256xf32>
    %min3A_305 = arith.minimumf %min3A_287, %dot_general3A_297 : vector<512x256xf32>
    %add3A_306 = arith.addf %add3A_288, %broadcast_in_dim3A_303 : vector<1x256xf32>
    %get3A_307 = arith.constant 0 : index
    %get3A_308 = arith.constant 17 : index
    %get3A_309 = arith.constant 0 : index
    %get3A_310 = vector.load %arg1[%get3A_307, %get3A_308, %get3A_309] : memref<512x20x128xf32, #tpu.memory_space<vmem>>, vector<512x1x128xf32>
    %get3A_311 = vector.shape_cast %get3A_310 : vector<512x1x128xf32> to vector<512x128xf32>
    %sub3A_312 = arith.subf %get3A_311, %get3A_1 : vector<512x128xf32>
    %concatenate3A_313 = tpu.concatenate %sub3A_312, %get3A_1 in 1 : vector<512x128xf32>, vector<512x128xf32> -> vector<512x256xf32>
    %dot_general3A_314 = arith.constant dense<0.000000e+00> : vector<512x256xf32>
    %dot_general3A_315 = tpu.matmul %concatenate3A_313, %get3A_4, %dot_general3A_314 {dimension_numbers = #tpu.dot_dimension_numbers<[1], [1], [0], [0], [0, 0, 1, 0], [], []>, transpose_lhs_hint = false} : vector<512x256xf32>, vector<256x256xf32>, vector<512x256xf32> -> vector<512x256xf32>
    %sub3A_316 = vector.broadcast %div3A_10 : vector<1x256xf32> to vector<512x256xf32>
    %sub3A_317 = arith.subf %dot_general3A_315, %sub3A_316 : vector<512x256xf32>
    %mul3A_318 = arith.mulf %sub3A_317, %sub3A_317 : vector<512x256xf32>
    %reduce_sum3A_319 = arith.constant dense<0.000000e+00> : vector<256xf32>
    %reduce_sum3A_320 = vector.multi_reduction <add>, %mul3A_318, %reduce_sum3A_319 [0] : vector<512x256xf32> to vector<256xf32>
    %broadcast_in_dim3A_321 = vector.shape_cast %reduce_sum3A_320 : vector<256xf32> to vector<1x256xf32>
    %max3A_322 = arith.maximumf %max3A_304, %dot_general3A_315 : vector<512x256xf32>
    %min3A_323 = arith.minimumf %min3A_305, %dot_general3A_315 : vector<512x256xf32>
    %add3A_324 = arith.addf %add3A_306, %broadcast_in_dim3A_321 : vector<1x256xf32>
    %get3A_325 = arith.constant 0 : index
    %get3A_326 = arith.constant 18 : index
    %get3A_327 = arith.constant 0 : index
    %get3A_328 = vector.load %arg1[%get3A_325, %get3A_326, %get3A_327] : memref<512x20x128xf32, #tpu.memory_space<vmem>>, vector<512x1x128xf32>
    %get3A_329 = vector.shape_cast %get3A_328 : vector<512x1x128xf32> to vector<512x128xf32>
    %sub3A_330 = arith.subf %get3A_329, %get3A_1 : vector<512x128xf32>
    %concatenate3A_331 = tpu.concatenate %sub3A_330, %get3A_1 in 1 : vector<512x128xf32>, vector<512x128xf32> -> vector<512x256xf32>
    %dot_general3A_332 = arith.constant dense<0.000000e+00> : vector<512x256xf32>
    %dot_general3A_333 = tpu.matmul %concatenate3A_331, %get3A_4, %dot_general3A_332 {dimension_numbers = #tpu.dot_dimension_numbers<[1], [1], [0], [0], [0, 0, 1, 0], [], []>, transpose_lhs_hint = false} : vector<512x256xf32>, vector<256x256xf32>, vector<512x256xf32> -> vector<512x256xf32>
    %sub3A_334 = vector.broadcast %div3A_10 : vector<1x256xf32> to vector<512x256xf32>
    %sub3A_335 = arith.subf %dot_general3A_333, %sub3A_334 : vector<512x256xf32>
    %mul3A_336 = arith.mulf %sub3A_335, %sub3A_335 : vector<512x256xf32>
    %reduce_sum3A_337 = arith.constant dense<0.000000e+00> : vector<256xf32>
    %reduce_sum3A_338 = vector.multi_reduction <add>, %mul3A_336, %reduce_sum3A_337 [0] : vector<512x256xf32> to vector<256xf32>
    %broadcast_in_dim3A_339 = vector.shape_cast %reduce_sum3A_338 : vector<256xf32> to vector<1x256xf32>
    %max3A_340 = arith.maximumf %max3A_322, %dot_general3A_333 : vector<512x256xf32>
    %min3A_341 = arith.minimumf %min3A_323, %dot_general3A_333 : vector<512x256xf32>
    %add3A_342 = arith.addf %add3A_324, %broadcast_in_dim3A_339 : vector<1x256xf32>
    %get3A_343 = arith.constant 0 : index
    %get3A_344 = arith.constant 19 : index
    %get3A_345 = arith.constant 0 : index
    %get3A_346 = vector.load %arg1[%get3A_343, %get3A_344, %get3A_345] : memref<512x20x128xf32, #tpu.memory_space<vmem>>, vector<512x1x128xf32>
    %get3A_347 = vector.shape_cast %get3A_346 : vector<512x1x128xf32> to vector<512x128xf32>
    %sub3A_348 = arith.subf %get3A_347, %get3A_1 : vector<512x128xf32>
    %concatenate3A_349 = tpu.concatenate %sub3A_348, %get3A_1 in 1 : vector<512x128xf32>, vector<512x128xf32> -> vector<512x256xf32>
    %dot_general3A_350 = arith.constant dense<0.000000e+00> : vector<512x256xf32>
    %dot_general3A_351 = tpu.matmul %concatenate3A_349, %get3A_4, %dot_general3A_350 {dimension_numbers = #tpu.dot_dimension_numbers<[1], [1], [0], [0], [0, 0, 1, 0], [], []>, transpose_lhs_hint = false} : vector<512x256xf32>, vector<256x256xf32>, vector<512x256xf32> -> vector<512x256xf32>
    %sub3A_352 = vector.broadcast %div3A_10 : vector<1x256xf32> to vector<512x256xf32>
    %sub3A_353 = arith.subf %dot_general3A_351, %sub3A_352 : vector<512x256xf32>
    %mul3A_354 = arith.mulf %sub3A_353, %sub3A_353 : vector<512x256xf32>
    %reduce_sum3A_355 = arith.constant dense<0.000000e+00> : vector<256xf32>
    %reduce_sum3A_356 = vector.multi_reduction <add>, %mul3A_354, %reduce_sum3A_355 [0] : vector<512x256xf32> to vector<256xf32>
    %broadcast_in_dim3A_357 = vector.shape_cast %reduce_sum3A_356 : vector<256xf32> to vector<1x256xf32>
    %max3A_358 = arith.maximumf %max3A_340, %dot_general3A_351 : vector<512x256xf32>
    %min3A_359 = arith.minimumf %min3A_341, %dot_general3A_351 : vector<512x256xf32>
    %add3A_360 = arith.addf %add3A_342, %broadcast_in_dim3A_357 : vector<1x256xf32>
    %swap3A = arith.constant 0 : index
    %swap3A_361 = arith.constant 0 : index
    %swap3A_362 = vector.load %arg5[%swap3A, %swap3A_361] : memref<512x256xf32, #tpu.memory_space<vmem>>, vector<512x256xf32>
    tpu.vector_store %arg5[%swap3A, %swap3A_361], %max3A_358 {strides = array<i32>} : memref<512x256xf32, #tpu.memory_space<vmem>>, vector<512x256xf32>,
    %swap3A_363 = arith.constant 0 : index
    %swap3A_364 = arith.constant 0 : index
    %swap3A_365 = vector.load %arg6[%swap3A_363, %swap3A_364] : memref<512x256xf32, #tpu.memory_space<vmem>>, vector<512x256xf32>
    tpu.vector_store %arg6[%swap3A_363, %swap3A_364], %min3A_359 {strides = array<i32>} : memref<512x256xf32, #tpu.memory_space<vmem>>, vector<512x256xf32>,
    %eq3A = arith.constant 0 : i32
    %eq3A_366 = arith.cmpi eq, %arg0, %eq3A : i32
    %convert_element_type3A = arith.extui %eq3A_366 : i1 to i32
    %cond3A = arith.constant 0 : i32
    %cond3A_367 = arith.cmpi ne, %convert_element_type3A, %cond3A : i32
    scf.if %cond3A_367 {
      %broadcast_in_dim3A_385 = arith.constant 0.000000e+00 : f32
      %broadcast_in_dim3A_386 = vector.broadcast %broadcast_in_dim3A_385 : f32 to vector<8x256xf32>
      %swap3A_387 = arith.constant 0 : index
      %swap3A_388 = arith.constant 0 : index
      %swap3A_389 = vector.load %arg7[%swap3A_387, %swap3A_388] : memref<8x256xf32, #tpu.memory_space<vmem>>, vector<8x256xf32>
      tpu.vector_store %arg7[%swap3A_387, %swap3A_388], %broadcast_in_dim3A_386 {strides = array<i32>} : memref<8x256xf32, #tpu.memory_space<vmem>>, vector<8x256xf32>,
    } else {
    }
    %jit3A = arith.constant 8 : i32
    %eq3A_368 = arith.constant 0 : i32
    %eq3A_369 = arith.cmpi eq, %jit3A, %eq3A_368 : i32
    %jit3A_370 = arith.constant 1 : i32
    %select_n3A = arith.select %eq3A_369, %jit3A_370, %jit3A : i32
    %rem3A = arith.remsi %arg0, %select_n3A : i32
    %ne3A = arith.constant 0 : i32
    %ne3A_371 = arith.cmpi ne, %rem3A, %ne3A : i32
    %lt3A = arith.constant 0 : i32
    %lt3A_372 = arith.cmpi slt, %rem3A, %lt3A : i32
    %lt3A_373 = arith.constant 0 : i32
    %lt3A_374 = arith.cmpi slt, %select_n3A, %lt3A_373 : i32
    %ne3A_375 = arith.xori %lt3A_372, %lt3A_374 : i1
    %and3A = arith.andi %ne3A_375, %ne3A_371 : i1
    %add3A_376 = arith.addi %rem3A, %select_n3A : i32
    %select_n3A_377 = arith.select %and3A, %add3A_376, %rem3A : i32
    %get3A_378 = arith.index_cast %select_n3A_377 : i32 to index
    %get3A_379 = arith.constant 0 : index
    %get3A_380 = vector.load %arg7[%get3A_378, %get3A_379] : memref<8x256xf32, #tpu.memory_space<vmem>>, vector<1x256xf32>
    %add3A_381 = arith.addf %get3A_380, %add3A_360 : vector<1x256xf32>
    %swap3A_382 = arith.index_cast %select_n3A_377 : i32 to index
    %swap3A_383 = arith.constant 0 : index
    %swap3A_384 = vector.load %arg7[%swap3A_382, %swap3A_383] : memref<8x256xf32, #tpu.memory_space<vmem>>, vector<1x256xf32>
    tpu.vector_store %arg7[%swap3A_382, %swap3A_383], %add3A_381 {strides = array<i32>} : memref<8x256xf32, #tpu.memory_space<vmem>>, vector<1x256xf32>,
    return
  }
  func.func @transform_0(%arg0: i32) -> (i32, i32, i32) {
    %c0_i32 = arith.constant 0 : i32
    %c0_i32_0 = arith.constant 0 : i32
    %c0_i32_1 = arith.constant 0 : i32
    return %arg0, %c0_i32, %c0_i32_0 : i32, i32, i32
  }
  func.func @transform_1(%arg0: i32) -> (i32, i32) {
    %c0_i32 = arith.constant 0 : i32
    %c0_i32_0 = arith.constant 0 : i32
    return %arg0, %c0_i32 : i32, i32
  }
  func.func @transform_2(%arg0: i32) -> (i32, i32) {
    %c0_i32 = arith.constant 0 : i32
    %c0_i32_0 = arith.constant 0 : i32
    %c0_i32_1 = arith.constant 0 : i32
    return %c0_i32, %c0_i32_0 : i32, i32
  }
  func.func @transform_3(%arg0: i32) -> (i32, i32) {
    %c0_i32 = arith.constant 0 : i32
    %c0_i32_0 = arith.constant 0 : i32
    %c0_i32_1 = arith.constant 0 : i32
    return %c0_i32, %c0_i32_0 : i32, i32
  }
  func.func @transform_4(%arg0: i32) -> (i32, i32) {
    %c0_i32 = arith.constant 0 : i32
    %c0_i32_0 = arith.constant 0 : i32
    return %arg0, %c0_i32 : i32, i32
  }
  func.func @transform_5(%arg0: i32) -> (i32, i32) {
    %c0_i32 = arith.constant 0 : i32
    %c0_i32_0 = arith.constant 0 : i32
    return %arg0, %c0_i32 : i32, i32
  }
  func.func @transform_6(%arg0: i32) -> (i32, i32) {
    %c0_i32 = arith.constant 0 : i32
    %c0_i32_0 = arith.constant 0 : i32
    %c0_i32_1 = arith.constant 0 : i32
    return %c0_i32, %c0_i32_0 : i32, i32
  }
}

module attributes {stable_mosaic.version = 14 : i64} {
  func.func @_apply4_body(%arg0: i32, %arg1: memref<512x256xf32, #tpu.memory_space<vmem>>, %arg2: memref<512x256xf32, #tpu.memory_space<vmem>>, %arg3: memref<8x256xf32, #tpu.memory_space<vmem>>, %arg4: memref<8x256xf32, #tpu.memory_space<vmem>>, %arg5: memref<1x256xf32, #tpu.memory_space<vmem>>, %arg6: memref<1x256xf32, #tpu.memory_space<vmem>>, %arg7: memref<512x256xf32, #tpu.memory_space<vmem>>) attributes {dimension_semantics = [#tpu.dimension_semantics<arbitrary>], iteration_bounds = array<i64: 16>, scalar_prefetch = 0 : i64, scratch_operands = 0 : i64, tpu.core_type = #tpu.core_type<tc>, window_params = [{transform_indices = @transform_0, window_bounds = array<i64: 512, 256>}, {transform_indices = @transform_1, window_bounds = array<i64: 512, 256>}, {pipeline_mode = #tpu.pipeline_mode<synchronous>, transform_indices = @transform_2, window_bounds = array<i64: 8, 256>}, {pipeline_mode = #tpu.pipeline_mode<synchronous>, transform_indices = @transform_3, window_bounds = array<i64: 8, 256>}, {pipeline_mode = #tpu.pipeline_mode<synchronous>, transform_indices = @transform_4, window_bounds = array<i64: 1, 256>}, {pipeline_mode = #tpu.pipeline_mode<synchronous>, transform_indices = @transform_5, window_bounds = array<i64: 1, 256>}, {transform_indices = @transform_6, window_bounds = array<i64: 512, 256>}]} {
    %get3A = arith.constant 0 : index
    %get3A_0 = arith.constant 0 : index
    %get3A_1 = vector.load %arg3[%get3A, %get3A_0] : memref<8x256xf32, #tpu.memory_space<vmem>>, vector<8x256xf32>
    %reduce_sum3A = arith.constant dense<0.000000e+00> : vector<256xf32>
    %reduce_sum3A_2 = vector.multi_reduction <add>, %get3A_1, %reduce_sum3A [0] : vector<8x256xf32> to vector<256xf32>
    %broadcast_in_dim3A = vector.shape_cast %reduce_sum3A_2 : vector<256xf32> to vector<1x256xf32>
    %div3A = arith.constant 1.638400e+05 : f32
    %div3A_3 = vector.broadcast %div3A : f32 to vector<1x256xf32>
    %div3A_4 = arith.divf %broadcast_in_dim3A, %div3A_3 : vector<1x256xf32>
    %get3A_5 = arith.constant 0 : index
    %get3A_6 = arith.constant 0 : index
    %get3A_7 = vector.load %arg4[%get3A_5, %get3A_6] : memref<8x256xf32, #tpu.memory_space<vmem>>, vector<8x256xf32>
    %reduce_sum3A_8 = arith.constant dense<0.000000e+00> : vector<256xf32>
    %reduce_sum3A_9 = vector.multi_reduction <add>, %get3A_7, %reduce_sum3A_8 [0] : vector<8x256xf32> to vector<256xf32>
    %broadcast_in_dim3A_10 = vector.shape_cast %reduce_sum3A_9 : vector<256xf32> to vector<1x256xf32>
    %div3A_11 = arith.constant 1.638400e+05 : f32
    %div3A_12 = vector.broadcast %div3A_11 : f32 to vector<1x256xf32>
    %div3A_13 = arith.divf %broadcast_in_dim3A_10, %div3A_12 : vector<1x256xf32>
    %add3A = arith.constant 9.99999974E-6 : f32
    %add3A_14 = vector.broadcast %add3A : f32 to vector<1x256xf32>
    %add3A_15 = arith.addf %div3A_13, %add3A_14 : vector<1x256xf32>
    %sqrt3A = math.sqrt %add3A_15 : vector<1x256xf32>
    %get3A_16 = arith.constant 0 : index
    %get3A_17 = arith.constant 0 : index
    %get3A_18 = vector.load %arg5[%get3A_16, %get3A_17] : memref<1x256xf32, #tpu.memory_space<vmem>>, vector<1x256xf32>
    %ge3A = arith.constant 0.000000e+00 : f32
    %ge3A_19 = vector.broadcast %ge3A : f32 to vector<1x256xf32>
    %ge3A_20 = arith.cmpf oge, %get3A_18, %ge3A_19 : vector<1x256xf32>
    %get3A_21 = arith.constant 0 : index
    %get3A_22 = arith.constant 0 : index
    %get3A_23 = vector.load %arg1[%get3A_21, %get3A_22] : memref<512x256xf32, #tpu.memory_space<vmem>>, vector<512x256xf32>
    %get3A_24 = arith.constant 0 : index
    %get3A_25 = arith.constant 0 : index
    %get3A_26 = vector.load %arg2[%get3A_24, %get3A_25] : memref<512x256xf32, #tpu.memory_space<vmem>>, vector<512x256xf32>
    %broadcast_in_dim3A_27 = vector.shape_cast %ge3A_20 : vector<1x256xi1> to vector<1x256xi1>
    %broadcast_in_dim3A_28 = vector.broadcast %broadcast_in_dim3A_27 : vector<1x256xi1> to vector<512x256xi1>
    %select_n3A = arith.select %broadcast_in_dim3A_28, %get3A_23, %get3A_26 : vector<512x256xi1>, vector<512x256xf32>
    %sub3A = vector.broadcast %div3A_4 : vector<1x256xf32> to vector<512x256xf32>
    %sub3A_29 = arith.subf %select_n3A, %sub3A : vector<512x256xf32>
    %div3A_30 = vector.broadcast %sqrt3A : vector<1x256xf32> to vector<512x256xf32>
    %div3A_31 = arith.divf %sub3A_29, %div3A_30 : vector<512x256xf32>
    %mul3A = vector.broadcast %get3A_18 : vector<1x256xf32> to vector<512x256xf32>
    %mul3A_32 = arith.mulf %div3A_31, %mul3A : vector<512x256xf32>
    %get3A_33 = arith.constant 0 : index
    %get3A_34 = arith.constant 0 : index
    %get3A_35 = vector.load %arg6[%get3A_33, %get3A_34] : memref<1x256xf32, #tpu.memory_space<vmem>>, vector<1x256xf32>
    %add3A_36 = vector.broadcast %get3A_35 : vector<1x256xf32> to vector<512x256xf32>
    %add3A_37 = arith.addf %mul3A_32, %add3A_36 : vector<512x256xf32>
    %min3A = arith.constant 0.000000e+00 : f32
    %min3A_38 = vector.broadcast %min3A : f32 to vector<512x256xf32>
    %min3A_39 = arith.minimumf %add3A_37, %min3A_38 : vector<512x256xf32>
    %div3A_40 = arith.constant 2.000000e+00 : f32
    %div3A_41 = vector.broadcast %div3A_40 : f32 to vector<512x256xf32>
    %div3A_42 = arith.divf %min3A_39, %div3A_41 : vector<512x256xf32>
    %div3A_43 = arith.constant 3.000000e+00 : f32
    %div3A_44 = vector.broadcast %div3A_43 : f32 to vector<512x256xf32>
    %div3A_45 = arith.divf %min3A_39, %div3A_44 : vector<512x256xf32>
    %div3A_46 = arith.constant 4.000000e+00 : f32
    %div3A_47 = vector.broadcast %div3A_46 : f32 to vector<512x256xf32>
    %div3A_48 = arith.divf %min3A_39, %div3A_47 : vector<512x256xf32>
    %div3A_49 = arith.constant 5.000000e+00 : f32
    %div3A_50 = vector.broadcast %div3A_49 : f32 to vector<512x256xf32>
    %div3A_51 = arith.divf %min3A_39, %div3A_50 : vector<512x256xf32>
    %div3A_52 = arith.constant 6.000000e+00 : f32
    %div3A_53 = vector.broadcast %div3A_52 : f32 to vector<512x256xf32>
    %div3A_54 = arith.divf %min3A_39, %div3A_53 : vector<512x256xf32>
    %div3A_55 = arith.constant 7.000000e+00 : f32
    %div3A_56 = vector.broadcast %div3A_55 : f32 to vector<512x256xf32>
    %div3A_57 = arith.divf %min3A_39, %div3A_56 : vector<512x256xf32>
    %add3A_58 = arith.constant 1.000000e+00 : f32
    %add3A_59 = vector.broadcast %add3A_58 : f32 to vector<512x256xf32>
    %add3A_60 = arith.addf %add3A_59, %div3A_57 : vector<512x256xf32>
    %mul3A_61 = arith.mulf %div3A_54, %add3A_60 : vector<512x256xf32>
    %add3A_62 = arith.constant 1.000000e+00 : f32
    %add3A_63 = vector.broadcast %add3A_62 : f32 to vector<512x256xf32>
    %add3A_64 = arith.addf %add3A_63, %mul3A_61 : vector<512x256xf32>
    %mul3A_65 = arith.mulf %div3A_51, %add3A_64 : vector<512x256xf32>
    %add3A_66 = arith.constant 1.000000e+00 : f32
    %add3A_67 = vector.broadcast %add3A_66 : f32 to vector<512x256xf32>
    %add3A_68 = arith.addf %add3A_67, %mul3A_65 : vector<512x256xf32>
    %mul3A_69 = arith.mulf %div3A_48, %add3A_68 : vector<512x256xf32>
    %add3A_70 = arith.constant 1.000000e+00 : f32
    %add3A_71 = vector.broadcast %add3A_70 : f32 to vector<512x256xf32>
    %add3A_72 = arith.addf %add3A_71, %mul3A_69 : vector<512x256xf32>
    %mul3A_73 = arith.mulf %div3A_45, %add3A_72 : vector<512x256xf32>
    %add3A_74 = arith.constant 1.000000e+00 : f32
    %add3A_75 = vector.broadcast %add3A_74 : f32 to vector<512x256xf32>
    %add3A_76 = arith.addf %add3A_75, %mul3A_73 : vector<512x256xf32>
    %mul3A_77 = arith.mulf %div3A_42, %add3A_76 : vector<512x256xf32>
    %add3A_78 = arith.constant 1.000000e+00 : f32
    %add3A_79 = vector.broadcast %add3A_78 : f32 to vector<512x256xf32>
    %add3A_80 = arith.addf %add3A_79, %mul3A_77 : vector<512x256xf32>
    %mul3A_81 = arith.mulf %min3A_39, %add3A_80 : vector<512x256xf32>
    %gt3A = arith.constant -2.500000e-01 : f32
    %gt3A_82 = vector.broadcast %gt3A : f32 to vector<512x256xf32>
    %gt3A_83 = arith.cmpf ogt, %add3A_37, %gt3A_82 : vector<512x256xf32>
    %exp3A = math.exp %min3A_39 : vector<512x256xf32>
    %sub3A_84 = arith.constant 1.000000e+00 : f32
    %sub3A_85 = vector.broadcast %sub3A_84 : f32 to vector<512x256xf32>
    %sub3A_86 = arith.subf %exp3A, %sub3A_85 : vector<512x256xf32>
    %select_n3A_87 = arith.select %gt3A_83, %mul3A_81, %sub3A_86 : vector<512x256xi1>, vector<512x256xf32>
    %gt3A_88 = arith.constant 0.000000e+00 : f32
    %gt3A_89 = vector.broadcast %gt3A_88 : f32 to vector<512x256xf32>
    %gt3A_90 = arith.cmpf ogt, %add3A_37, %gt3A_89 : vector<512x256xf32>
    %select_n3A_91 = arith.select %gt3A_90, %add3A_37, %select_n3A_87 : vector<512x256xi1>, vector<512x256xf32>
    %swap3A = arith.constant 0 : index
    %swap3A_92 = arith.constant 0 : index
    %swap3A_93 = vector.load %arg7[%swap3A, %swap3A_92] : memref<512x256xf32, #tpu.memory_space<vmem>>, vector<512x256xf32>
    tpu.vector_store %arg7[%swap3A, %swap3A_92], %select_n3A_91 {strides = array<i32>} : memref<512x256xf32, #tpu.memory_space<vmem>>, vector<512x256xf32>,
    return
  }
  func.func @transform_0(%arg0: i32) -> (i32, i32) {
    %c0_i32 = arith.constant 0 : i32
    %c0_i32_0 = arith.constant 0 : i32
    return %arg0, %c0_i32 : i32, i32
  }
  func.func @transform_1(%arg0: i32) -> (i32, i32) {
    %c0_i32 = arith.constant 0 : i32
    %c0_i32_0 = arith.constant 0 : i32
    return %arg0, %c0_i32 : i32, i32
  }
  func.func @transform_2(%arg0: i32) -> (i32, i32) {
    %c0_i32 = arith.constant 0 : i32
    %c0_i32_0 = arith.constant 0 : i32
    %c0_i32_1 = arith.constant 0 : i32
    return %c0_i32, %c0_i32_0 : i32, i32
  }
  func.func @transform_3(%arg0: i32) -> (i32, i32) {
    %c0_i32 = arith.constant 0 : i32
    %c0_i32_0 = arith.constant 0 : i32
    %c0_i32_1 = arith.constant 0 : i32
    return %c0_i32, %c0_i32_0 : i32, i32
  }
  func.func @transform_4(%arg0: i32) -> (i32, i32) {
    %c0_i32 = arith.constant 0 : i32
    %c0_i32_0 = arith.constant 0 : i32
    %c0_i32_1 = arith.constant 0 : i32
    return %c0_i32, %c0_i32_0 : i32, i32
  }
  func.func @transform_5(%arg0: i32) -> (i32, i32) {
    %c0_i32 = arith.constant 0 : i32
    %c0_i32_0 = arith.constant 0 : i32
    %c0_i32_1 = arith.constant 0 : i32
    return %c0_i32, %c0_i32_0 : i32, i32
  }
  func.func @transform_6(%arg0: i32) -> (i32, i32) {
    %c0_i32 = arith.constant 0 : i32
    %c0_i32_0 = arith.constant 0 : i32
    return %arg0, %c0_i32 : i32, i32
  }
}

module attributes {stable_mosaic.version = 14 : i64} {
  func.func @_fc_body(%arg0: i32, %arg1: memref<512x512xf32, #tpu.memory_space<vmem>>, %arg2: memref<256x512xf32, #tpu.memory_space<vmem>>, %arg3: memref<1x256xf32, #tpu.memory_space<vmem>>, %arg4: memref<512x256xf32, #tpu.memory_space<vmem>>, %arg5: memref<8x256xf32, #tpu.memory_space<vmem>>) attributes {dimension_semantics = [#tpu.dimension_semantics<arbitrary>], iteration_bounds = array<i64: 16>, scalar_prefetch = 0 : i64, scratch_operands = 0 : i64, tpu.core_type = #tpu.core_type<tc>, window_params = [{transform_indices = @transform_0, window_bounds = array<i64: 512, 512>}, {pipeline_mode = #tpu.pipeline_mode<synchronous>, transform_indices = @transform_1, window_bounds = array<i64: 256, 512>}, {pipeline_mode = #tpu.pipeline_mode<synchronous>, transform_indices = @transform_2, window_bounds = array<i64: 1, 256>}, {transform_indices = @transform_3, window_bounds = array<i64: 512, 256>}, {pipeline_mode = #tpu.pipeline_mode<synchronous>, transform_indices = @transform_4, window_bounds = array<i64: 8, 256>}]} {
    %get3A = arith.constant 0 : index
    %get3A_0 = arith.constant 0 : index
    %get3A_1 = vector.load %arg1[%get3A, %get3A_0] : memref<512x512xf32, #tpu.memory_space<vmem>>, vector<512x512xf32>
    %get3A_2 = arith.constant 0 : index
    %get3A_3 = arith.constant 0 : index
    %get3A_4 = vector.load %arg2[%get3A_2, %get3A_3] : memref<256x512xf32, #tpu.memory_space<vmem>>, vector<256x512xf32>
    %dot_general3A = arith.constant dense<0.000000e+00> : vector<512x256xf32>
    %dot_general3A_5 = tpu.matmul %get3A_1, %get3A_4, %dot_general3A {dimension_numbers = #tpu.dot_dimension_numbers<[1], [1], [0], [0], [0, 0, 1, 0], [], []>, transpose_lhs_hint = false} : vector<512x512xf32>, vector<256x512xf32>, vector<512x256xf32> -> vector<512x256xf32>
    %get3A_6 = arith.constant 0 : index
    %get3A_7 = arith.constant 0 : index
    %get3A_8 = vector.load %arg3[%get3A_6, %get3A_7] : memref<1x256xf32, #tpu.memory_space<vmem>>, vector<1x256xf32>
    %add3A = vector.broadcast %get3A_8 : vector<1x256xf32> to vector<512x256xf32>
    %add3A_9 = arith.addf %dot_general3A_5, %add3A : vector<512x256xf32>
    %swap3A = arith.constant 0 : index
    %swap3A_10 = arith.constant 0 : index
    %swap3A_11 = vector.load %arg4[%swap3A, %swap3A_10] : memref<512x256xf32, #tpu.memory_space<vmem>>, vector<512x256xf32>
    tpu.vector_store %arg4[%swap3A, %swap3A_10], %add3A_9 {strides = array<i32>} : memref<512x256xf32, #tpu.memory_space<vmem>>, vector<512x256xf32>,
    %reduce_sum3A = arith.constant dense<0.000000e+00> : vector<256xf32>
    %reduce_sum3A_12 = vector.multi_reduction <add>, %add3A_9, %reduce_sum3A [0] : vector<512x256xf32> to vector<256xf32>
    %broadcast_in_dim3A = vector.shape_cast %reduce_sum3A_12 : vector<256xf32> to vector<1x256xf32>
    %eq3A = arith.constant 0 : i32
    %eq3A_13 = arith.cmpi eq, %arg0, %eq3A : i32
    %convert_element_type3A = arith.extui %eq3A_13 : i1 to i32
    %cond3A = arith.constant 0 : i32
    %cond3A_14 = arith.cmpi ne, %convert_element_type3A, %cond3A : i32
    scf.if %cond3A_14 {
      %broadcast_in_dim3A_32 = arith.constant 0.000000e+00 : f32
      %broadcast_in_dim3A_33 = vector.broadcast %broadcast_in_dim3A_32 : f32 to vector<8x256xf32>
      %swap3A_34 = arith.constant 0 : index
      %swap3A_35 = arith.constant 0 : index
      %swap3A_36 = vector.load %arg5[%swap3A_34, %swap3A_35] : memref<8x256xf32, #tpu.memory_space<vmem>>, vector<8x256xf32>
      tpu.vector_store %arg5[%swap3A_34, %swap3A_35], %broadcast_in_dim3A_33 {strides = array<i32>} : memref<8x256xf32, #tpu.memory_space<vmem>>, vector<8x256xf32>,
    } else {
    }
    %jit3A = arith.constant 8 : i32
    %eq3A_15 = arith.constant 0 : i32
    %eq3A_16 = arith.cmpi eq, %jit3A, %eq3A_15 : i32
    %jit3A_17 = arith.constant 1 : i32
    %select_n3A = arith.select %eq3A_16, %jit3A_17, %jit3A : i32
    %rem3A = arith.remsi %arg0, %select_n3A : i32
    %ne3A = arith.constant 0 : i32
    %ne3A_18 = arith.cmpi ne, %rem3A, %ne3A : i32
    %lt3A = arith.constant 0 : i32
    %lt3A_19 = arith.cmpi slt, %rem3A, %lt3A : i32
    %lt3A_20 = arith.constant 0 : i32
    %lt3A_21 = arith.cmpi slt, %select_n3A, %lt3A_20 : i32
    %ne3A_22 = arith.xori %lt3A_19, %lt3A_21 : i1
    %and3A = arith.andi %ne3A_22, %ne3A_18 : i1
    %add3A_23 = arith.addi %rem3A, %select_n3A : i32
    %select_n3A_24 = arith.select %and3A, %add3A_23, %rem3A : i32
    %get3A_25 = arith.index_cast %select_n3A_24 : i32 to index
    %get3A_26 = arith.constant 0 : index
    %get3A_27 = vector.load %arg5[%get3A_25, %get3A_26] : memref<8x256xf32, #tpu.memory_space<vmem>>, vector<1x256xf32>
    %add3A_28 = arith.addf %get3A_27, %broadcast_in_dim3A : vector<1x256xf32>
    %swap3A_29 = arith.index_cast %select_n3A_24 : i32 to index
    %swap3A_30 = arith.constant 0 : index
    %swap3A_31 = vector.load %arg5[%swap3A_29, %swap3A_30] : memref<8x256xf32, #tpu.memory_space<vmem>>, vector<1x256xf32>
    tpu.vector_store %arg5[%swap3A_29, %swap3A_30], %add3A_28 {strides = array<i32>} : memref<8x256xf32, #tpu.memory_space<vmem>>, vector<1x256xf32>,
    return
  }
  func.func @transform_0(%arg0: i32) -> (i32, i32) {
    %c0_i32 = arith.constant 0 : i32
    %c0_i32_0 = arith.constant 0 : i32
    return %arg0, %c0_i32 : i32, i32
  }
  func.func @transform_1(%arg0: i32) -> (i32, i32) {
    %c0_i32 = arith.constant 0 : i32
    %c0_i32_0 = arith.constant 0 : i32
    %c0_i32_1 = arith.constant 0 : i32
    return %c0_i32, %c0_i32_0 : i32, i32
  }
  func.func @transform_2(%arg0: i32) -> (i32, i32) {
    %c0_i32 = arith.constant 0 : i32
    %c0_i32_0 = arith.constant 0 : i32
    %c0_i32_1 = arith.constant 0 : i32
    return %c0_i32, %c0_i32_0 : i32, i32
  }
  func.func @transform_3(%arg0: i32) -> (i32, i32) {
    %c0_i32 = arith.constant 0 : i32
    %c0_i32_0 = arith.constant 0 : i32
    return %arg0, %c0_i32 : i32, i32
  }
  func.func @transform_4(%arg0: i32) -> (i32, i32) {
    %c0_i32 = arith.constant 0 : i32
    %c0_i32_0 = arith.constant 0 : i32
    %c0_i32_1 = arith.constant 0 : i32
    return %c0_i32, %c0_i32_0 : i32, i32
  }
}

module attributes {stable_mosaic.version = 14 : i64} {
  func.func @_hvar_body(%arg0: i32, %arg1: memref<512x256xf32, #tpu.memory_space<vmem>>, %arg2: memref<8x256xf32, #tpu.memory_space<vmem>>, %arg3: memref<8x256xf32, #tpu.memory_space<vmem>>) attributes {dimension_semantics = [#tpu.dimension_semantics<arbitrary>], iteration_bounds = array<i64: 16>, scalar_prefetch = 0 : i64, scratch_operands = 0 : i64, tpu.core_type = #tpu.core_type<tc>, window_params = [{transform_indices = @transform_0, window_bounds = array<i64: 512, 256>}, {pipeline_mode = #tpu.pipeline_mode<synchronous>, transform_indices = @transform_1, window_bounds = array<i64: 8, 256>}, {pipeline_mode = #tpu.pipeline_mode<synchronous>, transform_indices = @transform_2, window_bounds = array<i64: 8, 256>}]} {
    %get3A = arith.constant 0 : index
    %get3A_0 = arith.constant 0 : index
    %get3A_1 = vector.load %arg2[%get3A, %get3A_0] : memref<8x256xf32, #tpu.memory_space<vmem>>, vector<8x256xf32>
    %reduce_sum3A = arith.constant dense<0.000000e+00> : vector<256xf32>
    %reduce_sum3A_2 = vector.multi_reduction <add>, %get3A_1, %reduce_sum3A [0] : vector<8x256xf32> to vector<256xf32>
    %broadcast_in_dim3A = vector.shape_cast %reduce_sum3A_2 : vector<256xf32> to vector<1x256xf32>
    %div3A = arith.constant 8.192000e+03 : f32
    %div3A_3 = vector.broadcast %div3A : f32 to vector<1x256xf32>
    %div3A_4 = arith.divf %broadcast_in_dim3A, %div3A_3 : vector<1x256xf32>
    %get3A_5 = arith.constant 0 : index
    %get3A_6 = arith.constant 0 : index
    %get3A_7 = vector.load %arg1[%get3A_5, %get3A_6] : memref<512x256xf32, #tpu.memory_space<vmem>>, vector<512x256xf32>
    %sub3A = vector.broadcast %div3A_4 : vector<1x256xf32> to vector<512x256xf32>
    %sub3A_8 = arith.subf %get3A_7, %sub3A : vector<512x256xf32>
    %mul3A = arith.mulf %sub3A_8, %sub3A_8 : vector<512x256xf32>
    %reduce_sum3A_9 = arith.constant dense<0.000000e+00> : vector<256xf32>
    %reduce_sum3A_10 = vector.multi_reduction <add>, %mul3A, %reduce_sum3A_9 [0] : vector<512x256xf32> to vector<256xf32>
    %broadcast_in_dim3A_11 = vector.shape_cast %reduce_sum3A_10 : vector<256xf32> to vector<1x256xf32>
    %eq3A = arith.constant 0 : i32
    %eq3A_12 = arith.cmpi eq, %arg0, %eq3A : i32
    %convert_element_type3A = arith.extui %eq3A_12 : i1 to i32
    %cond3A = arith.constant 0 : i32
    %cond3A_13 = arith.cmpi ne, %convert_element_type3A, %cond3A : i32
    scf.if %cond3A_13 {
      %broadcast_in_dim3A_29 = arith.constant 0.000000e+00 : f32
      %broadcast_in_dim3A_30 = vector.broadcast %broadcast_in_dim3A_29 : f32 to vector<8x256xf32>
      %swap3A_31 = arith.constant 0 : index
      %swap3A_32 = arith.constant 0 : index
      %swap3A_33 = vector.load %arg3[%swap3A_31, %swap3A_32] : memref<8x256xf32, #tpu.memory_space<vmem>>, vector<8x256xf32>
      tpu.vector_store %arg3[%swap3A_31, %swap3A_32], %broadcast_in_dim3A_30 {strides = array<i32>} : memref<8x256xf32, #tpu.memory_space<vmem>>, vector<8x256xf32>,
    } else {
    }
    %jit3A = arith.constant 8 : i32
    %eq3A_14 = arith.constant 0 : i32
    %eq3A_15 = arith.cmpi eq, %jit3A, %eq3A_14 : i32
    %jit3A_16 = arith.constant 1 : i32
    %select_n3A = arith.select %eq3A_15, %jit3A_16, %jit3A : i32
    %rem3A = arith.remsi %arg0, %select_n3A : i32
    %ne3A = arith.constant 0 : i32
    %ne3A_17 = arith.cmpi ne, %rem3A, %ne3A : i32
    %lt3A = arith.constant 0 : i32
    %lt3A_18 = arith.cmpi slt, %rem3A, %lt3A : i32
    %lt3A_19 = arith.constant 0 : i32
    %lt3A_20 = arith.cmpi slt, %select_n3A, %lt3A_19 : i32
    %ne3A_21 = arith.xori %lt3A_18, %lt3A_20 : i1
    %and3A = arith.andi %ne3A_21, %ne3A_17 : i1
    %add3A = arith.addi %rem3A, %select_n3A : i32
    %select_n3A_22 = arith.select %and3A, %add3A, %rem3A : i32
    %get3A_23 = arith.index_cast %select_n3A_22 : i32 to index
    %get3A_24 = arith.constant 0 : index
    %get3A_25 = vector.load %arg3[%get3A_23, %get3A_24] : memref<8x256xf32, #tpu.memory_space<vmem>>, vector<1x256xf32>
    %add3A_26 = arith.addf %get3A_25, %broadcast_in_dim3A_11 : vector<1x256xf32>
    %swap3A = arith.index_cast %select_n3A_22 : i32 to index
    %swap3A_27 = arith.constant 0 : index
    %swap3A_28 = vector.load %arg3[%swap3A, %swap3A_27] : memref<8x256xf32, #tpu.memory_space<vmem>>, vector<1x256xf32>
    tpu.vector_store %arg3[%swap3A, %swap3A_27], %add3A_26 {strides = array<i32>} : memref<8x256xf32, #tpu.memory_space<vmem>>, vector<1x256xf32>,
    return
  }
  func.func @transform_0(%arg0: i32) -> (i32, i32) {
    %c0_i32 = arith.constant 0 : i32
    %c0_i32_0 = arith.constant 0 : i32
    return %arg0, %c0_i32 : i32, i32
  }
  func.func @transform_1(%arg0: i32) -> (i32, i32) {
    %c0_i32 = arith.constant 0 : i32
    %c0_i32_0 = arith.constant 0 : i32
    %c0_i32_1 = arith.constant 0 : i32
    return %c0_i32, %c0_i32_0 : i32, i32
  }
  func.func @transform_2(%arg0: i32) -> (i32, i32) {
    %c0_i32 = arith.constant 0 : i32
    %c0_i32_0 = arith.constant 0 : i32
    %c0_i32_1 = arith.constant 0 : i32
    return %c0_i32, %c0_i32_0 : i32, i32
  }
}

module attributes {stable_mosaic.version = 14 : i64} {
  func.func @_happly_body(%arg0: i32, %arg1: memref<512x256xf32, #tpu.memory_space<vmem>>, %arg2: memref<8x256xf32, #tpu.memory_space<vmem>>, %arg3: memref<8x256xf32, #tpu.memory_space<vmem>>, %arg4: memref<1x256xf32, #tpu.memory_space<vmem>>, %arg5: memref<1x256xf32, #tpu.memory_space<vmem>>, %arg6: memref<512x256xf32, #tpu.memory_space<vmem>>) attributes {dimension_semantics = [#tpu.dimension_semantics<arbitrary>], iteration_bounds = array<i64: 16>, scalar_prefetch = 0 : i64, scratch_operands = 0 : i64, tpu.core_type = #tpu.core_type<tc>, window_params = [{transform_indices = @transform_0, window_bounds = array<i64: 512, 256>}, {pipeline_mode = #tpu.pipeline_mode<synchronous>, transform_indices = @transform_1, window_bounds = array<i64: 8, 256>}, {pipeline_mode = #tpu.pipeline_mode<synchronous>, transform_indices = @transform_2, window_bounds = array<i64: 8, 256>}, {pipeline_mode = #tpu.pipeline_mode<synchronous>, transform_indices = @transform_3, window_bounds = array<i64: 1, 256>}, {pipeline_mode = #tpu.pipeline_mode<synchronous>, transform_indices = @transform_4, window_bounds = array<i64: 1, 256>}, {transform_indices = @transform_5, window_bounds = array<i64: 512, 256>}]} {
    %get3A = arith.constant 0 : index
    %get3A_0 = arith.constant 0 : index
    %get3A_1 = vector.load %arg2[%get3A, %get3A_0] : memref<8x256xf32, #tpu.memory_space<vmem>>, vector<8x256xf32>
    %reduce_sum3A = arith.constant dense<0.000000e+00> : vector<256xf32>
    %reduce_sum3A_2 = vector.multi_reduction <add>, %get3A_1, %reduce_sum3A [0] : vector<8x256xf32> to vector<256xf32>
    %broadcast_in_dim3A = vector.shape_cast %reduce_sum3A_2 : vector<256xf32> to vector<1x256xf32>
    %div3A = arith.constant 8.192000e+03 : f32
    %div3A_3 = vector.broadcast %div3A : f32 to vector<1x256xf32>
    %div3A_4 = arith.divf %broadcast_in_dim3A, %div3A_3 : vector<1x256xf32>
    %get3A_5 = arith.constant 0 : index
    %get3A_6 = arith.constant 0 : index
    %get3A_7 = vector.load %arg3[%get3A_5, %get3A_6] : memref<8x256xf32, #tpu.memory_space<vmem>>, vector<8x256xf32>
    %reduce_sum3A_8 = arith.constant dense<0.000000e+00> : vector<256xf32>
    %reduce_sum3A_9 = vector.multi_reduction <add>, %get3A_7, %reduce_sum3A_8 [0] : vector<8x256xf32> to vector<256xf32>
    %broadcast_in_dim3A_10 = vector.shape_cast %reduce_sum3A_9 : vector<256xf32> to vector<1x256xf32>
    %div3A_11 = arith.constant 8.192000e+03 : f32
    %div3A_12 = vector.broadcast %div3A_11 : f32 to vector<1x256xf32>
    %div3A_13 = arith.divf %broadcast_in_dim3A_10, %div3A_12 : vector<1x256xf32>
    %add3A = arith.constant 9.99999974E-6 : f32
    %add3A_14 = vector.broadcast %add3A : f32 to vector<1x256xf32>
    %add3A_15 = arith.addf %div3A_13, %add3A_14 : vector<1x256xf32>
    %sqrt3A = math.sqrt %add3A_15 : vector<1x256xf32>
    %get3A_16 = arith.constant 0 : index
    %get3A_17 = arith.constant 0 : index
    %get3A_18 = vector.load %arg1[%get3A_16, %get3A_17] : memref<512x256xf32, #tpu.memory_space<vmem>>, vector<512x256xf32>
    %sub3A = vector.broadcast %div3A_4 : vector<1x256xf32> to vector<512x256xf32>
    %sub3A_19 = arith.subf %get3A_18, %sub3A : vector<512x256xf32>
    %div3A_20 = vector.broadcast %sqrt3A : vector<1x256xf32> to vector<512x256xf32>
    %div3A_21 = arith.divf %sub3A_19, %div3A_20 : vector<512x256xf32>
    %get3A_22 = arith.constant 0 : index
    %get3A_23 = arith.constant 0 : index
    %get3A_24 = vector.load %arg4[%get3A_22, %get3A_23] : memref<1x256xf32, #tpu.memory_space<vmem>>, vector<1x256xf32>
    %mul3A = vector.broadcast %get3A_24 : vector<1x256xf32> to vector<512x256xf32>
    %mul3A_25 = arith.mulf %div3A_21, %mul3A : vector<512x256xf32>
    %get3A_26 = arith.constant 0 : index
    %get3A_27 = arith.constant 0 : index
    %get3A_28 = vector.load %arg5[%get3A_26, %get3A_27] : memref<1x256xf32, #tpu.memory_space<vmem>>, vector<1x256xf32>
    %add3A_29 = vector.broadcast %get3A_28 : vector<1x256xf32> to vector<512x256xf32>
    %add3A_30 = arith.addf %mul3A_25, %add3A_29 : vector<512x256xf32>
    %min3A = arith.constant 0.000000e+00 : f32
    %min3A_31 = vector.broadcast %min3A : f32 to vector<512x256xf32>
    %min3A_32 = arith.minimumf %add3A_30, %min3A_31 : vector<512x256xf32>
    %div3A_33 = arith.constant 2.000000e+00 : f32
    %div3A_34 = vector.broadcast %div3A_33 : f32 to vector<512x256xf32>
    %div3A_35 = arith.divf %min3A_32, %div3A_34 : vector<512x256xf32>
    %div3A_36 = arith.constant 3.000000e+00 : f32
    %div3A_37 = vector.broadcast %div3A_36 : f32 to vector<512x256xf32>
    %div3A_38 = arith.divf %min3A_32, %div3A_37 : vector<512x256xf32>
    %div3A_39 = arith.constant 4.000000e+00 : f32
    %div3A_40 = vector.broadcast %div3A_39 : f32 to vector<512x256xf32>
    %div3A_41 = arith.divf %min3A_32, %div3A_40 : vector<512x256xf32>
    %div3A_42 = arith.constant 5.000000e+00 : f32
    %div3A_43 = vector.broadcast %div3A_42 : f32 to vector<512x256xf32>
    %div3A_44 = arith.divf %min3A_32, %div3A_43 : vector<512x256xf32>
    %div3A_45 = arith.constant 6.000000e+00 : f32
    %div3A_46 = vector.broadcast %div3A_45 : f32 to vector<512x256xf32>
    %div3A_47 = arith.divf %min3A_32, %div3A_46 : vector<512x256xf32>
    %div3A_48 = arith.constant 7.000000e+00 : f32
    %div3A_49 = vector.broadcast %div3A_48 : f32 to vector<512x256xf32>
    %div3A_50 = arith.divf %min3A_32, %div3A_49 : vector<512x256xf32>
    %add3A_51 = arith.constant 1.000000e+00 : f32
    %add3A_52 = vector.broadcast %add3A_51 : f32 to vector<512x256xf32>
    %add3A_53 = arith.addf %add3A_52, %div3A_50 : vector<512x256xf32>
    %mul3A_54 = arith.mulf %div3A_47, %add3A_53 : vector<512x256xf32>
    %add3A_55 = arith.constant 1.000000e+00 : f32
    %add3A_56 = vector.broadcast %add3A_55 : f32 to vector<512x256xf32>
    %add3A_57 = arith.addf %add3A_56, %mul3A_54 : vector<512x256xf32>
    %mul3A_58 = arith.mulf %div3A_44, %add3A_57 : vector<512x256xf32>
    %add3A_59 = arith.constant 1.000000e+00 : f32
    %add3A_60 = vector.broadcast %add3A_59 : f32 to vector<512x256xf32>
    %add3A_61 = arith.addf %add3A_60, %mul3A_58 : vector<512x256xf32>
    %mul3A_62 = arith.mulf %div3A_41, %add3A_61 : vector<512x256xf32>
    %add3A_63 = arith.constant 1.000000e+00 : f32
    %add3A_64 = vector.broadcast %add3A_63 : f32 to vector<512x256xf32>
    %add3A_65 = arith.addf %add3A_64, %mul3A_62 : vector<512x256xf32>
    %mul3A_66 = arith.mulf %div3A_38, %add3A_65 : vector<512x256xf32>
    %add3A_67 = arith.constant 1.000000e+00 : f32
    %add3A_68 = vector.broadcast %add3A_67 : f32 to vector<512x256xf32>
    %add3A_69 = arith.addf %add3A_68, %mul3A_66 : vector<512x256xf32>
    %mul3A_70 = arith.mulf %div3A_35, %add3A_69 : vector<512x256xf32>
    %add3A_71 = arith.constant 1.000000e+00 : f32
    %add3A_72 = vector.broadcast %add3A_71 : f32 to vector<512x256xf32>
    %add3A_73 = arith.addf %add3A_72, %mul3A_70 : vector<512x256xf32>
    %mul3A_74 = arith.mulf %min3A_32, %add3A_73 : vector<512x256xf32>
    %gt3A = arith.constant -2.500000e-01 : f32
    %gt3A_75 = vector.broadcast %gt3A : f32 to vector<512x256xf32>
    %gt3A_76 = arith.cmpf ogt, %add3A_30, %gt3A_75 : vector<512x256xf32>
    %exp3A = math.exp %min3A_32 : vector<512x256xf32>
    %sub3A_77 = arith.constant 1.000000e+00 : f32
    %sub3A_78 = vector.broadcast %sub3A_77 : f32 to vector<512x256xf32>
    %sub3A_79 = arith.subf %exp3A, %sub3A_78 : vector<512x256xf32>
    %select_n3A = arith.select %gt3A_76, %mul3A_74, %sub3A_79 : vector<512x256xi1>, vector<512x256xf32>
    %gt3A_80 = arith.constant 0.000000e+00 : f32
    %gt3A_81 = vector.broadcast %gt3A_80 : f32 to vector<512x256xf32>
    %gt3A_82 = arith.cmpf ogt, %add3A_30, %gt3A_81 : vector<512x256xf32>
    %select_n3A_83 = arith.select %gt3A_82, %add3A_30, %select_n3A : vector<512x256xi1>, vector<512x256xf32>
    %swap3A = arith.constant 0 : index
    %swap3A_84 = arith.constant 0 : index
    %swap3A_85 = vector.load %arg6[%swap3A, %swap3A_84] : memref<512x256xf32, #tpu.memory_space<vmem>>, vector<512x256xf32>
    tpu.vector_store %arg6[%swap3A, %swap3A_84], %select_n3A_83 {strides = array<i32>} : memref<512x256xf32, #tpu.memory_space<vmem>>, vector<512x256xf32>,
    return
  }
  func.func @transform_0(%arg0: i32) -> (i32, i32) {
    %c0_i32 = arith.constant 0 : i32
    %c0_i32_0 = arith.constant 0 : i32
    return %arg0, %c0_i32 : i32, i32
  }
  func.func @transform_1(%arg0: i32) -> (i32, i32) {
    %c0_i32 = arith.constant 0 : i32
    %c0_i32_0 = arith.constant 0 : i32
    %c0_i32_1 = arith.constant 0 : i32
    return %c0_i32, %c0_i32_0 : i32, i32
  }
  func.func @transform_2(%arg0: i32) -> (i32, i32) {
    %c0_i32 = arith.constant 0 : i32
    %c0_i32_0 = arith.constant 0 : i32
    %c0_i32_1 = arith.constant 0 : i32
    return %c0_i32, %c0_i32_0 : i32, i32
  }
  func.func @transform_3(%arg0: i32) -> (i32, i32) {
    %c0_i32 = arith.constant 0 : i32
    %c0_i32_0 = arith.constant 0 : i32
    %c0_i32_1 = arith.constant 0 : i32
    return %c0_i32, %c0_i32_0 : i32, i32
  }
  func.func @transform_4(%arg0: i32) -> (i32, i32) {
    %c0_i32 = arith.constant 0 : i32
    %c0_i32_0 = arith.constant 0 : i32
    %c0_i32_1 = arith.constant 0 : i32
    return %c0_i32, %c0_i32_0 : i32, i32
  }
  func.func @transform_5(%arg0: i32) -> (i32, i32) {
    %c0_i32 = arith.constant 0 : i32
    %c0_i32_0 = arith.constant 0 : i32
    return %arg0, %c0_i32 : i32, i32
  }
}

</mosaic_0001>

<sc_bundles>
// kernel: kernel.19.cloned.1.call-start
scs
__scs_entry_jumppad:
0x0: {  	(pc) =	sbr.rel $0x88, $3  }
0x1: {  	(tag) =	ssettag $0x0;
	lr =	simm.s32 $0x1  }
0x2: {  	[smem:$0x3F90] =	sst lr;
	_ =	strace $0xD0000000  }
0x3: {  	_ = 	snop  }
0x4: {  	_ = 	snop  }
0x5: {  	_ = 	snop  }
0x6: {  	_ = 	snop  }
0x7: {  	_ = 	snop  }
__scs_overlays_trampoline_lowered:
0x8: {  	[smem:$0x3F9F] =	sst s0  }
0x9: {  	[smem:$0x3FA0] =	sst s1  }
0xa: {  	[smem:$0x3FA1] =	sst s2  }
0xb: {  	[smem:$0x3FA2] =	sst s3  }
0xc: {  	[smem:$0x3FA3] =	sst s4  }
0xd: {  	[smem:$0x3FA4] =	sst s5  }
0xe: {  	[smem:$0x3FA5] =	sst s6  }
0xf: {  	[smem:$0x3FA6] =	sst s7  }
0x10: {  	[smem:$0x3FA7] =	sst s8  }
0x11: {  	[smem:$0x3FA8] =	sst s9;
	s0 =	simm.s32 @!p0 $0x0  }
0x12: {  	s1 =	sld [smem:$0x3F8E];
	s0 =	simm.s32 @p0 $0x1  }
0x13: {  	[smem:$0x3FA9] =	sst s0;
	s0 =	simm.s32 @!p1 $0x0  }
0x14: {  	s2 =	sld [smem:$0x3F8D];
	s0 =	simm.s32 @p1 $0x1  }
0x15: {  	[smem:$0x3FAA] =	sst s0;
	s0 =	simm.s32 @!p2 $0x0  }
0x16: {  	s3 =	sld [smem:$0x3FDB];
	s0 =	simm.s32 @p2 $0x1  }
0x17: {  	s4 =	simm.s32 $0x1BF5;
	[smem:$0x3FAC] =	sst s0  }
0x18: {  	s0 =	sld [smem:$0x3F8F];
	_ =	swait.ge [sflag:s4], $0x0  }
0x19: {  	s7 =	sld [smem:$0x3F90]  }
0x1a: {  	s8 =	sadd.s32 $0xFFFFE003, lr  }
0x1b: {  	s9 =	sadd.s32 $0xFFFFFEF7, lr;
	s5 =	simm.s32 $0xFFFFFFFF;
	p2 =	slt.u32 s8, $0xFFFFF086  }
0x1c: {  	p1 =	slt.u32 s9, $0xF7A;
	s5 =	simm.s32 @!p2 $0x0  }
0x1d: {  	s5 =	simm.s32 @p1 $0x1;
	p0 =	seq.s32 s7, s2  }
0x1e: {  	s7 =	smul.u32 @!p0 $0xF7A, s2;
	p2 =	seq.s32 @!p0 s5, $0x0  }
0x1f: {  	s9 =	smul.u32 $0xF7A, s1;
	s8 =	simm.s32 @!p0 $0x1BF5;
	p2 =	por !p2, p0  }
0x20: {  	[sflag:s8] =	ssyncset.s32 @!p0 $0xFFFFF086;
	s6 =	sadd.s32 @!p0 s3, s7;
	s7 =	simm.s32 @!p0 $0x108  }
0x21: {  	s3 =	sadd.s32 s3, s9;
	s6 =	sadd.s32 @!p0 $0x88, s6;
	s7 =	simm.s32 @p2 $0x1082  }
0x22: {  	[simem:s7], [sflag:s8] =	dma.local @!p0 [hbm:s6], $0xF7A  }
0x23: {  	s9 =	sor.u32 $0xD0000000, s2;
	s6 =	simm.s32 $0x108;
	_ =	swait.ge @!p0 [sflag:s8], $0x0  }
0x24: {  	s3 =	sadd.s32 $0x88, s3;
	s6 =	simm.s32 @!p1 $0x1082;
	[sflag:s4] =	ssyncset.s32 $0xFFFFF086  }
0x25: {  	[simem:s6], [sflag:s4] =	dma.local [hbm:s3], $0xF7A  }
0x26: {  	[smem:$0x3F90] =	sst s1;
	(tag) =	ssettag s2;
	_ =	strace s9  }
0x27: {  	s1 =	sld [smem:$0x3FA0]  }
0x28: {  	s2 =	sld [smem:$0x3FA1]  }
0x29: {  	s4 =	sld [smem:$0x3FA3]  }
0x2a: {  	p0 =	seq.s32 s5, $0x0;
	s5 =	sld [smem:$0x3FA4]  }
0x2b: {  	s6 =	sld [smem:$0x3FA5]  }
0x2c: {  	s7 =	sld [smem:$0x3FA6]  }
0x2d: {  	s3 =	simm.s32 $0x108;
	s8 =	sld [smem:$0x3FA7]  }
0x2e: {  	s3 =	simm.s32 @!p0 $0x1082;
	s9 =	sld [smem:$0x3FA8]  }
0x2f: {  	lr =	sadd.s32 s0, s3;
	s0 =	sld [smem:$0x3F9F]  }
0x30: {  	s3 =	sld [smem:$0x3FA2]  }
0x31: {  	[smem:$0x3FAB] =	sst s10  }
0x32: {  	s10 =	sld [smem:$0x3FA9];
	_ =	sdelay $0x3  }
0x33: {  	p0 =	seq.s32 s10, $0x1;
	s10 =	sld [smem:$0x3FAB];
	_ =	sdelay $0x3  }
0x34: {  	[smem:$0x3FAB] =	sst s10  }
0x35: {  	s10 =	sld [smem:$0x3FAA];
	_ =	sdelay $0x3  }
0x36: {  	p1 =	seq.s32 s10, $0x1;
	s10 =	sld [smem:$0x3FAB];
	_ =	sdelay $0x3  }
0x37: {  	[smem:$0x3FAB] =	sst s10  }
0x38: {  	s10 =	sld [smem:$0x3FAC]  }
0x39: {  	_ = 	snop;
	(pc) =	sbr.ind lr, $3  }
0x3a: {  	_ = 	snop  }
0x3b: {  	_ = 	snop  }
0x3c: {  	p2 =	seq.s32 s10, $0x1;
	s10 =	sld [smem:$0x3FAB]  }
0x3d: {  	_ =	shalt  }
0x3e: {  	_ =	shalt  }
0x3f: {  	_ =	shalt  }
0x40: {  	_ =	shalt  }
0x41: {  	_ =	shalt  }
0x42: {  	_ =	shalt  }
0x43: {  	_ =	shalt  }
0x44: {  	_ =	shalt  }
0x45: {  	_ =	shalt  }
0x46: {  	_ =	shalt  }
0x47: {  	_ =	shalt  }
0x48: {  	_ =	shalt  }
0x49: {  	_ =	shalt  }
0x4a: {  	_ =	shalt  }
0x4b: {  	_ =	shalt  }
0x4c: {  	_ =	shalt  }
0x4d: {  	_ =	shalt  }
0x4e: {  	_ =	shalt  }
0x4f: {  	_ =	shalt  }
0x50: {  	_ =	shalt  }
0x51: {  	_ =	shalt  }
0x52: {  	_ =	shalt  }
0x53: {  	_ =	shalt  }
0x54: {  	_ =	shalt  }
0x55: {  	_ =	shalt  }
0x56: {  	_ =	shalt  }
0x57: {  	_ =	shalt  }
0x58: {  	_ =	shalt  }
0x59: {  	_ =	shalt  }
0x5a: {  	_ =	shalt  }
0x5b: {  	_ =	shalt  }
0x5c: {  	_ =	shalt  }
0x5d: {  	_ =	shalt  }
0x5e: {  	_ =	shalt  }
0x5f: {  	_ =	shalt  }
0x60: {  	_ =	shalt  }
0x61: {  	_ =	shalt  }
0x62: {  	_ =	shalt  }
0x63: {  	_ =	shalt  }
0x64: {  	_ =	shalt  }
0x65: {  	_ =	shalt  }
0x66: {  	_ =	shalt  }
0x67: {  	_ =	shalt  }
0x68: {  	_ =	shalt  }
0x69: {  	_ =	shalt  }
0x6a: {  	_ =	shalt  }
0x6b: {  	_ =	shalt  }
0x6c: {  	_ =	shalt  }
0x6d: {  	_ =	shalt  }
0x6e: {  	_ =	shalt  }
0x6f: {  	_ =	shalt  }
0x70: {  	_ =	shalt  }
0x71: {  	_ =	shalt  }
0x72: {  	_ =	shalt  }
0x73: {  	_ =	shalt  }
0x74: {  	_ =	shalt  }
0x75: {  	_ =	shalt  }
0x76: {  	_ =	shalt  }
0x77: {  	_ =	shalt  }
0x78: {  	_ =	shalt  }
0x79: {  	_ =	shalt  }
0x7a: {  	_ =	shalt  }
0x7b: {  	_ =	shalt  }
0x7c: {  	_ =	shalt  }
0x7d: {  	_ =	shalt  }
0x7e: {  	_ =	shalt  }
0x7f: {  	_ =	shalt  }
0x80: {  	_ =	shalt  }
0x81: {  	_ =	shalt  }
0x82: {  	_ =	shalt  }
0x83: {  	_ =	shalt  }
0x84: {  	_ =	shalt  }
0x85: {  	_ =	shalt  }
0x86: {  	_ =	shalt  }
0x87: {  	_ =	shalt  }
.Lfunc_end0:
.L_simem_size_0:
called_computation_lowered:
.L_overlay_start_0:
0x88: {  	s2 =	sld [smem:$0x3FD9]  }
0x89: {  	s3 =	sld [smem:$0x3FFE];
	_ =	sdelay $0x1  }
0x8a: {  	s1 =	srdreg.scid  }
0x8b: {  	s0 =	sand.u32 $0x1, s1  }
0x8c: {  	s17 =	sshll.u32 s0, $0xA;
	s2 =	sadd.s32 s3, s2  }
0x8d: {  	s2 =	sadd.s32 s2, s17  }
0x8e: {  	[smem:$0x3FB7] =	sst s2  }
0x8f: {  	_ = 	snop  }
0x90: {  	s2 =	sld [smem:$0x3FD0];
	(tm) =	ssettm $0x1  }
0x91: {  	s18 =	sld [smem:$0x3FFB];
	_ =	sdelay $0x3  }
0x92: {  	_ =	strace s18  }
0x93: {  	s3 =	sld [smem:$0x3FFC];
	_ =	sdelay $0x3  }
0x94: {  	_ =	strace s3  }
0x95: {  	s3 =	sld [smem:$0x3FFD];
	_ =	sdelay $0x3  }
0x96: {  	_ =	strace s3  }
0x97: {  	_ =	strace $0x8FFFFFFF  }
0x98: {  	s19 =	sld [smem:$0x3FDB];
	_ =	sdelay $0x1  }
0x99: {  	s4 =	simm.s32 $_scs_section_size  }
0x9a: {  	s5 =	simm.s32 $_size__tile_overlayer_lowered;
	s6 =	simm.s32 $_tile_overlayer_lowered  }
0x9b: {  	s22 =	simm.s32 $0x1BFF;
	s21 =	sshll.u32 s6, $0x1;
	s3 =	sadd.s32 s4, s19  }
0x9c: {  	s7 =	simm.s32 $0x0;
	s20 =	sshll.u32 s5, $0x1;
	s5 =	sadd.s32 s21, s3  }
0x9d: {  	[timem:s7], [sflag:s22] =	dma.local [hbm:s5], s20  }
0x9e: {  	_ =	swait.ge [sflag:s22], s20  }
0x9f: {  	s4 =	ssub.s32 $0x0, s20;
	[sflag:s22] =	ssyncset.done $0x0  }
0xa0: {  	[sflag:s22] =	ssyncadd.s32 s4;
	_ =	sdelay $0x1  }
0xa1: {  	s23 =	simm.s32 $0x1B8B  }
0xa2: {  	_ =	swait.ge [sflag:s23], $0x1  }
0xa3: {  	[sflag:s23] =	ssyncset.done $0x0  }
0xa4: {  	s25 =	simm.s32 $0x1B8E;
	s24 =	sld [smem:$0x3FFE];
	[sflag:s23] =	ssyncadd.s32 $0xFFFFFFFF  }
0xa5: {  	s26 =	simm.s32 $execute0_lowered;
	[smem:$0x3FD2] =	sst s25  }
0xa6: {  	s5 =	sshll.u32 s26, $0x1;
	_ =	strace $0x80000046;
	[dreg:$0x1] =	wrdreg $0xFFFFFFFF  }
0xa7: {  	s28 =	simm.s32 $_size_execute0_lowered;
	s3 =	sadd.s32 s3, s5;
	[dreg:$0x0] =	wrdreg $0x0  }
0xa8: {  	s5 =	sshll.u32 s28, $0x1;
	[dreg:$0x2] =	wrdreg s3  }
0xa9: {  	[dreg:$0x3] =	wrdreg s5  }
0xaa: {  	[dreg:$0x4] =	wrdreg $0xC0  }
0xab: {  	_ =	task [dreg:s7], $0x5FFFF  }
0xac: {  	[dreg:$0x1] =	wrdreg $0xFFFFFFFF  }
0xad: {  	[dreg:$0x0] =	wrdreg $0x60  }
0xae: {  	[dreg:$0x2] =	wrdreg s2  }
0xaf: {  	[dreg:$0x3] =	wrdreg s24  }
0xb0: {  	[dreg:$0x4] =	wrdreg $0x9  }
0xb1: {  	_ =	task.clear_ibuf [dreg:s7], $0x5FFFF;
	_ =	strace $0x90000046  }
0xb2: {  	s29 =	simm.s32 $0x9;
	_ =	strace $0x80000048  }
0xb3: {  	_ =	swait.ge [sflag:s29], $0x1  }
0xb4: {  	[sflag:s29] =	ssyncadd.s32 $0xFFFFFFFF  }
0xb5: {  	_ =	strace $0x90000048  }
0xb6: {  	_ =	sfence  }
0xb7: {  	s30 =	sld [smem:$0x0];
	_ =	sdelay $0x2  }
0xb8: {  	s31 =	sshll.u32 s1, $0xD;
	s1 =	sshrl.u32 s1, $0x2  }
0xb9: {  	s3 =	sand.u32 $0x4000, s31;
	s1 =	sadd.s32 s1, s30  }
0xba: {  	s0 =	sor.u32 s3, s0;
	s1 =	sshll.u32 s1, $0x11  }
0xbb: {  	s0 =	sor.u32 s1, s0  }
0xbc: {  	s0 =	sadd.s32 $0x8F2B, s0  }
0xbd: {  	[sflag:s0] =	ssyncadd.remote.s32 $0x1  }
0xbe: {  	_ =	sfence.sel $0xFFFF  }
0xbf: {  	[dreg:$0x0] =	wrdreg $0xFFFFFFFF;
	(pc) =	sbr.abs _section_cstart, $3  }
0xc0: {  	[dreg:$0x1] =	wrdreg $0xFFFFFFFF  }
0xc1: {  	_ =	task.clear_ibuf [dreg:s7], $0x2FFFF;
	_ =	strace $0x9FFFFFFF  }
0xc2: {  	(tm) =	ssettm $0x7FFFFFFF  }
0xc3: {  	_ =	shalt  }
tec
execute0_lowered:
.L_overlay_start_1:
0x0: {  	(tag) =	ssettag $0x1  }
0x1: {  	s2 =	rddreg [dreg:$0x0]  }
0x2: {  	s4 =	rddreg [dreg:$0x1]  }
0x3: {  	s0 =	rddreg [dreg:$0x2]  }
0x4: {  	s5 =	srdreg.scid;
	s1 =	stileid.u32  }
0x5: {  	s3 =	simm.s32 $0x0;
	s11 =	simm.s32 $0x0;
	s6 =	smul.u32 $0x2800, s1  }
0x6: {  	s5 =	sand.u32 $0x1, s5;
	[smem:$0x7FF] =	sst s3;
	s28 =	smul.u32 $0x28000, s1  }
0x7: {  	s7 =	smul.u32 $0x1400, s5;
	_ =	strace $0x80000047;
	s8 =	ssub.s32 $0x2, s5  }
0x8: {  	s10 =	smul.u32 $0x14000, s5;
	s9 =	sshrl.u32 s8, $0x1;
	s30 =	sadd.s32 s28, s4  }
0x9: {  	s6 =	sadd.s32 s7, s6;
	s31 =	ssub.s32 s8, s9;
	s7 =	simm.s32 $0x2  }
0xa: {  	s8 =	simm.s32 $0x50;
	s9 =	simm.s32 $0x80;
	s6 =	sshrl.u32 s6, $0x3  }
0xb: {  	s29 =	sadd.s32 s6, s4;
	s4 =	smax.u32 s31, $0x1;
	s6 =	sadd.s32 s10, s30  }
0xc: {  	s10 =	simm.s32 $0x1;
	s5 =	sadd.s32 $0x2E00, s29;
	s6 =	sadd.s32 $0x7E00, s6  }
.LBB2_1:
0xd: {  	s12 =	sadd.s32 $0x0, s5  }
0xe: {  	[tilespmem:s3], [sflag:$0x2] =	stream.linear.gather [hbm4b:s12+s3], $0x50, $0x38;
	[tilespmem:$0x2880] =	vst v63  }
0xf: {  	_ =	swait.ge [sflag:s7], $0x50  }
0x10: {  	[sflag:s7] =	ssyncset.done $0x0  }
0x11: {  	[sflag:s7] =	ssyncadd.s32 $0xFFFFFFB0  }
0x12: {  	[tilespmem:s9], [sflag:$0x1] =	stream.indirect.gather [hbm4b:s2+s8], $0x80, s3, s8, $0xb8;
	[tilespmem:$0x2880] =	vst v63  }
0x13: {  	_ =	swait.ge [sflag:s10], $0x2800  }
0x14: {  	[sflag:s10] =	ssyncset.done $0x0  }
0x15: {  	[sflag:s10] =	ssyncadd.s32 $0xFFFFD800  }
0x16: {  	[hbm4b:s6+s3] =	stream.linear.scatter [tilespmem:s9], [sflag:$0x2], $0x2800, $0x38;
	[tilespmem:$0x2880] =	vst v63  }
0x17: {  	s13 =	simm.s32 $0xA;
	_ =	swait.ge [sflag:s7], $0x2800  }
0x18: {  	s14 =	simm.s32 $0x14;
	s12 =	sadd.s32 $0x500, s6;
	[sflag:s7] =	ssyncset.done $0x0  }
.LBB2_2:
0x19: {  	s15 =	sadd.s32 s13, s5  }
0x1a: {  	[sflag:s7] =	ssyncadd.s32 $0xFFFFD800;
	s13 =	smov.u32 s14;
	s16 =	sadd.s32 $0xA, s14  }
0x1b: {  	[tilespmem:s3], [sflag:$0x2] =	stream.linear.gather [hbm4b:s15+s3], $0x50, $0x38;
	[tilespmem:$0x2880] =	vst v63  }
0x1c: {  	p0 =	sne.s32 s14, $0x276;
	_ =	swait.ge [sflag:s7], $0x50  }
0x1d: {  	[sflag:s7] =	ssyncset.done $0x0  }
0x1e: {  	[sflag:s7] =	ssyncadd.s32 $0xFFFFFFB0  }
0x1f: {  	[tilespmem:s9], [sflag:$0x1] =	stream.indirect.gather [hbm4b:s2+s8], $0x80, s3, s8, $0xb8;
	[tilespmem:$0x2880] =	vst v63  }
0x20: {  	_ =	swait.ge [sflag:s10], $0x2800  }
.Ltmp0:
0x21: {  	[sflag:s10] =	ssyncset.done $0x0;
	(pc) =	sbr.rel @p0 .LBB2_2-.Ltmp0, $4  }
0x22: {  	[sflag:s10] =	ssyncadd.s32 $0xFFFFD800  }
0x23: {  	[hbm4b:s12+s3] =	stream.linear.scatter [tilespmem:s9], [sflag:$0x2], $0x2800, $0x38;
	[tilespmem:$0x2880] =	vst v63  }
0x24: {  	_ =	swait.ge [sflag:s7], $0x2800  }
0x25: {  	s14 =	smov.u32 s16;
	s12 =	sadd.s32 $0x500, s12;
	[sflag:s7] =	ssyncset.done $0x0  }
0x26: {  	s13 =	sadd.s32 s13, s5;
	[sflag:s7] =	ssyncadd.s32 $0xFFFFD800  }
0x27: {  	[tilespmem:s3], [sflag:$0x2] =	stream.linear.gather [hbm4b:s13+s3], $0x50, $0x38;
	[tilespmem:$0x2880] =	vst v63  }
0x28: {  	_ =	swait.ge [sflag:s7], $0x50  }
0x29: {  	[sflag:s7] =	ssyncset.done $0x0  }
0x2a: {  	[sflag:s7] =	ssyncadd.s32 $0xFFFFFFB0  }
0x2b: {  	[tilespmem:s9], [sflag:$0x1] =	stream.indirect.gather [hbm4b:s2+s8], $0x80, s3, s8, $0xb8;
	[tilespmem:$0x2880] =	vst v63  }
0x2c: {  	s11 =	sadd.s32 $0x1, s11;
	_ =	swait.ge [sflag:s10], $0x2800  }
0x2d: {  	p0 =	sne.s32 s11, s4;
	[sflag:s10] =	ssyncset.done $0x0  }
.Ltmp1:
0x2e: {  	[sflag:s10] =	ssyncadd.s32 $0xFFFFD800;
	(pc) =	sbr.rel @p0 .LBB2_1-.Ltmp1, $4  }
0x2f: {  	[hbm4b:s12+s3] =	stream.linear.scatter [tilespmem:s9], [sflag:$0x2], $0x2800, $0x38;
	[tilespmem:$0x2880] =	vst v63  }
0x30: {  	_ =	swait.ge [sflag:s7], $0x2800  }
0x31: {  	[sflag:s7] =	ssyncset.done $0x0  }
0x32: {  	[sflag:s7] =	ssyncadd.s32 $0xFFFFD800  }
0x33: {  	_ =	sfence.sel $0x180000  }
0x34: {  	[bflag:$0x0] =	sbarrier.arrive $0xFFFF  }
0x35: {  	p0 =	sne.s32 s1, $0x0;
	_ =	strace $0x90000047  }
0x36: {  	s0 =	sadd.s32 @!p0 $0x100000, s0;
	[bflag:$0x2] =	sbarrier.arrive $0xFFFF  }
0x37: {  	[sflag:s0] =	ssyncadd.tile.s32 @!p0 $0x1;
	_ =	shalt  }
.Lfunc_end2:
_tile_overlayer_lowered:
.L_overlay_start_2:
0x38: {  	(tag) =	ssettag $0x2  }
0x39: {  	s0 =	rddreg [dreg:$0x0];
	s2 =	stileid.u32  }
0x3a: {  	s1 =	rddreg [dreg:$0x1];
	p0 =	sne.s32 s2, $0x0  }
0x3b: {  	s3 =	rddreg [dreg:$0x2];
	[bflag:$0x3] =	sbarrier.arrive $0xFFFF;
	s2 =	simm.s32 @!p0 $0x1C02  }
0x3c: {  	[timem:s3], [sflag:s2] =	dma.local @!p0 [hbm:s0], s1  }
0x3d: {  	s0 =	simm.s32 @!p0 $0x2  }
0x3e: {  	_ =	swait.ge @!p0 [sflag:s0], s1  }
0x3f: {  	s1 =	ssub.s32 @!p0 $0x0, s1;
	[sflag:s0] =	ssyncset.done @!p0 $0x0  }
0x40: {  	[sflag:s0] =	ssyncadd.s32 @!p0 s1  }
0x41: {  	[bflag:$0x3] =	sbarrier.arrive $0xFFFF  }
0x42: {  	_ =	shalt  }

// kernel: kernel.22.cloned.1.call-start
scs
__scs_entry_jumppad:
0x0: {  	(pc) =	sbr.rel $0x88, $3  }
0x1: {  	(tag) =	ssettag $0x0;
	lr =	simm.s32 $0x1  }
0x2: {  	[smem:$0x3F90] =	sst lr;
	_ =	strace $0xD0000000  }
0x3: {  	_ = 	snop  }
0x4: {  	_ = 	snop  }
0x5: {  	_ = 	snop  }
0x6: {  	_ = 	snop  }
0x7: {  	_ = 	snop  }
__scs_overlays_trampoline_lowered:
0x8: {  	[smem:$0x3F9F] =	sst s0  }
0x9: {  	[smem:$0x3FA0] =	sst s1  }
0xa: {  	[smem:$0x3FA1] =	sst s2  }
0xb: {  	[smem:$0x3FA2] =	sst s3  }
0xc: {  	[smem:$0x3FA3] =	sst s4  }
0xd: {  	[smem:$0x3FA4] =	sst s5  }
0xe: {  	[smem:$0x3FA5] =	sst s6  }
0xf: {  	[smem:$0x3FA6] =	sst s7  }
0x10: {  	[smem:$0x3FA7] =	sst s8  }
0x11: {  	[smem:$0x3FA8] =	sst s9;
	s0 =	simm.s32 @!p0 $0x0  }
0x12: {  	s1 =	sld [smem:$0x3F8E];
	s0 =	simm.s32 @p0 $0x1  }
0x13: {  	[smem:$0x3FA9] =	sst s0;
	s0 =	simm.s32 @!p1 $0x0  }
0x14: {  	s2 =	sld [smem:$0x3F8D];
	s0 =	simm.s32 @p1 $0x1  }
0x15: {  	[smem:$0x3FAA] =	sst s0;
	s0 =	simm.s32 @!p2 $0x0  }
0x16: {  	s3 =	sld [smem:$0x3FDB];
	s0 =	simm.s32 @p2 $0x1  }
0x17: {  	s4 =	simm.s32 $0x1BF5;
	[smem:$0x3FAC] =	sst s0  }
0x18: {  	s0 =	sld [smem:$0x3F8F];
	_ =	swait.ge [sflag:s4], $0x0  }
0x19: {  	s7 =	sld [smem:$0x3F90]  }
0x1a: {  	s8 =	sadd.s32 $0xFFFFE003, lr  }
0x1b: {  	s9 =	sadd.s32 $0xFFFFFEF7, lr;
	s5 =	simm.s32 $0xFFFFFFFF;
	p2 =	slt.u32 s8, $0xFFFFF086  }
0x1c: {  	p1 =	slt.u32 s9, $0xF7A;
	s5 =	simm.s32 @!p2 $0x0  }
0x1d: {  	s5 =	simm.s32 @p1 $0x1;
	p0 =	seq.s32 s7, s2  }
0x1e: {  	s7 =	smul.u32 @!p0 $0xF7A, s2;
	p2 =	seq.s32 @!p0 s5, $0x0  }
0x1f: {  	s9 =	smul.u32 $0xF7A, s1;
	s8 =	simm.s32 @!p0 $0x1BF5;
	p2 =	por !p2, p0  }
0x20: {  	[sflag:s8] =	ssyncset.s32 @!p0 $0xFFFFF086;
	s6 =	sadd.s32 @!p0 s3, s7;
	s7 =	simm.s32 @!p0 $0x108  }
0x21: {  	s3 =	sadd.s32 s3, s9;
	s6 =	sadd.s32 @!p0 $0x88, s6;
	s7 =	simm.s32 @p2 $0x1082  }
0x22: {  	[simem:s7], [sflag:s8] =	dma.local @!p0 [hbm:s6], $0xF7A  }
0x23: {  	s9 =	sor.u32 $0xD0000000, s2;
	s6 =	simm.s32 $0x108;
	_ =	swait.ge @!p0 [sflag:s8], $0x0  }
0x24: {  	s3 =	sadd.s32 $0x88, s3;
	s6 =	simm.s32 @!p1 $0x1082;
	[sflag:s4] =	ssyncset.s32 $0xFFFFF086  }
0x25: {  	[simem:s6], [sflag:s4] =	dma.local [hbm:s3], $0xF7A  }
0x26: {  	[smem:$0x3F90] =	sst s1;
	(tag) =	ssettag s2;
	_ =	strace s9  }
0x27: {  	s1 =	sld [smem:$0x3FA0]  }
0x28: {  	s2 =	sld [smem:$0x3FA1]  }
0x29: {  	s4 =	sld [smem:$0x3FA3]  }
0x2a: {  	p0 =	seq.s32 s5, $0x0;
	s5 =	sld [smem:$0x3FA4]  }
0x2b: {  	s6 =	sld [smem:$0x3FA5]  }
0x2c: {  	s7 =	sld [smem:$0x3FA6]  }
0x2d: {  	s3 =	simm.s32 $0x108;
	s8 =	sld [smem:$0x3FA7]  }
0x2e: {  	s3 =	simm.s32 @!p0 $0x1082;
	s9 =	sld [smem:$0x3FA8]  }
0x2f: {  	lr =	sadd.s32 s0, s3;
	s0 =	sld [smem:$0x3F9F]  }
0x30: {  	s3 =	sld [smem:$0x3FA2]  }
0x31: {  	[smem:$0x3FAB] =	sst s10  }
0x32: {  	s10 =	sld [smem:$0x3FA9];
	_ =	sdelay $0x3  }
0x33: {  	p0 =	seq.s32 s10, $0x1;
	s10 =	sld [smem:$0x3FAB];
	_ =	sdelay $0x3  }
0x34: {  	[smem:$0x3FAB] =	sst s10  }
0x35: {  	s10 =	sld [smem:$0x3FAA];
	_ =	sdelay $0x3  }
0x36: {  	p1 =	seq.s32 s10, $0x1;
	s10 =	sld [smem:$0x3FAB];
	_ =	sdelay $0x3  }
0x37: {  	[smem:$0x3FAB] =	sst s10  }
0x38: {  	s10 =	sld [smem:$0x3FAC]  }
0x39: {  	_ = 	snop;
	(pc) =	sbr.ind lr, $3  }
0x3a: {  	_ = 	snop  }
0x3b: {  	_ = 	snop  }
0x3c: {  	p2 =	seq.s32 s10, $0x1;
	s10 =	sld [smem:$0x3FAB]  }
0x3d: {  	_ =	shalt  }
0x3e: {  	_ =	shalt  }
0x3f: {  	_ =	shalt  }
0x40: {  	_ =	shalt  }
0x41: {  	_ =	shalt  }
0x42: {  	_ =	shalt  }
0x43: {  	_ =	shalt  }
0x44: {  	_ =	shalt  }
0x45: {  	_ =	shalt  }
0x46: {  	_ =	shalt  }
0x47: {  	_ =	shalt  }
0x48: {  	_ =	shalt  }
0x49: {  	_ =	shalt  }
0x4a: {  	_ =	shalt  }
0x4b: {  	_ =	shalt  }
0x4c: {  	_ =	shalt  }
0x4d: {  	_ =	shalt  }
0x4e: {  	_ =	shalt  }
0x4f: {  	_ =	shalt  }
0x50: {  	_ =	shalt  }
0x51: {  	_ =	shalt  }
0x52: {  	_ =	shalt  }
0x53: {  	_ =	shalt  }
0x54: {  	_ =	shalt  }
0x55: {  	_ =	shalt  }
0x56: {  	_ =	shalt  }
0x57: {  	_ =	shalt  }
0x58: {  	_ =	shalt  }
0x59: {  	_ =	shalt  }
0x5a: {  	_ =	shalt  }
0x5b: {  	_ =	shalt  }
0x5c: {  	_ =	shalt  }
0x5d: {  	_ =	shalt  }
0x5e: {  	_ =	shalt  }
0x5f: {  	_ =	shalt  }
0x60: {  	_ =	shalt  }
0x61: {  	_ =	shalt  }
0x62: {  	_ =	shalt  }
0x63: {  	_ =	shalt  }
0x64: {  	_ =	shalt  }
0x65: {  	_ =	shalt  }
0x66: {  	_ =	shalt  }
0x67: {  	_ =	shalt  }
0x68: {  	_ =	shalt  }
0x69: {  	_ =	shalt  }
0x6a: {  	_ =	shalt  }
0x6b: {  	_ =	shalt  }
0x6c: {  	_ =	shalt  }
0x6d: {  	_ =	shalt  }
0x6e: {  	_ =	shalt  }
0x6f: {  	_ =	shalt  }
0x70: {  	_ =	shalt  }
0x71: {  	_ =	shalt  }
0x72: {  	_ =	shalt  }
0x73: {  	_ =	shalt  }
0x74: {  	_ =	shalt  }
0x75: {  	_ =	shalt  }
0x76: {  	_ =	shalt  }
0x77: {  	_ =	shalt  }
0x78: {  	_ =	shalt  }
0x79: {  	_ =	shalt  }
0x7a: {  	_ =	shalt  }
0x7b: {  	_ =	shalt  }
0x7c: {  	_ =	shalt  }
0x7d: {  	_ =	shalt  }
0x7e: {  	_ =	shalt  }
0x7f: {  	_ =	shalt  }
0x80: {  	_ =	shalt  }
0x81: {  	_ =	shalt  }
0x82: {  	_ =	shalt  }
0x83: {  	_ =	shalt  }
0x84: {  	_ =	shalt  }
0x85: {  	_ =	shalt  }
0x86: {  	_ =	shalt  }
0x87: {  	_ =	shalt  }
.Lfunc_end0:
.L_simem_size_0:
called_computation.1_lowered:
.L_overlay_start_0:
0x88: {  	s2 =	sld [smem:$0x3FD9]  }
0x89: {  	s3 =	sld [smem:$0x3FFE];
	_ =	sdelay $0x1  }
0x8a: {  	s1 =	srdreg.scid  }
0x8b: {  	s0 =	sand.u32 $0x1, s1  }
0x8c: {  	s17 =	sshll.u32 s0, $0xA;
	s2 =	sadd.s32 s3, s2  }
0x8d: {  	s2 =	sadd.s32 s2, s17  }
0x8e: {  	[smem:$0x3FB7] =	sst s2  }
0x8f: {  	_ = 	snop  }
0x90: {  	s2 =	sld [smem:$0x3FD0];
	(tm) =	ssettm $0x1  }
0x91: {  	s18 =	sld [smem:$0x3FFB];
	_ =	sdelay $0x3  }
0x92: {  	_ =	strace s18  }
0x93: {  	s3 =	sld [smem:$0x3FFC];
	_ =	sdelay $0x3  }
0x94: {  	_ =	strace s3  }
0x95: {  	s3 =	sld [smem:$0x3FFD];
	_ =	sdelay $0x3  }
0x96: {  	_ =	strace s3  }
0x97: {  	_ =	strace $0x8FFFFFFF  }
0x98: {  	s19 =	sld [smem:$0x3FDB];
	_ =	sdelay $0x1  }
0x99: {  	s4 =	simm.s32 $_scs_section_size  }
0x9a: {  	s5 =	simm.s32 $_size__tile_overlayer_lowered;
	s6 =	simm.s32 $_tile_overlayer_lowered  }
0x9b: {  	s22 =	simm.s32 $0x1BFF;
	s21 =	sshll.u32 s6, $0x1;
	s3 =	sadd.s32 s4, s19  }
0x9c: {  	s7 =	simm.s32 $0x0;
	s20 =	sshll.u32 s5, $0x1;
	s5 =	sadd.s32 s21, s3  }
0x9d: {  	[timem:s7], [sflag:s22] =	dma.local [hbm:s5], s20  }
0x9e: {  	_ =	swait.ge [sflag:s22], s20  }
0x9f: {  	s4 =	ssub.s32 $0x0, s20;
	[sflag:s22] =	ssyncset.done $0x0  }
0xa0: {  	[sflag:s22] =	ssyncadd.s32 s4;
	_ =	sdelay $0x1  }
0xa1: {  	s23 =	simm.s32 $0x1B8B  }
0xa2: {  	_ =	swait.ge [sflag:s23], $0x1  }
0xa3: {  	[sflag:s23] =	ssyncset.done $0x0  }
0xa4: {  	s25 =	simm.s32 $0x1B8E;
	s24 =	sld [smem:$0x3FFE];
	[sflag:s23] =	ssyncadd.s32 $0xFFFFFFFF  }
0xa5: {  	s26 =	simm.s32 $execute0_lowered;
	[smem:$0x3FD2] =	sst s25  }
0xa6: {  	s5 =	sshll.u32 s26, $0x1;
	_ =	strace $0x80000049;
	[dreg:$0x1] =	wrdreg $0xFFFFFFFF  }
0xa7: {  	s28 =	simm.s32 $_size_execute0_lowered;
	s3 =	sadd.s32 s3, s5;
	[dreg:$0x0] =	wrdreg $0x0  }
0xa8: {  	s5 =	sshll.u32 s28, $0x1;
	[dreg:$0x2] =	wrdreg s3  }
0xa9: {  	[dreg:$0x3] =	wrdreg s5  }
0xaa: {  	[dreg:$0x4] =	wrdreg $0xC0  }
0xab: {  	_ =	task [dreg:s7], $0x5FFFF  }
0xac: {  	[dreg:$0x1] =	wrdreg $0xFFFFFFFF  }
0xad: {  	[dreg:$0x0] =	wrdreg $0x60  }
0xae: {  	[dreg:$0x2] =	wrdreg s2  }
0xaf: {  	[dreg:$0x3] =	wrdreg s24  }
0xb0: {  	[dreg:$0x4] =	wrdreg $0x9  }
0xb1: {  	_ =	task.clear_ibuf [dreg:s7], $0x5FFFF;
	_ =	strace $0x90000049  }
0xb2: {  	s29 =	simm.s32 $0x9;
	_ =	strace $0x8000004B  }
0xb3: {  	_ =	swait.ge [sflag:s29], $0x1  }
0xb4: {  	[sflag:s29] =	ssyncadd.s32 $0xFFFFFFFF  }
0xb5: {  	_ =	strace $0x9000004B  }
0xb6: {  	_ =	sfence  }
0xb7: {  	s30 =	sld [smem:$0x0];
	_ =	sdelay $0x2  }
0xb8: {  	s31 =	sshll.u32 s1, $0xD;
	s1 =	sshrl.u32 s1, $0x2  }
0xb9: {  	s3 =	sand.u32 $0x4000, s31;
	s1 =	sadd.s32 s1, s30  }
0xba: {  	s0 =	sor.u32 s3, s0;
	s1 =	sshll.u32 s1, $0x11  }
0xbb: {  	s0 =	sor.u32 s1, s0  }
0xbc: {  	s0 =	sadd.s32 $0x8F2B, s0  }
0xbd: {  	[sflag:s0] =	ssyncadd.remote.s32 $0x1  }
0xbe: {  	_ =	sfence.sel $0xFFFF  }
0xbf: {  	[dreg:$0x0] =	wrdreg $0xFFFFFFFF;
	(pc) =	sbr.abs _section_cstart, $3  }
0xc0: {  	[dreg:$0x1] =	wrdreg $0xFFFFFFFF  }
0xc1: {  	_ =	task.clear_ibuf [dreg:s7], $0x2FFFF;
	_ =	strace $0x9FFFFFFF  }
0xc2: {  	(tm) =	ssettm $0x7FFFFFFF  }
0xc3: {  	_ =	shalt  }
tec
execute0_lowered:
.L_overlay_start_1:
0x0: {  	(tag) =	ssettag $0x1  }
0x1: {  	s2 =	rddreg [dreg:$0x0]  }
0x2: {  	s4 =	rddreg [dreg:$0x1]  }
0x3: {  	s0 =	rddreg [dreg:$0x2]  }
0x4: {  	s5 =	srdreg.scid;
	s1 =	stileid.u32  }
0x5: {  	s3 =	simm.s32 $0x0;
	s11 =	simm.s32 $0x0;
	s6 =	smul.u32 $0x2800, s1  }
0x6: {  	s5 =	sand.u32 $0x1, s5;
	[smem:$0x7FF] =	sst s3;
	s28 =	smul.u32 $0x28000, s1  }
0x7: {  	s7 =	smul.u32 $0x1400, s5;
	_ =	strace $0x8000004A;
	s8 =	ssub.s32 $0x2, s5  }
0x8: {  	s10 =	smul.u32 $0x14000, s5;
	s9 =	sshrl.u32 s8, $0x1;
	s30 =	sadd.s32 s28, s4  }
0x9: {  	s6 =	sadd.s32 s7, s6;
	s31 =	ssub.s32 s8, s9;
	s7 =	simm.s32 $0x2  }
0xa: {  	s8 =	simm.s32 $0x50;
	s9 =	simm.s32 $0x80;
	s6 =	sshrl.u32 s6, $0x3  }
0xb: {  	s29 =	sadd.s32 s6, s4;
	s4 =	smax.u32 s31, $0x1;
	s6 =	sadd.s32 s10, s30  }
0xc: {  	s10 =	simm.s32 $0x1;
	s5 =	sadd.s32 $0x22E00, s29;
	s6 =	sadd.s32 $0x27E00, s6  }
.LBB2_1:
0xd: {  	s12 =	sadd.s32 $0x0, s5  }
0xe: {  	[tilespmem:s3], [sflag:$0x2] =	stream.linear.gather [hbm4b:s12+s3], $0x50, $0x38;
	[tilespmem:$0x2880] =	vst v63  }
0xf: {  	_ =	swait.ge [sflag:s7], $0x50  }
0x10: {  	[sflag:s7] =	ssyncset.done $0x0  }
0x11: {  	[sflag:s7] =	ssyncadd.s32 $0xFFFFFFB0  }
0x12: {  	[tilespmem:s9], [sflag:$0x1] =	stream.indirect.gather [hbm4b:s2+s8], $0x80, s3, s8, $0xb8;
	[tilespmem:$0x2880] =	vst v63  }
0x13: {  	_ =	swait.ge [sflag:s10], $0x2800  }
0x14: {  	[sflag:s10] =	ssyncset.done $0x0  }
0x15: {  	[sflag:s10] =	ssyncadd.s32 $0xFFFFD800  }
0x16: {  	[hbm4b:s6+s3] =	stream.linear.scatter [tilespmem:s9], [sflag:$0x2], $0x2800, $0x38;
	[tilespmem:$0x2880] =	vst v63  }
0x17: {  	s13 =	simm.s32 $0xA;
	_ =	swait.ge [sflag:s7], $0x2800  }
0x18: {  	s14 =	simm.s32 $0x14;
	s12 =	sadd.s32 $0x500, s6;
	[sflag:s7] =	ssyncset.done $0x0  }
.LBB2_2:
0x19: {  	s15 =	sadd.s32 s13, s5  }
0x1a: {  	[sflag:s7] =	ssyncadd.s32 $0xFFFFD800;
	s13 =	smov.u32 s14;
	s16 =	sadd.s32 $0xA, s14  }
0x1b: {  	[tilespmem:s3], [sflag:$0x2] =	stream.linear.gather [hbm4b:s15+s3], $0x50, $0x38;
	[tilespmem:$0x2880] =	vst v63  }
0x1c: {  	p0 =	sne.s32 s14, $0x276;
	_ =	swait.ge [sflag:s7], $0x50  }
0x1d: {  	[sflag:s7] =	ssyncset.done $0x0  }
0x1e: {  	[sflag:s7] =	ssyncadd.s32 $0xFFFFFFB0  }
0x1f: {  	[tilespmem:s9], [sflag:$0x1] =	stream.indirect.gather [hbm4b:s2+s8], $0x80, s3, s8, $0xb8;
	[tilespmem:$0x2880] =	vst v63  }
0x20: {  	_ =	swait.ge [sflag:s10], $0x2800  }
.Ltmp0:
0x21: {  	[sflag:s10] =	ssyncset.done $0x0;
	(pc) =	sbr.rel @p0 .LBB2_2-.Ltmp0, $4  }
0x22: {  	[sflag:s10] =	ssyncadd.s32 $0xFFFFD800  }
0x23: {  	[hbm4b:s12+s3] =	stream.linear.scatter [tilespmem:s9], [sflag:$0x2], $0x2800, $0x38;
	[tilespmem:$0x2880] =	vst v63  }
0x24: {  	_ =	swait.ge [sflag:s7], $0x2800  }
0x25: {  	s14 =	smov.u32 s16;
	s12 =	sadd.s32 $0x500, s12;
	[sflag:s7] =	ssyncset.done $0x0  }
0x26: {  	s13 =	sadd.s32 s13, s5;
	[sflag:s7] =	ssyncadd.s32 $0xFFFFD800  }
0x27: {  	[tilespmem:s3], [sflag:$0x2] =	stream.linear.gather [hbm4b:s13+s3], $0x50, $0x38;
	[tilespmem:$0x2880] =	vst v63  }
0x28: {  	_ =	swait.ge [sflag:s7], $0x50  }
0x29: {  	[sflag:s7] =	ssyncset.done $0x0  }
0x2a: {  	[sflag:s7] =	ssyncadd.s32 $0xFFFFFFB0  }
0x2b: {  	[tilespmem:s9], [sflag:$0x1] =	stream.indirect.gather [hbm4b:s2+s8], $0x80, s3, s8, $0xb8;
	[tilespmem:$0x2880] =	vst v63  }
0x2c: {  	s11 =	sadd.s32 $0x1, s11;
	_ =	swait.ge [sflag:s10], $0x2800  }
0x2d: {  	p0 =	sne.s32 s11, s4;
	[sflag:s10] =	ssyncset.done $0x0  }
.Ltmp1:
0x2e: {  	[sflag:s10] =	ssyncadd.s32 $0xFFFFD800;
	(pc) =	sbr.rel @p0 .LBB2_1-.Ltmp1, $4  }
0x2f: {  	[hbm4b:s12+s3] =	stream.linear.scatter [tilespmem:s9], [sflag:$0x2], $0x2800, $0x38;
	[tilespmem:$0x2880] =	vst v63  }
0x30: {  	_ =	swait.ge [sflag:s7], $0x2800  }
0x31: {  	[sflag:s7] =	ssyncset.done $0x0  }
0x32: {  	[sflag:s7] =	ssyncadd.s32 $0xFFFFD800  }
0x33: {  	_ =	sfence.sel $0x180000  }
0x34: {  	[bflag:$0x0] =	sbarrier.arrive $0xFFFF  }
0x35: {  	p0 =	sne.s32 s1, $0x0;
	_ =	strace $0x9000004A  }
0x36: {  	s0 =	sadd.s32 @!p0 $0x100000, s0;
	[bflag:$0x2] =	sbarrier.arrive $0xFFFF  }
0x37: {  	[sflag:s0] =	ssyncadd.tile.s32 @!p0 $0x1;
	_ =	shalt  }
.Lfunc_end2:
_tile_overlayer_lowered:
.L_overlay_start_2:
0x38: {  	(tag) =	ssettag $0x2  }
0x39: {  	s0 =	rddreg [dreg:$0x0];
	s2 =	stileid.u32  }
0x3a: {  	s1 =	rddreg [dreg:$0x1];
	p0 =	sne.s32 s2, $0x0  }
0x3b: {  	s3 =	rddreg [dreg:$0x2];
	[bflag:$0x3] =	sbarrier.arrive $0xFFFF;
	s2 =	simm.s32 @!p0 $0x1C02  }
0x3c: {  	[timem:s3], [sflag:s2] =	dma.local @!p0 [hbm:s0], s1  }
0x3d: {  	s0 =	simm.s32 @!p0 $0x2  }
0x3e: {  	_ =	swait.ge @!p0 [sflag:s0], s1  }
0x3f: {  	s1 =	ssub.s32 @!p0 $0x0, s1;
	[sflag:s0] =	ssyncset.done @!p0 $0x0  }
0x40: {  	[sflag:s0] =	ssyncadd.s32 @!p0 s1  }
0x41: {  	[bflag:$0x3] =	sbarrier.arrive $0xFFFF  }
0x42: {  	_ =	shalt  }

// kernel: kernel.25.cloned.1.call-start
scs
__scs_entry_jumppad:
0x0: {  	(pc) =	sbr.rel $0x88, $3  }
0x1: {  	(tag) =	ssettag $0x0;
	lr =	simm.s32 $0x1  }
0x2: {  	[smem:$0x3F90] =	sst lr;
	_ =	strace $0xD0000000  }
0x3: {  	_ = 	snop  }
0x4: {  	_ = 	snop  }
0x5: {  	_ = 	snop  }
0x6: {  	_ = 	snop  }
0x7: {  	_ = 	snop  }
__scs_overlays_trampoline_lowered:
0x8: {  	[smem:$0x3F9F] =	sst s0  }
0x9: {  	[smem:$0x3FA0] =	sst s1  }
0xa: {  	[smem:$0x3FA1] =	sst s2  }
0xb: {  	[smem:$0x3FA2] =	sst s3  }
0xc: {  	[smem:$0x3FA3] =	sst s4  }
0xd: {  	[smem:$0x3FA4] =	sst s5  }
0xe: {  	[smem:$0x3FA5] =	sst s6  }
0xf: {  	[smem:$0x3FA6] =	sst s7  }
0x10: {  	[smem:$0x3FA7] =	sst s8  }
0x11: {  	[smem:$0x3FA8] =	sst s9;
	s0 =	simm.s32 @!p0 $0x0  }
0x12: {  	s1 =	sld [smem:$0x3F8E];
	s0 =	simm.s32 @p0 $0x1  }
0x13: {  	[smem:$0x3FA9] =	sst s0;
	s0 =	simm.s32 @!p1 $0x0  }
0x14: {  	s2 =	sld [smem:$0x3F8D];
	s0 =	simm.s32 @p1 $0x1  }
0x15: {  	[smem:$0x3FAA] =	sst s0;
	s0 =	simm.s32 @!p2 $0x0  }
0x16: {  	s3 =	sld [smem:$0x3FDB];
	s0 =	simm.s32 @p2 $0x1  }
0x17: {  	s4 =	simm.s32 $0x1BF5;
	[smem:$0x3FAC] =	sst s0  }
0x18: {  	s0 =	sld [smem:$0x3F8F];
	_ =	swait.ge [sflag:s4], $0x0  }
0x19: {  	s7 =	sld [smem:$0x3F90]  }
0x1a: {  	s8 =	sadd.s32 $0xFFFFE003, lr  }
0x1b: {  	s9 =	sadd.s32 $0xFFFFFEF7, lr;
	s5 =	simm.s32 $0xFFFFFFFF;
	p2 =	slt.u32 s8, $0xFFFFF086  }
0x1c: {  	p1 =	slt.u32 s9, $0xF7A;
	s5 =	simm.s32 @!p2 $0x0  }
0x1d: {  	s5 =	simm.s32 @p1 $0x1;
	p0 =	seq.s32 s7, s2  }
0x1e: {  	s7 =	smul.u32 @!p0 $0xF7A, s2;
	p2 =	seq.s32 @!p0 s5, $0x0  }
0x1f: {  	s9 =	smul.u32 $0xF7A, s1;
	s8 =	simm.s32 @!p0 $0x1BF5;
	p2 =	por !p2, p0  }
0x20: {  	[sflag:s8] =	ssyncset.s32 @!p0 $0xFFFFF086;
	s6 =	sadd.s32 @!p0 s3, s7;
	s7 =	simm.s32 @!p0 $0x108  }
0x21: {  	s3 =	sadd.s32 s3, s9;
	s6 =	sadd.s32 @!p0 $0x88, s6;
	s7 =	simm.s32 @p2 $0x1082  }
0x22: {  	[simem:s7], [sflag:s8] =	dma.local @!p0 [hbm:s6], $0xF7A  }
0x23: {  	s9 =	sor.u32 $0xD0000000, s2;
	s6 =	simm.s32 $0x108;
	_ =	swait.ge @!p0 [sflag:s8], $0x0  }
0x24: {  	s3 =	sadd.s32 $0x88, s3;
	s6 =	simm.s32 @!p1 $0x1082;
	[sflag:s4] =	ssyncset.s32 $0xFFFFF086  }
0x25: {  	[simem:s6], [sflag:s4] =	dma.local [hbm:s3], $0xF7A  }
0x26: {  	[smem:$0x3F90] =	sst s1;
	(tag) =	ssettag s2;
	_ =	strace s9  }
0x27: {  	s1 =	sld [smem:$0x3FA0]  }
0x28: {  	s2 =	sld [smem:$0x3FA1]  }
0x29: {  	s4 =	sld [smem:$0x3FA3]  }
0x2a: {  	p0 =	seq.s32 s5, $0x0;
	s5 =	sld [smem:$0x3FA4]  }
0x2b: {  	s6 =	sld [smem:$0x3FA5]  }
0x2c: {  	s7 =	sld [smem:$0x3FA6]  }
0x2d: {  	s3 =	simm.s32 $0x108;
	s8 =	sld [smem:$0x3FA7]  }
0x2e: {  	s3 =	simm.s32 @!p0 $0x1082;
	s9 =	sld [smem:$0x3FA8]  }
0x2f: {  	lr =	sadd.s32 s0, s3;
	s0 =	sld [smem:$0x3F9F]  }
0x30: {  	s3 =	sld [smem:$0x3FA2]  }
0x31: {  	[smem:$0x3FAB] =	sst s10  }
0x32: {  	s10 =	sld [smem:$0x3FA9];
	_ =	sdelay $0x3  }
0x33: {  	p0 =	seq.s32 s10, $0x1;
	s10 =	sld [smem:$0x3FAB];
	_ =	sdelay $0x3  }
0x34: {  	[smem:$0x3FAB] =	sst s10  }
0x35: {  	s10 =	sld [smem:$0x3FAA];
	_ =	sdelay $0x3  }
0x36: {  	p1 =	seq.s32 s10, $0x1;
	s10 =	sld [smem:$0x3FAB];
	_ =	sdelay $0x3  }
0x37: {  	[smem:$0x3FAB] =	sst s10  }
0x38: {  	s10 =	sld [smem:$0x3FAC]  }
0x39: {  	_ = 	snop;
	(pc) =	sbr.ind lr, $3  }
0x3a: {  	_ = 	snop  }
0x3b: {  	_ = 	snop  }
0x3c: {  	p2 =	seq.s32 s10, $0x1;
	s10 =	sld [smem:$0x3FAB]  }
0x3d: {  	_ =	shalt  }
0x3e: {  	_ =	shalt  }
0x3f: {  	_ =	shalt  }
0x40: {  	_ =	shalt  }
0x41: {  	_ =	shalt  }
0x42: {  	_ =	shalt  }
0x43: {  	_ =	shalt  }
0x44: {  	_ =	shalt  }
0x45: {  	_ =	shalt  }
0x46: {  	_ =	shalt  }
0x47: {  	_ =	shalt  }
0x48: {  	_ =	shalt  }
0x49: {  	_ =	shalt  }
0x4a: {  	_ =	shalt  }
0x4b: {  	_ =	shalt  }
0x4c: {  	_ =	shalt  }
0x4d: {  	_ =	shalt  }
0x4e: {  	_ =	shalt  }
0x4f: {  	_ =	shalt  }
0x50: {  	_ =	shalt  }
0x51: {  	_ =	shalt  }
0x52: {  	_ =	shalt  }
0x53: {  	_ =	shalt  }
0x54: {  	_ =	shalt  }
0x55: {  	_ =	shalt  }
0x56: {  	_ =	shalt  }
0x57: {  	_ =	shalt  }
0x58: {  	_ =	shalt  }
0x59: {  	_ =	shalt  }
0x5a: {  	_ =	shalt  }
0x5b: {  	_ =	shalt  }
0x5c: {  	_ =	shalt  }
0x5d: {  	_ =	shalt  }
0x5e: {  	_ =	shalt  }
0x5f: {  	_ =	shalt  }
0x60: {  	_ =	shalt  }
0x61: {  	_ =	shalt  }
0x62: {  	_ =	shalt  }
0x63: {  	_ =	shalt  }
0x64: {  	_ =	shalt  }
0x65: {  	_ =	shalt  }
0x66: {  	_ =	shalt  }
0x67: {  	_ =	shalt  }
0x68: {  	_ =	shalt  }
0x69: {  	_ =	shalt  }
0x6a: {  	_ =	shalt  }
0x6b: {  	_ =	shalt  }
0x6c: {  	_ =	shalt  }
0x6d: {  	_ =	shalt  }
0x6e: {  	_ =	shalt  }
0x6f: {  	_ =	shalt  }
0x70: {  	_ =	shalt  }
0x71: {  	_ =	shalt  }
0x72: {  	_ =	shalt  }
0x73: {  	_ =	shalt  }
0x74: {  	_ =	shalt  }
0x75: {  	_ =	shalt  }
0x76: {  	_ =	shalt  }
0x77: {  	_ =	shalt  }
0x78: {  	_ =	shalt  }
0x79: {  	_ =	shalt  }
0x7a: {  	_ =	shalt  }
0x7b: {  	_ =	shalt  }
0x7c: {  	_ =	shalt  }
0x7d: {  	_ =	shalt  }
0x7e: {  	_ =	shalt  }
0x7f: {  	_ =	shalt  }
0x80: {  	_ =	shalt  }
0x81: {  	_ =	shalt  }
0x82: {  	_ =	shalt  }
0x83: {  	_ =	shalt  }
0x84: {  	_ =	shalt  }
0x85: {  	_ =	shalt  }
0x86: {  	_ =	shalt  }
0x87: {  	_ =	shalt  }
.Lfunc_end0:
.L_simem_size_0:
called_computation.2_lowered:
.L_overlay_start_0:
0x88: {  	s2 =	sld [smem:$0x3FD9]  }
0x89: {  	s3 =	sld [smem:$0x3FFE];
	_ =	sdelay $0x1  }
0x8a: {  	s1 =	srdreg.scid  }
0x8b: {  	s0 =	sand.u32 $0x1, s1  }
0x8c: {  	s17 =	sshll.u32 s0, $0xA;
	s2 =	sadd.s32 s3, s2  }
0x8d: {  	s2 =	sadd.s32 s2, s17  }
0x8e: {  	[smem:$0x3FB7] =	sst s2  }
0x8f: {  	_ = 	snop  }
0x90: {  	s2 =	sld [smem:$0x3FD0];
	(tm) =	ssettm $0x1  }
0x91: {  	s18 =	sld [smem:$0x3FFB];
	_ =	sdelay $0x3  }
0x92: {  	_ =	strace s18  }
0x93: {  	s3 =	sld [smem:$0x3FFC];
	_ =	sdelay $0x3  }
0x94: {  	_ =	strace s3  }
0x95: {  	s3 =	sld [smem:$0x3FFD];
	_ =	sdelay $0x3  }
0x96: {  	_ =	strace s3  }
0x97: {  	_ =	strace $0x8FFFFFFF  }
0x98: {  	s19 =	sld [smem:$0x3FDB];
	_ =	sdelay $0x1  }
0x99: {  	s4 =	simm.s32 $_scs_section_size  }
0x9a: {  	s5 =	simm.s32 $_size__tile_overlayer_lowered;
	s6 =	simm.s32 $_tile_overlayer_lowered  }
0x9b: {  	s22 =	simm.s32 $0x1BFF;
	s21 =	sshll.u32 s6, $0x1;
	s3 =	sadd.s32 s4, s19  }
0x9c: {  	s7 =	simm.s32 $0x0;
	s20 =	sshll.u32 s5, $0x1;
	s5 =	sadd.s32 s21, s3  }
0x9d: {  	[timem:s7], [sflag:s22] =	dma.local [hbm:s5], s20  }
0x9e: {  	_ =	swait.ge [sflag:s22], s20  }
0x9f: {  	s4 =	ssub.s32 $0x0, s20;
	[sflag:s22] =	ssyncset.done $0x0  }
0xa0: {  	[sflag:s22] =	ssyncadd.s32 s4;
	_ =	sdelay $0x1  }
0xa1: {  	s23 =	simm.s32 $0x1B8B  }
0xa2: {  	_ =	swait.ge [sflag:s23], $0x1  }
0xa3: {  	[sflag:s23] =	ssyncset.done $0x0  }
0xa4: {  	s25 =	simm.s32 $0x1B8E;
	s24 =	sld [smem:$0x3FFE];
	[sflag:s23] =	ssyncadd.s32 $0xFFFFFFFF  }
0xa5: {  	s26 =	simm.s32 $execute0_lowered;
	[smem:$0x3FD2] =	sst s25  }
0xa6: {  	s5 =	sshll.u32 s26, $0x1;
	_ =	strace $0x8000004C;
	[dreg:$0x1] =	wrdreg $0xFFFFFFFF  }
0xa7: {  	s28 =	simm.s32 $_size_execute0_lowered;
	s3 =	sadd.s32 s3, s5;
	[dreg:$0x0] =	wrdreg $0x0  }
0xa8: {  	s5 =	sshll.u32 s28, $0x1;
	[dreg:$0x2] =	wrdreg s3  }
0xa9: {  	[dreg:$0x3] =	wrdreg s5  }
0xaa: {  	[dreg:$0x4] =	wrdreg $0xC0  }
0xab: {  	_ =	task [dreg:s7], $0x5FFFF  }
0xac: {  	[dreg:$0x1] =	wrdreg $0xFFFFFFFF  }
0xad: {  	[dreg:$0x0] =	wrdreg $0x60  }
0xae: {  	[dreg:$0x2] =	wrdreg s2  }
0xaf: {  	[dreg:$0x3] =	wrdreg s24  }
0xb0: {  	[dreg:$0x4] =	wrdreg $0x9  }
0xb1: {  	_ =	task.clear_ibuf [dreg:s7], $0x5FFFF;
	_ =	strace $0x9000004C  }
0xb2: {  	s29 =	simm.s32 $0x9;
	_ =	strace $0x8000004E  }
0xb3: {  	_ =	swait.ge [sflag:s29], $0x1  }
0xb4: {  	[sflag:s29] =	ssyncadd.s32 $0xFFFFFFFF  }
0xb5: {  	_ =	strace $0x9000004E  }
0xb6: {  	_ =	sfence  }
0xb7: {  	s30 =	sld [smem:$0x0];
	_ =	sdelay $0x2  }
0xb8: {  	s31 =	sshll.u32 s1, $0xD;
	s1 =	sshrl.u32 s1, $0x2  }
0xb9: {  	s3 =	sand.u32 $0x4000, s31;
	s1 =	sadd.s32 s1, s30  }
0xba: {  	s0 =	sor.u32 s3, s0;
	s1 =	sshll.u32 s1, $0x11  }
0xbb: {  	s0 =	sor.u32 s1, s0  }
0xbc: {  	s0 =	sadd.s32 $0x8F2B, s0  }
0xbd: {  	[sflag:s0] =	ssyncadd.remote.s32 $0x1  }
0xbe: {  	_ =	sfence.sel $0xFFFF  }
0xbf: {  	[dreg:$0x0] =	wrdreg $0xFFFFFFFF;
	(pc) =	sbr.abs _section_cstart, $3  }
0xc0: {  	[dreg:$0x1] =	wrdreg $0xFFFFFFFF  }
0xc1: {  	_ =	task.clear_ibuf [dreg:s7], $0x2FFFF;
	_ =	strace $0x9FFFFFFF  }
0xc2: {  	(tm) =	ssettm $0x7FFFFFFF  }
0xc3: {  	_ =	shalt  }
tec
execute0_lowered:
.L_overlay_start_1:
0x0: {  	(tag) =	ssettag $0x1  }
0x1: {  	s2 =	rddreg [dreg:$0x0]  }
0x2: {  	s4 =	rddreg [dreg:$0x1]  }
0x3: {  	s0 =	rddreg [dreg:$0x2]  }
0x4: {  	s5 =	srdreg.scid;
	s1 =	stileid.u32  }
0x5: {  	s3 =	simm.s32 $0x0;
	s11 =	simm.s32 $0x0;
	s6 =	smul.u32 $0x2800, s1  }
0x6: {  	s5 =	sand.u32 $0x1, s5;
	[smem:$0x7FF] =	sst s3;
	s28 =	smul.u32 $0x28000, s1  }
0x7: {  	s7 =	smul.u32 $0x1400, s5;
	_ =	strace $0x8000004D;
	s8 =	ssub.s32 $0x2, s5  }
0x8: {  	s10 =	smul.u32 $0x14000, s5;
	s9 =	sshrl.u32 s8, $0x1;
	s30 =	sadd.s32 s28, s4  }
0x9: {  	s6 =	sadd.s32 s7, s6;
	s31 =	ssub.s32 s8, s9;
	s7 =	simm.s32 $0x2  }
0xa: {  	s8 =	simm.s32 $0x50;
	s9 =	simm.s32 $0x80;
	s6 =	sshrl.u32 s6, $0x3  }
0xb: {  	s29 =	sadd.s32 s6, s4;
	s4 =	smax.u32 s31, $0x1;
	s6 =	sadd.s32 s10, s30  }
0xc: {  	s10 =	simm.s32 $0x1;
	s5 =	sadd.s32 $0x42E00, s29;
	s6 =	sadd.s32 $0x47E00, s6  }
.LBB2_1:
0xd: {  	s12 =	sadd.s32 $0x0, s5  }
0xe: {  	[tilespmem:s3], [sflag:$0x2] =	stream.linear.gather [hbm4b:s12+s3], $0x50, $0x38;
	[tilespmem:$0x2880] =	vst v63  }
0xf: {  	_ =	swait.ge [sflag:s7], $0x50  }
0x10: {  	[sflag:s7] =	ssyncset.done $0x0  }
0x11: {  	[sflag:s7] =	ssyncadd.s32 $0xFFFFFFB0  }
0x12: {  	[tilespmem:s9], [sflag:$0x1] =	stream.indirect.gather [hbm4b:s2+s8], $0x80, s3, s8, $0xb8;
	[tilespmem:$0x2880] =	vst v63  }
0x13: {  	_ =	swait.ge [sflag:s10], $0x2800  }
0x14: {  	[sflag:s10] =	ssyncset.done $0x0  }
0x15: {  	[sflag:s10] =	ssyncadd.s32 $0xFFFFD800  }
0x16: {  	[hbm4b:s6+s3] =	stream.linear.scatter [tilespmem:s9], [sflag:$0x2], $0x2800, $0x38;
	[tilespmem:$0x2880] =	vst v63  }
0x17: {  	s13 =	simm.s32 $0xA;
	_ =	swait.ge [sflag:s7], $0x2800  }
0x18: {  	s14 =	simm.s32 $0x14;
	s12 =	sadd.s32 $0x500, s6;
	[sflag:s7] =	ssyncset.done $0x0  }
.LBB2_2:
0x19: {  	s15 =	sadd.s32 s13, s5  }
0x1a: {  	[sflag:s7] =	ssyncadd.s32 $0xFFFFD800;
	s13 =	smov.u32 s14;
	s16 =	sadd.s32 $0xA, s14  }
0x1b: {  	[tilespmem:s3], [sflag:$0x2] =	stream.linear.gather [hbm4b:s15+s3], $0x50, $0x38;
	[tilespmem:$0x2880] =	vst v63  }
0x1c: {  	p0 =	sne.s32 s14, $0x276;
	_ =	swait.ge [sflag:s7], $0x50  }
0x1d: {  	[sflag:s7] =	ssyncset.done $0x0  }
0x1e: {  	[sflag:s7] =	ssyncadd.s32 $0xFFFFFFB0  }
0x1f: {  	[tilespmem:s9], [sflag:$0x1] =	stream.indirect.gather [hbm4b:s2+s8], $0x80, s3, s8, $0xb8;
	[tilespmem:$0x2880] =	vst v63  }
0x20: {  	_ =	swait.ge [sflag:s10], $0x2800  }
.Ltmp0:
0x21: {  	[sflag:s10] =	ssyncset.done $0x0;
	(pc) =	sbr.rel @p0 .LBB2_2-.Ltmp0, $4  }
0x22: {  	[sflag:s10] =	ssyncadd.s32 $0xFFFFD800  }
0x23: {  	[hbm4b:s12+s3] =	stream.linear.scatter [tilespmem:s9], [sflag:$0x2], $0x2800, $0x38;
	[tilespmem:$0x2880] =	vst v63  }
0x24: {  	_ =	swait.ge [sflag:s7], $0x2800  }
0x25: {  	s14 =	smov.u32 s16;
	s12 =	sadd.s32 $0x500, s12;
	[sflag:s7] =	ssyncset.done $0x0  }
0x26: {  	s13 =	sadd.s32 s13, s5;
	[sflag:s7] =	ssyncadd.s32 $0xFFFFD800  }
0x27: {  	[tilespmem:s3], [sflag:$0x2] =	stream.linear.gather [hbm4b:s13+s3], $0x50, $0x38;
	[tilespmem:$0x2880] =	vst v63  }
0x28: {  	_ =	swait.ge [sflag:s7], $0x50  }
0x29: {  	[sflag:s7] =	ssyncset.done $0x0  }
0x2a: {  	[sflag:s7] =	ssyncadd.s32 $0xFFFFFFB0  }
0x2b: {  	[tilespmem:s9], [sflag:$0x1] =	stream.indirect.gather [hbm4b:s2+s8], $0x80, s3, s8, $0xb8;
	[tilespmem:$0x2880] =	vst v63  }
0x2c: {  	s11 =	sadd.s32 $0x1, s11;
	_ =	swait.ge [sflag:s10], $0x2800  }
0x2d: {  	p0 =	sne.s32 s11, s4;
	[sflag:s10] =	ssyncset.done $0x0  }
.Ltmp1:
0x2e: {  	[sflag:s10] =	ssyncadd.s32 $0xFFFFD800;
	(pc) =	sbr.rel @p0 .LBB2_1-.Ltmp1, $4  }
0x2f: {  	[hbm4b:s12+s3] =	stream.linear.scatter [tilespmem:s9], [sflag:$0x2], $0x2800, $0x38;
	[tilespmem:$0x2880] =	vst v63  }
0x30: {  	_ =	swait.ge [sflag:s7], $0x2800  }
0x31: {  	[sflag:s7] =	ssyncset.done $0x0  }
0x32: {  	[sflag:s7] =	ssyncadd.s32 $0xFFFFD800  }
0x33: {  	_ =	sfence.sel $0x180000  }
0x34: {  	[bflag:$0x0] =	sbarrier.arrive $0xFFFF  }
0x35: {  	p0 =	sne.s32 s1, $0x0;
	_ =	strace $0x9000004D  }
0x36: {  	s0 =	sadd.s32 @!p0 $0x100000, s0;
	[bflag:$0x2] =	sbarrier.arrive $0xFFFF  }
0x37: {  	[sflag:s0] =	ssyncadd.tile.s32 @!p0 $0x1;
	_ =	shalt  }
.Lfunc_end2:
_tile_overlayer_lowered:
.L_overlay_start_2:
0x38: {  	(tag) =	ssettag $0x2  }
0x39: {  	s0 =	rddreg [dreg:$0x0];
	s2 =	stileid.u32  }
0x3a: {  	s1 =	rddreg [dreg:$0x1];
	p0 =	sne.s32 s2, $0x0  }
0x3b: {  	s3 =	rddreg [dreg:$0x2];
	[bflag:$0x3] =	sbarrier.arrive $0xFFFF;
	s2 =	simm.s32 @!p0 $0x1C02  }
0x3c: {  	[timem:s3], [sflag:s2] =	dma.local @!p0 [hbm:s0], s1  }
0x3d: {  	s0 =	simm.s32 @!p0 $0x2  }
0x3e: {  	_ =	swait.ge @!p0 [sflag:s0], s1  }
0x3f: {  	s1 =	ssub.s32 @!p0 $0x0, s1;
	[sflag:s0] =	ssyncset.done @!p0 $0x0  }
0x40: {  	[sflag:s0] =	ssyncadd.s32 @!p0 s1  }
0x41: {  	[bflag:$0x3] =	sbarrier.arrive $0xFFFF  }
0x42: {  	_ =	shalt  }

// kernel: kernel.28.cloned.1.call-start
scs
__scs_entry_jumppad:
0x0: {  	(pc) =	sbr.rel $0x88, $3  }
0x1: {  	(tag) =	ssettag $0x0;
	lr =	simm.s32 $0x1  }
0x2: {  	[smem:$0x3F90] =	sst lr;
	_ =	strace $0xD0000000  }
0x3: {  	_ = 	snop  }
0x4: {  	_ = 	snop  }
0x5: {  	_ = 	snop  }
0x6: {  	_ = 	snop  }
0x7: {  	_ = 	snop  }
__scs_overlays_trampoline_lowered:
0x8: {  	[smem:$0x3F9F] =	sst s0  }
0x9: {  	[smem:$0x3FA0] =	sst s1  }
0xa: {  	[smem:$0x3FA1] =	sst s2  }
0xb: {  	[smem:$0x3FA2] =	sst s3  }
0xc: {  	[smem:$0x3FA3] =	sst s4  }
0xd: {  	[smem:$0x3FA4] =	sst s5  }
0xe: {  	[smem:$0x3FA5] =	sst s6  }
0xf: {  	[smem:$0x3FA6] =	sst s7  }
0x10: {  	[smem:$0x3FA7] =	sst s8  }
0x11: {  	[smem:$0x3FA8] =	sst s9;
	s0 =	simm.s32 @!p0 $0x0  }
0x12: {  	s1 =	sld [smem:$0x3F8E];
	s0 =	simm.s32 @p0 $0x1  }
0x13: {  	[smem:$0x3FA9] =	sst s0;
	s0 =	simm.s32 @!p1 $0x0  }
0x14: {  	s2 =	sld [smem:$0x3F8D];
	s0 =	simm.s32 @p1 $0x1  }
0x15: {  	[smem:$0x3FAA] =	sst s0;
	s0 =	simm.s32 @!p2 $0x0  }
0x16: {  	s3 =	sld [smem:$0x3FDB];
	s0 =	simm.s32 @p2 $0x1  }
0x17: {  	s4 =	simm.s32 $0x1BF5;
	[smem:$0x3FAC] =	sst s0  }
0x18: {  	s0 =	sld [smem:$0x3F8F];
	_ =	swait.ge [sflag:s4], $0x0  }
0x19: {  	s7 =	sld [smem:$0x3F90]  }
0x1a: {  	s8 =	sadd.s32 $0xFFFFE003, lr  }
0x1b: {  	s9 =	sadd.s32 $0xFFFFFEF7, lr;
	s5 =	simm.s32 $0xFFFFFFFF;
	p2 =	slt.u32 s8, $0xFFFFF086  }
0x1c: {  	p1 =	slt.u32 s9, $0xF7A;
	s5 =	simm.s32 @!p2 $0x0  }
0x1d: {  	s5 =	simm.s32 @p1 $0x1;
	p0 =	seq.s32 s7, s2  }
0x1e: {  	s7 =	smul.u32 @!p0 $0xF7A, s2;
	p2 =	seq.s32 @!p0 s5, $0x0  }
0x1f: {  	s9 =	smul.u32 $0xF7A, s1;
	s8 =	simm.s32 @!p0 $0x1BF5;
	p2 =	por !p2, p0  }
0x20: {  	[sflag:s8] =	ssyncset.s32 @!p0 $0xFFFFF086;
	s6 =	sadd.s32 @!p0 s3, s7;
	s7 =	simm.s32 @!p0 $0x108  }
0x21: {  	s3 =	sadd.s32 s3, s9;
	s6 =	sadd.s32 @!p0 $0x88, s6;
	s7 =	simm.s32 @p2 $0x1082  }
0x22: {  	[simem:s7], [sflag:s8] =	dma.local @!p0 [hbm:s6], $0xF7A  }
0x23: {  	s9 =	sor.u32 $0xD0000000, s2;
	s6 =	simm.s32 $0x108;
	_ =	swait.ge @!p0 [sflag:s8], $0x0  }
0x24: {  	s3 =	sadd.s32 $0x88, s3;
	s6 =	simm.s32 @!p1 $0x1082;
	[sflag:s4] =	ssyncset.s32 $0xFFFFF086  }
0x25: {  	[simem:s6], [sflag:s4] =	dma.local [hbm:s3], $0xF7A  }
0x26: {  	[smem:$0x3F90] =	sst s1;
	(tag) =	ssettag s2;
	_ =	strace s9  }
0x27: {  	s1 =	sld [smem:$0x3FA0]  }
0x28: {  	s2 =	sld [smem:$0x3FA1]  }
0x29: {  	s4 =	sld [smem:$0x3FA3]  }
0x2a: {  	p0 =	seq.s32 s5, $0x0;
	s5 =	sld [smem:$0x3FA4]  }
0x2b: {  	s6 =	sld [smem:$0x3FA5]  }
0x2c: {  	s7 =	sld [smem:$0x3FA6]  }
0x2d: {  	s3 =	simm.s32 $0x108;
	s8 =	sld [smem:$0x3FA7]  }
0x2e: {  	s3 =	simm.s32 @!p0 $0x1082;
	s9 =	sld [smem:$0x3FA8]  }
0x2f: {  	lr =	sadd.s32 s0, s3;
	s0 =	sld [smem:$0x3F9F]  }
0x30: {  	s3 =	sld [smem:$0x3FA2]  }
0x31: {  	[smem:$0x3FAB] =	sst s10  }
0x32: {  	s10 =	sld [smem:$0x3FA9];
	_ =	sdelay $0x3  }
0x33: {  	p0 =	seq.s32 s10, $0x1;
	s10 =	sld [smem:$0x3FAB];
	_ =	sdelay $0x3  }
0x34: {  	[smem:$0x3FAB] =	sst s10  }
0x35: {  	s10 =	sld [smem:$0x3FAA];
	_ =	sdelay $0x3  }
0x36: {  	p1 =	seq.s32 s10, $0x1;
	s10 =	sld [smem:$0x3FAB];
	_ =	sdelay $0x3  }
0x37: {  	[smem:$0x3FAB] =	sst s10  }
0x38: {  	s10 =	sld [smem:$0x3FAC]  }
0x39: {  	_ = 	snop;
	(pc) =	sbr.ind lr, $3  }
0x3a: {  	_ = 	snop  }
0x3b: {  	_ = 	snop  }
0x3c: {  	p2 =	seq.s32 s10, $0x1;
	s10 =	sld [smem:$0x3FAB]  }
0x3d: {  	_ =	shalt  }
0x3e: {  	_ =	shalt  }
0x3f: {  	_ =	shalt  }
0x40: {  	_ =	shalt  }
0x41: {  	_ =	shalt  }
0x42: {  	_ =	shalt  }
0x43: {  	_ =	shalt  }
0x44: {  	_ =	shalt  }
0x45: {  	_ =	shalt  }
0x46: {  	_ =	shalt  }
0x47: {  	_ =	shalt  }
0x48: {  	_ =	shalt  }
0x49: {  	_ =	shalt  }
0x4a: {  	_ =	shalt  }
0x4b: {  	_ =	shalt  }
0x4c: {  	_ =	shalt  }
0x4d: {  	_ =	shalt  }
0x4e: {  	_ =	shalt  }
0x4f: {  	_ =	shalt  }
0x50: {  	_ =	shalt  }
0x51: {  	_ =	shalt  }
0x52: {  	_ =	shalt  }
0x53: {  	_ =	shalt  }
0x54: {  	_ =	shalt  }
0x55: {  	_ =	shalt  }
0x56: {  	_ =	shalt  }
0x57: {  	_ =	shalt  }
0x58: {  	_ =	shalt  }
0x59: {  	_ =	shalt  }
0x5a: {  	_ =	shalt  }
0x5b: {  	_ =	shalt  }
0x5c: {  	_ =	shalt  }
0x5d: {  	_ =	shalt  }
0x5e: {  	_ =	shalt  }
0x5f: {  	_ =	shalt  }
0x60: {  	_ =	shalt  }
0x61: {  	_ =	shalt  }
0x62: {  	_ =	shalt  }
0x63: {  	_ =	shalt  }
0x64: {  	_ =	shalt  }
0x65: {  	_ =	shalt  }
0x66: {  	_ =	shalt  }
0x67: {  	_ =	shalt  }
0x68: {  	_ =	shalt  }
0x69: {  	_ =	shalt  }
0x6a: {  	_ =	shalt  }
0x6b: {  	_ =	shalt  }
0x6c: {  	_ =	shalt  }
0x6d: {  	_ =	shalt  }
0x6e: {  	_ =	shalt  }
0x6f: {  	_ =	shalt  }
0x70: {  	_ =	shalt  }
0x71: {  	_ =	shalt  }
0x72: {  	_ =	shalt  }
0x73: {  	_ =	shalt  }
0x74: {  	_ =	shalt  }
0x75: {  	_ =	shalt  }
0x76: {  	_ =	shalt  }
0x77: {  	_ =	shalt  }
0x78: {  	_ =	shalt  }
0x79: {  	_ =	shalt  }
0x7a: {  	_ =	shalt  }
0x7b: {  	_ =	shalt  }
0x7c: {  	_ =	shalt  }
0x7d: {  	_ =	shalt  }
0x7e: {  	_ =	shalt  }
0x7f: {  	_ =	shalt  }
0x80: {  	_ =	shalt  }
0x81: {  	_ =	shalt  }
0x82: {  	_ =	shalt  }
0x83: {  	_ =	shalt  }
0x84: {  	_ =	shalt  }
0x85: {  	_ =	shalt  }
0x86: {  	_ =	shalt  }
0x87: {  	_ =	shalt  }
.Lfunc_end0:
.L_simem_size_0:
called_computation.3_lowered:
.L_overlay_start_0:
0x88: {  	s2 =	sld [smem:$0x3FD9]  }
0x89: {  	s3 =	sld [smem:$0x3FFE];
	_ =	sdelay $0x1  }
0x8a: {  	s1 =	srdreg.scid  }
0x8b: {  	s0 =	sand.u32 $0x1, s1  }
0x8c: {  	s17 =	sshll.u32 s0, $0xA;
	s2 =	sadd.s32 s3, s2  }
0x8d: {  	s2 =	sadd.s32 s2, s17  }
0x8e: {  	[smem:$0x3FB7] =	sst s2  }
0x8f: {  	_ = 	snop  }
0x90: {  	s2 =	sld [smem:$0x3FD0];
	(tm) =	ssettm $0x1  }
0x91: {  	s18 =	sld [smem:$0x3FFB];
	_ =	sdelay $0x3  }
0x92: {  	_ =	strace s18  }
0x93: {  	s3 =	sld [smem:$0x3FFC];
	_ =	sdelay $0x3  }
0x94: {  	_ =	strace s3  }
0x95: {  	s3 =	sld [smem:$0x3FFD];
	_ =	sdelay $0x3  }
0x96: {  	_ =	strace s3  }
0x97: {  	_ =	strace $0x8FFFFFFF  }
0x98: {  	s19 =	sld [smem:$0x3FDB];
	_ =	sdelay $0x1  }
0x99: {  	s4 =	simm.s32 $_scs_section_size  }
0x9a: {  	s5 =	simm.s32 $_size__tile_overlayer_lowered;
	s6 =	simm.s32 $_tile_overlayer_lowered  }
0x9b: {  	s22 =	simm.s32 $0x1BFF;
	s21 =	sshll.u32 s6, $0x1;
	s3 =	sadd.s32 s4, s19  }
0x9c: {  	s7 =	simm.s32 $0x0;
	s20 =	sshll.u32 s5, $0x1;
	s5 =	sadd.s32 s21, s3  }
0x9d: {  	[timem:s7], [sflag:s22] =	dma.local [hbm:s5], s20  }
0x9e: {  	_ =	swait.ge [sflag:s22], s20  }
0x9f: {  	s4 =	ssub.s32 $0x0, s20;
	[sflag:s22] =	ssyncset.done $0x0  }
0xa0: {  	[sflag:s22] =	ssyncadd.s32 s4;
	_ =	sdelay $0x1  }
0xa1: {  	s23 =	simm.s32 $0x1B8B  }
0xa2: {  	_ =	swait.ge [sflag:s23], $0x1  }
0xa3: {  	[sflag:s23] =	ssyncset.done $0x0  }
0xa4: {  	s25 =	simm.s32 $0x1B8E;
	s24 =	sld [smem:$0x3FFE];
	[sflag:s23] =	ssyncadd.s32 $0xFFFFFFFF  }
0xa5: {  	s26 =	simm.s32 $execute0_lowered;
	[smem:$0x3FD2] =	sst s25  }
0xa6: {  	s5 =	sshll.u32 s26, $0x1;
	_ =	strace $0x8000004F;
	[dreg:$0x1] =	wrdreg $0xFFFFFFFF  }
0xa7: {  	s28 =	simm.s32 $_size_execute0_lowered;
	s3 =	sadd.s32 s3, s5;
	[dreg:$0x0] =	wrdreg $0x0  }
0xa8: {  	s5 =	sshll.u32 s28, $0x1;
	[dreg:$0x2] =	wrdreg s3  }
0xa9: {  	[dreg:$0x3] =	wrdreg s5  }
0xaa: {  	[dreg:$0x4] =	wrdreg $0xC0  }
0xab: {  	_ =	task [dreg:s7], $0x5FFFF  }
0xac: {  	[dreg:$0x1] =	wrdreg $0xFFFFFFFF  }
0xad: {  	[dreg:$0x0] =	wrdreg $0x60  }
0xae: {  	[dreg:$0x2] =	wrdreg s2  }
0xaf: {  	[dreg:$0x3] =	wrdreg s24  }
0xb0: {  	[dreg:$0x4] =	wrdreg $0x9  }
0xb1: {  	_ =	task.clear_ibuf [dreg:s7], $0x5FFFF;
	_ =	strace $0x9000004F  }
0xb2: {  	s29 =	simm.s32 $0x9;
	_ =	strace $0x80000051  }
0xb3: {  	_ =	swait.ge [sflag:s29], $0x1  }
0xb4: {  	[sflag:s29] =	ssyncadd.s32 $0xFFFFFFFF  }
0xb5: {  	_ =	strace $0x90000051  }
0xb6: {  	_ =	sfence  }
0xb7: {  	s30 =	sld [smem:$0x0];
	_ =	sdelay $0x2  }
0xb8: {  	s31 =	sshll.u32 s1, $0xD;
	s1 =	sshrl.u32 s1, $0x2  }
0xb9: {  	s3 =	sand.u32 $0x4000, s31;
	s1 =	sadd.s32 s1, s30  }
0xba: {  	s0 =	sor.u32 s3, s0;
	s1 =	sshll.u32 s1, $0x11  }
0xbb: {  	s0 =	sor.u32 s1, s0  }
0xbc: {  	s0 =	sadd.s32 $0x8F2B, s0  }
0xbd: {  	[sflag:s0] =	ssyncadd.remote.s32 $0x1  }
0xbe: {  	_ =	sfence.sel $0xFFFF  }
0xbf: {  	[dreg:$0x0] =	wrdreg $0xFFFFFFFF;
	(pc) =	sbr.abs _section_cstart, $3  }
0xc0: {  	[dreg:$0x1] =	wrdreg $0xFFFFFFFF  }
0xc1: {  	_ =	task.clear_ibuf [dreg:s7], $0x2FFFF;
	_ =	strace $0x9FFFFFFF  }
0xc2: {  	(tm) =	ssettm $0x7FFFFFFF  }
0xc3: {  	_ =	shalt  }
tec
execute0_lowered:
.L_overlay_start_1:
0x0: {  	(tag) =	ssettag $0x1  }
0x1: {  	s2 =	rddreg [dreg:$0x0]  }
0x2: {  	s4 =	rddreg [dreg:$0x1]  }
0x3: {  	s0 =	rddreg [dreg:$0x2]  }
0x4: {  	s5 =	srdreg.scid;
	s1 =	stileid.u32  }
0x5: {  	s3 =	simm.s32 $0x0;
	s11 =	simm.s32 $0x0;
	s6 =	smul.u32 $0x2800, s1  }
0x6: {  	s5 =	sand.u32 $0x1, s5;
	[smem:$0x7FF] =	sst s3;
	s28 =	smul.u32 $0x28000, s1  }
0x7: {  	s7 =	smul.u32 $0x1400, s5;
	_ =	strace $0x80000050;
	s8 =	ssub.s32 $0x2, s5  }
0x8: {  	s10 =	smul.u32 $0x14000, s5;
	s9 =	sshrl.u32 s8, $0x1;
	s30 =	sadd.s32 s28, s4  }
0x9: {  	s6 =	sadd.s32 s7, s6;
	s31 =	ssub.s32 s8, s9;
	s7 =	simm.s32 $0x2  }
0xa: {  	s8 =	simm.s32 $0x50;
	s9 =	simm.s32 $0x80;
	s6 =	sshrl.u32 s6, $0x3  }
0xb: {  	s29 =	sadd.s32 s6, s4;
	s4 =	smax.u32 s31, $0x1;
	s6 =	sadd.s32 s10, s30  }
0xc: {  	s10 =	simm.s32 $0x1;
	s5 =	sadd.s32 $0x42E00, s29;
	s6 =	sadd.s32 $0x47E00, s6  }
.LBB2_1:
0xd: {  	s12 =	sadd.s32 $0x0, s5  }
0xe: {  	[tilespmem:s3], [sflag:$0x2] =	stream.linear.gather [hbm4b:s12+s3], $0x50, $0x38;
	[tilespmem:$0x2880] =	vst v63  }
0xf: {  	_ =	swait.ge [sflag:s7], $0x50  }
0x10: {  	[sflag:s7] =	ssyncset.done $0x0  }
0x11: {  	[sflag:s7] =	ssyncadd.s32 $0xFFFFFFB0  }
0x12: {  	[tilespmem:s9], [sflag:$0x1] =	stream.indirect.gather [hbm4b:s2+s8], $0x80, s3, s8, $0xb8;
	[tilespmem:$0x2880] =	vst v63  }
0x13: {  	_ =	swait.ge [sflag:s10], $0x2800  }
0x14: {  	[sflag:s10] =	ssyncset.done $0x0  }
0x15: {  	[sflag:s10] =	ssyncadd.s32 $0xFFFFD800  }
0x16: {  	[hbm4b:s6+s3] =	stream.linear.scatter [tilespmem:s9], [sflag:$0x2], $0x2800, $0x38;
	[tilespmem:$0x2880] =	vst v63  }
0x17: {  	s13 =	simm.s32 $0xA;
	_ =	swait.ge [sflag:s7], $0x2800  }
0x18: {  	s14 =	simm.s32 $0x14;
	s12 =	sadd.s32 $0x500, s6;
	[sflag:s7] =	ssyncset.done $0x0  }
.LBB2_2:
0x19: {  	s15 =	sadd.s32 s13, s5  }
0x1a: {  	[sflag:s7] =	ssyncadd.s32 $0xFFFFD800;
	s13 =	smov.u32 s14;
	s16 =	sadd.s32 $0xA, s14  }
0x1b: {  	[tilespmem:s3], [sflag:$0x2] =	stream.linear.gather [hbm4b:s15+s3], $0x50, $0x38;
	[tilespmem:$0x2880] =	vst v63  }
0x1c: {  	p0 =	sne.s32 s14, $0x276;
	_ =	swait.ge [sflag:s7], $0x50  }
0x1d: {  	[sflag:s7] =	ssyncset.done $0x0  }
0x1e: {  	[sflag:s7] =	ssyncadd.s32 $0xFFFFFFB0  }
0x1f: {  	[tilespmem:s9], [sflag:$0x1] =	stream.indirect.gather [hbm4b:s2+s8], $0x80, s3, s8, $0xb8;
	[tilespmem:$0x2880] =	vst v63  }
0x20: {  	_ =	swait.ge [sflag:s10], $0x2800  }
.Ltmp0:
0x21: {  	[sflag:s10] =	ssyncset.done $0x0;
	(pc) =	sbr.rel @p0 .LBB2_2-.Ltmp0, $4  }
0x22: {  	[sflag:s10] =	ssyncadd.s32 $0xFFFFD800  }
0x23: {  	[hbm4b:s12+s3] =	stream.linear.scatter [tilespmem:s9], [sflag:$0x2], $0x2800, $0x38;
	[tilespmem:$0x2880] =	vst v63  }
0x24: {  	_ =	swait.ge [sflag:s7], $0x2800  }
0x25: {  	s14 =	smov.u32 s16;
	s12 =	sadd.s32 $0x500, s12;
	[sflag:s7] =	ssyncset.done $0x0  }
0x26: {  	s13 =	sadd.s32 s13, s5;
	[sflag:s7] =	ssyncadd.s32 $0xFFFFD800  }
0x27: {  	[tilespmem:s3], [sflag:$0x2] =	stream.linear.gather [hbm4b:s13+s3], $0x50, $0x38;
	[tilespmem:$0x2880] =	vst v63  }
0x28: {  	_ =	swait.ge [sflag:s7], $0x50  }
0x29: {  	[sflag:s7] =	ssyncset.done $0x0  }
0x2a: {  	[sflag:s7] =	ssyncadd.s32 $0xFFFFFFB0  }
0x2b: {  	[tilespmem:s9], [sflag:$0x1] =	stream.indirect.gather [hbm4b:s2+s8], $0x80, s3, s8, $0xb8;
	[tilespmem:$0x2880] =	vst v63  }
0x2c: {  	s11 =	sadd.s32 $0x1, s11;
	_ =	swait.ge [sflag:s10], $0x2800  }
0x2d: {  	p0 =	sne.s32 s11, s4;
	[sflag:s10] =	ssyncset.done $0x0  }
.Ltmp1:
0x2e: {  	[sflag:s10] =	ssyncadd.s32 $0xFFFFD800;
	(pc) =	sbr.rel @p0 .LBB2_1-.Ltmp1, $4  }
0x2f: {  	[hbm4b:s12+s3] =	stream.linear.scatter [tilespmem:s9], [sflag:$0x2], $0x2800, $0x38;
	[tilespmem:$0x2880] =	vst v63  }
0x30: {  	_ =	swait.ge [sflag:s7], $0x2800  }
0x31: {  	[sflag:s7] =	ssyncset.done $0x0  }
0x32: {  	[sflag:s7] =	ssyncadd.s32 $0xFFFFD800  }
0x33: {  	_ =	sfence.sel $0x180000  }
0x34: {  	[bflag:$0x0] =	sbarrier.arrive $0xFFFF  }
0x35: {  	p0 =	sne.s32 s1, $0x0;
	_ =	strace $0x90000050  }
0x36: {  	s0 =	sadd.s32 @!p0 $0x100000, s0;
	[bflag:$0x2] =	sbarrier.arrive $0xFFFF  }
0x37: {  	[sflag:s0] =	ssyncadd.tile.s32 @!p0 $0x1;
	_ =	shalt  }
.Lfunc_end2:
_tile_overlayer_lowered:
.L_overlay_start_2:
0x38: {  	(tag) =	ssettag $0x2  }
0x39: {  	s0 =	rddreg [dreg:$0x0];
	s2 =	stileid.u32  }
0x3a: {  	s1 =	rddreg [dreg:$0x1];
	p0 =	sne.s32 s2, $0x0  }
0x3b: {  	s3 =	rddreg [dreg:$0x2];
	[bflag:$0x3] =	sbarrier.arrive $0xFFFF;
	s2 =	simm.s32 @!p0 $0x1C02  }
0x3c: {  	[timem:s3], [sflag:s2] =	dma.local @!p0 [hbm:s0], s1  }
0x3d: {  	s0 =	simm.s32 @!p0 $0x2  }
0x3e: {  	_ =	swait.ge @!p0 [sflag:s0], s1  }
0x3f: {  	s1 =	ssub.s32 @!p0 $0x0, s1;
	[sflag:s0] =	ssyncset.done @!p0 $0x0  }
0x40: {  	[sflag:s0] =	ssyncadd.s32 @!p0 s1  }
0x41: {  	[bflag:$0x3] =	sbarrier.arrive $0xFFFF  }
0x42: {  	_ =	shalt  }

</sc_bundles>
